<compile_context>
chip_gen: v7x
topology: tpu7x:2x2x1
jax: 0.10.2.dev20260603
libtpu: 0.0.44.dev20260713+nightly
codegen_flags: <defaults>
</compile_context>

<pallas_src>
import functools

import jax
import jax.numpy as jnp
from jax import lax
from jax.experimental import pallas as pl
from jax.experimental.pallas import tpu as pltpu
from jax.experimental.pallas import tpu_sc as plsc

N = 10000
D = 128
HD = D // 2
E = 320000
NCORE = 2
NSUB = 16
NW = NCORE * NSUB
LG = 128
GP = 80
EP = NW * LG * GP
ROWS_PT = 640
NR = NSUB * ROWS_PT
DW = 16
NBUF = 4
LGA = 128
GPAIR = 2 * (EP // (NW * LGA))
G0 = 112
G1 = GPAIR - G0
IDXR = (NSUB - 1) * GPAIR + G0 + max(G0, G1)
RB = 2000

_MESH = dict(core_axis_name="c", subcore_axis_name="s")
_SC_PARAMS = pltpu.CompilerParams(use_tc_tiling_on_sc=False)


def _sc_degree(dst2d):

    @functools.partial(
        pl.kernel,
        out_type=jax.ShapeDtypeStruct((NCORE, NR, DW), jnp.float32),
        mesh=plsc.VectorSubcoreMesh(**_MESH),
        compiler_params=_SC_PARAMS,
        scratch_types=[
            pltpu.VMEM((GP, LG), jnp.int32),
            pltpu.VMEM((LG, DW), jnp.float32),
            pltpu.VMEM((16, DW), jnp.float32),
            pltpu.VMEM_SHARED((NR, DW), jnp.float32),
        ],
    )
    def k(dst_hbm, out_hbm, idx_v, ones_v, z_v, acc):
        c = lax.axis_index("c")
        s = lax.axis_index("s")
        wid = s * NCORE + c

        @pl.loop(0, LG)
        def _(r):
            ones_v[r, :] = jnp.ones((DW,), jnp.float32)

        @pl.loop(0, 16)
        def _(r):
            z_v[r, :] = jnp.zeros((DW,), jnp.float32)

        @pl.loop(0, ROWS_PT, step=16)
        def _(r):
            pltpu.sync_copy(z_v, acc.at[pl.ds(s * ROWS_PT + r, 16)])

        plsc.subcore_barrier()
        pltpu.sync_copy(dst_hbm.at[pl.ds(wid * GP, GP)], idx_v)

        @pl.loop(0, GP)
        def _(j):
            pltpu.sync_copy(ones_v, acc.at[idx_v.at[j]], add=True)

        plsc.subcore_barrier()
        pltpu.sync_copy(acc.at[pl.ds(s * ROWS_PT, ROWS_PT)],
                        out_hbm.at[c, pl.ds(s * ROWS_PT, ROWS_PT)])

    return k(dst2d)


def _sc_aggregate(src2d, dst2d, g_lo, g_hi):

    @functools.partial(
        pl.kernel,
        out_type=jax.ShapeDtypeStruct((2, NCORE, NR, HD), jnp.float32),
        mesh=plsc.VectorSubcoreMesh(**_MESH),
        compiler_params=_SC_PARAMS,
        scratch_types=[
            pltpu.VMEM((max(G0, G1), LGA), jnp.int32),
            pltpu.VMEM((max(G0, G1), LGA), jnp.int32),
            [pltpu.VMEM((LGA, HD), jnp.float32)] * NBUF,
            pltpu.VMEM((16, HD), jnp.float32),
            pltpu.VMEM_SHARED((NR, HD), jnp.float32),
            [pltpu.SemaphoreType.DMA] * NBUF,
            [pltpu.SemaphoreType.DMA] * NBUF,
        ],
    )
    def k(src_hbm, dst_hbm, glo_hbm, ghi_hbm, out_hbm,
          si, di, bufs, z_v, acc, sg, ss):
        c = lax.axis_index("c")
        s = lax.axis_index("s")
        gc = jnp.where(c == 0, G0, G1)
        goff = s * GPAIR + c * G0

        @pl.loop(0, 16)
        def _(r):
            @pl.loop(0, HD, step=16)
            def _(q):
                z_v[r, pl.ds(q, 16)] = jnp.zeros((16,), jnp.float32)

        pltpu.sync_copy(src_hbm.at[pl.ds(goff, max(G0, G1))], si)
        pltpu.sync_copy(dst_hbm.at[pl.ds(goff, max(G0, G1))], di)

        for h, g_hbm in ((0, glo_hbm), (1, ghi_hbm)):
            @pl.loop(0, ROWS_PT, step=16)
            def _(r):
                pltpu.async_copy(z_v, acc.at[pl.ds(s * ROWS_PT + r, 16)], sg[0])

            @pl.loop(0, ROWS_PT, step=16)
            def _(r):
                pltpu.make_async_copy(z_v, acc.at[pl.ds(s * ROWS_PT + r, 16)], sg[0]).wait()

            plsc.subcore_barrier()

            for b in range(NBUF):
                pltpu.async_copy(g_hbm.at[si.at[b]], bufs[b], sg[b])

            @pl.loop(0, gc, step=NBUF)
            def _(j):
                for b in range(NBUF):
                    jj = j + b
                    pltpu.make_async_copy(g_hbm.at[si.at[jj]], bufs[b], sg[b]).wait()
                    pltpu.async_copy(bufs[b], acc.at[di.at[jj]], ss[b], add=True)

                    @pl.when(jj + NBUF < gc)
                    def _():
                        pltpu.make_async_copy(bufs[b], acc.at[di.at[jj]], ss[b]).wait()
                        pltpu.async_copy(g_hbm.at[si.at[jj + NBUF]], bufs[b], sg[b])

            for b in range(NBUF):
                pltpu.make_async_copy(bufs[b], acc.at[di.at[gc - NBUF + b]], ss[b]).wait()

            plsc.subcore_barrier()
            pltpu.sync_copy(acc.at[pl.ds(s * ROWS_PT, ROWS_PT)],
                            out_hbm.at[h, c, pl.ds(s * ROWS_PT, ROWS_PT)])

    return k(src2d, dst2d, g_lo, g_hi)


def _tc_matmul(v, w):
    def body(v_ref, w_ref, o_ref):
        o_ref[...] = jnp.dot(v_ref[...], w_ref[...],
                             preferred_element_type=jnp.float32,
                             precision=lax.Precision.HIGHEST)

    return pl.pallas_call(
        body,
        grid=(N // RB,),
        in_specs=[pl.BlockSpec((RB, D), lambda i: (i, 0)),
                  pl.BlockSpec((D, D), lambda i: (0, 0))],
        out_specs=pl.BlockSpec((RB, D), lambda i: (i, 0)),
        out_shape=jax.ShapeDtypeStruct((N, D), jnp.float32),
    )(v, w)


def _dis_of(d_ref):
    deg = d_ref[0, :, :1] + d_ref[1, :, :1] + 1.0
    return lax.rsqrt(deg)


_HALF_OUT = [jax.ShapeDtypeStruct((N, HD), jnp.float32)] * 2
_HALF_SPECS = [pl.BlockSpec((RB, HD), lambda i: (i, 0))] * 2


def _tc_scale(h, degp):

    def body(h_ref, d_ref, lo_ref, hi_ref):
        g = h_ref[...] * _dis_of(d_ref)
        lo_ref[...] = g[:, :HD]
        hi_ref[...] = g[:, HD:]

    return pl.pallas_call(
        body,
        grid=(N // RB,),
        in_specs=[pl.BlockSpec((RB, D), lambda i: (i, 0)),
                  pl.BlockSpec((NCORE, RB, DW), lambda i: (0, i, 0))],
        out_specs=_HALF_SPECS,
        out_shape=_HALF_OUT,
    )(h, degp)


def _tc_layer2(p, g_lo, g_hi, degp, b1, w2):
    def body(p_ref, glo_ref, ghi_ref, d_ref, b_ref, w_ref, lo_ref, hi_ref):
        dis = _dis_of(d_ref)
        s_lo = p_ref[0, 0] + p_ref[0, 1] + glo_ref[...]
        s_hi = p_ref[1, 0] + p_ref[1, 1] + ghi_ref[...]
        h = jnp.concatenate([s_lo, s_hi], axis=1) * dis + b_ref[...]
        h = jnp.maximum(h, 0.0)
        g = jnp.dot(h, w_ref[...],
                    preferred_element_type=jnp.float32,
                    precision=lax.Precision.HIGHEST) * dis
        lo_ref[...] = g[:, :HD]
        hi_ref[...] = g[:, HD:]

    return pl.pallas_call(
        body,
        grid=(N // RB,),
        in_specs=[pl.BlockSpec((2, NCORE, RB, HD), lambda i: (0, 0, i, 0)),
                  pl.BlockSpec((RB, HD), lambda i: (i, 0)),
                  pl.BlockSpec((RB, HD), lambda i: (i, 0)),
                  pl.BlockSpec((NCORE, RB, DW), lambda i: (0, i, 0)),
                  pl.BlockSpec((1, D), lambda i: (0, 0)),
                  pl.BlockSpec((D, D), lambda i: (0, 0))],
        out_specs=_HALF_SPECS,
        out_shape=_HALF_OUT,
    )(p, g_lo, g_hi, degp, b1, w2)


def _tc_final(p, g_lo, g_hi, degp, b2):
    def body(p_ref, glo_ref, ghi_ref, d_ref, b_ref, o_ref):
        dis = _dis_of(d_ref)
        s_lo = p_ref[0, 0] + p_ref[0, 1] + glo_ref[...]
        s_hi = p_ref[1, 0] + p_ref[1, 1] + ghi_ref[...]
        o_ref[...] = jnp.concatenate([s_lo, s_hi], axis=1) * dis + b_ref[...]

    return pl.pallas_call(
        body,
        grid=(N // RB,),
        in_specs=[pl.BlockSpec((2, NCORE, RB, HD), lambda i: (0, 0, i, 0)),
                  pl.BlockSpec((RB, HD), lambda i: (i, 0)),
                  pl.BlockSpec((RB, HD), lambda i: (i, 0)),
                  pl.BlockSpec((NCORE, RB, DW), lambda i: (0, i, 0)),
                  pl.BlockSpec((1, D), lambda i: (0, 0))],
        out_specs=pl.BlockSpec((RB, D), lambda i: (i, 0)),
        out_shape=jax.ShapeDtypeStruct((N, D), jnp.float32),
    )(p, g_lo, g_hi, degp, b2)


def kernel(x, edge_index, W1, b1, W2, b2):
    src = edge_index[0].astype(jnp.int32)
    dst = edge_index[1].astype(jnp.int32)
    pad = IDXR * LGA - E
    srcp = jnp.concatenate([src, jnp.zeros((pad,), jnp.int32)])
    dstp = jnp.concatenate([dst, jnp.full((pad,), N, jnp.int32)])
    src2d = srcp.reshape(IDXR, LGA)
    dst2d = dstp.reshape(IDXR, LGA)

    degp = _sc_degree(dst2d)
    h1 = _tc_matmul(x, W1)
    g1_lo, g1_hi = _tc_scale(h1, degp)
    p1 = _sc_aggregate(src2d, dst2d, g1_lo, g1_hi)
    g2_lo, g2_hi = _tc_layer2(p1, g1_lo, g1_hi, degp, b1.reshape(1, D), W2)
    p2 = _sc_aggregate(src2d, dst2d, g2_lo, g2_hi)
    return _tc_final(p2, g2_lo, g2_hi, degp, b2.reshape(1, D))

# --- scband reference (transcript-rebuilt; emitter-appended) ---
"""Pipeline reference for scband-gcn-80960133530353 (READ-ONLY COPY).

The authoritative reference and input builder live on the scoring server;
editing this copy changes nothing except your own understanding.
"""

import jax, jax.numpy as jnp
import numpy as np

N_NODES = 10000
N_EDGES = 320000
D_IN = 128
D_HID = 128
D_OUT = 128


def setup_inputs(seed: int = 0) -> dict:
    key = jax.random.key(seed)
    k1, k2, k3, k4, k5 = jax.random.split(key, 5)
    x = jax.random.normal(k1, (N_NODES, D_IN), dtype=jnp.float32)
    edge_index = jax.random.randint(k2, (2, N_EDGES), 0, N_NODES, dtype=jnp.int64)
    # GCNConv params: linear weight (no bias in lin), bias added after aggregation
    W1 = jax.random.normal(k3, (D_IN, D_HID), dtype=jnp.float32) * (1.0 / np.sqrt(D_IN))
    b1 = jnp.zeros((D_HID,), dtype=jnp.float32)
    W2 = jax.random.normal(k4, (D_HID, D_OUT), dtype=jnp.float32) * (1.0 / np.sqrt(D_HID))
    b2 = jnp.zeros((D_OUT,), dtype=jnp.float32)
    return {"x": x, "edge_index": edge_index, "W1": W1, "b1": b1, "W2": W2, "b2": b2}


def gcn_conv(x, edge_index, W, b):
    # Faithful PyG GCNConv: add self-loops, symmetric normalization, linear, scatter-add, bias
    N = x.shape[0]
    loop = jnp.arange(N, dtype=edge_index.dtype)
    src = jnp.concatenate([edge_index[0], loop])
    dst = jnp.concatenate([edge_index[1], loop])
    ones = jnp.ones(src.shape[0], dtype=x.dtype)
    deg = jnp.zeros((N,), dtype=x.dtype).at[dst].add(ones)
    deg_inv_sqrt = jnp.where(deg > 0, deg ** -0.5, 0.0)
    norm = deg_inv_sqrt[src] * deg_inv_sqrt[dst]
    h = x @ W
    msg = h[src] * norm[:, None]
    out = jnp.zeros((N, W.shape[1]), dtype=x.dtype).at[dst].add(msg)
    return out + b


def reference(x, edge_index, W1, b1, W2, b2):
    h = gcn_conv(x, edge_index, W1, b1)
    h = jax.nn.relu(h)
    out = gcn_conv(h, edge_index, W2, b2)
    return out

if __name__ == "__main__":
    import jax
    _d = setup_inputs()
    print(jax.jit(kernel)(*tuple(_d.values())))

</pallas_src>

<mosaic_0001>
#map = affine_map<(d0, d1) -> (0, 0)>
#map1 = affine_map<(d0, d1) -> (0, 0, 0, 0)>
module attributes {stable_mosaic.version = 14 : i64} {
  func.func @k(%arg0: i32, %arg1: i32, %arg2: memref<2624x128xi32, #tpu.memory_space<hbm>>, %arg3: memref<2624x128xi32, #tpu.memory_space<hbm>>, %arg4: memref<10000x64xf32, #tpu.memory_space<hbm>>, %arg5: memref<10000x64xf32, #tpu.memory_space<hbm>>, %arg6: memref<2x2x10240x64xf32, #tpu.memory_space<hbm>>, %arg7: memref<112x128xi32, #tpu.memory_space<vmem>>, %arg8: memref<112x128xi32, #tpu.memory_space<vmem>>, %arg9: memref<128x64xf32, #tpu.memory_space<vmem>>, %arg10: memref<128x64xf32, #tpu.memory_space<vmem>>, %arg11: memref<128x64xf32, #tpu.memory_space<vmem>>, %arg12: memref<128x64xf32, #tpu.memory_space<vmem>>, %arg13: memref<16x64xf32, #tpu.memory_space<vmem>>, %arg14: memref<10240x64xf32, #tpu.memory_space<vmem_shared>>, %arg15: memref<!tpu.dma_semaphore, #tpu.memory_space<semaphore_mem>>, %arg16: memref<!tpu.dma_semaphore, #tpu.memory_space<semaphore_mem>>, %arg17: memref<!tpu.dma_semaphore, #tpu.memory_space<semaphore_mem>>, %arg18: memref<!tpu.dma_semaphore, #tpu.memory_space<semaphore_mem>>, %arg19: memref<!tpu.dma_semaphore, #tpu.memory_space<semaphore_mem>>, %arg20: memref<!tpu.dma_semaphore, #tpu.memory_space<semaphore_mem>>, %arg21: memref<!tpu.dma_semaphore, #tpu.memory_space<semaphore_mem>>, %arg22: memref<!tpu.dma_semaphore, #tpu.memory_space<semaphore_mem>>) attributes {dimension_semantics = [#tpu.dimension_semantics<core_parallel>, #tpu.dimension_semantics<subcore_parallel>], iteration_bounds = array<i64: 2, 16>, scalar_prefetch = 0 : i64, scratch_operands = 16 : i64, tpu.core_type = #tpu.core_type<sc_vector_subcore>, window_params = [{transform_indices = #map}, {transform_indices = #map}, {transform_indices = #map}, {transform_indices = #map}, {transform_indices = #map1}]} {
    %eq3A = arith.constant 0 : i32
    %eq3A_0 = arith.cmpi eq, %arg0, %eq3A : i32
    %jit3A = arith.constant 112 : i32
    %jit3A_1 = arith.constant 48 : i32
    %select_n3A = arith.select %eq3A_0, %jit3A, %jit3A_1 : i32
    %mul3A = arith.constant 160 : i32
    %mul3A_2 = arith.muli %arg1, %mul3A : i32
    %mul3A_3 = arith.constant 112 : i32
    %mul3A_4 = arith.muli %arg0, %mul3A_3 : i32
    %add3A = arith.addi %mul3A_2, %mul3A_4 : i32
    %scan3A = arith.constant 0 : i32
    %scan3A_5 = arith.constant 16 : i32
    %scan3A_6 = arith.addi %scan3A, %scan3A_5 : i32
    %scan3A_7 = arith.constant 1 : i32
    scf.for %scan3A_210 = %scan3A to %scan3A_6 step %scan3A_7  : i32 {
      %mul3A_211 = arith.constant 1 : i32
      %mul3A_212 = arith.muli %scan3A_210, %mul3A_211 : i32
      %add3A_213 = arith.constant 0 : i32
      %add3A_214 = arith.addi %add3A_213, %mul3A_212 : i32
      %scan3A_215 = arith.constant 0 : i32
      %scan3A_216 = arith.constant 4 : i32
      %scan3A_217 = arith.addi %scan3A_215, %scan3A_216 : i32
      %scan3A_218 = arith.constant 1 : i32
      scf.for %scan3A_220 = %scan3A_215 to %scan3A_217 step %scan3A_218  : i32 {
        %mul3A_221 = arith.constant 16 : i32
        %mul3A_222 = arith.muli %scan3A_220, %mul3A_221 : i32
        %add3A_223 = arith.constant 0 : i32
        %add3A_224 = arith.addi %add3A_223, %mul3A_222 : i32
        %broadcast_in_dim3A = arith.constant 0.000000e+00 : f32
        %broadcast_in_dim3A_225 = vector.broadcast %broadcast_in_dim3A : f32 to vector<16xf32>
        %swap3A = arith.index_cast %add3A_214 : i32 to index
        %swap3A_226 = arith.index_cast %add3A_224 : i32 to index
        %swap3A_227 = tpu.vector_load %arg13[%swap3A, %swap3A_226] {strides = array<i32>} : memref<16x64xf32, #tpu.memory_space<vmem>>, vector<1x16xf32>,
        %swap3A_228 = vector.shape_cast %swap3A_227 : vector<1x16xf32> to vector<16xf32>
        %swap3A_229 = vector.shape_cast %broadcast_in_dim3A_225 : vector<16xf32> to vector<1x16xf32>
        tpu.vector_store %arg13[%swap3A, %swap3A_226], %swap3A_229 {strides = array<i32>} : memref<16x64xf32, #tpu.memory_space<vmem>>, vector<1x16xf32>,
      }
      %scan3A_219 = arith.constant 4 : i32
    }
    %scan3A_8 = arith.constant 16 : i32
    "tpu.region"() ({
      %run_scoped3A_210 = tpu.sem_alloc : memref<!tpu.dma_semaphore, #tpu.memory_space<semaphore_mem>>
      %dma_start3A_211 = arith.constant 0 : i32
      %dma_start3A_212 = tpu.memref_slice %arg2[%add3A, %dma_start3A_211] : memref<2624x128xi32, #tpu.memory_space<hbm>> -> memref<112x128xi32, #tpu.memory_space<hbm>>
      %dma_start3A_213 = arith.constant 0 : i32
      %dma_start3A_214 = tpu.memref_slice %arg2[%add3A, %dma_start3A_213] : memref<2624x128xi32, #tpu.memory_space<hbm>> -> memref<112x128xi32, #tpu.memory_space<hbm>>
      tpu.enqueue_dma source(%dma_start3A_214 : memref<112x128xi32, #tpu.memory_space<hbm>>) target(%arg7 : memref<112x128xi32, #tpu.memory_space<vmem>>) target_semaphore(%run_scoped3A_210 : memref<!tpu.dma_semaphore, #tpu.memory_space<semaphore_mem>>)
      %dma_wait3A_215 = arith.constant 0 : i32
      %dma_wait3A_216 = tpu.memref_slice %arg2[%add3A, %dma_wait3A_215] : memref<2624x128xi32, #tpu.memory_space<hbm>> -> memref<112x128xi32, #tpu.memory_space<hbm>>
      %dma_wait3A_217 = arith.constant 0 : i32
      %dma_wait3A_218 = tpu.memref_slice %arg2[%add3A, %dma_wait3A_217] : memref<2624x128xi32, #tpu.memory_space<hbm>> -> memref<112x128xi32, #tpu.memory_space<hbm>>
      tpu.wait_dma2 semaphore(%run_scoped3A_210 : memref<!tpu.dma_semaphore, #tpu.memory_space<semaphore_mem>>) src(%dma_wait3A_218 : memref<112x128xi32, #tpu.memory_space<hbm>>) dst(%arg7 : memref<112x128xi32, #tpu.memory_space<vmem>>)
      tpu.yield
    }) : () -> ()
    "tpu.region"() ({
      %run_scoped3A_210 = tpu.sem_alloc : memref<!tpu.dma_semaphore, #tpu.memory_space<semaphore_mem>>
      %dma_start3A_211 = arith.constant 0 : i32
      %dma_start3A_212 = tpu.memref_slice %arg3[%add3A, %dma_start3A_211] : memref<2624x128xi32, #tpu.memory_space<hbm>> -> memref<112x128xi32, #tpu.memory_space<hbm>>
      %dma_start3A_213 = arith.constant 0 : i32
      %dma_start3A_214 = tpu.memref_slice %arg3[%add3A, %dma_start3A_213] : memref<2624x128xi32, #tpu.memory_space<hbm>> -> memref<112x128xi32, #tpu.memory_space<hbm>>
      tpu.enqueue_dma source(%dma_start3A_214 : memref<112x128xi32, #tpu.memory_space<hbm>>) target(%arg8 : memref<112x128xi32, #tpu.memory_space<vmem>>) target_semaphore(%run_scoped3A_210 : memref<!tpu.dma_semaphore, #tpu.memory_space<semaphore_mem>>)
      %dma_wait3A_215 = arith.constant 0 : i32
      %dma_wait3A_216 = tpu.memref_slice %arg3[%add3A, %dma_wait3A_215] : memref<2624x128xi32, #tpu.memory_space<hbm>> -> memref<112x128xi32, #tpu.memory_space<hbm>>
      %dma_wait3A_217 = arith.constant 0 : i32
      %dma_wait3A_218 = tpu.memref_slice %arg3[%add3A, %dma_wait3A_217] : memref<2624x128xi32, #tpu.memory_space<hbm>> -> memref<112x128xi32, #tpu.memory_space<hbm>>
      tpu.wait_dma2 semaphore(%run_scoped3A_210 : memref<!tpu.dma_semaphore, #tpu.memory_space<semaphore_mem>>) src(%dma_wait3A_218 : memref<112x128xi32, #tpu.memory_space<hbm>>) dst(%arg8 : memref<112x128xi32, #tpu.memory_space<vmem>>)
      tpu.yield
    }) : () -> ()
    %scan3A_9 = arith.constant 0 : i32
    %scan3A_10 = arith.constant 40 : i32
    %scan3A_11 = arith.addi %scan3A_9, %scan3A_10 : i32
    %scan3A_12 = arith.constant 1 : i32
    scf.for %scan3A_210 = %scan3A_9 to %scan3A_11 step %scan3A_12  : i32 {
      %mul3A_211 = arith.constant 16 : i32
      %mul3A_212 = arith.muli %scan3A_210, %mul3A_211 : i32
      %add3A_213 = arith.constant 0 : i32
      %add3A_214 = arith.addi %add3A_213, %mul3A_212 : i32
      %mul3A_215 = arith.constant 640 : i32
      %mul3A_216 = arith.muli %arg1, %mul3A_215 : i32
      %add3A_217 = arith.addi %mul3A_216, %add3A_214 : i32
      %dma_start3A_218 = arith.constant 0 : i32
      %dma_start3A_219 = tpu.memref_slice %arg14[%add3A_217, %dma_start3A_218] : memref<10240x64xf32, #tpu.memory_space<vmem_shared>> -> memref<16x64xf32, #tpu.memory_space<vmem_shared>>
      %dma_start3A_220 = arith.constant 0 : i32
      %dma_start3A_221 = tpu.memref_slice %arg14[%add3A_217, %dma_start3A_220] : memref<10240x64xf32, #tpu.memory_space<vmem_shared>> -> memref<16x64xf32, #tpu.memory_space<vmem_shared>>
      tpu.enqueue_dma source(%arg13 : memref<16x64xf32, #tpu.memory_space<vmem>>) target(%dma_start3A_221 : memref<16x64xf32, #tpu.memory_space<vmem_shared>>) target_semaphore(%arg15 : memref<!tpu.dma_semaphore, #tpu.memory_space<semaphore_mem>>)
    }
    %scan3A_13 = arith.constant 40 : i32
    %scan3A_14 = arith.constant 0 : i32
    %scan3A_15 = arith.constant 40 : i32
    %scan3A_16 = arith.addi %scan3A_14, %scan3A_15 : i32
    %scan3A_17 = arith.constant 1 : i32
    scf.for %scan3A_210 = %scan3A_14 to %scan3A_16 step %scan3A_17  : i32 {
      %mul3A_211 = arith.constant 16 : i32
      %mul3A_212 = arith.muli %scan3A_210, %mul3A_211 : i32
      %add3A_213 = arith.constant 0 : i32
      %add3A_214 = arith.addi %add3A_213, %mul3A_212 : i32
      %mul3A_215 = arith.constant 640 : i32
      %mul3A_216 = arith.muli %arg1, %mul3A_215 : i32
      %add3A_217 = arith.addi %mul3A_216, %add3A_214 : i32
      %dma_wait3A_218 = arith.constant 0 : i32
      %dma_wait3A_219 = tpu.memref_slice %arg14[%add3A_217, %dma_wait3A_218] : memref<10240x64xf32, #tpu.memory_space<vmem_shared>> -> memref<16x64xf32, #tpu.memory_space<vmem_shared>>
      %dma_wait3A_220 = arith.constant 0 : i32
      %dma_wait3A_221 = tpu.memref_slice %arg14[%add3A_217, %dma_wait3A_220] : memref<10240x64xf32, #tpu.memory_space<vmem_shared>> -> memref<16x64xf32, #tpu.memory_space<vmem_shared>>
      tpu.wait_dma2 semaphore(%arg15 : memref<!tpu.dma_semaphore, #tpu.memory_space<semaphore_mem>>) src(%arg13 : memref<16x64xf32, #tpu.memory_space<vmem>>) dst(%dma_wait3A_221 : memref<16x64xf32, #tpu.memory_space<vmem_shared>>)
    }
    %scan3A_18 = arith.constant 40 : i32
    %barrier3A = arith.constant 0 : index
    tpu.barrier barrier_id(%barrier3A)
    %dma_start3A = arith.constant 0 : i32
    %dma_start3A_19 = arith.constant 0 : i32
    %dma_start3A_20 = tpu.memref_slice %arg7[%dma_start3A, %dma_start3A_19] : memref<112x128xi32, #tpu.memory_space<vmem>> -> memref<1x128xi32, #tpu.memory_space<vmem>>
    %dma_start3A_21 = tpu.memref_squeeze %dma_start3A_20 : memref<1x128xi32, #tpu.memory_space<vmem>> -> memref<128xi32, #tpu.memory_space<vmem>>
    %dma_start3A_22 = arith.constant 0 : i32
    %dma_start3A_23 = arith.constant 0 : i32
    %dma_start3A_24 = tpu.memref_slice %arg4[%dma_start3A_22, %dma_start3A_23] : memref<10000x64xf32, #tpu.memory_space<hbm>> -> memref<10000x64xf32, #tpu.memory_space<hbm>>
    tpu.enqueue_indirect_dma source(%dma_start3A_24 : memref<10000x64xf32, #tpu.memory_space<hbm>>) target(%arg9 : memref<128x64xf32, #tpu.memory_space<vmem>>) offsets(%dma_start3A_21 : memref<128xi32, #tpu.memory_space<vmem>>) semaphore(%arg15 : memref<!tpu.dma_semaphore, #tpu.memory_space<semaphore_mem>>)
    %dma_start3A_25 = arith.constant 1 : i32
    %dma_start3A_26 = arith.constant 0 : i32
    %dma_start3A_27 = tpu.memref_slice %arg7[%dma_start3A_25, %dma_start3A_26] : memref<112x128xi32, #tpu.memory_space<vmem>> -> memref<1x128xi32, #tpu.memory_space<vmem>>
    %dma_start3A_28 = tpu.memref_squeeze %dma_start3A_27 : memref<1x128xi32, #tpu.memory_space<vmem>> -> memref<128xi32, #tpu.memory_space<vmem>>
    %dma_start3A_29 = arith.constant 0 : i32
    %dma_start3A_30 = arith.constant 0 : i32
    %dma_start3A_31 = tpu.memref_slice %arg4[%dma_start3A_29, %dma_start3A_30] : memref<10000x64xf32, #tpu.memory_space<hbm>> -> memref<10000x64xf32, #tpu.memory_space<hbm>>
    tpu.enqueue_indirect_dma source(%dma_start3A_31 : memref<10000x64xf32, #tpu.memory_space<hbm>>) target(%arg10 : memref<128x64xf32, #tpu.memory_space<vmem>>) offsets(%dma_start3A_28 : memref<128xi32, #tpu.memory_space<vmem>>) semaphore(%arg16 : memref<!tpu.dma_semaphore, #tpu.memory_space<semaphore_mem>>)
    %dma_start3A_32 = arith.constant 2 : i32
    %dma_start3A_33 = arith.constant 0 : i32
    %dma_start3A_34 = tpu.memref_slice %arg7[%dma_start3A_32, %dma_start3A_33] : memref<112x128xi32, #tpu.memory_space<vmem>> -> memref<1x128xi32, #tpu.memory_space<vmem>>
    %dma_start3A_35 = tpu.memref_squeeze %dma_start3A_34 : memref<1x128xi32, #tpu.memory_space<vmem>> -> memref<128xi32, #tpu.memory_space<vmem>>
    %dma_start3A_36 = arith.constant 0 : i32
    %dma_start3A_37 = arith.constant 0 : i32
    %dma_start3A_38 = tpu.memref_slice %arg4[%dma_start3A_36, %dma_start3A_37] : memref<10000x64xf32, #tpu.memory_space<hbm>> -> memref<10000x64xf32, #tpu.memory_space<hbm>>
    tpu.enqueue_indirect_dma source(%dma_start3A_38 : memref<10000x64xf32, #tpu.memory_space<hbm>>) target(%arg11 : memref<128x64xf32, #tpu.memory_space<vmem>>) offsets(%dma_start3A_35 : memref<128xi32, #tpu.memory_space<vmem>>) semaphore(%arg17 : memref<!tpu.dma_semaphore, #tpu.memory_space<semaphore_mem>>)
    %dma_start3A_39 = arith.constant 3 : i32
    %dma_start3A_40 = arith.constant 0 : i32
    %dma_start3A_41 = tpu.memref_slice %arg7[%dma_start3A_39, %dma_start3A_40] : memref<112x128xi32, #tpu.memory_space<vmem>> -> memref<1x128xi32, #tpu.memory_space<vmem>>
    %dma_start3A_42 = tpu.memref_squeeze %dma_start3A_41 : memref<1x128xi32, #tpu.memory_space<vmem>> -> memref<128xi32, #tpu.memory_space<vmem>>
    %dma_start3A_43 = arith.constant 0 : i32
    %dma_start3A_44 = arith.constant 0 : i32
    %dma_start3A_45 = tpu.memref_slice %arg4[%dma_start3A_43, %dma_start3A_44] : memref<10000x64xf32, #tpu.memory_space<hbm>> -> memref<10000x64xf32, #tpu.memory_space<hbm>>
    tpu.enqueue_indirect_dma source(%dma_start3A_45 : memref<10000x64xf32, #tpu.memory_space<hbm>>) target(%arg12 : memref<128x64xf32, #tpu.memory_space<vmem>>) offsets(%dma_start3A_42 : memref<128xi32, #tpu.memory_space<vmem>>) semaphore(%arg18 : memref<!tpu.dma_semaphore, #tpu.memory_space<semaphore_mem>>)
    %sub3A = arith.constant 0 : i32
    %sub3A_46 = arith.subi %select_n3A, %sub3A : i32
    %sub3A_47 = arith.constant 4 : i32
    %sub3A_48 = arith.constant 1 : i32
    %sub3A_49 = arith.subi %sub3A_47, %sub3A_48 : i32
    %add3A_50 = arith.addi %sub3A_46, %sub3A_49 : i32
    %div3A = arith.constant 4 : i32
    %div3A_51 = arith.divsi %add3A_50, %div3A : i32
    %while3A = arith.constant 4 : i32
    %while3A_52 = arith.constant 0 : i32
    %while3A_53 = arith.constant 0 : i32
    %while3A_54 = arith.subi %div3A_51, %while3A_53 : i32
    %while3A_55 = arith.addi %while3A_53, %while3A_54 : i32
    %while3A_56 = arith.constant 1 : i32
    %while3A_57 = arith.divsi %while3A_54, %while3A_56 : i32
    %while3A_58 = arith.muli %while3A_57, %while3A_56 : i32
    %while3A_59 = arith.addi %while3A_53, %while3A_58 : i32
    %while3A_60 = arith.constant 1 : i32
    scf.for %while3A_210 = %while3A_53 to %while3A_59 step %while3A_60  : i32 {
      %mul3A_211 = arith.muli %while3A_210, %while3A : i32
      %add3A_212 = arith.addi %while3A_52, %mul3A_211 : i32
      %add3A_213 = arith.constant 0 : i32
      %add3A_214 = arith.addi %add3A_212, %add3A_213 : i32
      %dma_wait3A_215 = arith.constant 0 : i32
      %dma_wait3A_216 = tpu.memref_slice %arg7[%add3A_214, %dma_wait3A_215] : memref<112x128xi32, #tpu.memory_space<vmem>> -> memref<1x128xi32, #tpu.memory_space<vmem>>
      %dma_wait3A_217 = tpu.memref_squeeze %dma_wait3A_216 : memref<1x128xi32, #tpu.memory_space<vmem>> -> memref<128xi32, #tpu.memory_space<vmem>>
      %dma_wait3A_218 = arith.constant 0 : i32
      %dma_wait3A_219 = arith.constant 0 : i32
      %dma_wait3A_220 = tpu.memref_slice %arg4[%dma_wait3A_218, %dma_wait3A_219] : memref<10000x64xf32, #tpu.memory_space<hbm>> -> memref<10000x64xf32, #tpu.memory_space<hbm>>
      tpu.wait_indirect_dma semaphore(%arg15 : memref<!tpu.dma_semaphore, #tpu.memory_space<semaphore_mem>>) src(%dma_wait3A_220 : memref<10000x64xf32, #tpu.memory_space<hbm>>) dst(%arg9 : memref<128x64xf32, #tpu.memory_space<vmem>>)
      %dma_start3A_221 = arith.constant 0 : i32
      %dma_start3A_222 = tpu.memref_slice %arg8[%add3A_214, %dma_start3A_221] : memref<112x128xi32, #tpu.memory_space<vmem>> -> memref<1x128xi32, #tpu.memory_space<vmem>>
      %dma_start3A_223 = tpu.memref_squeeze %dma_start3A_222 : memref<1x128xi32, #tpu.memory_space<vmem>> -> memref<128xi32, #tpu.memory_space<vmem>>
      %dma_start3A_224 = arith.constant 0 : i32
      %dma_start3A_225 = arith.constant 0 : i32
      %dma_start3A_226 = tpu.memref_slice %arg14[%dma_start3A_224, %dma_start3A_225] : memref<10240x64xf32, #tpu.memory_space<vmem_shared>> -> memref<10240x64xf32, #tpu.memory_space<vmem_shared>>
      tpu.enqueue_indirect_dma source(%arg9 : memref<128x64xf32, #tpu.memory_space<vmem>>) target(%dma_start3A_226 : memref<10240x64xf32, #tpu.memory_space<vmem_shared>>) offsets(%dma_start3A_223 : memref<128xi32, #tpu.memory_space<vmem>>) semaphore(%arg19 : memref<!tpu.dma_semaphore, #tpu.memory_space<semaphore_mem>>) {add = true}
      %add3A_227 = arith.constant 4 : i32
      %add3A_228 = arith.addi %add3A_214, %add3A_227 : i32
      %lt3A = arith.cmpi slt, %add3A_228, %select_n3A : i32
      %convert_element_type3A = arith.extui %lt3A : i1 to i32
      %cond3A = arith.constant 0 : i32
      %cond3A_229 = arith.cmpi ne, %convert_element_type3A, %cond3A : i32
      scf.if %cond3A_229 {
        %dma_wait3A_290 = arith.constant 0 : i32
        %dma_wait3A_291 = tpu.memref_slice %arg8[%add3A_214, %dma_wait3A_290] : memref<112x128xi32, #tpu.memory_space<vmem>> -> memref<1x128xi32, #tpu.memory_space<vmem>>
        %dma_wait3A_292 = tpu.memref_squeeze %dma_wait3A_291 : memref<1x128xi32, #tpu.memory_space<vmem>> -> memref<128xi32, #tpu.memory_space<vmem>>
        %dma_wait3A_293 = arith.constant 0 : i32
        %dma_wait3A_294 = arith.constant 0 : i32
        %dma_wait3A_295 = tpu.memref_slice %arg14[%dma_wait3A_293, %dma_wait3A_294] : memref<10240x64xf32, #tpu.memory_space<vmem_shared>> -> memref<10240x64xf32, #tpu.memory_space<vmem_shared>>
        tpu.wait_indirect_dma semaphore(%arg19 : memref<!tpu.dma_semaphore, #tpu.memory_space<semaphore_mem>>) src(%arg9 : memref<128x64xf32, #tpu.memory_space<vmem>>) dst(%dma_wait3A_295 : memref<10240x64xf32, #tpu.memory_space<vmem_shared>>)
        %add3A_296 = arith.constant 4 : i32
        %add3A_297 = arith.addi %add3A_214, %add3A_296 : i32
        %dma_start3A_298 = arith.constant 0 : i32
        %dma_start3A_299 = tpu.memref_slice %arg7[%add3A_297, %dma_start3A_298] : memref<112x128xi32, #tpu.memory_space<vmem>> -> memref<1x128xi32, #tpu.memory_space<vmem>>
        %dma_start3A_300 = tpu.memref_squeeze %dma_start3A_299 : memref<1x128xi32, #tpu.memory_space<vmem>> -> memref<128xi32, #tpu.memory_space<vmem>>
        %dma_start3A_301 = arith.constant 0 : i32
        %dma_start3A_302 = arith.constant 0 : i32
        %dma_start3A_303 = tpu.memref_slice %arg4[%dma_start3A_301, %dma_start3A_302] : memref<10000x64xf32, #tpu.memory_space<hbm>> -> memref<10000x64xf32, #tpu.memory_space<hbm>>
        tpu.enqueue_indirect_dma source(%dma_start3A_303 : memref<10000x64xf32, #tpu.memory_space<hbm>>) target(%arg9 : memref<128x64xf32, #tpu.memory_space<vmem>>) offsets(%dma_start3A_300 : memref<128xi32, #tpu.memory_space<vmem>>) semaphore(%arg15 : memref<!tpu.dma_semaphore, #tpu.memory_space<semaphore_mem>>)
      } else {
      }
      %add3A_230 = arith.constant 1 : i32
      %add3A_231 = arith.addi %add3A_212, %add3A_230 : i32
      %dma_wait3A_232 = arith.constant 0 : i32
      %dma_wait3A_233 = tpu.memref_slice %arg7[%add3A_231, %dma_wait3A_232] : memref<112x128xi32, #tpu.memory_space<vmem>> -> memref<1x128xi32, #tpu.memory_space<vmem>>
      %dma_wait3A_234 = tpu.memref_squeeze %dma_wait3A_233 : memref<1x128xi32, #tpu.memory_space<vmem>> -> memref<128xi32, #tpu.memory_space<vmem>>
      %dma_wait3A_235 = arith.constant 0 : i32
      %dma_wait3A_236 = arith.constant 0 : i32
      %dma_wait3A_237 = tpu.memref_slice %arg4[%dma_wait3A_235, %dma_wait3A_236] : memref<10000x64xf32, #tpu.memory_space<hbm>> -> memref<10000x64xf32, #tpu.memory_space<hbm>>
      tpu.wait_indirect_dma semaphore(%arg16 : memref<!tpu.dma_semaphore, #tpu.memory_space<semaphore_mem>>) src(%dma_wait3A_237 : memref<10000x64xf32, #tpu.memory_space<hbm>>) dst(%arg10 : memref<128x64xf32, #tpu.memory_space<vmem>>)
      %dma_start3A_238 = arith.constant 0 : i32
      %dma_start3A_239 = tpu.memref_slice %arg8[%add3A_231, %dma_start3A_238] : memref<112x128xi32, #tpu.memory_space<vmem>> -> memref<1x128xi32, #tpu.memory_space<vmem>>
      %dma_start3A_240 = tpu.memref_squeeze %dma_start3A_239 : memref<1x128xi32, #tpu.memory_space<vmem>> -> memref<128xi32, #tpu.memory_space<vmem>>
      %dma_start3A_241 = arith.constant 0 : i32
      %dma_start3A_242 = arith.constant 0 : i32
      %dma_start3A_243 = tpu.memref_slice %arg14[%dma_start3A_241, %dma_start3A_242] : memref<10240x64xf32, #tpu.memory_space<vmem_shared>> -> memref<10240x64xf32, #tpu.memory_space<vmem_shared>>
      tpu.enqueue_indirect_dma source(%arg10 : memref<128x64xf32, #tpu.memory_space<vmem>>) target(%dma_start3A_243 : memref<10240x64xf32, #tpu.memory_space<vmem_shared>>) offsets(%dma_start3A_240 : memref<128xi32, #tpu.memory_space<vmem>>) semaphore(%arg20 : memref<!tpu.dma_semaphore, #tpu.memory_space<semaphore_mem>>) {add = true}
      %add3A_244 = arith.constant 4 : i32
      %add3A_245 = arith.addi %add3A_231, %add3A_244 : i32
      %lt3A_246 = arith.cmpi slt, %add3A_245, %select_n3A : i32
      %convert_element_type3A_247 = arith.extui %lt3A_246 : i1 to i32
      %cond3A_248 = arith.constant 0 : i32
      %cond3A_249 = arith.cmpi ne, %convert_element_type3A_247, %cond3A_248 : i32
      scf.if %cond3A_249 {
        %dma_wait3A_290 = arith.constant 0 : i32
        %dma_wait3A_291 = tpu.memref_slice %arg8[%add3A_231, %dma_wait3A_290] : memref<112x128xi32, #tpu.memory_space<vmem>> -> memref<1x128xi32, #tpu.memory_space<vmem>>
        %dma_wait3A_292 = tpu.memref_squeeze %dma_wait3A_291 : memref<1x128xi32, #tpu.memory_space<vmem>> -> memref<128xi32, #tpu.memory_space<vmem>>
        %dma_wait3A_293 = arith.constant 0 : i32
        %dma_wait3A_294 = arith.constant 0 : i32
        %dma_wait3A_295 = tpu.memref_slice %arg14[%dma_wait3A_293, %dma_wait3A_294] : memref<10240x64xf32, #tpu.memory_space<vmem_shared>> -> memref<10240x64xf32, #tpu.memory_space<vmem_shared>>
        tpu.wait_indirect_dma semaphore(%arg20 : memref<!tpu.dma_semaphore, #tpu.memory_space<semaphore_mem>>) src(%arg10 : memref<128x64xf32, #tpu.memory_space<vmem>>) dst(%dma_wait3A_295 : memref<10240x64xf32, #tpu.memory_space<vmem_shared>>)
        %add3A_296 = arith.constant 4 : i32
        %add3A_297 = arith.addi %add3A_231, %add3A_296 : i32
        %dma_start3A_298 = arith.constant 0 : i32
        %dma_start3A_299 = tpu.memref_slice %arg7[%add3A_297, %dma_start3A_298] : memref<112x128xi32, #tpu.memory_space<vmem>> -> memref<1x128xi32, #tpu.memory_space<vmem>>
        %dma_start3A_300 = tpu.memref_squeeze %dma_start3A_299 : memref<1x128xi32, #tpu.memory_space<vmem>> -> memref<128xi32, #tpu.memory_space<vmem>>
        %dma_start3A_301 = arith.constant 0 : i32
        %dma_start3A_302 = arith.constant 0 : i32
        %dma_start3A_303 = tpu.memref_slice %arg4[%dma_start3A_301, %dma_start3A_302] : memref<10000x64xf32, #tpu.memory_space<hbm>> -> memref<10000x64xf32, #tpu.memory_space<hbm>>
        tpu.enqueue_indirect_dma source(%dma_start3A_303 : memref<10000x64xf32, #tpu.memory_space<hbm>>) target(%arg10 : memref<128x64xf32, #tpu.memory_space<vmem>>) offsets(%dma_start3A_300 : memref<128xi32, #tpu.memory_space<vmem>>) semaphore(%arg16 : memref<!tpu.dma_semaphore, #tpu.memory_space<semaphore_mem>>)
      } else {
      }
      %add3A_250 = arith.constant 2 : i32
      %add3A_251 = arith.addi %add3A_212, %add3A_250 : i32
      %dma_wait3A_252 = arith.constant 0 : i32
      %dma_wait3A_253 = tpu.memref_slice %arg7[%add3A_251, %dma_wait3A_252] : memref<112x128xi32, #tpu.memory_space<vmem>> -> memref<1x128xi32, #tpu.memory_space<vmem>>
      %dma_wait3A_254 = tpu.memref_squeeze %dma_wait3A_253 : memref<1x128xi32, #tpu.memory_space<vmem>> -> memref<128xi32, #tpu.memory_space<vmem>>
      %dma_wait3A_255 = arith.constant 0 : i32
      %dma_wait3A_256 = arith.constant 0 : i32
      %dma_wait3A_257 = tpu.memref_slice %arg4[%dma_wait3A_255, %dma_wait3A_256] : memref<10000x64xf32, #tpu.memory_space<hbm>> -> memref<10000x64xf32, #tpu.memory_space<hbm>>
      tpu.wait_indirect_dma semaphore(%arg17 : memref<!tpu.dma_semaphore, #tpu.memory_space<semaphore_mem>>) src(%dma_wait3A_257 : memref<10000x64xf32, #tpu.memory_space<hbm>>) dst(%arg11 : memref<128x64xf32, #tpu.memory_space<vmem>>)
      %dma_start3A_258 = arith.constant 0 : i32
      %dma_start3A_259 = tpu.memref_slice %arg8[%add3A_251, %dma_start3A_258] : memref<112x128xi32, #tpu.memory_space<vmem>> -> memref<1x128xi32, #tpu.memory_space<vmem>>
      %dma_start3A_260 = tpu.memref_squeeze %dma_start3A_259 : memref<1x128xi32, #tpu.memory_space<vmem>> -> memref<128xi32, #tpu.memory_space<vmem>>
      %dma_start3A_261 = arith.constant 0 : i32
      %dma_start3A_262 = arith.constant 0 : i32
      %dma_start3A_263 = tpu.memref_slice %arg14[%dma_start3A_261, %dma_start3A_262] : memref<10240x64xf32, #tpu.memory_space<vmem_shared>> -> memref<10240x64xf32, #tpu.memory_space<vmem_shared>>
      tpu.enqueue_indirect_dma source(%arg11 : memref<128x64xf32, #tpu.memory_space<vmem>>) target(%dma_start3A_263 : memref<10240x64xf32, #tpu.memory_space<vmem_shared>>) offsets(%dma_start3A_260 : memref<128xi32, #tpu.memory_space<vmem>>) semaphore(%arg21 : memref<!tpu.dma_semaphore, #tpu.memory_space<semaphore_mem>>) {add = true}
      %add3A_264 = arith.constant 4 : i32
      %add3A_265 = arith.addi %add3A_251, %add3A_264 : i32
      %lt3A_266 = arith.cmpi slt, %add3A_265, %select_n3A : i32
      %convert_element_type3A_267 = arith.extui %lt3A_266 : i1 to i32
      %cond3A_268 = arith.constant 0 : i32
      %cond3A_269 = arith.cmpi ne, %convert_element_type3A_267, %cond3A_268 : i32
      scf.if %cond3A_269 {
        %dma_wait3A_290 = arith.constant 0 : i32
        %dma_wait3A_291 = tpu.memref_slice %arg8[%add3A_251, %dma_wait3A_290] : memref<112x128xi32, #tpu.memory_space<vmem>> -> memref<1x128xi32, #tpu.memory_space<vmem>>
        %dma_wait3A_292 = tpu.memref_squeeze %dma_wait3A_291 : memref<1x128xi32, #tpu.memory_space<vmem>> -> memref<128xi32, #tpu.memory_space<vmem>>
        %dma_wait3A_293 = arith.constant 0 : i32
        %dma_wait3A_294 = arith.constant 0 : i32
        %dma_wait3A_295 = tpu.memref_slice %arg14[%dma_wait3A_293, %dma_wait3A_294] : memref<10240x64xf32, #tpu.memory_space<vmem_shared>> -> memref<10240x64xf32, #tpu.memory_space<vmem_shared>>
        tpu.wait_indirect_dma semaphore(%arg21 : memref<!tpu.dma_semaphore, #tpu.memory_space<semaphore_mem>>) src(%arg11 : memref<128x64xf32, #tpu.memory_space<vmem>>) dst(%dma_wait3A_295 : memref<10240x64xf32, #tpu.memory_space<vmem_shared>>)
        %add3A_296 = arith.constant 4 : i32
        %add3A_297 = arith.addi %add3A_251, %add3A_296 : i32
        %dma_start3A_298 = arith.constant 0 : i32
        %dma_start3A_299 = tpu.memref_slice %arg7[%add3A_297, %dma_start3A_298] : memref<112x128xi32, #tpu.memory_space<vmem>> -> memref<1x128xi32, #tpu.memory_space<vmem>>
        %dma_start3A_300 = tpu.memref_squeeze %dma_start3A_299 : memref<1x128xi32, #tpu.memory_space<vmem>> -> memref<128xi32, #tpu.memory_space<vmem>>
        %dma_start3A_301 = arith.constant 0 : i32
        %dma_start3A_302 = arith.constant 0 : i32
        %dma_start3A_303 = tpu.memref_slice %arg4[%dma_start3A_301, %dma_start3A_302] : memref<10000x64xf32, #tpu.memory_space<hbm>> -> memref<10000x64xf32, #tpu.memory_space<hbm>>
        tpu.enqueue_indirect_dma source(%dma_start3A_303 : memref<10000x64xf32, #tpu.memory_space<hbm>>) target(%arg11 : memref<128x64xf32, #tpu.memory_space<vmem>>) offsets(%dma_start3A_300 : memref<128xi32, #tpu.memory_space<vmem>>) semaphore(%arg17 : memref<!tpu.dma_semaphore, #tpu.memory_space<semaphore_mem>>)
      } else {
      }
      %add3A_270 = arith.constant 3 : i32
      %add3A_271 = arith.addi %add3A_212, %add3A_270 : i32
      %dma_wait3A_272 = arith.constant 0 : i32
      %dma_wait3A_273 = tpu.memref_slice %arg7[%add3A_271, %dma_wait3A_272] : memref<112x128xi32, #tpu.memory_space<vmem>> -> memref<1x128xi32, #tpu.memory_space<vmem>>
      %dma_wait3A_274 = tpu.memref_squeeze %dma_wait3A_273 : memref<1x128xi32, #tpu.memory_space<vmem>> -> memref<128xi32, #tpu.memory_space<vmem>>
      %dma_wait3A_275 = arith.constant 0 : i32
      %dma_wait3A_276 = arith.constant 0 : i32
      %dma_wait3A_277 = tpu.memref_slice %arg4[%dma_wait3A_275, %dma_wait3A_276] : memref<10000x64xf32, #tpu.memory_space<hbm>> -> memref<10000x64xf32, #tpu.memory_space<hbm>>
      tpu.wait_indirect_dma semaphore(%arg18 : memref<!tpu.dma_semaphore, #tpu.memory_space<semaphore_mem>>) src(%dma_wait3A_277 : memref<10000x64xf32, #tpu.memory_space<hbm>>) dst(%arg12 : memref<128x64xf32, #tpu.memory_space<vmem>>)
      %dma_start3A_278 = arith.constant 0 : i32
      %dma_start3A_279 = tpu.memref_slice %arg8[%add3A_271, %dma_start3A_278] : memref<112x128xi32, #tpu.memory_space<vmem>> -> memref<1x128xi32, #tpu.memory_space<vmem>>
      %dma_start3A_280 = tpu.memref_squeeze %dma_start3A_279 : memref<1x128xi32, #tpu.memory_space<vmem>> -> memref<128xi32, #tpu.memory_space<vmem>>
      %dma_start3A_281 = arith.constant 0 : i32
      %dma_start3A_282 = arith.constant 0 : i32
      %dma_start3A_283 = tpu.memref_slice %arg14[%dma_start3A_281, %dma_start3A_282] : memref<10240x64xf32, #tpu.memory_space<vmem_shared>> -> memref<10240x64xf32, #tpu.memory_space<vmem_shared>>
      tpu.enqueue_indirect_dma source(%arg12 : memref<128x64xf32, #tpu.memory_space<vmem>>) target(%dma_start3A_283 : memref<10240x64xf32, #tpu.memory_space<vmem_shared>>) offsets(%dma_start3A_280 : memref<128xi32, #tpu.memory_space<vmem>>) semaphore(%arg22 : memref<!tpu.dma_semaphore, #tpu.memory_space<semaphore_mem>>) {add = true}
      %add3A_284 = arith.constant 4 : i32
      %add3A_285 = arith.addi %add3A_271, %add3A_284 : i32
      %lt3A_286 = arith.cmpi slt, %add3A_285, %select_n3A : i32
      %convert_element_type3A_287 = arith.extui %lt3A_286 : i1 to i32
      %cond3A_288 = arith.constant 0 : i32
      %cond3A_289 = arith.cmpi ne, %convert_element_type3A_287, %cond3A_288 : i32
      scf.if %cond3A_289 {
        %dma_wait3A_290 = arith.constant 0 : i32
        %dma_wait3A_291 = tpu.memref_slice %arg8[%add3A_271, %dma_wait3A_290] : memref<112x128xi32, #tpu.memory_space<vmem>> -> memref<1x128xi32, #tpu.memory_space<vmem>>
        %dma_wait3A_292 = tpu.memref_squeeze %dma_wait3A_291 : memref<1x128xi32, #tpu.memory_space<vmem>> -> memref<128xi32, #tpu.memory_space<vmem>>
        %dma_wait3A_293 = arith.constant 0 : i32
        %dma_wait3A_294 = arith.constant 0 : i32
        %dma_wait3A_295 = tpu.memref_slice %arg14[%dma_wait3A_293, %dma_wait3A_294] : memref<10240x64xf32, #tpu.memory_space<vmem_shared>> -> memref<10240x64xf32, #tpu.memory_space<vmem_shared>>
        tpu.wait_indirect_dma semaphore(%arg22 : memref<!tpu.dma_semaphore, #tpu.memory_space<semaphore_mem>>) src(%arg12 : memref<128x64xf32, #tpu.memory_space<vmem>>) dst(%dma_wait3A_295 : memref<10240x64xf32, #tpu.memory_space<vmem_shared>>)
        %add3A_296 = arith.constant 4 : i32
        %add3A_297 = arith.addi %add3A_271, %add3A_296 : i32
        %dma_start3A_298 = arith.constant 0 : i32
        %dma_start3A_299 = tpu.memref_slice %arg7[%add3A_297, %dma_start3A_298] : memref<112x128xi32, #tpu.memory_space<vmem>> -> memref<1x128xi32, #tpu.memory_space<vmem>>
        %dma_start3A_300 = tpu.memref_squeeze %dma_start3A_299 : memref<1x128xi32, #tpu.memory_space<vmem>> -> memref<128xi32, #tpu.memory_space<vmem>>
        %dma_start3A_301 = arith.constant 0 : i32
        %dma_start3A_302 = arith.constant 0 : i32
        %dma_start3A_303 = tpu.memref_slice %arg4[%dma_start3A_301, %dma_start3A_302] : memref<10000x64xf32, #tpu.memory_space<hbm>> -> memref<10000x64xf32, #tpu.memory_space<hbm>>
        tpu.enqueue_indirect_dma source(%dma_start3A_303 : memref<10000x64xf32, #tpu.memory_space<hbm>>) target(%arg12 : memref<128x64xf32, #tpu.memory_space<vmem>>) offsets(%dma_start3A_300 : memref<128xi32, #tpu.memory_space<vmem>>) semaphore(%arg18 : memref<!tpu.dma_semaphore, #tpu.memory_space<semaphore_mem>>)
      } else {
      }
    }
    %while3A_61 = arith.constant 1 : i32
    scf.for %while3A_210 = %while3A_59 to %while3A_55 step %while3A_61  : i32 {
      %mul3A_211 = arith.muli %while3A_210, %while3A : i32
      %add3A_212 = arith.addi %while3A_52, %mul3A_211 : i32
      %add3A_213 = arith.constant 0 : i32
      %add3A_214 = arith.addi %add3A_212, %add3A_213 : i32
      %dma_wait3A_215 = arith.constant 0 : i32
      %dma_wait3A_216 = tpu.memref_slice %arg7[%add3A_214, %dma_wait3A_215] : memref<112x128xi32, #tpu.memory_space<vmem>> -> memref<1x128xi32, #tpu.memory_space<vmem>>
      %dma_wait3A_217 = tpu.memref_squeeze %dma_wait3A_216 : memref<1x128xi32, #tpu.memory_space<vmem>> -> memref<128xi32, #tpu.memory_space<vmem>>
      %dma_wait3A_218 = arith.constant 0 : i32
      %dma_wait3A_219 = arith.constant 0 : i32
      %dma_wait3A_220 = tpu.memref_slice %arg4[%dma_wait3A_218, %dma_wait3A_219] : memref<10000x64xf32, #tpu.memory_space<hbm>> -> memref<10000x64xf32, #tpu.memory_space<hbm>>
      tpu.wait_indirect_dma semaphore(%arg15 : memref<!tpu.dma_semaphore, #tpu.memory_space<semaphore_mem>>) src(%dma_wait3A_220 : memref<10000x64xf32, #tpu.memory_space<hbm>>) dst(%arg9 : memref<128x64xf32, #tpu.memory_space<vmem>>)
      %dma_start3A_221 = arith.constant 0 : i32
      %dma_start3A_222 = tpu.memref_slice %arg8[%add3A_214, %dma_start3A_221] : memref<112x128xi32, #tpu.memory_space<vmem>> -> memref<1x128xi32, #tpu.memory_space<vmem>>
      %dma_start3A_223 = tpu.memref_squeeze %dma_start3A_222 : memref<1x128xi32, #tpu.memory_space<vmem>> -> memref<128xi32, #tpu.memory_space<vmem>>
      %dma_start3A_224 = arith.constant 0 : i32
      %dma_start3A_225 = arith.constant 0 : i32
      %dma_start3A_226 = tpu.memref_slice %arg14[%dma_start3A_224, %dma_start3A_225] : memref<10240x64xf32, #tpu.memory_space<vmem_shared>> -> memref<10240x64xf32, #tpu.memory_space<vmem_shared>>
      tpu.enqueue_indirect_dma source(%arg9 : memref<128x64xf32, #tpu.memory_space<vmem>>) target(%dma_start3A_226 : memref<10240x64xf32, #tpu.memory_space<vmem_shared>>) offsets(%dma_start3A_223 : memref<128xi32, #tpu.memory_space<vmem>>) semaphore(%arg19 : memref<!tpu.dma_semaphore, #tpu.memory_space<semaphore_mem>>) {add = true}
      %add3A_227 = arith.constant 4 : i32
      %add3A_228 = arith.addi %add3A_214, %add3A_227 : i32
      %lt3A = arith.cmpi slt, %add3A_228, %select_n3A : i32
      %convert_element_type3A = arith.extui %lt3A : i1 to i32
      %cond3A = arith.constant 0 : i32
      %cond3A_229 = arith.cmpi ne, %convert_element_type3A, %cond3A : i32
      scf.if %cond3A_229 {
        %dma_wait3A_290 = arith.constant 0 : i32
        %dma_wait3A_291 = tpu.memref_slice %arg8[%add3A_214, %dma_wait3A_290] : memref<112x128xi32, #tpu.memory_space<vmem>> -> memref<1x128xi32, #tpu.memory_space<vmem>>
        %dma_wait3A_292 = tpu.memref_squeeze %dma_wait3A_291 : memref<1x128xi32, #tpu.memory_space<vmem>> -> memref<128xi32, #tpu.memory_space<vmem>>
        %dma_wait3A_293 = arith.constant 0 : i32
        %dma_wait3A_294 = arith.constant 0 : i32
        %dma_wait3A_295 = tpu.memref_slice %arg14[%dma_wait3A_293, %dma_wait3A_294] : memref<10240x64xf32, #tpu.memory_space<vmem_shared>> -> memref<10240x64xf32, #tpu.memory_space<vmem_shared>>
        tpu.wait_indirect_dma semaphore(%arg19 : memref<!tpu.dma_semaphore, #tpu.memory_space<semaphore_mem>>) src(%arg9 : memref<128x64xf32, #tpu.memory_space<vmem>>) dst(%dma_wait3A_295 : memref<10240x64xf32, #tpu.memory_space<vmem_shared>>)
        %add3A_296 = arith.constant 4 : i32
        %add3A_297 = arith.addi %add3A_214, %add3A_296 : i32
        %dma_start3A_298 = arith.constant 0 : i32
        %dma_start3A_299 = tpu.memref_slice %arg7[%add3A_297, %dma_start3A_298] : memref<112x128xi32, #tpu.memory_space<vmem>> -> memref<1x128xi32, #tpu.memory_space<vmem>>
        %dma_start3A_300 = tpu.memref_squeeze %dma_start3A_299 : memref<1x128xi32, #tpu.memory_space<vmem>> -> memref<128xi32, #tpu.memory_space<vmem>>
        %dma_start3A_301 = arith.constant 0 : i32
        %dma_start3A_302 = arith.constant 0 : i32
        %dma_start3A_303 = tpu.memref_slice %arg4[%dma_start3A_301, %dma_start3A_302] : memref<10000x64xf32, #tpu.memory_space<hbm>> -> memref<10000x64xf32, #tpu.memory_space<hbm>>
        tpu.enqueue_indirect_dma source(%dma_start3A_303 : memref<10000x64xf32, #tpu.memory_space<hbm>>) target(%arg9 : memref<128x64xf32, #tpu.memory_space<vmem>>) offsets(%dma_start3A_300 : memref<128xi32, #tpu.memory_space<vmem>>) semaphore(%arg15 : memref<!tpu.dma_semaphore, #tpu.memory_space<semaphore_mem>>)
      } else {
      }
      %add3A_230 = arith.constant 1 : i32
      %add3A_231 = arith.addi %add3A_212, %add3A_230 : i32
      %dma_wait3A_232 = arith.constant 0 : i32
      %dma_wait3A_233 = tpu.memref_slice %arg7[%add3A_231, %dma_wait3A_232] : memref<112x128xi32, #tpu.memory_space<vmem>> -> memref<1x128xi32, #tpu.memory_space<vmem>>
      %dma_wait3A_234 = tpu.memref_squeeze %dma_wait3A_233 : memref<1x128xi32, #tpu.memory_space<vmem>> -> memref<128xi32, #tpu.memory_space<vmem>>
      %dma_wait3A_235 = arith.constant 0 : i32
      %dma_wait3A_236 = arith.constant 0 : i32
      %dma_wait3A_237 = tpu.memref_slice %arg4[%dma_wait3A_235, %dma_wait3A_236] : memref<10000x64xf32, #tpu.memory_space<hbm>> -> memref<10000x64xf32, #tpu.memory_space<hbm>>
      tpu.wait_indirect_dma semaphore(%arg16 : memref<!tpu.dma_semaphore, #tpu.memory_space<semaphore_mem>>) src(%dma_wait3A_237 : memref<10000x64xf32, #tpu.memory_space<hbm>>) dst(%arg10 : memref<128x64xf32, #tpu.memory_space<vmem>>)
      %dma_start3A_238 = arith.constant 0 : i32
      %dma_start3A_239 = tpu.memref_slice %arg8[%add3A_231, %dma_start3A_238] : memref<112x128xi32, #tpu.memory_space<vmem>> -> memref<1x128xi32, #tpu.memory_space<vmem>>
      %dma_start3A_240 = tpu.memref_squeeze %dma_start3A_239 : memref<1x128xi32, #tpu.memory_space<vmem>> -> memref<128xi32, #tpu.memory_space<vmem>>
      %dma_start3A_241 = arith.constant 0 : i32
      %dma_start3A_242 = arith.constant 0 : i32
      %dma_start3A_243 = tpu.memref_slice %arg14[%dma_start3A_241, %dma_start3A_242] : memref<10240x64xf32, #tpu.memory_space<vmem_shared>> -> memref<10240x64xf32, #tpu.memory_space<vmem_shared>>
      tpu.enqueue_indirect_dma source(%arg10 : memref<128x64xf32, #tpu.memory_space<vmem>>) target(%dma_start3A_243 : memref<10240x64xf32, #tpu.memory_space<vmem_shared>>) offsets(%dma_start3A_240 : memref<128xi32, #tpu.memory_space<vmem>>) semaphore(%arg20 : memref<!tpu.dma_semaphore, #tpu.memory_space<semaphore_mem>>) {add = true}
      %add3A_244 = arith.constant 4 : i32
      %add3A_245 = arith.addi %add3A_231, %add3A_244 : i32
      %lt3A_246 = arith.cmpi slt, %add3A_245, %select_n3A : i32
      %convert_element_type3A_247 = arith.extui %lt3A_246 : i1 to i32
      %cond3A_248 = arith.constant 0 : i32
      %cond3A_249 = arith.cmpi ne, %convert_element_type3A_247, %cond3A_248 : i32
      scf.if %cond3A_249 {
        %dma_wait3A_290 = arith.constant 0 : i32
        %dma_wait3A_291 = tpu.memref_slice %arg8[%add3A_231, %dma_wait3A_290] : memref<112x128xi32, #tpu.memory_space<vmem>> -> memref<1x128xi32, #tpu.memory_space<vmem>>
        %dma_wait3A_292 = tpu.memref_squeeze %dma_wait3A_291 : memref<1x128xi32, #tpu.memory_space<vmem>> -> memref<128xi32, #tpu.memory_space<vmem>>
        %dma_wait3A_293 = arith.constant 0 : i32
        %dma_wait3A_294 = arith.constant 0 : i32
        %dma_wait3A_295 = tpu.memref_slice %arg14[%dma_wait3A_293, %dma_wait3A_294] : memref<10240x64xf32, #tpu.memory_space<vmem_shared>> -> memref<10240x64xf32, #tpu.memory_space<vmem_shared>>
        tpu.wait_indirect_dma semaphore(%arg20 : memref<!tpu.dma_semaphore, #tpu.memory_space<semaphore_mem>>) src(%arg10 : memref<128x64xf32, #tpu.memory_space<vmem>>) dst(%dma_wait3A_295 : memref<10240x64xf32, #tpu.memory_space<vmem_shared>>)
        %add3A_296 = arith.constant 4 : i32
        %add3A_297 = arith.addi %add3A_231, %add3A_296 : i32
        %dma_start3A_298 = arith.constant 0 : i32
        %dma_start3A_299 = tpu.memref_slice %arg7[%add3A_297, %dma_start3A_298] : memref<112x128xi32, #tpu.memory_space<vmem>> -> memref<1x128xi32, #tpu.memory_space<vmem>>
        %dma_start3A_300 = tpu.memref_squeeze %dma_start3A_299 : memref<1x128xi32, #tpu.memory_space<vmem>> -> memref<128xi32, #tpu.memory_space<vmem>>
        %dma_start3A_301 = arith.constant 0 : i32
        %dma_start3A_302 = arith.constant 0 : i32
        %dma_start3A_303 = tpu.memref_slice %arg4[%dma_start3A_301, %dma_start3A_302] : memref<10000x64xf32, #tpu.memory_space<hbm>> -> memref<10000x64xf32, #tpu.memory_space<hbm>>
        tpu.enqueue_indirect_dma source(%dma_start3A_303 : memref<10000x64xf32, #tpu.memory_space<hbm>>) target(%arg10 : memref<128x64xf32, #tpu.memory_space<vmem>>) offsets(%dma_start3A_300 : memref<128xi32, #tpu.memory_space<vmem>>) semaphore(%arg16 : memref<!tpu.dma_semaphore, #tpu.memory_space<semaphore_mem>>)
      } else {
      }
      %add3A_250 = arith.constant 2 : i32
      %add3A_251 = arith.addi %add3A_212, %add3A_250 : i32
      %dma_wait3A_252 = arith.constant 0 : i32
      %dma_wait3A_253 = tpu.memref_slice %arg7[%add3A_251, %dma_wait3A_252] : memref<112x128xi32, #tpu.memory_space<vmem>> -> memref<1x128xi32, #tpu.memory_space<vmem>>
      %dma_wait3A_254 = tpu.memref_squeeze %dma_wait3A_253 : memref<1x128xi32, #tpu.memory_space<vmem>> -> memref<128xi32, #tpu.memory_space<vmem>>
      %dma_wait3A_255 = arith.constant 0 : i32
      %dma_wait3A_256 = arith.constant 0 : i32
      %dma_wait3A_257 = tpu.memref_slice %arg4[%dma_wait3A_255, %dma_wait3A_256] : memref<10000x64xf32, #tpu.memory_space<hbm>> -> memref<10000x64xf32, #tpu.memory_space<hbm>>
      tpu.wait_indirect_dma semaphore(%arg17 : memref<!tpu.dma_semaphore, #tpu.memory_space<semaphore_mem>>) src(%dma_wait3A_257 : memref<10000x64xf32, #tpu.memory_space<hbm>>) dst(%arg11 : memref<128x64xf32, #tpu.memory_space<vmem>>)
      %dma_start3A_258 = arith.constant 0 : i32
      %dma_start3A_259 = tpu.memref_slice %arg8[%add3A_251, %dma_start3A_258] : memref<112x128xi32, #tpu.memory_space<vmem>> -> memref<1x128xi32, #tpu.memory_space<vmem>>
      %dma_start3A_260 = tpu.memref_squeeze %dma_start3A_259 : memref<1x128xi32, #tpu.memory_space<vmem>> -> memref<128xi32, #tpu.memory_space<vmem>>
      %dma_start3A_261 = arith.constant 0 : i32
      %dma_start3A_262 = arith.constant 0 : i32
      %dma_start3A_263 = tpu.memref_slice %arg14[%dma_start3A_261, %dma_start3A_262] : memref<10240x64xf32, #tpu.memory_space<vmem_shared>> -> memref<10240x64xf32, #tpu.memory_space<vmem_shared>>
      tpu.enqueue_indirect_dma source(%arg11 : memref<128x64xf32, #tpu.memory_space<vmem>>) target(%dma_start3A_263 : memref<10240x64xf32, #tpu.memory_space<vmem_shared>>) offsets(%dma_start3A_260 : memref<128xi32, #tpu.memory_space<vmem>>) semaphore(%arg21 : memref<!tpu.dma_semaphore, #tpu.memory_space<semaphore_mem>>) {add = true}
      %add3A_264 = arith.constant 4 : i32
      %add3A_265 = arith.addi %add3A_251, %add3A_264 : i32
      %lt3A_266 = arith.cmpi slt, %add3A_265, %select_n3A : i32
      %convert_element_type3A_267 = arith.extui %lt3A_266 : i1 to i32
      %cond3A_268 = arith.constant 0 : i32
      %cond3A_269 = arith.cmpi ne, %convert_element_type3A_267, %cond3A_268 : i32
      scf.if %cond3A_269 {
        %dma_wait3A_290 = arith.constant 0 : i32
        %dma_wait3A_291 = tpu.memref_slice %arg8[%add3A_251, %dma_wait3A_290] : memref<112x128xi32, #tpu.memory_space<vmem>> -> memref<1x128xi32, #tpu.memory_space<vmem>>
        %dma_wait3A_292 = tpu.memref_squeeze %dma_wait3A_291 : memref<1x128xi32, #tpu.memory_space<vmem>> -> memref<128xi32, #tpu.memory_space<vmem>>
        %dma_wait3A_293 = arith.constant 0 : i32
        %dma_wait3A_294 = arith.constant 0 : i32
        %dma_wait3A_295 = tpu.memref_slice %arg14[%dma_wait3A_293, %dma_wait3A_294] : memref<10240x64xf32, #tpu.memory_space<vmem_shared>> -> memref<10240x64xf32, #tpu.memory_space<vmem_shared>>
        tpu.wait_indirect_dma semaphore(%arg21 : memref<!tpu.dma_semaphore, #tpu.memory_space<semaphore_mem>>) src(%arg11 : memref<128x64xf32, #tpu.memory_space<vmem>>) dst(%dma_wait3A_295 : memref<10240x64xf32, #tpu.memory_space<vmem_shared>>)
        %add3A_296 = arith.constant 4 : i32
        %add3A_297 = arith.addi %add3A_251, %add3A_296 : i32
        %dma_start3A_298 = arith.constant 0 : i32
        %dma_start3A_299 = tpu.memref_slice %arg7[%add3A_297, %dma_start3A_298] : memref<112x128xi32, #tpu.memory_space<vmem>> -> memref<1x128xi32, #tpu.memory_space<vmem>>
        %dma_start3A_300 = tpu.memref_squeeze %dma_start3A_299 : memref<1x128xi32, #tpu.memory_space<vmem>> -> memref<128xi32, #tpu.memory_space<vmem>>
        %dma_start3A_301 = arith.constant 0 : i32
        %dma_start3A_302 = arith.constant 0 : i32
        %dma_start3A_303 = tpu.memref_slice %arg4[%dma_start3A_301, %dma_start3A_302] : memref<10000x64xf32, #tpu.memory_space<hbm>> -> memref<10000x64xf32, #tpu.memory_space<hbm>>
        tpu.enqueue_indirect_dma source(%dma_start3A_303 : memref<10000x64xf32, #tpu.memory_space<hbm>>) target(%arg11 : memref<128x64xf32, #tpu.memory_space<vmem>>) offsets(%dma_start3A_300 : memref<128xi32, #tpu.memory_space<vmem>>) semaphore(%arg17 : memref<!tpu.dma_semaphore, #tpu.memory_space<semaphore_mem>>)
      } else {
      }
      %add3A_270 = arith.constant 3 : i32
      %add3A_271 = arith.addi %add3A_212, %add3A_270 : i32
      %dma_wait3A_272 = arith.constant 0 : i32
      %dma_wait3A_273 = tpu.memref_slice %arg7[%add3A_271, %dma_wait3A_272] : memref<112x128xi32, #tpu.memory_space<vmem>> -> memref<1x128xi32, #tpu.memory_space<vmem>>
      %dma_wait3A_274 = tpu.memref_squeeze %dma_wait3A_273 : memref<1x128xi32, #tpu.memory_space<vmem>> -> memref<128xi32, #tpu.memory_space<vmem>>
      %dma_wait3A_275 = arith.constant 0 : i32
      %dma_wait3A_276 = arith.constant 0 : i32
      %dma_wait3A_277 = tpu.memref_slice %arg4[%dma_wait3A_275, %dma_wait3A_276] : memref<10000x64xf32, #tpu.memory_space<hbm>> -> memref<10000x64xf32, #tpu.memory_space<hbm>>
      tpu.wait_indirect_dma semaphore(%arg18 : memref<!tpu.dma_semaphore, #tpu.memory_space<semaphore_mem>>) src(%dma_wait3A_277 : memref<10000x64xf32, #tpu.memory_space<hbm>>) dst(%arg12 : memref<128x64xf32, #tpu.memory_space<vmem>>)
      %dma_start3A_278 = arith.constant 0 : i32
      %dma_start3A_279 = tpu.memref_slice %arg8[%add3A_271, %dma_start3A_278] : memref<112x128xi32, #tpu.memory_space<vmem>> -> memref<1x128xi32, #tpu.memory_space<vmem>>
      %dma_start3A_280 = tpu.memref_squeeze %dma_start3A_279 : memref<1x128xi32, #tpu.memory_space<vmem>> -> memref<128xi32, #tpu.memory_space<vmem>>
      %dma_start3A_281 = arith.constant 0 : i32
      %dma_start3A_282 = arith.constant 0 : i32
      %dma_start3A_283 = tpu.memref_slice %arg14[%dma_start3A_281, %dma_start3A_282] : memref<10240x64xf32, #tpu.memory_space<vmem_shared>> -> memref<10240x64xf32, #tpu.memory_space<vmem_shared>>
      tpu.enqueue_indirect_dma source(%arg12 : memref<128x64xf32, #tpu.memory_space<vmem>>) target(%dma_start3A_283 : memref<10240x64xf32, #tpu.memory_space<vmem_shared>>) offsets(%dma_start3A_280 : memref<128xi32, #tpu.memory_space<vmem>>) semaphore(%arg22 : memref<!tpu.dma_semaphore, #tpu.memory_space<semaphore_mem>>) {add = true}
      %add3A_284 = arith.constant 4 : i32
      %add3A_285 = arith.addi %add3A_271, %add3A_284 : i32
      %lt3A_286 = arith.cmpi slt, %add3A_285, %select_n3A : i32
      %convert_element_type3A_287 = arith.extui %lt3A_286 : i1 to i32
      %cond3A_288 = arith.constant 0 : i32
      %cond3A_289 = arith.cmpi ne, %convert_element_type3A_287, %cond3A_288 : i32
      scf.if %cond3A_289 {
        %dma_wait3A_290 = arith.constant 0 : i32
        %dma_wait3A_291 = tpu.memref_slice %arg8[%add3A_271, %dma_wait3A_290] : memref<112x128xi32, #tpu.memory_space<vmem>> -> memref<1x128xi32, #tpu.memory_space<vmem>>
        %dma_wait3A_292 = tpu.memref_squeeze %dma_wait3A_291 : memref<1x128xi32, #tpu.memory_space<vmem>> -> memref<128xi32, #tpu.memory_space<vmem>>
        %dma_wait3A_293 = arith.constant 0 : i32
        %dma_wait3A_294 = arith.constant 0 : i32
        %dma_wait3A_295 = tpu.memref_slice %arg14[%dma_wait3A_293, %dma_wait3A_294] : memref<10240x64xf32, #tpu.memory_space<vmem_shared>> -> memref<10240x64xf32, #tpu.memory_space<vmem_shared>>
        tpu.wait_indirect_dma semaphore(%arg22 : memref<!tpu.dma_semaphore, #tpu.memory_space<semaphore_mem>>) src(%arg12 : memref<128x64xf32, #tpu.memory_space<vmem>>) dst(%dma_wait3A_295 : memref<10240x64xf32, #tpu.memory_space<vmem_shared>>)
        %add3A_296 = arith.constant 4 : i32
        %add3A_297 = arith.addi %add3A_271, %add3A_296 : i32
        %dma_start3A_298 = arith.constant 0 : i32
        %dma_start3A_299 = tpu.memref_slice %arg7[%add3A_297, %dma_start3A_298] : memref<112x128xi32, #tpu.memory_space<vmem>> -> memref<1x128xi32, #tpu.memory_space<vmem>>
        %dma_start3A_300 = tpu.memref_squeeze %dma_start3A_299 : memref<1x128xi32, #tpu.memory_space<vmem>> -> memref<128xi32, #tpu.memory_space<vmem>>
        %dma_start3A_301 = arith.constant 0 : i32
        %dma_start3A_302 = arith.constant 0 : i32
        %dma_start3A_303 = tpu.memref_slice %arg4[%dma_start3A_301, %dma_start3A_302] : memref<10000x64xf32, #tpu.memory_space<hbm>> -> memref<10000x64xf32, #tpu.memory_space<hbm>>
        tpu.enqueue_indirect_dma source(%dma_start3A_303 : memref<10000x64xf32, #tpu.memory_space<hbm>>) target(%arg12 : memref<128x64xf32, #tpu.memory_space<vmem>>) offsets(%dma_start3A_300 : memref<128xi32, #tpu.memory_space<vmem>>) semaphore(%arg18 : memref<!tpu.dma_semaphore, #tpu.memory_space<semaphore_mem>>)
      } else {
      }
    }
    %sub3A_62 = arith.constant 4 : i32
    %sub3A_63 = arith.subi %select_n3A, %sub3A_62 : i32
    %add3A_64 = arith.constant 0 : i32
    %add3A_65 = arith.addi %sub3A_63, %add3A_64 : i32
    %dma_wait3A = arith.constant 0 : i32
    %dma_wait3A_66 = tpu.memref_slice %arg8[%add3A_65, %dma_wait3A] : memref<112x128xi32, #tpu.memory_space<vmem>> -> memref<1x128xi32, #tpu.memory_space<vmem>>
    %dma_wait3A_67 = tpu.memref_squeeze %dma_wait3A_66 : memref<1x128xi32, #tpu.memory_space<vmem>> -> memref<128xi32, #tpu.memory_space<vmem>>
    %dma_wait3A_68 = arith.constant 0 : i32
    %dma_wait3A_69 = arith.constant 0 : i32
    %dma_wait3A_70 = tpu.memref_slice %arg14[%dma_wait3A_68, %dma_wait3A_69] : memref<10240x64xf32, #tpu.memory_space<vmem_shared>> -> memref<10240x64xf32, #tpu.memory_space<vmem_shared>>
    tpu.wait_indirect_dma semaphore(%arg19 : memref<!tpu.dma_semaphore, #tpu.memory_space<semaphore_mem>>) src(%arg9 : memref<128x64xf32, #tpu.memory_space<vmem>>) dst(%dma_wait3A_70 : memref<10240x64xf32, #tpu.memory_space<vmem_shared>>)
    %sub3A_71 = arith.constant 4 : i32
    %sub3A_72 = arith.subi %select_n3A, %sub3A_71 : i32
    %add3A_73 = arith.constant 1 : i32
    %add3A_74 = arith.addi %sub3A_72, %add3A_73 : i32
    %dma_wait3A_75 = arith.constant 0 : i32
    %dma_wait3A_76 = tpu.memref_slice %arg8[%add3A_74, %dma_wait3A_75] : memref<112x128xi32, #tpu.memory_space<vmem>> -> memref<1x128xi32, #tpu.memory_space<vmem>>
    %dma_wait3A_77 = tpu.memref_squeeze %dma_wait3A_76 : memref<1x128xi32, #tpu.memory_space<vmem>> -> memref<128xi32, #tpu.memory_space<vmem>>
    %dma_wait3A_78 = arith.constant 0 : i32
    %dma_wait3A_79 = arith.constant 0 : i32
    %dma_wait3A_80 = tpu.memref_slice %arg14[%dma_wait3A_78, %dma_wait3A_79] : memref<10240x64xf32, #tpu.memory_space<vmem_shared>> -> memref<10240x64xf32, #tpu.memory_space<vmem_shared>>
    tpu.wait_indirect_dma semaphore(%arg20 : memref<!tpu.dma_semaphore, #tpu.memory_space<semaphore_mem>>) src(%arg10 : memref<128x64xf32, #tpu.memory_space<vmem>>) dst(%dma_wait3A_80 : memref<10240x64xf32, #tpu.memory_space<vmem_shared>>)
    %sub3A_81 = arith.constant 4 : i32
    %sub3A_82 = arith.subi %select_n3A, %sub3A_81 : i32
    %add3A_83 = arith.constant 2 : i32
    %add3A_84 = arith.addi %sub3A_82, %add3A_83 : i32
    %dma_wait3A_85 = arith.constant 0 : i32
    %dma_wait3A_86 = tpu.memref_slice %arg8[%add3A_84, %dma_wait3A_85] : memref<112x128xi32, #tpu.memory_space<vmem>> -> memref<1x128xi32, #tpu.memory_space<vmem>>
    %dma_wait3A_87 = tpu.memref_squeeze %dma_wait3A_86 : memref<1x128xi32, #tpu.memory_space<vmem>> -> memref<128xi32, #tpu.memory_space<vmem>>
    %dma_wait3A_88 = arith.constant 0 : i32
    %dma_wait3A_89 = arith.constant 0 : i32
    %dma_wait3A_90 = tpu.memref_slice %arg14[%dma_wait3A_88, %dma_wait3A_89] : memref<10240x64xf32, #tpu.memory_space<vmem_shared>> -> memref<10240x64xf32, #tpu.memory_space<vmem_shared>>
    tpu.wait_indirect_dma semaphore(%arg21 : memref<!tpu.dma_semaphore, #tpu.memory_space<semaphore_mem>>) src(%arg11 : memref<128x64xf32, #tpu.memory_space<vmem>>) dst(%dma_wait3A_90 : memref<10240x64xf32, #tpu.memory_space<vmem_shared>>)
    %sub3A_91 = arith.constant 4 : i32
    %sub3A_92 = arith.subi %select_n3A, %sub3A_91 : i32
    %add3A_93 = arith.constant 3 : i32
    %add3A_94 = arith.addi %sub3A_92, %add3A_93 : i32
    %dma_wait3A_95 = arith.constant 0 : i32
    %dma_wait3A_96 = tpu.memref_slice %arg8[%add3A_94, %dma_wait3A_95] : memref<112x128xi32, #tpu.memory_space<vmem>> -> memref<1x128xi32, #tpu.memory_space<vmem>>
    %dma_wait3A_97 = tpu.memref_squeeze %dma_wait3A_96 : memref<1x128xi32, #tpu.memory_space<vmem>> -> memref<128xi32, #tpu.memory_space<vmem>>
    %dma_wait3A_98 = arith.constant 0 : i32
    %dma_wait3A_99 = arith.constant 0 : i32
    %dma_wait3A_100 = tpu.memref_slice %arg14[%dma_wait3A_98, %dma_wait3A_99] : memref<10240x64xf32, #tpu.memory_space<vmem_shared>> -> memref<10240x64xf32, #tpu.memory_space<vmem_shared>>
    tpu.wait_indirect_dma semaphore(%arg22 : memref<!tpu.dma_semaphore, #tpu.memory_space<semaphore_mem>>) src(%arg12 : memref<128x64xf32, #tpu.memory_space<vmem>>) dst(%dma_wait3A_100 : memref<10240x64xf32, #tpu.memory_space<vmem_shared>>)
    %barrier3A_101 = arith.constant 0 : index
    tpu.barrier barrier_id(%barrier3A_101)
    %mul3A_102 = arith.constant 640 : i32
    %mul3A_103 = arith.muli %arg1, %mul3A_102 : i32
    %mul3A_104 = arith.constant 640 : i32
    %mul3A_105 = arith.muli %arg1, %mul3A_104 : i32
    %run_scoped3A = arith.constant 0 : i32
    "tpu.region"() ({
      %run_scoped3A_210 = tpu.sem_alloc : memref<!tpu.dma_semaphore, #tpu.memory_space<semaphore_mem>>
      %dma_start3A_211 = arith.constant 0 : i32
      %dma_start3A_212 = tpu.memref_slice %arg6[%run_scoped3A, %arg0, %mul3A_105, %dma_start3A_211] : memref<2x2x10240x64xf32, #tpu.memory_space<hbm>> -> memref<1x1x640x64xf32, #tpu.memory_space<hbm>>
      %dma_start3A_213 = tpu.memref_squeeze %dma_start3A_212 : memref<1x1x640x64xf32, #tpu.memory_space<hbm>> -> memref<640x64xf32, #tpu.memory_space<hbm>>
      %dma_start3A_214 = arith.constant 0 : i32
      %dma_start3A_215 = tpu.memref_slice %arg14[%mul3A_103, %dma_start3A_214] : memref<10240x64xf32, #tpu.memory_space<vmem_shared>> -> memref<640x64xf32, #tpu.memory_space<vmem_shared>>
      tpu.enqueue_dma source(%dma_start3A_215 : memref<640x64xf32, #tpu.memory_space<vmem_shared>>) target(%dma_start3A_213 : memref<640x64xf32, #tpu.memory_space<hbm>>) target_semaphore(%run_scoped3A_210 : memref<!tpu.dma_semaphore, #tpu.memory_space<semaphore_mem>>)
      %dma_wait3A_216 = arith.constant 0 : i32
      %dma_wait3A_217 = tpu.memref_slice %arg6[%run_scoped3A, %arg0, %mul3A_105, %dma_wait3A_216] : memref<2x2x10240x64xf32, #tpu.memory_space<hbm>> -> memref<1x1x640x64xf32, #tpu.memory_space<hbm>>
      %dma_wait3A_218 = tpu.memref_squeeze %dma_wait3A_217 : memref<1x1x640x64xf32, #tpu.memory_space<hbm>> -> memref<640x64xf32, #tpu.memory_space<hbm>>
      %dma_wait3A_219 = arith.constant 0 : i32
      %dma_wait3A_220 = tpu.memref_slice %arg14[%mul3A_103, %dma_wait3A_219] : memref<10240x64xf32, #tpu.memory_space<vmem_shared>> -> memref<640x64xf32, #tpu.memory_space<vmem_shared>>
      tpu.wait_dma2 semaphore(%run_scoped3A_210 : memref<!tpu.dma_semaphore, #tpu.memory_space<semaphore_mem>>) src(%dma_wait3A_220 : memref<640x64xf32, #tpu.memory_space<vmem_shared>>) dst(%dma_wait3A_218 : memref<640x64xf32, #tpu.memory_space<hbm>>)
      tpu.yield
    }) : () -> ()
    %scan3A_106 = arith.constant 0 : i32
    %scan3A_107 = arith.constant 40 : i32
    %scan3A_108 = arith.addi %scan3A_106, %scan3A_107 : i32
    %scan3A_109 = arith.constant 1 : i32
    scf.for %scan3A_210 = %scan3A_106 to %scan3A_108 step %scan3A_109  : i32 {
      %mul3A_211 = arith.constant 16 : i32
      %mul3A_212 = arith.muli %scan3A_210, %mul3A_211 : i32
      %add3A_213 = arith.constant 0 : i32
      %add3A_214 = arith.addi %add3A_213, %mul3A_212 : i32
      %mul3A_215 = arith.constant 640 : i32
      %mul3A_216 = arith.muli %arg1, %mul3A_215 : i32
      %add3A_217 = arith.addi %mul3A_216, %add3A_214 : i32
      %dma_start3A_218 = arith.constant 0 : i32
      %dma_start3A_219 = tpu.memref_slice %arg14[%add3A_217, %dma_start3A_218] : memref<10240x64xf32, #tpu.memory_space<vmem_shared>> -> memref<16x64xf32, #tpu.memory_space<vmem_shared>>
      %dma_start3A_220 = arith.constant 0 : i32
      %dma_start3A_221 = tpu.memref_slice %arg14[%add3A_217, %dma_start3A_220] : memref<10240x64xf32, #tpu.memory_space<vmem_shared>> -> memref<16x64xf32, #tpu.memory_space<vmem_shared>>
      tpu.enqueue_dma source(%arg13 : memref<16x64xf32, #tpu.memory_space<vmem>>) target(%dma_start3A_221 : memref<16x64xf32, #tpu.memory_space<vmem_shared>>) target_semaphore(%arg15 : memref<!tpu.dma_semaphore, #tpu.memory_space<semaphore_mem>>)
    }
    %scan3A_110 = arith.constant 40 : i32
    %scan3A_111 = arith.constant 0 : i32
    %scan3A_112 = arith.constant 40 : i32
    %scan3A_113 = arith.addi %scan3A_111, %scan3A_112 : i32
    %scan3A_114 = arith.constant 1 : i32
    scf.for %scan3A_210 = %scan3A_111 to %scan3A_113 step %scan3A_114  : i32 {
      %mul3A_211 = arith.constant 16 : i32
      %mul3A_212 = arith.muli %scan3A_210, %mul3A_211 : i32
      %add3A_213 = arith.constant 0 : i32
      %add3A_214 = arith.addi %add3A_213, %mul3A_212 : i32
      %mul3A_215 = arith.constant 640 : i32
      %mul3A_216 = arith.muli %arg1, %mul3A_215 : i32
      %add3A_217 = arith.addi %mul3A_216, %add3A_214 : i32
      %dma_wait3A_218 = arith.constant 0 : i32
      %dma_wait3A_219 = tpu.memref_slice %arg14[%add3A_217, %dma_wait3A_218] : memref<10240x64xf32, #tpu.memory_space<vmem_shared>> -> memref<16x64xf32, #tpu.memory_space<vmem_shared>>
      %dma_wait3A_220 = arith.constant 0 : i32
      %dma_wait3A_221 = tpu.memref_slice %arg14[%add3A_217, %dma_wait3A_220] : memref<10240x64xf32, #tpu.memory_space<vmem_shared>> -> memref<16x64xf32, #tpu.memory_space<vmem_shared>>
      tpu.wait_dma2 semaphore(%arg15 : memref<!tpu.dma_semaphore, #tpu.memory_space<semaphore_mem>>) src(%arg13 : memref<16x64xf32, #tpu.memory_space<vmem>>) dst(%dma_wait3A_221 : memref<16x64xf32, #tpu.memory_space<vmem_shared>>)
    }
    %scan3A_115 = arith.constant 40 : i32
    %barrier3A_116 = arith.constant 0 : index
    tpu.barrier barrier_id(%barrier3A_116)
    %dma_start3A_117 = arith.constant 0 : i32
    %dma_start3A_118 = arith.constant 0 : i32
    %dma_start3A_119 = tpu.memref_slice %arg7[%dma_start3A_117, %dma_start3A_118] : memref<112x128xi32, #tpu.memory_space<vmem>> -> memref<1x128xi32, #tpu.memory_space<vmem>>
    %dma_start3A_120 = tpu.memref_squeeze %dma_start3A_119 : memref<1x128xi32, #tpu.memory_space<vmem>> -> memref<128xi32, #tpu.memory_space<vmem>>
    %dma_start3A_121 = arith.constant 0 : i32
    %dma_start3A_122 = arith.constant 0 : i32
    %dma_start3A_123 = tpu.memref_slice %arg5[%dma_start3A_121, %dma_start3A_122] : memref<10000x64xf32, #tpu.memory_space<hbm>> -> memref<10000x64xf32, #tpu.memory_space<hbm>>
    tpu.enqueue_indirect_dma source(%dma_start3A_123 : memref<10000x64xf32, #tpu.memory_space<hbm>>) target(%arg9 : memref<128x64xf32, #tpu.memory_space<vmem>>) offsets(%dma_start3A_120 : memref<128xi32, #tpu.memory_space<vmem>>) semaphore(%arg15 : memref<!tpu.dma_semaphore, #tpu.memory_space<semaphore_mem>>)
    %dma_start3A_124 = arith.constant 1 : i32
    %dma_start3A_125 = arith.constant 0 : i32
    %dma_start3A_126 = tpu.memref_slice %arg7[%dma_start3A_124, %dma_start3A_125] : memref<112x128xi32, #tpu.memory_space<vmem>> -> memref<1x128xi32, #tpu.memory_space<vmem>>
    %dma_start3A_127 = tpu.memref_squeeze %dma_start3A_126 : memref<1x128xi32, #tpu.memory_space<vmem>> -> memref<128xi32, #tpu.memory_space<vmem>>
    %dma_start3A_128 = arith.constant 0 : i32
    %dma_start3A_129 = arith.constant 0 : i32
    %dma_start3A_130 = tpu.memref_slice %arg5[%dma_start3A_128, %dma_start3A_129] : memref<10000x64xf32, #tpu.memory_space<hbm>> -> memref<10000x64xf32, #tpu.memory_space<hbm>>
    tpu.enqueue_indirect_dma source(%dma_start3A_130 : memref<10000x64xf32, #tpu.memory_space<hbm>>) target(%arg10 : memref<128x64xf32, #tpu.memory_space<vmem>>) offsets(%dma_start3A_127 : memref<128xi32, #tpu.memory_space<vmem>>) semaphore(%arg16 : memref<!tpu.dma_semaphore, #tpu.memory_space<semaphore_mem>>)
    %dma_start3A_131 = arith.constant 2 : i32
    %dma_start3A_132 = arith.constant 0 : i32
    %dma_start3A_133 = tpu.memref_slice %arg7[%dma_start3A_131, %dma_start3A_132] : memref<112x128xi32, #tpu.memory_space<vmem>> -> memref<1x128xi32, #tpu.memory_space<vmem>>
    %dma_start3A_134 = tpu.memref_squeeze %dma_start3A_133 : memref<1x128xi32, #tpu.memory_space<vmem>> -> memref<128xi32, #tpu.memory_space<vmem>>
    %dma_start3A_135 = arith.constant 0 : i32
    %dma_start3A_136 = arith.constant 0 : i32
    %dma_start3A_137 = tpu.memref_slice %arg5[%dma_start3A_135, %dma_start3A_136] : memref<10000x64xf32, #tpu.memory_space<hbm>> -> memref<10000x64xf32, #tpu.memory_space<hbm>>
    tpu.enqueue_indirect_dma source(%dma_start3A_137 : memref<10000x64xf32, #tpu.memory_space<hbm>>) target(%arg11 : memref<128x64xf32, #tpu.memory_space<vmem>>) offsets(%dma_start3A_134 : memref<128xi32, #tpu.memory_space<vmem>>) semaphore(%arg17 : memref<!tpu.dma_semaphore, #tpu.memory_space<semaphore_mem>>)
    %dma_start3A_138 = arith.constant 3 : i32
    %dma_start3A_139 = arith.constant 0 : i32
    %dma_start3A_140 = tpu.memref_slice %arg7[%dma_start3A_138, %dma_start3A_139] : memref<112x128xi32, #tpu.memory_space<vmem>> -> memref<1x128xi32, #tpu.memory_space<vmem>>
    %dma_start3A_141 = tpu.memref_squeeze %dma_start3A_140 : memref<1x128xi32, #tpu.memory_space<vmem>> -> memref<128xi32, #tpu.memory_space<vmem>>
    %dma_start3A_142 = arith.constant 0 : i32
    %dma_start3A_143 = arith.constant 0 : i32
    %dma_start3A_144 = tpu.memref_slice %arg5[%dma_start3A_142, %dma_start3A_143] : memref<10000x64xf32, #tpu.memory_space<hbm>> -> memref<10000x64xf32, #tpu.memory_space<hbm>>
    tpu.enqueue_indirect_dma source(%dma_start3A_144 : memref<10000x64xf32, #tpu.memory_space<hbm>>) target(%arg12 : memref<128x64xf32, #tpu.memory_space<vmem>>) offsets(%dma_start3A_141 : memref<128xi32, #tpu.memory_space<vmem>>) semaphore(%arg18 : memref<!tpu.dma_semaphore, #tpu.memory_space<semaphore_mem>>)
    %sub3A_145 = arith.constant 0 : i32
    %sub3A_146 = arith.subi %select_n3A, %sub3A_145 : i32
    %sub3A_147 = arith.constant 4 : i32
    %sub3A_148 = arith.constant 1 : i32
    %sub3A_149 = arith.subi %sub3A_147, %sub3A_148 : i32
    %add3A_150 = arith.addi %sub3A_146, %sub3A_149 : i32
    %div3A_151 = arith.constant 4 : i32
    %div3A_152 = arith.divsi %add3A_150, %div3A_151 : i32
    %while3A_153 = arith.constant 4 : i32
    %while3A_154 = arith.constant 0 : i32
    %while3A_155 = arith.constant 0 : i32
    %while3A_156 = arith.subi %div3A_152, %while3A_155 : i32
    %while3A_157 = arith.addi %while3A_155, %while3A_156 : i32
    %while3A_158 = arith.constant 1 : i32
    %while3A_159 = arith.divsi %while3A_156, %while3A_158 : i32
    %while3A_160 = arith.muli %while3A_159, %while3A_158 : i32
    %while3A_161 = arith.addi %while3A_155, %while3A_160 : i32
    %while3A_162 = arith.constant 1 : i32
    scf.for %while3A_210 = %while3A_155 to %while3A_161 step %while3A_162  : i32 {
      %mul3A_211 = arith.muli %while3A_210, %while3A_153 : i32
      %add3A_212 = arith.addi %while3A_154, %mul3A_211 : i32
      %add3A_213 = arith.constant 0 : i32
      %add3A_214 = arith.addi %add3A_212, %add3A_213 : i32
      %dma_wait3A_215 = arith.constant 0 : i32
      %dma_wait3A_216 = tpu.memref_slice %arg7[%add3A_214, %dma_wait3A_215] : memref<112x128xi32, #tpu.memory_space<vmem>> -> memref<1x128xi32, #tpu.memory_space<vmem>>
      %dma_wait3A_217 = tpu.memref_squeeze %dma_wait3A_216 : memref<1x128xi32, #tpu.memory_space<vmem>> -> memref<128xi32, #tpu.memory_space<vmem>>
      %dma_wait3A_218 = arith.constant 0 : i32
      %dma_wait3A_219 = arith.constant 0 : i32
      %dma_wait3A_220 = tpu.memref_slice %arg5[%dma_wait3A_218, %dma_wait3A_219] : memref<10000x64xf32, #tpu.memory_space<hbm>> -> memref<10000x64xf32, #tpu.memory_space<hbm>>
      tpu.wait_indirect_dma semaphore(%arg15 : memref<!tpu.dma_semaphore, #tpu.memory_space<semaphore_mem>>) src(%dma_wait3A_220 : memref<10000x64xf32, #tpu.memory_space<hbm>>) dst(%arg9 : memref<128x64xf32, #tpu.memory_space<vmem>>)
      %dma_start3A_221 = arith.constant 0 : i32
      %dma_start3A_222 = tpu.memref_slice %arg8[%add3A_214, %dma_start3A_221] : memref<112x128xi32, #tpu.memory_space<vmem>> -> memref<1x128xi32, #tpu.memory_space<vmem>>
      %dma_start3A_223 = tpu.memref_squeeze %dma_start3A_222 : memref<1x128xi32, #tpu.memory_space<vmem>> -> memref<128xi32, #tpu.memory_space<vmem>>
      %dma_start3A_224 = arith.constant 0 : i32
      %dma_start3A_225 = arith.constant 0 : i32
      %dma_start3A_226 = tpu.memref_slice %arg14[%dma_start3A_224, %dma_start3A_225] : memref<10240x64xf32, #tpu.memory_space<vmem_shared>> -> memref<10240x64xf32, #tpu.memory_space<vmem_shared>>
      tpu.enqueue_indirect_dma source(%arg9 : memref<128x64xf32, #tpu.memory_space<vmem>>) target(%dma_start3A_226 : memref<10240x64xf32, #tpu.memory_space<vmem_shared>>) offsets(%dma_start3A_223 : memref<128xi32, #tpu.memory_space<vmem>>) semaphore(%arg19 : memref<!tpu.dma_semaphore, #tpu.memory_space<semaphore_mem>>) {add = true}
      %add3A_227 = arith.constant 4 : i32
      %add3A_228 = arith.addi %add3A_214, %add3A_227 : i32
      %lt3A = arith.cmpi slt, %add3A_228, %select_n3A : i32
      %convert_element_type3A = arith.extui %lt3A : i1 to i32
      %cond3A = arith.constant 0 : i32
      %cond3A_229 = arith.cmpi ne, %convert_element_type3A, %cond3A : i32
      scf.if %cond3A_229 {
        %dma_wait3A_290 = arith.constant 0 : i32
        %dma_wait3A_291 = tpu.memref_slice %arg8[%add3A_214, %dma_wait3A_290] : memref<112x128xi32, #tpu.memory_space<vmem>> -> memref<1x128xi32, #tpu.memory_space<vmem>>
        %dma_wait3A_292 = tpu.memref_squeeze %dma_wait3A_291 : memref<1x128xi32, #tpu.memory_space<vmem>> -> memref<128xi32, #tpu.memory_space<vmem>>
        %dma_wait3A_293 = arith.constant 0 : i32
        %dma_wait3A_294 = arith.constant 0 : i32
        %dma_wait3A_295 = tpu.memref_slice %arg14[%dma_wait3A_293, %dma_wait3A_294] : memref<10240x64xf32, #tpu.memory_space<vmem_shared>> -> memref<10240x64xf32, #tpu.memory_space<vmem_shared>>
        tpu.wait_indirect_dma semaphore(%arg19 : memref<!tpu.dma_semaphore, #tpu.memory_space<semaphore_mem>>) src(%arg9 : memref<128x64xf32, #tpu.memory_space<vmem>>) dst(%dma_wait3A_295 : memref<10240x64xf32, #tpu.memory_space<vmem_shared>>)
        %add3A_296 = arith.constant 4 : i32
        %add3A_297 = arith.addi %add3A_214, %add3A_296 : i32
        %dma_start3A_298 = arith.constant 0 : i32
        %dma_start3A_299 = tpu.memref_slice %arg7[%add3A_297, %dma_start3A_298] : memref<112x128xi32, #tpu.memory_space<vmem>> -> memref<1x128xi32, #tpu.memory_space<vmem>>
        %dma_start3A_300 = tpu.memref_squeeze %dma_start3A_299 : memref<1x128xi32, #tpu.memory_space<vmem>> -> memref<128xi32, #tpu.memory_space<vmem>>
        %dma_start3A_301 = arith.constant 0 : i32
        %dma_start3A_302 = arith.constant 0 : i32
        %dma_start3A_303 = tpu.memref_slice %arg5[%dma_start3A_301, %dma_start3A_302] : memref<10000x64xf32, #tpu.memory_space<hbm>> -> memref<10000x64xf32, #tpu.memory_space<hbm>>
        tpu.enqueue_indirect_dma source(%dma_start3A_303 : memref<10000x64xf32, #tpu.memory_space<hbm>>) target(%arg9 : memref<128x64xf32, #tpu.memory_space<vmem>>) offsets(%dma_start3A_300 : memref<128xi32, #tpu.memory_space<vmem>>) semaphore(%arg15 : memref<!tpu.dma_semaphore, #tpu.memory_space<semaphore_mem>>)
      } else {
      }
      %add3A_230 = arith.constant 1 : i32
      %add3A_231 = arith.addi %add3A_212, %add3A_230 : i32
      %dma_wait3A_232 = arith.constant 0 : i32
      %dma_wait3A_233 = tpu.memref_slice %arg7[%add3A_231, %dma_wait3A_232] : memref<112x128xi32, #tpu.memory_space<vmem>> -> memref<1x128xi32, #tpu.memory_space<vmem>>
      %dma_wait3A_234 = tpu.memref_squeeze %dma_wait3A_233 : memref<1x128xi32, #tpu.memory_space<vmem>> -> memref<128xi32, #tpu.memory_space<vmem>>
      %dma_wait3A_235 = arith.constant 0 : i32
      %dma_wait3A_236 = arith.constant 0 : i32
      %dma_wait3A_237 = tpu.memref_slice %arg5[%dma_wait3A_235, %dma_wait3A_236] : memref<10000x64xf32, #tpu.memory_space<hbm>> -> memref<10000x64xf32, #tpu.memory_space<hbm>>
      tpu.wait_indirect_dma semaphore(%arg16 : memref<!tpu.dma_semaphore, #tpu.memory_space<semaphore_mem>>) src(%dma_wait3A_237 : memref<10000x64xf32, #tpu.memory_space<hbm>>) dst(%arg10 : memref<128x64xf32, #tpu.memory_space<vmem>>)
      %dma_start3A_238 = arith.constant 0 : i32
      %dma_start3A_239 = tpu.memref_slice %arg8[%add3A_231, %dma_start3A_238] : memref<112x128xi32, #tpu.memory_space<vmem>> -> memref<1x128xi32, #tpu.memory_space<vmem>>
      %dma_start3A_240 = tpu.memref_squeeze %dma_start3A_239 : memref<1x128xi32, #tpu.memory_space<vmem>> -> memref<128xi32, #tpu.memory_space<vmem>>
      %dma_start3A_241 = arith.constant 0 : i32
      %dma_start3A_242 = arith.constant 0 : i32
      %dma_start3A_243 = tpu.memref_slice %arg14[%dma_start3A_241, %dma_start3A_242] : memref<10240x64xf32, #tpu.memory_space<vmem_shared>> -> memref<10240x64xf32, #tpu.memory_space<vmem_shared>>
      tpu.enqueue_indirect_dma source(%arg10 : memref<128x64xf32, #tpu.memory_space<vmem>>) target(%dma_start3A_243 : memref<10240x64xf32, #tpu.memory_space<vmem_shared>>) offsets(%dma_start3A_240 : memref<128xi32, #tpu.memory_space<vmem>>) semaphore(%arg20 : memref<!tpu.dma_semaphore, #tpu.memory_space<semaphore_mem>>) {add = true}
      %add3A_244 = arith.constant 4 : i32
      %add3A_245 = arith.addi %add3A_231, %add3A_244 : i32
      %lt3A_246 = arith.cmpi slt, %add3A_245, %select_n3A : i32
      %convert_element_type3A_247 = arith.extui %lt3A_246 : i1 to i32
      %cond3A_248 = arith.constant 0 : i32
      %cond3A_249 = arith.cmpi ne, %convert_element_type3A_247, %cond3A_248 : i32
      scf.if %cond3A_249 {
        %dma_wait3A_290 = arith.constant 0 : i32
        %dma_wait3A_291 = tpu.memref_slice %arg8[%add3A_231, %dma_wait3A_290] : memref<112x128xi32, #tpu.memory_space<vmem>> -> memref<1x128xi32, #tpu.memory_space<vmem>>
        %dma_wait3A_292 = tpu.memref_squeeze %dma_wait3A_291 : memref<1x128xi32, #tpu.memory_space<vmem>> -> memref<128xi32, #tpu.memory_space<vmem>>
        %dma_wait3A_293 = arith.constant 0 : i32
        %dma_wait3A_294 = arith.constant 0 : i32
        %dma_wait3A_295 = tpu.memref_slice %arg14[%dma_wait3A_293, %dma_wait3A_294] : memref<10240x64xf32, #tpu.memory_space<vmem_shared>> -> memref<10240x64xf32, #tpu.memory_space<vmem_shared>>
        tpu.wait_indirect_dma semaphore(%arg20 : memref<!tpu.dma_semaphore, #tpu.memory_space<semaphore_mem>>) src(%arg10 : memref<128x64xf32, #tpu.memory_space<vmem>>) dst(%dma_wait3A_295 : memref<10240x64xf32, #tpu.memory_space<vmem_shared>>)
        %add3A_296 = arith.constant 4 : i32
        %add3A_297 = arith.addi %add3A_231, %add3A_296 : i32
        %dma_start3A_298 = arith.constant 0 : i32
        %dma_start3A_299 = tpu.memref_slice %arg7[%add3A_297, %dma_start3A_298] : memref<112x128xi32, #tpu.memory_space<vmem>> -> memref<1x128xi32, #tpu.memory_space<vmem>>
        %dma_start3A_300 = tpu.memref_squeeze %dma_start3A_299 : memref<1x128xi32, #tpu.memory_space<vmem>> -> memref<128xi32, #tpu.memory_space<vmem>>
        %dma_start3A_301 = arith.constant 0 : i32
        %dma_start3A_302 = arith.constant 0 : i32
        %dma_start3A_303 = tpu.memref_slice %arg5[%dma_start3A_301, %dma_start3A_302] : memref<10000x64xf32, #tpu.memory_space<hbm>> -> memref<10000x64xf32, #tpu.memory_space<hbm>>
        tpu.enqueue_indirect_dma source(%dma_start3A_303 : memref<10000x64xf32, #tpu.memory_space<hbm>>) target(%arg10 : memref<128x64xf32, #tpu.memory_space<vmem>>) offsets(%dma_start3A_300 : memref<128xi32, #tpu.memory_space<vmem>>) semaphore(%arg16 : memref<!tpu.dma_semaphore, #tpu.memory_space<semaphore_mem>>)
      } else {
      }
      %add3A_250 = arith.constant 2 : i32
      %add3A_251 = arith.addi %add3A_212, %add3A_250 : i32
      %dma_wait3A_252 = arith.constant 0 : i32
      %dma_wait3A_253 = tpu.memref_slice %arg7[%add3A_251, %dma_wait3A_252] : memref<112x128xi32, #tpu.memory_space<vmem>> -> memref<1x128xi32, #tpu.memory_space<vmem>>
      %dma_wait3A_254 = tpu.memref_squeeze %dma_wait3A_253 : memref<1x128xi32, #tpu.memory_space<vmem>> -> memref<128xi32, #tpu.memory_space<vmem>>
      %dma_wait3A_255 = arith.constant 0 : i32
      %dma_wait3A_256 = arith.constant 0 : i32
      %dma_wait3A_257 = tpu.memref_slice %arg5[%dma_wait3A_255, %dma_wait3A_256] : memref<10000x64xf32, #tpu.memory_space<hbm>> -> memref<10000x64xf32, #tpu.memory_space<hbm>>
      tpu.wait_indirect_dma semaphore(%arg17 : memref<!tpu.dma_semaphore, #tpu.memory_space<semaphore_mem>>) src(%dma_wait3A_257 : memref<10000x64xf32, #tpu.memory_space<hbm>>) dst(%arg11 : memref<128x64xf32, #tpu.memory_space<vmem>>)
      %dma_start3A_258 = arith.constant 0 : i32
      %dma_start3A_259 = tpu.memref_slice %arg8[%add3A_251, %dma_start3A_258] : memref<112x128xi32, #tpu.memory_space<vmem>> -> memref<1x128xi32, #tpu.memory_space<vmem>>
      %dma_start3A_260 = tpu.memref_squeeze %dma_start3A_259 : memref<1x128xi32, #tpu.memory_space<vmem>> -> memref<128xi32, #tpu.memory_space<vmem>>
      %dma_start3A_261 = arith.constant 0 : i32
      %dma_start3A_262 = arith.constant 0 : i32
      %dma_start3A_263 = tpu.memref_slice %arg14[%dma_start3A_261, %dma_start3A_262] : memref<10240x64xf32, #tpu.memory_space<vmem_shared>> -> memref<10240x64xf32, #tpu.memory_space<vmem_shared>>
      tpu.enqueue_indirect_dma source(%arg11 : memref<128x64xf32, #tpu.memory_space<vmem>>) target(%dma_start3A_263 : memref<10240x64xf32, #tpu.memory_space<vmem_shared>>) offsets(%dma_start3A_260 : memref<128xi32, #tpu.memory_space<vmem>>) semaphore(%arg21 : memref<!tpu.dma_semaphore, #tpu.memory_space<semaphore_mem>>) {add = true}
      %add3A_264 = arith.constant 4 : i32
      %add3A_265 = arith.addi %add3A_251, %add3A_264 : i32
      %lt3A_266 = arith.cmpi slt, %add3A_265, %select_n3A : i32
      %convert_element_type3A_267 = arith.extui %lt3A_266 : i1 to i32
      %cond3A_268 = arith.constant 0 : i32
      %cond3A_269 = arith.cmpi ne, %convert_element_type3A_267, %cond3A_268 : i32
      scf.if %cond3A_269 {
        %dma_wait3A_290 = arith.constant 0 : i32
        %dma_wait3A_291 = tpu.memref_slice %arg8[%add3A_251, %dma_wait3A_290] : memref<112x128xi32, #tpu.memory_space<vmem>> -> memref<1x128xi32, #tpu.memory_space<vmem>>
        %dma_wait3A_292 = tpu.memref_squeeze %dma_wait3A_291 : memref<1x128xi32, #tpu.memory_space<vmem>> -> memref<128xi32, #tpu.memory_space<vmem>>
        %dma_wait3A_293 = arith.constant 0 : i32
        %dma_wait3A_294 = arith.constant 0 : i32
        %dma_wait3A_295 = tpu.memref_slice %arg14[%dma_wait3A_293, %dma_wait3A_294] : memref<10240x64xf32, #tpu.memory_space<vmem_shared>> -> memref<10240x64xf32, #tpu.memory_space<vmem_shared>>
        tpu.wait_indirect_dma semaphore(%arg21 : memref<!tpu.dma_semaphore, #tpu.memory_space<semaphore_mem>>) src(%arg11 : memref<128x64xf32, #tpu.memory_space<vmem>>) dst(%dma_wait3A_295 : memref<10240x64xf32, #tpu.memory_space<vmem_shared>>)
        %add3A_296 = arith.constant 4 : i32
        %add3A_297 = arith.addi %add3A_251, %add3A_296 : i32
        %dma_start3A_298 = arith.constant 0 : i32
        %dma_start3A_299 = tpu.memref_slice %arg7[%add3A_297, %dma_start3A_298] : memref<112x128xi32, #tpu.memory_space<vmem>> -> memref<1x128xi32, #tpu.memory_space<vmem>>
        %dma_start3A_300 = tpu.memref_squeeze %dma_start3A_299 : memref<1x128xi32, #tpu.memory_space<vmem>> -> memref<128xi32, #tpu.memory_space<vmem>>
        %dma_start3A_301 = arith.constant 0 : i32
        %dma_start3A_302 = arith.constant 0 : i32
        %dma_start3A_303 = tpu.memref_slice %arg5[%dma_start3A_301, %dma_start3A_302] : memref<10000x64xf32, #tpu.memory_space<hbm>> -> memref<10000x64xf32, #tpu.memory_space<hbm>>
        tpu.enqueue_indirect_dma source(%dma_start3A_303 : memref<10000x64xf32, #tpu.memory_space<hbm>>) target(%arg11 : memref<128x64xf32, #tpu.memory_space<vmem>>) offsets(%dma_start3A_300 : memref<128xi32, #tpu.memory_space<vmem>>) semaphore(%arg17 : memref<!tpu.dma_semaphore, #tpu.memory_space<semaphore_mem>>)
      } else {
      }
      %add3A_270 = arith.constant 3 : i32
      %add3A_271 = arith.addi %add3A_212, %add3A_270 : i32
      %dma_wait3A_272 = arith.constant 0 : i32
      %dma_wait3A_273 = tpu.memref_slice %arg7[%add3A_271, %dma_wait3A_272] : memref<112x128xi32, #tpu.memory_space<vmem>> -> memref<1x128xi32, #tpu.memory_space<vmem>>
      %dma_wait3A_274 = tpu.memref_squeeze %dma_wait3A_273 : memref<1x128xi32, #tpu.memory_space<vmem>> -> memref<128xi32, #tpu.memory_space<vmem>>
      %dma_wait3A_275 = arith.constant 0 : i32
      %dma_wait3A_276 = arith.constant 0 : i32
      %dma_wait3A_277 = tpu.memref_slice %arg5[%dma_wait3A_275, %dma_wait3A_276] : memref<10000x64xf32, #tpu.memory_space<hbm>> -> memref<10000x64xf32, #tpu.memory_space<hbm>>
      tpu.wait_indirect_dma semaphore(%arg18 : memref<!tpu.dma_semaphore, #tpu.memory_space<semaphore_mem>>) src(%dma_wait3A_277 : memref<10000x64xf32, #tpu.memory_space<hbm>>) dst(%arg12 : memref<128x64xf32, #tpu.memory_space<vmem>>)
      %dma_start3A_278 = arith.constant 0 : i32
      %dma_start3A_279 = tpu.memref_slice %arg8[%add3A_271, %dma_start3A_278] : memref<112x128xi32, #tpu.memory_space<vmem>> -> memref<1x128xi32, #tpu.memory_space<vmem>>
      %dma_start3A_280 = tpu.memref_squeeze %dma_start3A_279 : memref<1x128xi32, #tpu.memory_space<vmem>> -> memref<128xi32, #tpu.memory_space<vmem>>
      %dma_start3A_281 = arith.constant 0 : i32
      %dma_start3A_282 = arith.constant 0 : i32
      %dma_start3A_283 = tpu.memref_slice %arg14[%dma_start3A_281, %dma_start3A_282] : memref<10240x64xf32, #tpu.memory_space<vmem_shared>> -> memref<10240x64xf32, #tpu.memory_space<vmem_shared>>
      tpu.enqueue_indirect_dma source(%arg12 : memref<128x64xf32, #tpu.memory_space<vmem>>) target(%dma_start3A_283 : memref<10240x64xf32, #tpu.memory_space<vmem_shared>>) offsets(%dma_start3A_280 : memref<128xi32, #tpu.memory_space<vmem>>) semaphore(%arg22 : memref<!tpu.dma_semaphore, #tpu.memory_space<semaphore_mem>>) {add = true}
      %add3A_284 = arith.constant 4 : i32
      %add3A_285 = arith.addi %add3A_271, %add3A_284 : i32
      %lt3A_286 = arith.cmpi slt, %add3A_285, %select_n3A : i32
      %convert_element_type3A_287 = arith.extui %lt3A_286 : i1 to i32
      %cond3A_288 = arith.constant 0 : i32
      %cond3A_289 = arith.cmpi ne, %convert_element_type3A_287, %cond3A_288 : i32
      scf.if %cond3A_289 {
        %dma_wait3A_290 = arith.constant 0 : i32
        %dma_wait3A_291 = tpu.memref_slice %arg8[%add3A_271, %dma_wait3A_290] : memref<112x128xi32, #tpu.memory_space<vmem>> -> memref<1x128xi32, #tpu.memory_space<vmem>>
        %dma_wait3A_292 = tpu.memref_squeeze %dma_wait3A_291 : memref<1x128xi32, #tpu.memory_space<vmem>> -> memref<128xi32, #tpu.memory_space<vmem>>
        %dma_wait3A_293 = arith.constant 0 : i32
        %dma_wait3A_294 = arith.constant 0 : i32
        %dma_wait3A_295 = tpu.memref_slice %arg14[%dma_wait3A_293, %dma_wait3A_294] : memref<10240x64xf32, #tpu.memory_space<vmem_shared>> -> memref<10240x64xf32, #tpu.memory_space<vmem_shared>>
        tpu.wait_indirect_dma semaphore(%arg22 : memref<!tpu.dma_semaphore, #tpu.memory_space<semaphore_mem>>) src(%arg12 : memref<128x64xf32, #tpu.memory_space<vmem>>) dst(%dma_wait3A_295 : memref<10240x64xf32, #tpu.memory_space<vmem_shared>>)
        %add3A_296 = arith.constant 4 : i32
        %add3A_297 = arith.addi %add3A_271, %add3A_296 : i32
        %dma_start3A_298 = arith.constant 0 : i32
        %dma_start3A_299 = tpu.memref_slice %arg7[%add3A_297, %dma_start3A_298] : memref<112x128xi32, #tpu.memory_space<vmem>> -> memref<1x128xi32, #tpu.memory_space<vmem>>
        %dma_start3A_300 = tpu.memref_squeeze %dma_start3A_299 : memref<1x128xi32, #tpu.memory_space<vmem>> -> memref<128xi32, #tpu.memory_space<vmem>>
        %dma_start3A_301 = arith.constant 0 : i32
        %dma_start3A_302 = arith.constant 0 : i32
        %dma_start3A_303 = tpu.memref_slice %arg5[%dma_start3A_301, %dma_start3A_302] : memref<10000x64xf32, #tpu.memory_space<hbm>> -> memref<10000x64xf32, #tpu.memory_space<hbm>>
        tpu.enqueue_indirect_dma source(%dma_start3A_303 : memref<10000x64xf32, #tpu.memory_space<hbm>>) target(%arg12 : memref<128x64xf32, #tpu.memory_space<vmem>>) offsets(%dma_start3A_300 : memref<128xi32, #tpu.memory_space<vmem>>) semaphore(%arg18 : memref<!tpu.dma_semaphore, #tpu.memory_space<semaphore_mem>>)
      } else {
      }
    }
    %while3A_163 = arith.constant 1 : i32
    scf.for %while3A_210 = %while3A_161 to %while3A_157 step %while3A_163  : i32 {
      %mul3A_211 = arith.muli %while3A_210, %while3A_153 : i32
      %add3A_212 = arith.addi %while3A_154, %mul3A_211 : i32
      %add3A_213 = arith.constant 0 : i32
      %add3A_214 = arith.addi %add3A_212, %add3A_213 : i32
      %dma_wait3A_215 = arith.constant 0 : i32
      %dma_wait3A_216 = tpu.memref_slice %arg7[%add3A_214, %dma_wait3A_215] : memref<112x128xi32, #tpu.memory_space<vmem>> -> memref<1x128xi32, #tpu.memory_space<vmem>>
      %dma_wait3A_217 = tpu.memref_squeeze %dma_wait3A_216 : memref<1x128xi32, #tpu.memory_space<vmem>> -> memref<128xi32, #tpu.memory_space<vmem>>
      %dma_wait3A_218 = arith.constant 0 : i32
      %dma_wait3A_219 = arith.constant 0 : i32
      %dma_wait3A_220 = tpu.memref_slice %arg5[%dma_wait3A_218, %dma_wait3A_219] : memref<10000x64xf32, #tpu.memory_space<hbm>> -> memref<10000x64xf32, #tpu.memory_space<hbm>>
      tpu.wait_indirect_dma semaphore(%arg15 : memref<!tpu.dma_semaphore, #tpu.memory_space<semaphore_mem>>) src(%dma_wait3A_220 : memref<10000x64xf32, #tpu.memory_space<hbm>>) dst(%arg9 : memref<128x64xf32, #tpu.memory_space<vmem>>)
      %dma_start3A_221 = arith.constant 0 : i32
      %dma_start3A_222 = tpu.memref_slice %arg8[%add3A_214, %dma_start3A_221] : memref<112x128xi32, #tpu.memory_space<vmem>> -> memref<1x128xi32, #tpu.memory_space<vmem>>
      %dma_start3A_223 = tpu.memref_squeeze %dma_start3A_222 : memref<1x128xi32, #tpu.memory_space<vmem>> -> memref<128xi32, #tpu.memory_space<vmem>>
      %dma_start3A_224 = arith.constant 0 : i32
      %dma_start3A_225 = arith.constant 0 : i32
      %dma_start3A_226 = tpu.memref_slice %arg14[%dma_start3A_224, %dma_start3A_225] : memref<10240x64xf32, #tpu.memory_space<vmem_shared>> -> memref<10240x64xf32, #tpu.memory_space<vmem_shared>>
      tpu.enqueue_indirect_dma source(%arg9 : memref<128x64xf32, #tpu.memory_space<vmem>>) target(%dma_start3A_226 : memref<10240x64xf32, #tpu.memory_space<vmem_shared>>) offsets(%dma_start3A_223 : memref<128xi32, #tpu.memory_space<vmem>>) semaphore(%arg19 : memref<!tpu.dma_semaphore, #tpu.memory_space<semaphore_mem>>) {add = true}
      %add3A_227 = arith.constant 4 : i32
      %add3A_228 = arith.addi %add3A_214, %add3A_227 : i32
      %lt3A = arith.cmpi slt, %add3A_228, %select_n3A : i32
      %convert_element_type3A = arith.extui %lt3A : i1 to i32
      %cond3A = arith.constant 0 : i32
      %cond3A_229 = arith.cmpi ne, %convert_element_type3A, %cond3A : i32
      scf.if %cond3A_229 {
        %dma_wait3A_290 = arith.constant 0 : i32
        %dma_wait3A_291 = tpu.memref_slice %arg8[%add3A_214, %dma_wait3A_290] : memref<112x128xi32, #tpu.memory_space<vmem>> -> memref<1x128xi32, #tpu.memory_space<vmem>>
        %dma_wait3A_292 = tpu.memref_squeeze %dma_wait3A_291 : memref<1x128xi32, #tpu.memory_space<vmem>> -> memref<128xi32, #tpu.memory_space<vmem>>
        %dma_wait3A_293 = arith.constant 0 : i32
        %dma_wait3A_294 = arith.constant 0 : i32
        %dma_wait3A_295 = tpu.memref_slice %arg14[%dma_wait3A_293, %dma_wait3A_294] : memref<10240x64xf32, #tpu.memory_space<vmem_shared>> -> memref<10240x64xf32, #tpu.memory_space<vmem_shared>>
        tpu.wait_indirect_dma semaphore(%arg19 : memref<!tpu.dma_semaphore, #tpu.memory_space<semaphore_mem>>) src(%arg9 : memref<128x64xf32, #tpu.memory_space<vmem>>) dst(%dma_wait3A_295 : memref<10240x64xf32, #tpu.memory_space<vmem_shared>>)
        %add3A_296 = arith.constant 4 : i32
        %add3A_297 = arith.addi %add3A_214, %add3A_296 : i32
        %dma_start3A_298 = arith.constant 0 : i32
        %dma_start3A_299 = tpu.memref_slice %arg7[%add3A_297, %dma_start3A_298] : memref<112x128xi32, #tpu.memory_space<vmem>> -> memref<1x128xi32, #tpu.memory_space<vmem>>
        %dma_start3A_300 = tpu.memref_squeeze %dma_start3A_299 : memref<1x128xi32, #tpu.memory_space<vmem>> -> memref<128xi32, #tpu.memory_space<vmem>>
        %dma_start3A_301 = arith.constant 0 : i32
        %dma_start3A_302 = arith.constant 0 : i32
        %dma_start3A_303 = tpu.memref_slice %arg5[%dma_start3A_301, %dma_start3A_302] : memref<10000x64xf32, #tpu.memory_space<hbm>> -> memref<10000x64xf32, #tpu.memory_space<hbm>>
        tpu.enqueue_indirect_dma source(%dma_start3A_303 : memref<10000x64xf32, #tpu.memory_space<hbm>>) target(%arg9 : memref<128x64xf32, #tpu.memory_space<vmem>>) offsets(%dma_start3A_300 : memref<128xi32, #tpu.memory_space<vmem>>) semaphore(%arg15 : memref<!tpu.dma_semaphore, #tpu.memory_space<semaphore_mem>>)
      } else {
      }
      %add3A_230 = arith.constant 1 : i32
      %add3A_231 = arith.addi %add3A_212, %add3A_230 : i32
      %dma_wait3A_232 = arith.constant 0 : i32
      %dma_wait3A_233 = tpu.memref_slice %arg7[%add3A_231, %dma_wait3A_232] : memref<112x128xi32, #tpu.memory_space<vmem>> -> memref<1x128xi32, #tpu.memory_space<vmem>>
      %dma_wait3A_234 = tpu.memref_squeeze %dma_wait3A_233 : memref<1x128xi32, #tpu.memory_space<vmem>> -> memref<128xi32, #tpu.memory_space<vmem>>
      %dma_wait3A_235 = arith.constant 0 : i32
      %dma_wait3A_236 = arith.constant 0 : i32
      %dma_wait3A_237 = tpu.memref_slice %arg5[%dma_wait3A_235, %dma_wait3A_236] : memref<10000x64xf32, #tpu.memory_space<hbm>> -> memref<10000x64xf32, #tpu.memory_space<hbm>>
      tpu.wait_indirect_dma semaphore(%arg16 : memref<!tpu.dma_semaphore, #tpu.memory_space<semaphore_mem>>) src(%dma_wait3A_237 : memref<10000x64xf32, #tpu.memory_space<hbm>>) dst(%arg10 : memref<128x64xf32, #tpu.memory_space<vmem>>)
      %dma_start3A_238 = arith.constant 0 : i32
      %dma_start3A_239 = tpu.memref_slice %arg8[%add3A_231, %dma_start3A_238] : memref<112x128xi32, #tpu.memory_space<vmem>> -> memref<1x128xi32, #tpu.memory_space<vmem>>
      %dma_start3A_240 = tpu.memref_squeeze %dma_start3A_239 : memref<1x128xi32, #tpu.memory_space<vmem>> -> memref<128xi32, #tpu.memory_space<vmem>>
      %dma_start3A_241 = arith.constant 0 : i32
      %dma_start3A_242 = arith.constant 0 : i32
      %dma_start3A_243 = tpu.memref_slice %arg14[%dma_start3A_241, %dma_start3A_242] : memref<10240x64xf32, #tpu.memory_space<vmem_shared>> -> memref<10240x64xf32, #tpu.memory_space<vmem_shared>>
      tpu.enqueue_indirect_dma source(%arg10 : memref<128x64xf32, #tpu.memory_space<vmem>>) target(%dma_start3A_243 : memref<10240x64xf32, #tpu.memory_space<vmem_shared>>) offsets(%dma_start3A_240 : memref<128xi32, #tpu.memory_space<vmem>>) semaphore(%arg20 : memref<!tpu.dma_semaphore, #tpu.memory_space<semaphore_mem>>) {add = true}
      %add3A_244 = arith.constant 4 : i32
      %add3A_245 = arith.addi %add3A_231, %add3A_244 : i32
      %lt3A_246 = arith.cmpi slt, %add3A_245, %select_n3A : i32
      %convert_element_type3A_247 = arith.extui %lt3A_246 : i1 to i32
      %cond3A_248 = arith.constant 0 : i32
      %cond3A_249 = arith.cmpi ne, %convert_element_type3A_247, %cond3A_248 : i32
      scf.if %cond3A_249 {
        %dma_wait3A_290 = arith.constant 0 : i32
        %dma_wait3A_291 = tpu.memref_slice %arg8[%add3A_231, %dma_wait3A_290] : memref<112x128xi32, #tpu.memory_space<vmem>> -> memref<1x128xi32, #tpu.memory_space<vmem>>
        %dma_wait3A_292 = tpu.memref_squeeze %dma_wait3A_291 : memref<1x128xi32, #tpu.memory_space<vmem>> -> memref<128xi32, #tpu.memory_space<vmem>>
        %dma_wait3A_293 = arith.constant 0 : i32
        %dma_wait3A_294 = arith.constant 0 : i32
        %dma_wait3A_295 = tpu.memref_slice %arg14[%dma_wait3A_293, %dma_wait3A_294] : memref<10240x64xf32, #tpu.memory_space<vmem_shared>> -> memref<10240x64xf32, #tpu.memory_space<vmem_shared>>
        tpu.wait_indirect_dma semaphore(%arg20 : memref<!tpu.dma_semaphore, #tpu.memory_space<semaphore_mem>>) src(%arg10 : memref<128x64xf32, #tpu.memory_space<vmem>>) dst(%dma_wait3A_295 : memref<10240x64xf32, #tpu.memory_space<vmem_shared>>)
        %add3A_296 = arith.constant 4 : i32
        %add3A_297 = arith.addi %add3A_231, %add3A_296 : i32
        %dma_start3A_298 = arith.constant 0 : i32
        %dma_start3A_299 = tpu.memref_slice %arg7[%add3A_297, %dma_start3A_298] : memref<112x128xi32, #tpu.memory_space<vmem>> -> memref<1x128xi32, #tpu.memory_space<vmem>>
        %dma_start3A_300 = tpu.memref_squeeze %dma_start3A_299 : memref<1x128xi32, #tpu.memory_space<vmem>> -> memref<128xi32, #tpu.memory_space<vmem>>
        %dma_start3A_301 = arith.constant 0 : i32
        %dma_start3A_302 = arith.constant 0 : i32
        %dma_start3A_303 = tpu.memref_slice %arg5[%dma_start3A_301, %dma_start3A_302] : memref<10000x64xf32, #tpu.memory_space<hbm>> -> memref<10000x64xf32, #tpu.memory_space<hbm>>
        tpu.enqueue_indirect_dma source(%dma_start3A_303 : memref<10000x64xf32, #tpu.memory_space<hbm>>) target(%arg10 : memref<128x64xf32, #tpu.memory_space<vmem>>) offsets(%dma_start3A_300 : memref<128xi32, #tpu.memory_space<vmem>>) semaphore(%arg16 : memref<!tpu.dma_semaphore, #tpu.memory_space<semaphore_mem>>)
      } else {
      }
      %add3A_250 = arith.constant 2 : i32
      %add3A_251 = arith.addi %add3A_212, %add3A_250 : i32
      %dma_wait3A_252 = arith.constant 0 : i32
      %dma_wait3A_253 = tpu.memref_slice %arg7[%add3A_251, %dma_wait3A_252] : memref<112x128xi32, #tpu.memory_space<vmem>> -> memref<1x128xi32, #tpu.memory_space<vmem>>
      %dma_wait3A_254 = tpu.memref_squeeze %dma_wait3A_253 : memref<1x128xi32, #tpu.memory_space<vmem>> -> memref<128xi32, #tpu.memory_space<vmem>>
      %dma_wait3A_255 = arith.constant 0 : i32
      %dma_wait3A_256 = arith.constant 0 : i32
      %dma_wait3A_257 = tpu.memref_slice %arg5[%dma_wait3A_255, %dma_wait3A_256] : memref<10000x64xf32, #tpu.memory_space<hbm>> -> memref<10000x64xf32, #tpu.memory_space<hbm>>
      tpu.wait_indirect_dma semaphore(%arg17 : memref<!tpu.dma_semaphore, #tpu.memory_space<semaphore_mem>>) src(%dma_wait3A_257 : memref<10000x64xf32, #tpu.memory_space<hbm>>) dst(%arg11 : memref<128x64xf32, #tpu.memory_space<vmem>>)
      %dma_start3A_258 = arith.constant 0 : i32
      %dma_start3A_259 = tpu.memref_slice %arg8[%add3A_251, %dma_start3A_258] : memref<112x128xi32, #tpu.memory_space<vmem>> -> memref<1x128xi32, #tpu.memory_space<vmem>>
      %dma_start3A_260 = tpu.memref_squeeze %dma_start3A_259 : memref<1x128xi32, #tpu.memory_space<vmem>> -> memref<128xi32, #tpu.memory_space<vmem>>
      %dma_start3A_261 = arith.constant 0 : i32
      %dma_start3A_262 = arith.constant 0 : i32
      %dma_start3A_263 = tpu.memref_slice %arg14[%dma_start3A_261, %dma_start3A_262] : memref<10240x64xf32, #tpu.memory_space<vmem_shared>> -> memref<10240x64xf32, #tpu.memory_space<vmem_shared>>
      tpu.enqueue_indirect_dma source(%arg11 : memref<128x64xf32, #tpu.memory_space<vmem>>) target(%dma_start3A_263 : memref<10240x64xf32, #tpu.memory_space<vmem_shared>>) offsets(%dma_start3A_260 : memref<128xi32, #tpu.memory_space<vmem>>) semaphore(%arg21 : memref<!tpu.dma_semaphore, #tpu.memory_space<semaphore_mem>>) {add = true}
      %add3A_264 = arith.constant 4 : i32
      %add3A_265 = arith.addi %add3A_251, %add3A_264 : i32
      %lt3A_266 = arith.cmpi slt, %add3A_265, %select_n3A : i32
      %convert_element_type3A_267 = arith.extui %lt3A_266 : i1 to i32
      %cond3A_268 = arith.constant 0 : i32
      %cond3A_269 = arith.cmpi ne, %convert_element_type3A_267, %cond3A_268 : i32
      scf.if %cond3A_269 {
        %dma_wait3A_290 = arith.constant 0 : i32
        %dma_wait3A_291 = tpu.memref_slice %arg8[%add3A_251, %dma_wait3A_290] : memref<112x128xi32, #tpu.memory_space<vmem>> -> memref<1x128xi32, #tpu.memory_space<vmem>>
        %dma_wait3A_292 = tpu.memref_squeeze %dma_wait3A_291 : memref<1x128xi32, #tpu.memory_space<vmem>> -> memref<128xi32, #tpu.memory_space<vmem>>
        %dma_wait3A_293 = arith.constant 0 : i32
        %dma_wait3A_294 = arith.constant 0 : i32
        %dma_wait3A_295 = tpu.memref_slice %arg14[%dma_wait3A_293, %dma_wait3A_294] : memref<10240x64xf32, #tpu.memory_space<vmem_shared>> -> memref<10240x64xf32, #tpu.memory_space<vmem_shared>>
        tpu.wait_indirect_dma semaphore(%arg21 : memref<!tpu.dma_semaphore, #tpu.memory_space<semaphore_mem>>) src(%arg11 : memref<128x64xf32, #tpu.memory_space<vmem>>) dst(%dma_wait3A_295 : memref<10240x64xf32, #tpu.memory_space<vmem_shared>>)
        %add3A_296 = arith.constant 4 : i32
        %add3A_297 = arith.addi %add3A_251, %add3A_296 : i32
        %dma_start3A_298 = arith.constant 0 : i32
        %dma_start3A_299 = tpu.memref_slice %arg7[%add3A_297, %dma_start3A_298] : memref<112x128xi32, #tpu.memory_space<vmem>> -> memref<1x128xi32, #tpu.memory_space<vmem>>
        %dma_start3A_300 = tpu.memref_squeeze %dma_start3A_299 : memref<1x128xi32, #tpu.memory_space<vmem>> -> memref<128xi32, #tpu.memory_space<vmem>>
        %dma_start3A_301 = arith.constant 0 : i32
        %dma_start3A_302 = arith.constant 0 : i32
        %dma_start3A_303 = tpu.memref_slice %arg5[%dma_start3A_301, %dma_start3A_302] : memref<10000x64xf32, #tpu.memory_space<hbm>> -> memref<10000x64xf32, #tpu.memory_space<hbm>>
        tpu.enqueue_indirect_dma source(%dma_start3A_303 : memref<10000x64xf32, #tpu.memory_space<hbm>>) target(%arg11 : memref<128x64xf32, #tpu.memory_space<vmem>>) offsets(%dma_start3A_300 : memref<128xi32, #tpu.memory_space<vmem>>) semaphore(%arg17 : memref<!tpu.dma_semaphore, #tpu.memory_space<semaphore_mem>>)
      } else {
      }
      %add3A_270 = arith.constant 3 : i32
      %add3A_271 = arith.addi %add3A_212, %add3A_270 : i32
      %dma_wait3A_272 = arith.constant 0 : i32
      %dma_wait3A_273 = tpu.memref_slice %arg7[%add3A_271, %dma_wait3A_272] : memref<112x128xi32, #tpu.memory_space<vmem>> -> memref<1x128xi32, #tpu.memory_space<vmem>>
      %dma_wait3A_274 = tpu.memref_squeeze %dma_wait3A_273 : memref<1x128xi32, #tpu.memory_space<vmem>> -> memref<128xi32, #tpu.memory_space<vmem>>
      %dma_wait3A_275 = arith.constant 0 : i32
      %dma_wait3A_276 = arith.constant 0 : i32
      %dma_wait3A_277 = tpu.memref_slice %arg5[%dma_wait3A_275, %dma_wait3A_276] : memref<10000x64xf32, #tpu.memory_space<hbm>> -> memref<10000x64xf32, #tpu.memory_space<hbm>>
      tpu.wait_indirect_dma semaphore(%arg18 : memref<!tpu.dma_semaphore, #tpu.memory_space<semaphore_mem>>) src(%dma_wait3A_277 : memref<10000x64xf32, #tpu.memory_space<hbm>>) dst(%arg12 : memref<128x64xf32, #tpu.memory_space<vmem>>)
      %dma_start3A_278 = arith.constant 0 : i32
      %dma_start3A_279 = tpu.memref_slice %arg8[%add3A_271, %dma_start3A_278] : memref<112x128xi32, #tpu.memory_space<vmem>> -> memref<1x128xi32, #tpu.memory_space<vmem>>
      %dma_start3A_280 = tpu.memref_squeeze %dma_start3A_279 : memref<1x128xi32, #tpu.memory_space<vmem>> -> memref<128xi32, #tpu.memory_space<vmem>>
      %dma_start3A_281 = arith.constant 0 : i32
      %dma_start3A_282 = arith.constant 0 : i32
      %dma_start3A_283 = tpu.memref_slice %arg14[%dma_start3A_281, %dma_start3A_282] : memref<10240x64xf32, #tpu.memory_space<vmem_shared>> -> memref<10240x64xf32, #tpu.memory_space<vmem_shared>>
      tpu.enqueue_indirect_dma source(%arg12 : memref<128x64xf32, #tpu.memory_space<vmem>>) target(%dma_start3A_283 : memref<10240x64xf32, #tpu.memory_space<vmem_shared>>) offsets(%dma_start3A_280 : memref<128xi32, #tpu.memory_space<vmem>>) semaphore(%arg22 : memref<!tpu.dma_semaphore, #tpu.memory_space<semaphore_mem>>) {add = true}
      %add3A_284 = arith.constant 4 : i32
      %add3A_285 = arith.addi %add3A_271, %add3A_284 : i32
      %lt3A_286 = arith.cmpi slt, %add3A_285, %select_n3A : i32
      %convert_element_type3A_287 = arith.extui %lt3A_286 : i1 to i32
      %cond3A_288 = arith.constant 0 : i32
      %cond3A_289 = arith.cmpi ne, %convert_element_type3A_287, %cond3A_288 : i32
      scf.if %cond3A_289 {
        %dma_wait3A_290 = arith.constant 0 : i32
        %dma_wait3A_291 = tpu.memref_slice %arg8[%add3A_271, %dma_wait3A_290] : memref<112x128xi32, #tpu.memory_space<vmem>> -> memref<1x128xi32, #tpu.memory_space<vmem>>
        %dma_wait3A_292 = tpu.memref_squeeze %dma_wait3A_291 : memref<1x128xi32, #tpu.memory_space<vmem>> -> memref<128xi32, #tpu.memory_space<vmem>>
        %dma_wait3A_293 = arith.constant 0 : i32
        %dma_wait3A_294 = arith.constant 0 : i32
        %dma_wait3A_295 = tpu.memref_slice %arg14[%dma_wait3A_293, %dma_wait3A_294] : memref<10240x64xf32, #tpu.memory_space<vmem_shared>> -> memref<10240x64xf32, #tpu.memory_space<vmem_shared>>
        tpu.wait_indirect_dma semaphore(%arg22 : memref<!tpu.dma_semaphore, #tpu.memory_space<semaphore_mem>>) src(%arg12 : memref<128x64xf32, #tpu.memory_space<vmem>>) dst(%dma_wait3A_295 : memref<10240x64xf32, #tpu.memory_space<vmem_shared>>)
        %add3A_296 = arith.constant 4 : i32
        %add3A_297 = arith.addi %add3A_271, %add3A_296 : i32
        %dma_start3A_298 = arith.constant 0 : i32
        %dma_start3A_299 = tpu.memref_slice %arg7[%add3A_297, %dma_start3A_298] : memref<112x128xi32, #tpu.memory_space<vmem>> -> memref<1x128xi32, #tpu.memory_space<vmem>>
        %dma_start3A_300 = tpu.memref_squeeze %dma_start3A_299 : memref<1x128xi32, #tpu.memory_space<vmem>> -> memref<128xi32, #tpu.memory_space<vmem>>
        %dma_start3A_301 = arith.constant 0 : i32
        %dma_start3A_302 = arith.constant 0 : i32
        %dma_start3A_303 = tpu.memref_slice %arg5[%dma_start3A_301, %dma_start3A_302] : memref<10000x64xf32, #tpu.memory_space<hbm>> -> memref<10000x64xf32, #tpu.memory_space<hbm>>
        tpu.enqueue_indirect_dma source(%dma_start3A_303 : memref<10000x64xf32, #tpu.memory_space<hbm>>) target(%arg12 : memref<128x64xf32, #tpu.memory_space<vmem>>) offsets(%dma_start3A_300 : memref<128xi32, #tpu.memory_space<vmem>>) semaphore(%arg18 : memref<!tpu.dma_semaphore, #tpu.memory_space<semaphore_mem>>)
      } else {
      }
    }
    %sub3A_164 = arith.constant 4 : i32
    %sub3A_165 = arith.subi %select_n3A, %sub3A_164 : i32
    %add3A_166 = arith.constant 0 : i32
    %add3A_167 = arith.addi %sub3A_165, %add3A_166 : i32
    %dma_wait3A_168 = arith.constant 0 : i32
    %dma_wait3A_169 = tpu.memref_slice %arg8[%add3A_167, %dma_wait3A_168] : memref<112x128xi32, #tpu.memory_space<vmem>> -> memref<1x128xi32, #tpu.memory_space<vmem>>
    %dma_wait3A_170 = tpu.memref_squeeze %dma_wait3A_169 : memref<1x128xi32, #tpu.memory_space<vmem>> -> memref<128xi32, #tpu.memory_space<vmem>>
    %dma_wait3A_171 = arith.constant 0 : i32
    %dma_wait3A_172 = arith.constant 0 : i32
    %dma_wait3A_173 = tpu.memref_slice %arg14[%dma_wait3A_171, %dma_wait3A_172] : memref<10240x64xf32, #tpu.memory_space<vmem_shared>> -> memref<10240x64xf32, #tpu.memory_space<vmem_shared>>
    tpu.wait_indirect_dma semaphore(%arg19 : memref<!tpu.dma_semaphore, #tpu.memory_space<semaphore_mem>>) src(%arg9 : memref<128x64xf32, #tpu.memory_space<vmem>>) dst(%dma_wait3A_173 : memref<10240x64xf32, #tpu.memory_space<vmem_shared>>)
    %sub3A_174 = arith.constant 4 : i32
    %sub3A_175 = arith.subi %select_n3A, %sub3A_174 : i32
    %add3A_176 = arith.constant 1 : i32
    %add3A_177 = arith.addi %sub3A_175, %add3A_176 : i32
    %dma_wait3A_178 = arith.constant 0 : i32
    %dma_wait3A_179 = tpu.memref_slice %arg8[%add3A_177, %dma_wait3A_178] : memref<112x128xi32, #tpu.memory_space<vmem>> -> memref<1x128xi32, #tpu.memory_space<vmem>>
    %dma_wait3A_180 = tpu.memref_squeeze %dma_wait3A_179 : memref<1x128xi32, #tpu.memory_space<vmem>> -> memref<128xi32, #tpu.memory_space<vmem>>
    %dma_wait3A_181 = arith.constant 0 : i32
    %dma_wait3A_182 = arith.constant 0 : i32
    %dma_wait3A_183 = tpu.memref_slice %arg14[%dma_wait3A_181, %dma_wait3A_182] : memref<10240x64xf32, #tpu.memory_space<vmem_shared>> -> memref<10240x64xf32, #tpu.memory_space<vmem_shared>>
    tpu.wait_indirect_dma semaphore(%arg20 : memref<!tpu.dma_semaphore, #tpu.memory_space<semaphore_mem>>) src(%arg10 : memref<128x64xf32, #tpu.memory_space<vmem>>) dst(%dma_wait3A_183 : memref<10240x64xf32, #tpu.memory_space<vmem_shared>>)
    %sub3A_184 = arith.constant 4 : i32
    %sub3A_185 = arith.subi %select_n3A, %sub3A_184 : i32
    %add3A_186 = arith.constant 2 : i32
    %add3A_187 = arith.addi %sub3A_185, %add3A_186 : i32
    %dma_wait3A_188 = arith.constant 0 : i32
    %dma_wait3A_189 = tpu.memref_slice %arg8[%add3A_187, %dma_wait3A_188] : memref<112x128xi32, #tpu.memory_space<vmem>> -> memref<1x128xi32, #tpu.memory_space<vmem>>
    %dma_wait3A_190 = tpu.memref_squeeze %dma_wait3A_189 : memref<1x128xi32, #tpu.memory_space<vmem>> -> memref<128xi32, #tpu.memory_space<vmem>>
    %dma_wait3A_191 = arith.constant 0 : i32
    %dma_wait3A_192 = arith.constant 0 : i32
    %dma_wait3A_193 = tpu.memref_slice %arg14[%dma_wait3A_191, %dma_wait3A_192] : memref<10240x64xf32, #tpu.memory_space<vmem_shared>> -> memref<10240x64xf32, #tpu.memory_space<vmem_shared>>
    tpu.wait_indirect_dma semaphore(%arg21 : memref<!tpu.dma_semaphore, #tpu.memory_space<semaphore_mem>>) src(%arg11 : memref<128x64xf32, #tpu.memory_space<vmem>>) dst(%dma_wait3A_193 : memref<10240x64xf32, #tpu.memory_space<vmem_shared>>)
    %sub3A_194 = arith.constant 4 : i32
    %sub3A_195 = arith.subi %select_n3A, %sub3A_194 : i32
    %add3A_196 = arith.constant 3 : i32
    %add3A_197 = arith.addi %sub3A_195, %add3A_196 : i32
    %dma_wait3A_198 = arith.constant 0 : i32
    %dma_wait3A_199 = tpu.memref_slice %arg8[%add3A_197, %dma_wait3A_198] : memref<112x128xi32, #tpu.memory_space<vmem>> -> memref<1x128xi32, #tpu.memory_space<vmem>>
    %dma_wait3A_200 = tpu.memref_squeeze %dma_wait3A_199 : memref<1x128xi32, #tpu.memory_space<vmem>> -> memref<128xi32, #tpu.memory_space<vmem>>
    %dma_wait3A_201 = arith.constant 0 : i32
    %dma_wait3A_202 = arith.constant 0 : i32
    %dma_wait3A_203 = tpu.memref_slice %arg14[%dma_wait3A_201, %dma_wait3A_202] : memref<10240x64xf32, #tpu.memory_space<vmem_shared>> -> memref<10240x64xf32, #tpu.memory_space<vmem_shared>>
    tpu.wait_indirect_dma semaphore(%arg22 : memref<!tpu.dma_semaphore, #tpu.memory_space<semaphore_mem>>) src(%arg12 : memref<128x64xf32, #tpu.memory_space<vmem>>) dst(%dma_wait3A_203 : memref<10240x64xf32, #tpu.memory_space<vmem_shared>>)
    %barrier3A_204 = arith.constant 0 : index
    tpu.barrier barrier_id(%barrier3A_204)
    %mul3A_205 = arith.constant 640 : i32
    %mul3A_206 = arith.muli %arg1, %mul3A_205 : i32
    %mul3A_207 = arith.constant 640 : i32
    %mul3A_208 = arith.muli %arg1, %mul3A_207 : i32
    %run_scoped3A_209 = arith.constant 1 : i32
    "tpu.region"() ({
      %run_scoped3A_210 = tpu.sem_alloc : memref<!tpu.dma_semaphore, #tpu.memory_space<semaphore_mem>>
      %dma_start3A_211 = arith.constant 0 : i32
      %dma_start3A_212 = tpu.memref_slice %arg6[%run_scoped3A_209, %arg0, %mul3A_208, %dma_start3A_211] : memref<2x2x10240x64xf32, #tpu.memory_space<hbm>> -> memref<1x1x640x64xf32, #tpu.memory_space<hbm>>
      %dma_start3A_213 = tpu.memref_squeeze %dma_start3A_212 : memref<1x1x640x64xf32, #tpu.memory_space<hbm>> -> memref<640x64xf32, #tpu.memory_space<hbm>>
      %dma_start3A_214 = arith.constant 0 : i32
      %dma_start3A_215 = tpu.memref_slice %arg14[%mul3A_206, %dma_start3A_214] : memref<10240x64xf32, #tpu.memory_space<vmem_shared>> -> memref<640x64xf32, #tpu.memory_space<vmem_shared>>
      tpu.enqueue_dma source(%dma_start3A_215 : memref<640x64xf32, #tpu.memory_space<vmem_shared>>) target(%dma_start3A_213 : memref<640x64xf32, #tpu.memory_space<hbm>>) target_semaphore(%run_scoped3A_210 : memref<!tpu.dma_semaphore, #tpu.memory_space<semaphore_mem>>)
      %dma_wait3A_216 = arith.constant 0 : i32
      %dma_wait3A_217 = tpu.memref_slice %arg6[%run_scoped3A_209, %arg0, %mul3A_208, %dma_wait3A_216] : memref<2x2x10240x64xf32, #tpu.memory_space<hbm>> -> memref<1x1x640x64xf32, #tpu.memory_space<hbm>>
      %dma_wait3A_218 = tpu.memref_squeeze %dma_wait3A_217 : memref<1x1x640x64xf32, #tpu.memory_space<hbm>> -> memref<640x64xf32, #tpu.memory_space<hbm>>
      %dma_wait3A_219 = arith.constant 0 : i32
      %dma_wait3A_220 = tpu.memref_slice %arg14[%mul3A_206, %dma_wait3A_219] : memref<10240x64xf32, #tpu.memory_space<vmem_shared>> -> memref<640x64xf32, #tpu.memory_space<vmem_shared>>
      tpu.wait_dma2 semaphore(%run_scoped3A_210 : memref<!tpu.dma_semaphore, #tpu.memory_space<semaphore_mem>>) src(%dma_wait3A_220 : memref<640x64xf32, #tpu.memory_space<vmem_shared>>) dst(%dma_wait3A_218 : memref<640x64xf32, #tpu.memory_space<hbm>>)
      tpu.yield
    }) : () -> ()
    return
  }
}

#map = affine_map<(d0, d1) -> (0, 0)>
#map1 = affine_map<(d0, d1) -> (0, 0, 0)>
module attributes {stable_mosaic.version = 14 : i64} {
  func.func @k(%arg0: i32, %arg1: i32, %arg2: memref<2624x128xi32, #tpu.memory_space<hbm>>, %arg3: memref<2x10240x16xf32, #tpu.memory_space<hbm>>, %arg4: memref<80x128xi32, #tpu.memory_space<vmem>>, %arg5: memref<128x16xf32, #tpu.memory_space<vmem>>, %arg6: memref<16x16xf32, #tpu.memory_space<vmem>>, %arg7: memref<10240x16xf32, #tpu.memory_space<vmem_shared>>) attributes {dimension_semantics = [#tpu.dimension_semantics<core_parallel>, #tpu.dimension_semantics<subcore_parallel>], iteration_bounds = array<i64: 2, 16>, scalar_prefetch = 0 : i64, scratch_operands = 4 : i64, tpu.core_type = #tpu.core_type<sc_vector_subcore>, window_params = [{transform_indices = #map}, {transform_indices = #map1}]} {
    %mul3A = arith.constant 2 : i32
    %mul3A_0 = arith.muli %arg1, %mul3A : i32
    %add3A = arith.addi %mul3A_0, %arg0 : i32
    %scan3A = arith.constant 0 : i32
    %scan3A_1 = arith.constant 128 : i32
    %scan3A_2 = arith.addi %scan3A, %scan3A_1 : i32
    %scan3A_3 = arith.constant 1 : i32
    scf.for %scan3A_27 = %scan3A to %scan3A_2 step %scan3A_3  : i32 {
      %mul3A_28 = arith.constant 1 : i32
      %mul3A_29 = arith.muli %scan3A_27, %mul3A_28 : i32
      %add3A_30 = arith.constant 0 : i32
      %add3A_31 = arith.addi %add3A_30, %mul3A_29 : i32
      %broadcast_in_dim3A = arith.constant 1.000000e+00 : f32
      %broadcast_in_dim3A_32 = vector.broadcast %broadcast_in_dim3A : f32 to vector<16xf32>
      %swap3A = arith.index_cast %add3A_31 : i32 to index
      %swap3A_33 = arith.constant 0 : index
      %swap3A_34 = tpu.vector_load %arg5[%swap3A, %swap3A_33] {strides = array<i32>} : memref<128x16xf32, #tpu.memory_space<vmem>>, vector<1x16xf32>,
      %swap3A_35 = vector.shape_cast %swap3A_34 : vector<1x16xf32> to vector<16xf32>
      %swap3A_36 = vector.shape_cast %broadcast_in_dim3A_32 : vector<16xf32> to vector<1x16xf32>
      tpu.vector_store %arg5[%swap3A, %swap3A_33], %swap3A_36 {strides = array<i32>} : memref<128x16xf32, #tpu.memory_space<vmem>>, vector<1x16xf32>,
    }
    %scan3A_4 = arith.constant 128 : i32
    %scan3A_5 = arith.constant 0 : i32
    %scan3A_6 = arith.constant 16 : i32
    %scan3A_7 = arith.addi %scan3A_5, %scan3A_6 : i32
    %scan3A_8 = arith.constant 1 : i32
    scf.for %scan3A_27 = %scan3A_5 to %scan3A_7 step %scan3A_8  : i32 {
      %mul3A_28 = arith.constant 1 : i32
      %mul3A_29 = arith.muli %scan3A_27, %mul3A_28 : i32
      %add3A_30 = arith.constant 0 : i32
      %add3A_31 = arith.addi %add3A_30, %mul3A_29 : i32
      %broadcast_in_dim3A = arith.constant 0.000000e+00 : f32
      %broadcast_in_dim3A_32 = vector.broadcast %broadcast_in_dim3A : f32 to vector<16xf32>
      %swap3A = arith.index_cast %add3A_31 : i32 to index
      %swap3A_33 = arith.constant 0 : index
      %swap3A_34 = tpu.vector_load %arg6[%swap3A, %swap3A_33] {strides = array<i32>} : memref<16x16xf32, #tpu.memory_space<vmem>>, vector<1x16xf32>,
      %swap3A_35 = vector.shape_cast %swap3A_34 : vector<1x16xf32> to vector<16xf32>
      %swap3A_36 = vector.shape_cast %broadcast_in_dim3A_32 : vector<16xf32> to vector<1x16xf32>
      tpu.vector_store %arg6[%swap3A, %swap3A_33], %swap3A_36 {strides = array<i32>} : memref<16x16xf32, #tpu.memory_space<vmem>>, vector<1x16xf32>,
    }
    %scan3A_9 = arith.constant 16 : i32
    %scan3A_10 = arith.constant 0 : i32
    %scan3A_11 = arith.constant 40 : i32
    %scan3A_12 = arith.addi %scan3A_10, %scan3A_11 : i32
    %scan3A_13 = arith.constant 1 : i32
    scf.for %scan3A_27 = %scan3A_10 to %scan3A_12 step %scan3A_13  : i32 {
      %mul3A_28 = arith.constant 16 : i32
      %mul3A_29 = arith.muli %scan3A_27, %mul3A_28 : i32
      %add3A_30 = arith.constant 0 : i32
      %add3A_31 = arith.addi %add3A_30, %mul3A_29 : i32
      %mul3A_32 = arith.constant 640 : i32
      %mul3A_33 = arith.muli %arg1, %mul3A_32 : i32
      %add3A_34 = arith.addi %mul3A_33, %add3A_31 : i32
      "tpu.region"() ({
        %run_scoped3A = tpu.sem_alloc : memref<!tpu.dma_semaphore, #tpu.memory_space<semaphore_mem>>
        %dma_start3A = arith.constant 0 : i32
        %dma_start3A_35 = tpu.memref_slice %arg7[%add3A_34, %dma_start3A] : memref<10240x16xf32, #tpu.memory_space<vmem_shared>> -> memref<16x16xf32, #tpu.memory_space<vmem_shared>>
        %dma_start3A_36 = arith.constant 0 : i32
        %dma_start3A_37 = tpu.memref_slice %arg7[%add3A_34, %dma_start3A_36] : memref<10240x16xf32, #tpu.memory_space<vmem_shared>> -> memref<16x16xf32, #tpu.memory_space<vmem_shared>>
        tpu.enqueue_dma source(%arg6 : memref<16x16xf32, #tpu.memory_space<vmem>>) target(%dma_start3A_37 : memref<16x16xf32, #tpu.memory_space<vmem_shared>>) target_semaphore(%run_scoped3A : memref<!tpu.dma_semaphore, #tpu.memory_space<semaphore_mem>>)
        %dma_wait3A = arith.constant 0 : i32
        %dma_wait3A_38 = tpu.memref_slice %arg7[%add3A_34, %dma_wait3A] : memref<10240x16xf32, #tpu.memory_space<vmem_shared>> -> memref<16x16xf32, #tpu.memory_space<vmem_shared>>
        %dma_wait3A_39 = arith.constant 0 : i32
        %dma_wait3A_40 = tpu.memref_slice %arg7[%add3A_34, %dma_wait3A_39] : memref<10240x16xf32, #tpu.memory_space<vmem_shared>> -> memref<16x16xf32, #tpu.memory_space<vmem_shared>>
        tpu.wait_dma2 semaphore(%run_scoped3A : memref<!tpu.dma_semaphore, #tpu.memory_space<semaphore_mem>>) src(%arg6 : memref<16x16xf32, #tpu.memory_space<vmem>>) dst(%dma_wait3A_40 : memref<16x16xf32, #tpu.memory_space<vmem_shared>>)
        tpu.yield
      }) : () -> ()
    }
    %scan3A_14 = arith.constant 40 : i32
    %barrier3A = arith.constant 0 : index
    tpu.barrier barrier_id(%barrier3A)
    %mul3A_15 = arith.constant 80 : i32
    %mul3A_16 = arith.muli %add3A, %mul3A_15 : i32
    "tpu.region"() ({
      %run_scoped3A = tpu.sem_alloc : memref<!tpu.dma_semaphore, #tpu.memory_space<semaphore_mem>>
      %dma_start3A = arith.constant 0 : i32
      %dma_start3A_27 = tpu.memref_slice %arg2[%mul3A_16, %dma_start3A] : memref<2624x128xi32, #tpu.memory_space<hbm>> -> memref<80x128xi32, #tpu.memory_space<hbm>>
      %dma_start3A_28 = arith.constant 0 : i32
      %dma_start3A_29 = tpu.memref_slice %arg2[%mul3A_16, %dma_start3A_28] : memref<2624x128xi32, #tpu.memory_space<hbm>> -> memref<80x128xi32, #tpu.memory_space<hbm>>
      tpu.enqueue_dma source(%dma_start3A_29 : memref<80x128xi32, #tpu.memory_space<hbm>>) target(%arg4 : memref<80x128xi32, #tpu.memory_space<vmem>>) target_semaphore(%run_scoped3A : memref<!tpu.dma_semaphore, #tpu.memory_space<semaphore_mem>>)
      %dma_wait3A = arith.constant 0 : i32
      %dma_wait3A_30 = tpu.memref_slice %arg2[%mul3A_16, %dma_wait3A] : memref<2624x128xi32, #tpu.memory_space<hbm>> -> memref<80x128xi32, #tpu.memory_space<hbm>>
      %dma_wait3A_31 = arith.constant 0 : i32
      %dma_wait3A_32 = tpu.memref_slice %arg2[%mul3A_16, %dma_wait3A_31] : memref<2624x128xi32, #tpu.memory_space<hbm>> -> memref<80x128xi32, #tpu.memory_space<hbm>>
      tpu.wait_dma2 semaphore(%run_scoped3A : memref<!tpu.dma_semaphore, #tpu.memory_space<semaphore_mem>>) src(%dma_wait3A_32 : memref<80x128xi32, #tpu.memory_space<hbm>>) dst(%arg4 : memref<80x128xi32, #tpu.memory_space<vmem>>)
      tpu.yield
    }) : () -> ()
    %scan3A_17 = arith.constant 0 : i32
    %scan3A_18 = arith.constant 80 : i32
    %scan3A_19 = arith.addi %scan3A_17, %scan3A_18 : i32
    %scan3A_20 = arith.constant 1 : i32
    scf.for %scan3A_27 = %scan3A_17 to %scan3A_19 step %scan3A_20  : i32 {
      %mul3A_28 = arith.constant 1 : i32
      %mul3A_29 = arith.muli %scan3A_27, %mul3A_28 : i32
      %add3A_30 = arith.constant 0 : i32
      %add3A_31 = arith.addi %add3A_30, %mul3A_29 : i32
      "tpu.region"() ({
        %run_scoped3A = tpu.sem_alloc : memref<!tpu.dma_semaphore, #tpu.memory_space<semaphore_mem>>
        %dma_start3A = arith.constant 0 : i32
        %dma_start3A_32 = tpu.memref_slice %arg4[%add3A_31, %dma_start3A] : memref<80x128xi32, #tpu.memory_space<vmem>> -> memref<1x128xi32, #tpu.memory_space<vmem>>
        %dma_start3A_33 = tpu.memref_squeeze %dma_start3A_32 : memref<1x128xi32, #tpu.memory_space<vmem>> -> memref<128xi32, #tpu.memory_space<vmem>>
        %dma_start3A_34 = arith.constant 0 : i32
        %dma_start3A_35 = arith.constant 0 : i32
        %dma_start3A_36 = tpu.memref_slice %arg7[%dma_start3A_34, %dma_start3A_35] : memref<10240x16xf32, #tpu.memory_space<vmem_shared>> -> memref<10240x16xf32, #tpu.memory_space<vmem_shared>>
        tpu.enqueue_indirect_dma source(%arg5 : memref<128x16xf32, #tpu.memory_space<vmem>>) target(%dma_start3A_36 : memref<10240x16xf32, #tpu.memory_space<vmem_shared>>) offsets(%dma_start3A_33 : memref<128xi32, #tpu.memory_space<vmem>>) semaphore(%run_scoped3A : memref<!tpu.dma_semaphore, #tpu.memory_space<semaphore_mem>>) {add = true}
        %dma_wait3A = arith.constant 0 : i32
        %dma_wait3A_37 = tpu.memref_slice %arg4[%add3A_31, %dma_wait3A] : memref<80x128xi32, #tpu.memory_space<vmem>> -> memref<1x128xi32, #tpu.memory_space<vmem>>
        %dma_wait3A_38 = tpu.memref_squeeze %dma_wait3A_37 : memref<1x128xi32, #tpu.memory_space<vmem>> -> memref<128xi32, #tpu.memory_space<vmem>>
        %dma_wait3A_39 = arith.constant 0 : i32
        %dma_wait3A_40 = arith.constant 0 : i32
        %dma_wait3A_41 = tpu.memref_slice %arg7[%dma_wait3A_39, %dma_wait3A_40] : memref<10240x16xf32, #tpu.memory_space<vmem_shared>> -> memref<10240x16xf32, #tpu.memory_space<vmem_shared>>
        tpu.wait_indirect_dma semaphore(%run_scoped3A : memref<!tpu.dma_semaphore, #tpu.memory_space<semaphore_mem>>) src(%arg5 : memref<128x16xf32, #tpu.memory_space<vmem>>) dst(%dma_wait3A_41 : memref<10240x16xf32, #tpu.memory_space<vmem_shared>>)
        tpu.yield
      }) : () -> ()
    }
    %scan3A_21 = arith.constant 80 : i32
    %barrier3A_22 = arith.constant 0 : index
    tpu.barrier barrier_id(%barrier3A_22)
    %mul3A_23 = arith.constant 640 : i32
    %mul3A_24 = arith.muli %arg1, %mul3A_23 : i32
    %mul3A_25 = arith.constant 640 : i32
    %mul3A_26 = arith.muli %arg1, %mul3A_25 : i32
    "tpu.region"() ({
      %run_scoped3A = tpu.sem_alloc : memref<!tpu.dma_semaphore, #tpu.memory_space<semaphore_mem>>
      %dma_start3A = arith.constant 0 : i32
      %dma_start3A_27 = tpu.memref_slice %arg3[%arg0, %mul3A_26, %dma_start3A] : memref<2x10240x16xf32, #tpu.memory_space<hbm>> -> memref<1x640x16xf32, #tpu.memory_space<hbm>>
      %dma_start3A_28 = tpu.memref_squeeze %dma_start3A_27 : memref<1x640x16xf32, #tpu.memory_space<hbm>> -> memref<640x16xf32, #tpu.memory_space<hbm>>
      %dma_start3A_29 = arith.constant 0 : i32
      %dma_start3A_30 = tpu.memref_slice %arg7[%mul3A_24, %dma_start3A_29] : memref<10240x16xf32, #tpu.memory_space<vmem_shared>> -> memref<640x16xf32, #tpu.memory_space<vmem_shared>>
      tpu.enqueue_dma source(%dma_start3A_30 : memref<640x16xf32, #tpu.memory_space<vmem_shared>>) target(%dma_start3A_28 : memref<640x16xf32, #tpu.memory_space<hbm>>) target_semaphore(%run_scoped3A : memref<!tpu.dma_semaphore, #tpu.memory_space<semaphore_mem>>)
      %dma_wait3A = arith.constant 0 : i32
      %dma_wait3A_31 = tpu.memref_slice %arg3[%arg0, %mul3A_26, %dma_wait3A] : memref<2x10240x16xf32, #tpu.memory_space<hbm>> -> memref<1x640x16xf32, #tpu.memory_space<hbm>>
      %dma_wait3A_32 = tpu.memref_squeeze %dma_wait3A_31 : memref<1x640x16xf32, #tpu.memory_space<hbm>> -> memref<640x16xf32, #tpu.memory_space<hbm>>
      %dma_wait3A_33 = arith.constant 0 : i32
      %dma_wait3A_34 = tpu.memref_slice %arg7[%mul3A_24, %dma_wait3A_33] : memref<10240x16xf32, #tpu.memory_space<vmem_shared>> -> memref<640x16xf32, #tpu.memory_space<vmem_shared>>
      tpu.wait_dma2 semaphore(%run_scoped3A : memref<!tpu.dma_semaphore, #tpu.memory_space<semaphore_mem>>) src(%dma_wait3A_34 : memref<640x16xf32, #tpu.memory_space<vmem_shared>>) dst(%dma_wait3A_32 : memref<640x16xf32, #tpu.memory_space<hbm>>)
      tpu.yield
    }) : () -> ()
    return
  }
}

#map = affine_map<(d0, d1) -> (0, 0)>
#map1 = affine_map<(d0, d1) -> (0, 0, 0, 0)>
module attributes {stable_mosaic.version = 14 : i64} {
  func.func @k(%arg0: i32, %arg1: i32, %arg2: memref<2624x128xi32, #tpu.memory_space<hbm>>, %arg3: memref<2624x128xi32, #tpu.memory_space<hbm>>, %arg4: memref<10000x64xf32, #tpu.memory_space<hbm>>, %arg5: memref<10000x64xf32, #tpu.memory_space<hbm>>, %arg6: memref<2x2x10240x64xf32, #tpu.memory_space<hbm>>, %arg7: memref<112x128xi32, #tpu.memory_space<vmem>>, %arg8: memref<112x128xi32, #tpu.memory_space<vmem>>, %arg9: memref<128x64xf32, #tpu.memory_space<vmem>>, %arg10: memref<128x64xf32, #tpu.memory_space<vmem>>, %arg11: memref<128x64xf32, #tpu.memory_space<vmem>>, %arg12: memref<128x64xf32, #tpu.memory_space<vmem>>, %arg13: memref<16x64xf32, #tpu.memory_space<vmem>>, %arg14: memref<10240x64xf32, #tpu.memory_space<vmem_shared>>, %arg15: memref<!tpu.dma_semaphore, #tpu.memory_space<semaphore_mem>>, %arg16: memref<!tpu.dma_semaphore, #tpu.memory_space<semaphore_mem>>, %arg17: memref<!tpu.dma_semaphore, #tpu.memory_space<semaphore_mem>>, %arg18: memref<!tpu.dma_semaphore, #tpu.memory_space<semaphore_mem>>, %arg19: memref<!tpu.dma_semaphore, #tpu.memory_space<semaphore_mem>>, %arg20: memref<!tpu.dma_semaphore, #tpu.memory_space<semaphore_mem>>, %arg21: memref<!tpu.dma_semaphore, #tpu.memory_space<semaphore_mem>>, %arg22: memref<!tpu.dma_semaphore, #tpu.memory_space<semaphore_mem>>) attributes {dimension_semantics = [#tpu.dimension_semantics<core_parallel>, #tpu.dimension_semantics<subcore_parallel>], iteration_bounds = array<i64: 2, 16>, scalar_prefetch = 0 : i64, scratch_operands = 16 : i64, tpu.core_type = #tpu.core_type<sc_vector_subcore>, window_params = [{transform_indices = #map}, {transform_indices = #map}, {transform_indices = #map}, {transform_indices = #map}, {transform_indices = #map1}]} {
    %eq3A = arith.constant 0 : i32
    %eq3A_0 = arith.cmpi eq, %arg0, %eq3A : i32
    %jit3A = arith.constant 112 : i32
    %jit3A_1 = arith.constant 48 : i32
    %select_n3A = arith.select %eq3A_0, %jit3A, %jit3A_1 : i32
    %mul3A = arith.constant 160 : i32
    %mul3A_2 = arith.muli %arg1, %mul3A : i32
    %mul3A_3 = arith.constant 112 : i32
    %mul3A_4 = arith.muli %arg0, %mul3A_3 : i32
    %add3A = arith.addi %mul3A_2, %mul3A_4 : i32
    %scan3A = arith.constant 0 : i32
    %scan3A_5 = arith.constant 16 : i32
    %scan3A_6 = arith.addi %scan3A, %scan3A_5 : i32
    %scan3A_7 = arith.constant 1 : i32
    scf.for %scan3A_210 = %scan3A to %scan3A_6 step %scan3A_7  : i32 {
      %mul3A_211 = arith.constant 1 : i32
      %mul3A_212 = arith.muli %scan3A_210, %mul3A_211 : i32
      %add3A_213 = arith.constant 0 : i32
      %add3A_214 = arith.addi %add3A_213, %mul3A_212 : i32
      %scan3A_215 = arith.constant 0 : i32
      %scan3A_216 = arith.constant 4 : i32
      %scan3A_217 = arith.addi %scan3A_215, %scan3A_216 : i32
      %scan3A_218 = arith.constant 1 : i32
      scf.for %scan3A_220 = %scan3A_215 to %scan3A_217 step %scan3A_218  : i32 {
        %mul3A_221 = arith.constant 16 : i32
        %mul3A_222 = arith.muli %scan3A_220, %mul3A_221 : i32
        %add3A_223 = arith.constant 0 : i32
        %add3A_224 = arith.addi %add3A_223, %mul3A_222 : i32
        %broadcast_in_dim3A = arith.constant 0.000000e+00 : f32
        %broadcast_in_dim3A_225 = vector.broadcast %broadcast_in_dim3A : f32 to vector<16xf32>
        %swap3A = arith.index_cast %add3A_214 : i32 to index
        %swap3A_226 = arith.index_cast %add3A_224 : i32 to index
        %swap3A_227 = tpu.vector_load %arg13[%swap3A, %swap3A_226] {strides = array<i32>} : memref<16x64xf32, #tpu.memory_space<vmem>>, vector<1x16xf32>,
        %swap3A_228 = vector.shape_cast %swap3A_227 : vector<1x16xf32> to vector<16xf32>
        %swap3A_229 = vector.shape_cast %broadcast_in_dim3A_225 : vector<16xf32> to vector<1x16xf32>
        tpu.vector_store %arg13[%swap3A, %swap3A_226], %swap3A_229 {strides = array<i32>} : memref<16x64xf32, #tpu.memory_space<vmem>>, vector<1x16xf32>,
      }
      %scan3A_219 = arith.constant 4 : i32
    }
    %scan3A_8 = arith.constant 16 : i32
    "tpu.region"() ({
      %run_scoped3A_210 = tpu.sem_alloc : memref<!tpu.dma_semaphore, #tpu.memory_space<semaphore_mem>>
      %dma_start3A_211 = arith.constant 0 : i32
      %dma_start3A_212 = tpu.memref_slice %arg2[%add3A, %dma_start3A_211] : memref<2624x128xi32, #tpu.memory_space<hbm>> -> memref<112x128xi32, #tpu.memory_space<hbm>>
      %dma_start3A_213 = arith.constant 0 : i32
      %dma_start3A_214 = tpu.memref_slice %arg2[%add3A, %dma_start3A_213] : memref<2624x128xi32, #tpu.memory_space<hbm>> -> memref<112x128xi32, #tpu.memory_space<hbm>>
      tpu.enqueue_dma source(%dma_start3A_214 : memref<112x128xi32, #tpu.memory_space<hbm>>) target(%arg7 : memref<112x128xi32, #tpu.memory_space<vmem>>) target_semaphore(%run_scoped3A_210 : memref<!tpu.dma_semaphore, #tpu.memory_space<semaphore_mem>>)
      %dma_wait3A_215 = arith.constant 0 : i32
      %dma_wait3A_216 = tpu.memref_slice %arg2[%add3A, %dma_wait3A_215] : memref<2624x128xi32, #tpu.memory_space<hbm>> -> memref<112x128xi32, #tpu.memory_space<hbm>>
      %dma_wait3A_217 = arith.constant 0 : i32
      %dma_wait3A_218 = tpu.memref_slice %arg2[%add3A, %dma_wait3A_217] : memref<2624x128xi32, #tpu.memory_space<hbm>> -> memref<112x128xi32, #tpu.memory_space<hbm>>
      tpu.wait_dma2 semaphore(%run_scoped3A_210 : memref<!tpu.dma_semaphore, #tpu.memory_space<semaphore_mem>>) src(%dma_wait3A_218 : memref<112x128xi32, #tpu.memory_space<hbm>>) dst(%arg7 : memref<112x128xi32, #tpu.memory_space<vmem>>)
      tpu.yield
    }) : () -> ()
    "tpu.region"() ({
      %run_scoped3A_210 = tpu.sem_alloc : memref<!tpu.dma_semaphore, #tpu.memory_space<semaphore_mem>>
      %dma_start3A_211 = arith.constant 0 : i32
      %dma_start3A_212 = tpu.memref_slice %arg3[%add3A, %dma_start3A_211] : memref<2624x128xi32, #tpu.memory_space<hbm>> -> memref<112x128xi32, #tpu.memory_space<hbm>>
      %dma_start3A_213 = arith.constant 0 : i32
      %dma_start3A_214 = tpu.memref_slice %arg3[%add3A, %dma_start3A_213] : memref<2624x128xi32, #tpu.memory_space<hbm>> -> memref<112x128xi32, #tpu.memory_space<hbm>>
      tpu.enqueue_dma source(%dma_start3A_214 : memref<112x128xi32, #tpu.memory_space<hbm>>) target(%arg8 : memref<112x128xi32, #tpu.memory_space<vmem>>) target_semaphore(%run_scoped3A_210 : memref<!tpu.dma_semaphore, #tpu.memory_space<semaphore_mem>>)
      %dma_wait3A_215 = arith.constant 0 : i32
      %dma_wait3A_216 = tpu.memref_slice %arg3[%add3A, %dma_wait3A_215] : memref<2624x128xi32, #tpu.memory_space<hbm>> -> memref<112x128xi32, #tpu.memory_space<hbm>>
      %dma_wait3A_217 = arith.constant 0 : i32
      %dma_wait3A_218 = tpu.memref_slice %arg3[%add3A, %dma_wait3A_217] : memref<2624x128xi32, #tpu.memory_space<hbm>> -> memref<112x128xi32, #tpu.memory_space<hbm>>
      tpu.wait_dma2 semaphore(%run_scoped3A_210 : memref<!tpu.dma_semaphore, #tpu.memory_space<semaphore_mem>>) src(%dma_wait3A_218 : memref<112x128xi32, #tpu.memory_space<hbm>>) dst(%arg8 : memref<112x128xi32, #tpu.memory_space<vmem>>)
      tpu.yield
    }) : () -> ()
    %scan3A_9 = arith.constant 0 : i32
    %scan3A_10 = arith.constant 40 : i32
    %scan3A_11 = arith.addi %scan3A_9, %scan3A_10 : i32
    %scan3A_12 = arith.constant 1 : i32
    scf.for %scan3A_210 = %scan3A_9 to %scan3A_11 step %scan3A_12  : i32 {
      %mul3A_211 = arith.constant 16 : i32
      %mul3A_212 = arith.muli %scan3A_210, %mul3A_211 : i32
      %add3A_213 = arith.constant 0 : i32
      %add3A_214 = arith.addi %add3A_213, %mul3A_212 : i32
      %mul3A_215 = arith.constant 640 : i32
      %mul3A_216 = arith.muli %arg1, %mul3A_215 : i32
      %add3A_217 = arith.addi %mul3A_216, %add3A_214 : i32
      %dma_start3A_218 = arith.constant 0 : i32
      %dma_start3A_219 = tpu.memref_slice %arg14[%add3A_217, %dma_start3A_218] : memref<10240x64xf32, #tpu.memory_space<vmem_shared>> -> memref<16x64xf32, #tpu.memory_space<vmem_shared>>
      %dma_start3A_220 = arith.constant 0 : i32
      %dma_start3A_221 = tpu.memref_slice %arg14[%add3A_217, %dma_start3A_220] : memref<10240x64xf32, #tpu.memory_space<vmem_shared>> -> memref<16x64xf32, #tpu.memory_space<vmem_shared>>
      tpu.enqueue_dma source(%arg13 : memref<16x64xf32, #tpu.memory_space<vmem>>) target(%dma_start3A_221 : memref<16x64xf32, #tpu.memory_space<vmem_shared>>) target_semaphore(%arg15 : memref<!tpu.dma_semaphore, #tpu.memory_space<semaphore_mem>>)
    }
    %scan3A_13 = arith.constant 40 : i32
    %scan3A_14 = arith.constant 0 : i32
    %scan3A_15 = arith.constant 40 : i32
    %scan3A_16 = arith.addi %scan3A_14, %scan3A_15 : i32
    %scan3A_17 = arith.constant 1 : i32
    scf.for %scan3A_210 = %scan3A_14 to %scan3A_16 step %scan3A_17  : i32 {
      %mul3A_211 = arith.constant 16 : i32
      %mul3A_212 = arith.muli %scan3A_210, %mul3A_211 : i32
      %add3A_213 = arith.constant 0 : i32
      %add3A_214 = arith.addi %add3A_213, %mul3A_212 : i32
      %mul3A_215 = arith.constant 640 : i32
      %mul3A_216 = arith.muli %arg1, %mul3A_215 : i32
      %add3A_217 = arith.addi %mul3A_216, %add3A_214 : i32
      %dma_wait3A_218 = arith.constant 0 : i32
      %dma_wait3A_219 = tpu.memref_slice %arg14[%add3A_217, %dma_wait3A_218] : memref<10240x64xf32, #tpu.memory_space<vmem_shared>> -> memref<16x64xf32, #tpu.memory_space<vmem_shared>>
      %dma_wait3A_220 = arith.constant 0 : i32
      %dma_wait3A_221 = tpu.memref_slice %arg14[%add3A_217, %dma_wait3A_220] : memref<10240x64xf32, #tpu.memory_space<vmem_shared>> -> memref<16x64xf32, #tpu.memory_space<vmem_shared>>
      tpu.wait_dma2 semaphore(%arg15 : memref<!tpu.dma_semaphore, #tpu.memory_space<semaphore_mem>>) src(%arg13 : memref<16x64xf32, #tpu.memory_space<vmem>>) dst(%dma_wait3A_221 : memref<16x64xf32, #tpu.memory_space<vmem_shared>>)
    }
    %scan3A_18 = arith.constant 40 : i32
    %barrier3A = arith.constant 0 : index
    tpu.barrier barrier_id(%barrier3A)
    %dma_start3A = arith.constant 0 : i32
    %dma_start3A_19 = arith.constant 0 : i32
    %dma_start3A_20 = tpu.memref_slice %arg7[%dma_start3A, %dma_start3A_19] : memref<112x128xi32, #tpu.memory_space<vmem>> -> memref<1x128xi32, #tpu.memory_space<vmem>>
    %dma_start3A_21 = tpu.memref_squeeze %dma_start3A_20 : memref<1x128xi32, #tpu.memory_space<vmem>> -> memref<128xi32, #tpu.memory_space<vmem>>
    %dma_start3A_22 = arith.constant 0 : i32
    %dma_start3A_23 = arith.constant 0 : i32
    %dma_start3A_24 = tpu.memref_slice %arg4[%dma_start3A_22, %dma_start3A_23] : memref<10000x64xf32, #tpu.memory_space<hbm>> -> memref<10000x64xf32, #tpu.memory_space<hbm>>
    tpu.enqueue_indirect_dma source(%dma_start3A_24 : memref<10000x64xf32, #tpu.memory_space<hbm>>) target(%arg9 : memref<128x64xf32, #tpu.memory_space<vmem>>) offsets(%dma_start3A_21 : memref<128xi32, #tpu.memory_space<vmem>>) semaphore(%arg15 : memref<!tpu.dma_semaphore, #tpu.memory_space<semaphore_mem>>)
    %dma_start3A_25 = arith.constant 1 : i32
    %dma_start3A_26 = arith.constant 0 : i32
    %dma_start3A_27 = tpu.memref_slice %arg7[%dma_start3A_25, %dma_start3A_26] : memref<112x128xi32, #tpu.memory_space<vmem>> -> memref<1x128xi32, #tpu.memory_space<vmem>>
    %dma_start3A_28 = tpu.memref_squeeze %dma_start3A_27 : memref<1x128xi32, #tpu.memory_space<vmem>> -> memref<128xi32, #tpu.memory_space<vmem>>
    %dma_start3A_29 = arith.constant 0 : i32
    %dma_start3A_30 = arith.constant 0 : i32
    %dma_start3A_31 = tpu.memref_slice %arg4[%dma_start3A_29, %dma_start3A_30] : memref<10000x64xf32, #tpu.memory_space<hbm>> -> memref<10000x64xf32, #tpu.memory_space<hbm>>
    tpu.enqueue_indirect_dma source(%dma_start3A_31 : memref<10000x64xf32, #tpu.memory_space<hbm>>) target(%arg10 : memref<128x64xf32, #tpu.memory_space<vmem>>) offsets(%dma_start3A_28 : memref<128xi32, #tpu.memory_space<vmem>>) semaphore(%arg16 : memref<!tpu.dma_semaphore, #tpu.memory_space<semaphore_mem>>)
    %dma_start3A_32 = arith.constant 2 : i32
    %dma_start3A_33 = arith.constant 0 : i32
    %dma_start3A_34 = tpu.memref_slice %arg7[%dma_start3A_32, %dma_start3A_33] : memref<112x128xi32, #tpu.memory_space<vmem>> -> memref<1x128xi32, #tpu.memory_space<vmem>>
    %dma_start3A_35 = tpu.memref_squeeze %dma_start3A_34 : memref<1x128xi32, #tpu.memory_space<vmem>> -> memref<128xi32, #tpu.memory_space<vmem>>
    %dma_start3A_36 = arith.constant 0 : i32
    %dma_start3A_37 = arith.constant 0 : i32
    %dma_start3A_38 = tpu.memref_slice %arg4[%dma_start3A_36, %dma_start3A_37] : memref<10000x64xf32, #tpu.memory_space<hbm>> -> memref<10000x64xf32, #tpu.memory_space<hbm>>
    tpu.enqueue_indirect_dma source(%dma_start3A_38 : memref<10000x64xf32, #tpu.memory_space<hbm>>) target(%arg11 : memref<128x64xf32, #tpu.memory_space<vmem>>) offsets(%dma_start3A_35 : memref<128xi32, #tpu.memory_space<vmem>>) semaphore(%arg17 : memref<!tpu.dma_semaphore, #tpu.memory_space<semaphore_mem>>)
    %dma_start3A_39 = arith.constant 3 : i32
    %dma_start3A_40 = arith.constant 0 : i32
    %dma_start3A_41 = tpu.memref_slice %arg7[%dma_start3A_39, %dma_start3A_40] : memref<112x128xi32, #tpu.memory_space<vmem>> -> memref<1x128xi32, #tpu.memory_space<vmem>>
    %dma_start3A_42 = tpu.memref_squeeze %dma_start3A_41 : memref<1x128xi32, #tpu.memory_space<vmem>> -> memref<128xi32, #tpu.memory_space<vmem>>
    %dma_start3A_43 = arith.constant 0 : i32
    %dma_start3A_44 = arith.constant 0 : i32
    %dma_start3A_45 = tpu.memref_slice %arg4[%dma_start3A_43, %dma_start3A_44] : memref<10000x64xf32, #tpu.memory_space<hbm>> -> memref<10000x64xf32, #tpu.memory_space<hbm>>
    tpu.enqueue_indirect_dma source(%dma_start3A_45 : memref<10000x64xf32, #tpu.memory_space<hbm>>) target(%arg12 : memref<128x64xf32, #tpu.memory_space<vmem>>) offsets(%dma_start3A_42 : memref<128xi32, #tpu.memory_space<vmem>>) semaphore(%arg18 : memref<!tpu.dma_semaphore, #tpu.memory_space<semaphore_mem>>)
    %sub3A = arith.constant 0 : i32
    %sub3A_46 = arith.subi %select_n3A, %sub3A : i32
    %sub3A_47 = arith.constant 4 : i32
    %sub3A_48 = arith.constant 1 : i32
    %sub3A_49 = arith.subi %sub3A_47, %sub3A_48 : i32
    %add3A_50 = arith.addi %sub3A_46, %sub3A_49 : i32
    %div3A = arith.constant 4 : i32
    %div3A_51 = arith.divsi %add3A_50, %div3A : i32
    %while3A = arith.constant 4 : i32
    %while3A_52 = arith.constant 0 : i32
    %while3A_53 = arith.constant 0 : i32
    %while3A_54 = arith.subi %div3A_51, %while3A_53 : i32
    %while3A_55 = arith.addi %while3A_53, %while3A_54 : i32
    %while3A_56 = arith.constant 1 : i32
    %while3A_57 = arith.divsi %while3A_54, %while3A_56 : i32
    %while3A_58 = arith.muli %while3A_57, %while3A_56 : i32
    %while3A_59 = arith.addi %while3A_53, %while3A_58 : i32
    %while3A_60 = arith.constant 1 : i32
    scf.for %while3A_210 = %while3A_53 to %while3A_59 step %while3A_60  : i32 {
      %mul3A_211 = arith.muli %while3A_210, %while3A : i32
      %add3A_212 = arith.addi %while3A_52, %mul3A_211 : i32
      %add3A_213 = arith.constant 0 : i32
      %add3A_214 = arith.addi %add3A_212, %add3A_213 : i32
      %dma_wait3A_215 = arith.constant 0 : i32
      %dma_wait3A_216 = tpu.memref_slice %arg7[%add3A_214, %dma_wait3A_215] : memref<112x128xi32, #tpu.memory_space<vmem>> -> memref<1x128xi32, #tpu.memory_space<vmem>>
      %dma_wait3A_217 = tpu.memref_squeeze %dma_wait3A_216 : memref<1x128xi32, #tpu.memory_space<vmem>> -> memref<128xi32, #tpu.memory_space<vmem>>
      %dma_wait3A_218 = arith.constant 0 : i32
      %dma_wait3A_219 = arith.constant 0 : i32
      %dma_wait3A_220 = tpu.memref_slice %arg4[%dma_wait3A_218, %dma_wait3A_219] : memref<10000x64xf32, #tpu.memory_space<hbm>> -> memref<10000x64xf32, #tpu.memory_space<hbm>>
      tpu.wait_indirect_dma semaphore(%arg15 : memref<!tpu.dma_semaphore, #tpu.memory_space<semaphore_mem>>) src(%dma_wait3A_220 : memref<10000x64xf32, #tpu.memory_space<hbm>>) dst(%arg9 : memref<128x64xf32, #tpu.memory_space<vmem>>)
      %dma_start3A_221 = arith.constant 0 : i32
      %dma_start3A_222 = tpu.memref_slice %arg8[%add3A_214, %dma_start3A_221] : memref<112x128xi32, #tpu.memory_space<vmem>> -> memref<1x128xi32, #tpu.memory_space<vmem>>
      %dma_start3A_223 = tpu.memref_squeeze %dma_start3A_222 : memref<1x128xi32, #tpu.memory_space<vmem>> -> memref<128xi32, #tpu.memory_space<vmem>>
      %dma_start3A_224 = arith.constant 0 : i32
      %dma_start3A_225 = arith.constant 0 : i32
      %dma_start3A_226 = tpu.memref_slice %arg14[%dma_start3A_224, %dma_start3A_225] : memref<10240x64xf32, #tpu.memory_space<vmem_shared>> -> memref<10240x64xf32, #tpu.memory_space<vmem_shared>>
      tpu.enqueue_indirect_dma source(%arg9 : memref<128x64xf32, #tpu.memory_space<vmem>>) target(%dma_start3A_226 : memref<10240x64xf32, #tpu.memory_space<vmem_shared>>) offsets(%dma_start3A_223 : memref<128xi32, #tpu.memory_space<vmem>>) semaphore(%arg19 : memref<!tpu.dma_semaphore, #tpu.memory_space<semaphore_mem>>) {add = true}
      %add3A_227 = arith.constant 4 : i32
      %add3A_228 = arith.addi %add3A_214, %add3A_227 : i32
      %lt3A = arith.cmpi slt, %add3A_228, %select_n3A : i32
      %convert_element_type3A = arith.extui %lt3A : i1 to i32
      %cond3A = arith.constant 0 : i32
      %cond3A_229 = arith.cmpi ne, %convert_element_type3A, %cond3A : i32
      scf.if %cond3A_229 {
        %dma_wait3A_290 = arith.constant 0 : i32
        %dma_wait3A_291 = tpu.memref_slice %arg8[%add3A_214, %dma_wait3A_290] : memref<112x128xi32, #tpu.memory_space<vmem>> -> memref<1x128xi32, #tpu.memory_space<vmem>>
        %dma_wait3A_292 = tpu.memref_squeeze %dma_wait3A_291 : memref<1x128xi32, #tpu.memory_space<vmem>> -> memref<128xi32, #tpu.memory_space<vmem>>
        %dma_wait3A_293 = arith.constant 0 : i32
        %dma_wait3A_294 = arith.constant 0 : i32
        %dma_wait3A_295 = tpu.memref_slice %arg14[%dma_wait3A_293, %dma_wait3A_294] : memref<10240x64xf32, #tpu.memory_space<vmem_shared>> -> memref<10240x64xf32, #tpu.memory_space<vmem_shared>>
        tpu.wait_indirect_dma semaphore(%arg19 : memref<!tpu.dma_semaphore, #tpu.memory_space<semaphore_mem>>) src(%arg9 : memref<128x64xf32, #tpu.memory_space<vmem>>) dst(%dma_wait3A_295 : memref<10240x64xf32, #tpu.memory_space<vmem_shared>>)
        %add3A_296 = arith.constant 4 : i32
        %add3A_297 = arith.addi %add3A_214, %add3A_296 : i32
        %dma_start3A_298 = arith.constant 0 : i32
        %dma_start3A_299 = tpu.memref_slice %arg7[%add3A_297, %dma_start3A_298] : memref<112x128xi32, #tpu.memory_space<vmem>> -> memref<1x128xi32, #tpu.memory_space<vmem>>
        %dma_start3A_300 = tpu.memref_squeeze %dma_start3A_299 : memref<1x128xi32, #tpu.memory_space<vmem>> -> memref<128xi32, #tpu.memory_space<vmem>>
        %dma_start3A_301 = arith.constant 0 : i32
        %dma_start3A_302 = arith.constant 0 : i32
        %dma_start3A_303 = tpu.memref_slice %arg4[%dma_start3A_301, %dma_start3A_302] : memref<10000x64xf32, #tpu.memory_space<hbm>> -> memref<10000x64xf32, #tpu.memory_space<hbm>>
        tpu.enqueue_indirect_dma source(%dma_start3A_303 : memref<10000x64xf32, #tpu.memory_space<hbm>>) target(%arg9 : memref<128x64xf32, #tpu.memory_space<vmem>>) offsets(%dma_start3A_300 : memref<128xi32, #tpu.memory_space<vmem>>) semaphore(%arg15 : memref<!tpu.dma_semaphore, #tpu.memory_space<semaphore_mem>>)
      } else {
      }
      %add3A_230 = arith.constant 1 : i32
      %add3A_231 = arith.addi %add3A_212, %add3A_230 : i32
      %dma_wait3A_232 = arith.constant 0 : i32
      %dma_wait3A_233 = tpu.memref_slice %arg7[%add3A_231, %dma_wait3A_232] : memref<112x128xi32, #tpu.memory_space<vmem>> -> memref<1x128xi32, #tpu.memory_space<vmem>>
      %dma_wait3A_234 = tpu.memref_squeeze %dma_wait3A_233 : memref<1x128xi32, #tpu.memory_space<vmem>> -> memref<128xi32, #tpu.memory_space<vmem>>
      %dma_wait3A_235 = arith.constant 0 : i32
      %dma_wait3A_236 = arith.constant 0 : i32
      %dma_wait3A_237 = tpu.memref_slice %arg4[%dma_wait3A_235, %dma_wait3A_236] : memref<10000x64xf32, #tpu.memory_space<hbm>> -> memref<10000x64xf32, #tpu.memory_space<hbm>>
      tpu.wait_indirect_dma semaphore(%arg16 : memref<!tpu.dma_semaphore, #tpu.memory_space<semaphore_mem>>) src(%dma_wait3A_237 : memref<10000x64xf32, #tpu.memory_space<hbm>>) dst(%arg10 : memref<128x64xf32, #tpu.memory_space<vmem>>)
      %dma_start3A_238 = arith.constant 0 : i32
      %dma_start3A_239 = tpu.memref_slice %arg8[%add3A_231, %dma_start3A_238] : memref<112x128xi32, #tpu.memory_space<vmem>> -> memref<1x128xi32, #tpu.memory_space<vmem>>
      %dma_start3A_240 = tpu.memref_squeeze %dma_start3A_239 : memref<1x128xi32, #tpu.memory_space<vmem>> -> memref<128xi32, #tpu.memory_space<vmem>>
      %dma_start3A_241 = arith.constant 0 : i32
      %dma_start3A_242 = arith.constant 0 : i32
      %dma_start3A_243 = tpu.memref_slice %arg14[%dma_start3A_241, %dma_start3A_242] : memref<10240x64xf32, #tpu.memory_space<vmem_shared>> -> memref<10240x64xf32, #tpu.memory_space<vmem_shared>>
      tpu.enqueue_indirect_dma source(%arg10 : memref<128x64xf32, #tpu.memory_space<vmem>>) target(%dma_start3A_243 : memref<10240x64xf32, #tpu.memory_space<vmem_shared>>) offsets(%dma_start3A_240 : memref<128xi32, #tpu.memory_space<vmem>>) semaphore(%arg20 : memref<!tpu.dma_semaphore, #tpu.memory_space<semaphore_mem>>) {add = true}
      %add3A_244 = arith.constant 4 : i32
      %add3A_245 = arith.addi %add3A_231, %add3A_244 : i32
      %lt3A_246 = arith.cmpi slt, %add3A_245, %select_n3A : i32
      %convert_element_type3A_247 = arith.extui %lt3A_246 : i1 to i32
      %cond3A_248 = arith.constant 0 : i32
      %cond3A_249 = arith.cmpi ne, %convert_element_type3A_247, %cond3A_248 : i32
      scf.if %cond3A_249 {
        %dma_wait3A_290 = arith.constant 0 : i32
        %dma_wait3A_291 = tpu.memref_slice %arg8[%add3A_231, %dma_wait3A_290] : memref<112x128xi32, #tpu.memory_space<vmem>> -> memref<1x128xi32, #tpu.memory_space<vmem>>
        %dma_wait3A_292 = tpu.memref_squeeze %dma_wait3A_291 : memref<1x128xi32, #tpu.memory_space<vmem>> -> memref<128xi32, #tpu.memory_space<vmem>>
        %dma_wait3A_293 = arith.constant 0 : i32
        %dma_wait3A_294 = arith.constant 0 : i32
        %dma_wait3A_295 = tpu.memref_slice %arg14[%dma_wait3A_293, %dma_wait3A_294] : memref<10240x64xf32, #tpu.memory_space<vmem_shared>> -> memref<10240x64xf32, #tpu.memory_space<vmem_shared>>
        tpu.wait_indirect_dma semaphore(%arg20 : memref<!tpu.dma_semaphore, #tpu.memory_space<semaphore_mem>>) src(%arg10 : memref<128x64xf32, #tpu.memory_space<vmem>>) dst(%dma_wait3A_295 : memref<10240x64xf32, #tpu.memory_space<vmem_shared>>)
        %add3A_296 = arith.constant 4 : i32
        %add3A_297 = arith.addi %add3A_231, %add3A_296 : i32
        %dma_start3A_298 = arith.constant 0 : i32
        %dma_start3A_299 = tpu.memref_slice %arg7[%add3A_297, %dma_start3A_298] : memref<112x128xi32, #tpu.memory_space<vmem>> -> memref<1x128xi32, #tpu.memory_space<vmem>>
        %dma_start3A_300 = tpu.memref_squeeze %dma_start3A_299 : memref<1x128xi32, #tpu.memory_space<vmem>> -> memref<128xi32, #tpu.memory_space<vmem>>
        %dma_start3A_301 = arith.constant 0 : i32
        %dma_start3A_302 = arith.constant 0 : i32
        %dma_start3A_303 = tpu.memref_slice %arg4[%dma_start3A_301, %dma_start3A_302] : memref<10000x64xf32, #tpu.memory_space<hbm>> -> memref<10000x64xf32, #tpu.memory_space<hbm>>
        tpu.enqueue_indirect_dma source(%dma_start3A_303 : memref<10000x64xf32, #tpu.memory_space<hbm>>) target(%arg10 : memref<128x64xf32, #tpu.memory_space<vmem>>) offsets(%dma_start3A_300 : memref<128xi32, #tpu.memory_space<vmem>>) semaphore(%arg16 : memref<!tpu.dma_semaphore, #tpu.memory_space<semaphore_mem>>)
      } else {
      }
      %add3A_250 = arith.constant 2 : i32
      %add3A_251 = arith.addi %add3A_212, %add3A_250 : i32
      %dma_wait3A_252 = arith.constant 0 : i32
      %dma_wait3A_253 = tpu.memref_slice %arg7[%add3A_251, %dma_wait3A_252] : memref<112x128xi32, #tpu.memory_space<vmem>> -> memref<1x128xi32, #tpu.memory_space<vmem>>
      %dma_wait3A_254 = tpu.memref_squeeze %dma_wait3A_253 : memref<1x128xi32, #tpu.memory_space<vmem>> -> memref<128xi32, #tpu.memory_space<vmem>>
      %dma_wait3A_255 = arith.constant 0 : i32
      %dma_wait3A_256 = arith.constant 0 : i32
      %dma_wait3A_257 = tpu.memref_slice %arg4[%dma_wait3A_255, %dma_wait3A_256] : memref<10000x64xf32, #tpu.memory_space<hbm>> -> memref<10000x64xf32, #tpu.memory_space<hbm>>
      tpu.wait_indirect_dma semaphore(%arg17 : memref<!tpu.dma_semaphore, #tpu.memory_space<semaphore_mem>>) src(%dma_wait3A_257 : memref<10000x64xf32, #tpu.memory_space<hbm>>) dst(%arg11 : memref<128x64xf32, #tpu.memory_space<vmem>>)
      %dma_start3A_258 = arith.constant 0 : i32
      %dma_start3A_259 = tpu.memref_slice %arg8[%add3A_251, %dma_start3A_258] : memref<112x128xi32, #tpu.memory_space<vmem>> -> memref<1x128xi32, #tpu.memory_space<vmem>>
      %dma_start3A_260 = tpu.memref_squeeze %dma_start3A_259 : memref<1x128xi32, #tpu.memory_space<vmem>> -> memref<128xi32, #tpu.memory_space<vmem>>
      %dma_start3A_261 = arith.constant 0 : i32
      %dma_start3A_262 = arith.constant 0 : i32
      %dma_start3A_263 = tpu.memref_slice %arg14[%dma_start3A_261, %dma_start3A_262] : memref<10240x64xf32, #tpu.memory_space<vmem_shared>> -> memref<10240x64xf32, #tpu.memory_space<vmem_shared>>
      tpu.enqueue_indirect_dma source(%arg11 : memref<128x64xf32, #tpu.memory_space<vmem>>) target(%dma_start3A_263 : memref<10240x64xf32, #tpu.memory_space<vmem_shared>>) offsets(%dma_start3A_260 : memref<128xi32, #tpu.memory_space<vmem>>) semaphore(%arg21 : memref<!tpu.dma_semaphore, #tpu.memory_space<semaphore_mem>>) {add = true}
      %add3A_264 = arith.constant 4 : i32
      %add3A_265 = arith.addi %add3A_251, %add3A_264 : i32
      %lt3A_266 = arith.cmpi slt, %add3A_265, %select_n3A : i32
      %convert_element_type3A_267 = arith.extui %lt3A_266 : i1 to i32
      %cond3A_268 = arith.constant 0 : i32
      %cond3A_269 = arith.cmpi ne, %convert_element_type3A_267, %cond3A_268 : i32
      scf.if %cond3A_269 {
        %dma_wait3A_290 = arith.constant 0 : i32
        %dma_wait3A_291 = tpu.memref_slice %arg8[%add3A_251, %dma_wait3A_290] : memref<112x128xi32, #tpu.memory_space<vmem>> -> memref<1x128xi32, #tpu.memory_space<vmem>>
        %dma_wait3A_292 = tpu.memref_squeeze %dma_wait3A_291 : memref<1x128xi32, #tpu.memory_space<vmem>> -> memref<128xi32, #tpu.memory_space<vmem>>
        %dma_wait3A_293 = arith.constant 0 : i32
        %dma_wait3A_294 = arith.constant 0 : i32
        %dma_wait3A_295 = tpu.memref_slice %arg14[%dma_wait3A_293, %dma_wait3A_294] : memref<10240x64xf32, #tpu.memory_space<vmem_shared>> -> memref<10240x64xf32, #tpu.memory_space<vmem_shared>>
        tpu.wait_indirect_dma semaphore(%arg21 : memref<!tpu.dma_semaphore, #tpu.memory_space<semaphore_mem>>) src(%arg11 : memref<128x64xf32, #tpu.memory_space<vmem>>) dst(%dma_wait3A_295 : memref<10240x64xf32, #tpu.memory_space<vmem_shared>>)
        %add3A_296 = arith.constant 4 : i32
        %add3A_297 = arith.addi %add3A_251, %add3A_296 : i32
        %dma_start3A_298 = arith.constant 0 : i32
        %dma_start3A_299 = tpu.memref_slice %arg7[%add3A_297, %dma_start3A_298] : memref<112x128xi32, #tpu.memory_space<vmem>> -> memref<1x128xi32, #tpu.memory_space<vmem>>
        %dma_start3A_300 = tpu.memref_squeeze %dma_start3A_299 : memref<1x128xi32, #tpu.memory_space<vmem>> -> memref<128xi32, #tpu.memory_space<vmem>>
        %dma_start3A_301 = arith.constant 0 : i32
        %dma_start3A_302 = arith.constant 0 : i32
        %dma_start3A_303 = tpu.memref_slice %arg4[%dma_start3A_301, %dma_start3A_302] : memref<10000x64xf32, #tpu.memory_space<hbm>> -> memref<10000x64xf32, #tpu.memory_space<hbm>>
        tpu.enqueue_indirect_dma source(%dma_start3A_303 : memref<10000x64xf32, #tpu.memory_space<hbm>>) target(%arg11 : memref<128x64xf32, #tpu.memory_space<vmem>>) offsets(%dma_start3A_300 : memref<128xi32, #tpu.memory_space<vmem>>) semaphore(%arg17 : memref<!tpu.dma_semaphore, #tpu.memory_space<semaphore_mem>>)
      } else {
      }
      %add3A_270 = arith.constant 3 : i32
      %add3A_271 = arith.addi %add3A_212, %add3A_270 : i32
      %dma_wait3A_272 = arith.constant 0 : i32
      %dma_wait3A_273 = tpu.memref_slice %arg7[%add3A_271, %dma_wait3A_272] : memref<112x128xi32, #tpu.memory_space<vmem>> -> memref<1x128xi32, #tpu.memory_space<vmem>>
      %dma_wait3A_274 = tpu.memref_squeeze %dma_wait3A_273 : memref<1x128xi32, #tpu.memory_space<vmem>> -> memref<128xi32, #tpu.memory_space<vmem>>
      %dma_wait3A_275 = arith.constant 0 : i32
      %dma_wait3A_276 = arith.constant 0 : i32
      %dma_wait3A_277 = tpu.memref_slice %arg4[%dma_wait3A_275, %dma_wait3A_276] : memref<10000x64xf32, #tpu.memory_space<hbm>> -> memref<10000x64xf32, #tpu.memory_space<hbm>>
      tpu.wait_indirect_dma semaphore(%arg18 : memref<!tpu.dma_semaphore, #tpu.memory_space<semaphore_mem>>) src(%dma_wait3A_277 : memref<10000x64xf32, #tpu.memory_space<hbm>>) dst(%arg12 : memref<128x64xf32, #tpu.memory_space<vmem>>)
      %dma_start3A_278 = arith.constant 0 : i32
      %dma_start3A_279 = tpu.memref_slice %arg8[%add3A_271, %dma_start3A_278] : memref<112x128xi32, #tpu.memory_space<vmem>> -> memref<1x128xi32, #tpu.memory_space<vmem>>
      %dma_start3A_280 = tpu.memref_squeeze %dma_start3A_279 : memref<1x128xi32, #tpu.memory_space<vmem>> -> memref<128xi32, #tpu.memory_space<vmem>>
      %dma_start3A_281 = arith.constant 0 : i32
      %dma_start3A_282 = arith.constant 0 : i32
      %dma_start3A_283 = tpu.memref_slice %arg14[%dma_start3A_281, %dma_start3A_282] : memref<10240x64xf32, #tpu.memory_space<vmem_shared>> -> memref<10240x64xf32, #tpu.memory_space<vmem_shared>>
      tpu.enqueue_indirect_dma source(%arg12 : memref<128x64xf32, #tpu.memory_space<vmem>>) target(%dma_start3A_283 : memref<10240x64xf32, #tpu.memory_space<vmem_shared>>) offsets(%dma_start3A_280 : memref<128xi32, #tpu.memory_space<vmem>>) semaphore(%arg22 : memref<!tpu.dma_semaphore, #tpu.memory_space<semaphore_mem>>) {add = true}
      %add3A_284 = arith.constant 4 : i32
      %add3A_285 = arith.addi %add3A_271, %add3A_284 : i32
      %lt3A_286 = arith.cmpi slt, %add3A_285, %select_n3A : i32
      %convert_element_type3A_287 = arith.extui %lt3A_286 : i1 to i32
      %cond3A_288 = arith.constant 0 : i32
      %cond3A_289 = arith.cmpi ne, %convert_element_type3A_287, %cond3A_288 : i32
      scf.if %cond3A_289 {
        %dma_wait3A_290 = arith.constant 0 : i32
        %dma_wait3A_291 = tpu.memref_slice %arg8[%add3A_271, %dma_wait3A_290] : memref<112x128xi32, #tpu.memory_space<vmem>> -> memref<1x128xi32, #tpu.memory_space<vmem>>
        %dma_wait3A_292 = tpu.memref_squeeze %dma_wait3A_291 : memref<1x128xi32, #tpu.memory_space<vmem>> -> memref<128xi32, #tpu.memory_space<vmem>>
        %dma_wait3A_293 = arith.constant 0 : i32
        %dma_wait3A_294 = arith.constant 0 : i32
        %dma_wait3A_295 = tpu.memref_slice %arg14[%dma_wait3A_293, %dma_wait3A_294] : memref<10240x64xf32, #tpu.memory_space<vmem_shared>> -> memref<10240x64xf32, #tpu.memory_space<vmem_shared>>
        tpu.wait_indirect_dma semaphore(%arg22 : memref<!tpu.dma_semaphore, #tpu.memory_space<semaphore_mem>>) src(%arg12 : memref<128x64xf32, #tpu.memory_space<vmem>>) dst(%dma_wait3A_295 : memref<10240x64xf32, #tpu.memory_space<vmem_shared>>)
        %add3A_296 = arith.constant 4 : i32
        %add3A_297 = arith.addi %add3A_271, %add3A_296 : i32
        %dma_start3A_298 = arith.constant 0 : i32
        %dma_start3A_299 = tpu.memref_slice %arg7[%add3A_297, %dma_start3A_298] : memref<112x128xi32, #tpu.memory_space<vmem>> -> memref<1x128xi32, #tpu.memory_space<vmem>>
        %dma_start3A_300 = tpu.memref_squeeze %dma_start3A_299 : memref<1x128xi32, #tpu.memory_space<vmem>> -> memref<128xi32, #tpu.memory_space<vmem>>
        %dma_start3A_301 = arith.constant 0 : i32
        %dma_start3A_302 = arith.constant 0 : i32
        %dma_start3A_303 = tpu.memref_slice %arg4[%dma_start3A_301, %dma_start3A_302] : memref<10000x64xf32, #tpu.memory_space<hbm>> -> memref<10000x64xf32, #tpu.memory_space<hbm>>
        tpu.enqueue_indirect_dma source(%dma_start3A_303 : memref<10000x64xf32, #tpu.memory_space<hbm>>) target(%arg12 : memref<128x64xf32, #tpu.memory_space<vmem>>) offsets(%dma_start3A_300 : memref<128xi32, #tpu.memory_space<vmem>>) semaphore(%arg18 : memref<!tpu.dma_semaphore, #tpu.memory_space<semaphore_mem>>)
      } else {
      }
    }
    %while3A_61 = arith.constant 1 : i32
    scf.for %while3A_210 = %while3A_59 to %while3A_55 step %while3A_61  : i32 {
      %mul3A_211 = arith.muli %while3A_210, %while3A : i32
      %add3A_212 = arith.addi %while3A_52, %mul3A_211 : i32
      %add3A_213 = arith.constant 0 : i32
      %add3A_214 = arith.addi %add3A_212, %add3A_213 : i32
      %dma_wait3A_215 = arith.constant 0 : i32
      %dma_wait3A_216 = tpu.memref_slice %arg7[%add3A_214, %dma_wait3A_215] : memref<112x128xi32, #tpu.memory_space<vmem>> -> memref<1x128xi32, #tpu.memory_space<vmem>>
      %dma_wait3A_217 = tpu.memref_squeeze %dma_wait3A_216 : memref<1x128xi32, #tpu.memory_space<vmem>> -> memref<128xi32, #tpu.memory_space<vmem>>
      %dma_wait3A_218 = arith.constant 0 : i32
      %dma_wait3A_219 = arith.constant 0 : i32
      %dma_wait3A_220 = tpu.memref_slice %arg4[%dma_wait3A_218, %dma_wait3A_219] : memref<10000x64xf32, #tpu.memory_space<hbm>> -> memref<10000x64xf32, #tpu.memory_space<hbm>>
      tpu.wait_indirect_dma semaphore(%arg15 : memref<!tpu.dma_semaphore, #tpu.memory_space<semaphore_mem>>) src(%dma_wait3A_220 : memref<10000x64xf32, #tpu.memory_space<hbm>>) dst(%arg9 : memref<128x64xf32, #tpu.memory_space<vmem>>)
      %dma_start3A_221 = arith.constant 0 : i32
      %dma_start3A_222 = tpu.memref_slice %arg8[%add3A_214, %dma_start3A_221] : memref<112x128xi32, #tpu.memory_space<vmem>> -> memref<1x128xi32, #tpu.memory_space<vmem>>
      %dma_start3A_223 = tpu.memref_squeeze %dma_start3A_222 : memref<1x128xi32, #tpu.memory_space<vmem>> -> memref<128xi32, #tpu.memory_space<vmem>>
      %dma_start3A_224 = arith.constant 0 : i32
      %dma_start3A_225 = arith.constant 0 : i32
      %dma_start3A_226 = tpu.memref_slice %arg14[%dma_start3A_224, %dma_start3A_225] : memref<10240x64xf32, #tpu.memory_space<vmem_shared>> -> memref<10240x64xf32, #tpu.memory_space<vmem_shared>>
      tpu.enqueue_indirect_dma source(%arg9 : memref<128x64xf32, #tpu.memory_space<vmem>>) target(%dma_start3A_226 : memref<10240x64xf32, #tpu.memory_space<vmem_shared>>) offsets(%dma_start3A_223 : memref<128xi32, #tpu.memory_space<vmem>>) semaphore(%arg19 : memref<!tpu.dma_semaphore, #tpu.memory_space<semaphore_mem>>) {add = true}
      %add3A_227 = arith.constant 4 : i32
      %add3A_228 = arith.addi %add3A_214, %add3A_227 : i32
      %lt3A = arith.cmpi slt, %add3A_228, %select_n3A : i32
      %convert_element_type3A = arith.extui %lt3A : i1 to i32
      %cond3A = arith.constant 0 : i32
      %cond3A_229 = arith.cmpi ne, %convert_element_type3A, %cond3A : i32
      scf.if %cond3A_229 {
        %dma_wait3A_290 = arith.constant 0 : i32
        %dma_wait3A_291 = tpu.memref_slice %arg8[%add3A_214, %dma_wait3A_290] : memref<112x128xi32, #tpu.memory_space<vmem>> -> memref<1x128xi32, #tpu.memory_space<vmem>>
        %dma_wait3A_292 = tpu.memref_squeeze %dma_wait3A_291 : memref<1x128xi32, #tpu.memory_space<vmem>> -> memref<128xi32, #tpu.memory_space<vmem>>
        %dma_wait3A_293 = arith.constant 0 : i32
        %dma_wait3A_294 = arith.constant 0 : i32
        %dma_wait3A_295 = tpu.memref_slice %arg14[%dma_wait3A_293, %dma_wait3A_294] : memref<10240x64xf32, #tpu.memory_space<vmem_shared>> -> memref<10240x64xf32, #tpu.memory_space<vmem_shared>>
        tpu.wait_indirect_dma semaphore(%arg19 : memref<!tpu.dma_semaphore, #tpu.memory_space<semaphore_mem>>) src(%arg9 : memref<128x64xf32, #tpu.memory_space<vmem>>) dst(%dma_wait3A_295 : memref<10240x64xf32, #tpu.memory_space<vmem_shared>>)
        %add3A_296 = arith.constant 4 : i32
        %add3A_297 = arith.addi %add3A_214, %add3A_296 : i32
        %dma_start3A_298 = arith.constant 0 : i32
        %dma_start3A_299 = tpu.memref_slice %arg7[%add3A_297, %dma_start3A_298] : memref<112x128xi32, #tpu.memory_space<vmem>> -> memref<1x128xi32, #tpu.memory_space<vmem>>
        %dma_start3A_300 = tpu.memref_squeeze %dma_start3A_299 : memref<1x128xi32, #tpu.memory_space<vmem>> -> memref<128xi32, #tpu.memory_space<vmem>>
        %dma_start3A_301 = arith.constant 0 : i32
        %dma_start3A_302 = arith.constant 0 : i32
        %dma_start3A_303 = tpu.memref_slice %arg4[%dma_start3A_301, %dma_start3A_302] : memref<10000x64xf32, #tpu.memory_space<hbm>> -> memref<10000x64xf32, #tpu.memory_space<hbm>>
        tpu.enqueue_indirect_dma source(%dma_start3A_303 : memref<10000x64xf32, #tpu.memory_space<hbm>>) target(%arg9 : memref<128x64xf32, #tpu.memory_space<vmem>>) offsets(%dma_start3A_300 : memref<128xi32, #tpu.memory_space<vmem>>) semaphore(%arg15 : memref<!tpu.dma_semaphore, #tpu.memory_space<semaphore_mem>>)
      } else {
      }
      %add3A_230 = arith.constant 1 : i32
      %add3A_231 = arith.addi %add3A_212, %add3A_230 : i32
      %dma_wait3A_232 = arith.constant 0 : i32
      %dma_wait3A_233 = tpu.memref_slice %arg7[%add3A_231, %dma_wait3A_232] : memref<112x128xi32, #tpu.memory_space<vmem>> -> memref<1x128xi32, #tpu.memory_space<vmem>>
      %dma_wait3A_234 = tpu.memref_squeeze %dma_wait3A_233 : memref<1x128xi32, #tpu.memory_space<vmem>> -> memref<128xi32, #tpu.memory_space<vmem>>
      %dma_wait3A_235 = arith.constant 0 : i32
      %dma_wait3A_236 = arith.constant 0 : i32
      %dma_wait3A_237 = tpu.memref_slice %arg4[%dma_wait3A_235, %dma_wait3A_236] : memref<10000x64xf32, #tpu.memory_space<hbm>> -> memref<10000x64xf32, #tpu.memory_space<hbm>>
      tpu.wait_indirect_dma semaphore(%arg16 : memref<!tpu.dma_semaphore, #tpu.memory_space<semaphore_mem>>) src(%dma_wait3A_237 : memref<10000x64xf32, #tpu.memory_space<hbm>>) dst(%arg10 : memref<128x64xf32, #tpu.memory_space<vmem>>)
      %dma_start3A_238 = arith.constant 0 : i32
      %dma_start3A_239 = tpu.memref_slice %arg8[%add3A_231, %dma_start3A_238] : memref<112x128xi32, #tpu.memory_space<vmem>> -> memref<1x128xi32, #tpu.memory_space<vmem>>
      %dma_start3A_240 = tpu.memref_squeeze %dma_start3A_239 : memref<1x128xi32, #tpu.memory_space<vmem>> -> memref<128xi32, #tpu.memory_space<vmem>>
      %dma_start3A_241 = arith.constant 0 : i32
      %dma_start3A_242 = arith.constant 0 : i32
      %dma_start3A_243 = tpu.memref_slice %arg14[%dma_start3A_241, %dma_start3A_242] : memref<10240x64xf32, #tpu.memory_space<vmem_shared>> -> memref<10240x64xf32, #tpu.memory_space<vmem_shared>>
      tpu.enqueue_indirect_dma source(%arg10 : memref<128x64xf32, #tpu.memory_space<vmem>>) target(%dma_start3A_243 : memref<10240x64xf32, #tpu.memory_space<vmem_shared>>) offsets(%dma_start3A_240 : memref<128xi32, #tpu.memory_space<vmem>>) semaphore(%arg20 : memref<!tpu.dma_semaphore, #tpu.memory_space<semaphore_mem>>) {add = true}
      %add3A_244 = arith.constant 4 : i32
      %add3A_245 = arith.addi %add3A_231, %add3A_244 : i32
      %lt3A_246 = arith.cmpi slt, %add3A_245, %select_n3A : i32
      %convert_element_type3A_247 = arith.extui %lt3A_246 : i1 to i32
      %cond3A_248 = arith.constant 0 : i32
      %cond3A_249 = arith.cmpi ne, %convert_element_type3A_247, %cond3A_248 : i32
      scf.if %cond3A_249 {
        %dma_wait3A_290 = arith.constant 0 : i32
        %dma_wait3A_291 = tpu.memref_slice %arg8[%add3A_231, %dma_wait3A_290] : memref<112x128xi32, #tpu.memory_space<vmem>> -> memref<1x128xi32, #tpu.memory_space<vmem>>
        %dma_wait3A_292 = tpu.memref_squeeze %dma_wait3A_291 : memref<1x128xi32, #tpu.memory_space<vmem>> -> memref<128xi32, #tpu.memory_space<vmem>>
        %dma_wait3A_293 = arith.constant 0 : i32
        %dma_wait3A_294 = arith.constant 0 : i32
        %dma_wait3A_295 = tpu.memref_slice %arg14[%dma_wait3A_293, %dma_wait3A_294] : memref<10240x64xf32, #tpu.memory_space<vmem_shared>> -> memref<10240x64xf32, #tpu.memory_space<vmem_shared>>
        tpu.wait_indirect_dma semaphore(%arg20 : memref<!tpu.dma_semaphore, #tpu.memory_space<semaphore_mem>>) src(%arg10 : memref<128x64xf32, #tpu.memory_space<vmem>>) dst(%dma_wait3A_295 : memref<10240x64xf32, #tpu.memory_space<vmem_shared>>)
        %add3A_296 = arith.constant 4 : i32
        %add3A_297 = arith.addi %add3A_231, %add3A_296 : i32
        %dma_start3A_298 = arith.constant 0 : i32
        %dma_start3A_299 = tpu.memref_slice %arg7[%add3A_297, %dma_start3A_298] : memref<112x128xi32, #tpu.memory_space<vmem>> -> memref<1x128xi32, #tpu.memory_space<vmem>>
        %dma_start3A_300 = tpu.memref_squeeze %dma_start3A_299 : memref<1x128xi32, #tpu.memory_space<vmem>> -> memref<128xi32, #tpu.memory_space<vmem>>
        %dma_start3A_301 = arith.constant 0 : i32
        %dma_start3A_302 = arith.constant 0 : i32
        %dma_start3A_303 = tpu.memref_slice %arg4[%dma_start3A_301, %dma_start3A_302] : memref<10000x64xf32, #tpu.memory_space<hbm>> -> memref<10000x64xf32, #tpu.memory_space<hbm>>
        tpu.enqueue_indirect_dma source(%dma_start3A_303 : memref<10000x64xf32, #tpu.memory_space<hbm>>) target(%arg10 : memref<128x64xf32, #tpu.memory_space<vmem>>) offsets(%dma_start3A_300 : memref<128xi32, #tpu.memory_space<vmem>>) semaphore(%arg16 : memref<!tpu.dma_semaphore, #tpu.memory_space<semaphore_mem>>)
      } else {
      }
      %add3A_250 = arith.constant 2 : i32
      %add3A_251 = arith.addi %add3A_212, %add3A_250 : i32
      %dma_wait3A_252 = arith.constant 0 : i32
      %dma_wait3A_253 = tpu.memref_slice %arg7[%add3A_251, %dma_wait3A_252] : memref<112x128xi32, #tpu.memory_space<vmem>> -> memref<1x128xi32, #tpu.memory_space<vmem>>
      %dma_wait3A_254 = tpu.memref_squeeze %dma_wait3A_253 : memref<1x128xi32, #tpu.memory_space<vmem>> -> memref<128xi32, #tpu.memory_space<vmem>>
      %dma_wait3A_255 = arith.constant 0 : i32
      %dma_wait3A_256 = arith.constant 0 : i32
      %dma_wait3A_257 = tpu.memref_slice %arg4[%dma_wait3A_255, %dma_wait3A_256] : memref<10000x64xf32, #tpu.memory_space<hbm>> -> memref<10000x64xf32, #tpu.memory_space<hbm>>
      tpu.wait_indirect_dma semaphore(%arg17 : memref<!tpu.dma_semaphore, #tpu.memory_space<semaphore_mem>>) src(%dma_wait3A_257 : memref<10000x64xf32, #tpu.memory_space<hbm>>) dst(%arg11 : memref<128x64xf32, #tpu.memory_space<vmem>>)
      %dma_start3A_258 = arith.constant 0 : i32
      %dma_start3A_259 = tpu.memref_slice %arg8[%add3A_251, %dma_start3A_258] : memref<112x128xi32, #tpu.memory_space<vmem>> -> memref<1x128xi32, #tpu.memory_space<vmem>>
      %dma_start3A_260 = tpu.memref_squeeze %dma_start3A_259 : memref<1x128xi32, #tpu.memory_space<vmem>> -> memref<128xi32, #tpu.memory_space<vmem>>
      %dma_start3A_261 = arith.constant 0 : i32
      %dma_start3A_262 = arith.constant 0 : i32
      %dma_start3A_263 = tpu.memref_slice %arg14[%dma_start3A_261, %dma_start3A_262] : memref<10240x64xf32, #tpu.memory_space<vmem_shared>> -> memref<10240x64xf32, #tpu.memory_space<vmem_shared>>
      tpu.enqueue_indirect_dma source(%arg11 : memref<128x64xf32, #tpu.memory_space<vmem>>) target(%dma_start3A_263 : memref<10240x64xf32, #tpu.memory_space<vmem_shared>>) offsets(%dma_start3A_260 : memref<128xi32, #tpu.memory_space<vmem>>) semaphore(%arg21 : memref<!tpu.dma_semaphore, #tpu.memory_space<semaphore_mem>>) {add = true}
      %add3A_264 = arith.constant 4 : i32
      %add3A_265 = arith.addi %add3A_251, %add3A_264 : i32
      %lt3A_266 = arith.cmpi slt, %add3A_265, %select_n3A : i32
      %convert_element_type3A_267 = arith.extui %lt3A_266 : i1 to i32
      %cond3A_268 = arith.constant 0 : i32
      %cond3A_269 = arith.cmpi ne, %convert_element_type3A_267, %cond3A_268 : i32
      scf.if %cond3A_269 {
        %dma_wait3A_290 = arith.constant 0 : i32
        %dma_wait3A_291 = tpu.memref_slice %arg8[%add3A_251, %dma_wait3A_290] : memref<112x128xi32, #tpu.memory_space<vmem>> -> memref<1x128xi32, #tpu.memory_space<vmem>>
        %dma_wait3A_292 = tpu.memref_squeeze %dma_wait3A_291 : memref<1x128xi32, #tpu.memory_space<vmem>> -> memref<128xi32, #tpu.memory_space<vmem>>
        %dma_wait3A_293 = arith.constant 0 : i32
        %dma_wait3A_294 = arith.constant 0 : i32
        %dma_wait3A_295 = tpu.memref_slice %arg14[%dma_wait3A_293, %dma_wait3A_294] : memref<10240x64xf32, #tpu.memory_space<vmem_shared>> -> memref<10240x64xf32, #tpu.memory_space<vmem_shared>>
        tpu.wait_indirect_dma semaphore(%arg21 : memref<!tpu.dma_semaphore, #tpu.memory_space<semaphore_mem>>) src(%arg11 : memref<128x64xf32, #tpu.memory_space<vmem>>) dst(%dma_wait3A_295 : memref<10240x64xf32, #tpu.memory_space<vmem_shared>>)
        %add3A_296 = arith.constant 4 : i32
        %add3A_297 = arith.addi %add3A_251, %add3A_296 : i32
        %dma_start3A_298 = arith.constant 0 : i32
        %dma_start3A_299 = tpu.memref_slice %arg7[%add3A_297, %dma_start3A_298] : memref<112x128xi32, #tpu.memory_space<vmem>> -> memref<1x128xi32, #tpu.memory_space<vmem>>
        %dma_start3A_300 = tpu.memref_squeeze %dma_start3A_299 : memref<1x128xi32, #tpu.memory_space<vmem>> -> memref<128xi32, #tpu.memory_space<vmem>>
        %dma_start3A_301 = arith.constant 0 : i32
        %dma_start3A_302 = arith.constant 0 : i32
        %dma_start3A_303 = tpu.memref_slice %arg4[%dma_start3A_301, %dma_start3A_302] : memref<10000x64xf32, #tpu.memory_space<hbm>> -> memref<10000x64xf32, #tpu.memory_space<hbm>>
        tpu.enqueue_indirect_dma source(%dma_start3A_303 : memref<10000x64xf32, #tpu.memory_space<hbm>>) target(%arg11 : memref<128x64xf32, #tpu.memory_space<vmem>>) offsets(%dma_start3A_300 : memref<128xi32, #tpu.memory_space<vmem>>) semaphore(%arg17 : memref<!tpu.dma_semaphore, #tpu.memory_space<semaphore_mem>>)
      } else {
      }
      %add3A_270 = arith.constant 3 : i32
      %add3A_271 = arith.addi %add3A_212, %add3A_270 : i32
      %dma_wait3A_272 = arith.constant 0 : i32
      %dma_wait3A_273 = tpu.memref_slice %arg7[%add3A_271, %dma_wait3A_272] : memref<112x128xi32, #tpu.memory_space<vmem>> -> memref<1x128xi32, #tpu.memory_space<vmem>>
      %dma_wait3A_274 = tpu.memref_squeeze %dma_wait3A_273 : memref<1x128xi32, #tpu.memory_space<vmem>> -> memref<128xi32, #tpu.memory_space<vmem>>
      %dma_wait3A_275 = arith.constant 0 : i32
      %dma_wait3A_276 = arith.constant 0 : i32
      %dma_wait3A_277 = tpu.memref_slice %arg4[%dma_wait3A_275, %dma_wait3A_276] : memref<10000x64xf32, #tpu.memory_space<hbm>> -> memref<10000x64xf32, #tpu.memory_space<hbm>>
      tpu.wait_indirect_dma semaphore(%arg18 : memref<!tpu.dma_semaphore, #tpu.memory_space<semaphore_mem>>) src(%dma_wait3A_277 : memref<10000x64xf32, #tpu.memory_space<hbm>>) dst(%arg12 : memref<128x64xf32, #tpu.memory_space<vmem>>)
      %dma_start3A_278 = arith.constant 0 : i32
      %dma_start3A_279 = tpu.memref_slice %arg8[%add3A_271, %dma_start3A_278] : memref<112x128xi32, #tpu.memory_space<vmem>> -> memref<1x128xi32, #tpu.memory_space<vmem>>
      %dma_start3A_280 = tpu.memref_squeeze %dma_start3A_279 : memref<1x128xi32, #tpu.memory_space<vmem>> -> memref<128xi32, #tpu.memory_space<vmem>>
      %dma_start3A_281 = arith.constant 0 : i32
      %dma_start3A_282 = arith.constant 0 : i32
      %dma_start3A_283 = tpu.memref_slice %arg14[%dma_start3A_281, %dma_start3A_282] : memref<10240x64xf32, #tpu.memory_space<vmem_shared>> -> memref<10240x64xf32, #tpu.memory_space<vmem_shared>>
      tpu.enqueue_indirect_dma source(%arg12 : memref<128x64xf32, #tpu.memory_space<vmem>>) target(%dma_start3A_283 : memref<10240x64xf32, #tpu.memory_space<vmem_shared>>) offsets(%dma_start3A_280 : memref<128xi32, #tpu.memory_space<vmem>>) semaphore(%arg22 : memref<!tpu.dma_semaphore, #tpu.memory_space<semaphore_mem>>) {add = true}
      %add3A_284 = arith.constant 4 : i32
      %add3A_285 = arith.addi %add3A_271, %add3A_284 : i32
      %lt3A_286 = arith.cmpi slt, %add3A_285, %select_n3A : i32
      %convert_element_type3A_287 = arith.extui %lt3A_286 : i1 to i32
      %cond3A_288 = arith.constant 0 : i32
      %cond3A_289 = arith.cmpi ne, %convert_element_type3A_287, %cond3A_288 : i32
      scf.if %cond3A_289 {
        %dma_wait3A_290 = arith.constant 0 : i32
        %dma_wait3A_291 = tpu.memref_slice %arg8[%add3A_271, %dma_wait3A_290] : memref<112x128xi32, #tpu.memory_space<vmem>> -> memref<1x128xi32, #tpu.memory_space<vmem>>
        %dma_wait3A_292 = tpu.memref_squeeze %dma_wait3A_291 : memref<1x128xi32, #tpu.memory_space<vmem>> -> memref<128xi32, #tpu.memory_space<vmem>>
        %dma_wait3A_293 = arith.constant 0 : i32
        %dma_wait3A_294 = arith.constant 0 : i32
        %dma_wait3A_295 = tpu.memref_slice %arg14[%dma_wait3A_293, %dma_wait3A_294] : memref<10240x64xf32, #tpu.memory_space<vmem_shared>> -> memref<10240x64xf32, #tpu.memory_space<vmem_shared>>
        tpu.wait_indirect_dma semaphore(%arg22 : memref<!tpu.dma_semaphore, #tpu.memory_space<semaphore_mem>>) src(%arg12 : memref<128x64xf32, #tpu.memory_space<vmem>>) dst(%dma_wait3A_295 : memref<10240x64xf32, #tpu.memory_space<vmem_shared>>)
        %add3A_296 = arith.constant 4 : i32
        %add3A_297 = arith.addi %add3A_271, %add3A_296 : i32
        %dma_start3A_298 = arith.constant 0 : i32
        %dma_start3A_299 = tpu.memref_slice %arg7[%add3A_297, %dma_start3A_298] : memref<112x128xi32, #tpu.memory_space<vmem>> -> memref<1x128xi32, #tpu.memory_space<vmem>>
        %dma_start3A_300 = tpu.memref_squeeze %dma_start3A_299 : memref<1x128xi32, #tpu.memory_space<vmem>> -> memref<128xi32, #tpu.memory_space<vmem>>
        %dma_start3A_301 = arith.constant 0 : i32
        %dma_start3A_302 = arith.constant 0 : i32
        %dma_start3A_303 = tpu.memref_slice %arg4[%dma_start3A_301, %dma_start3A_302] : memref<10000x64xf32, #tpu.memory_space<hbm>> -> memref<10000x64xf32, #tpu.memory_space<hbm>>
        tpu.enqueue_indirect_dma source(%dma_start3A_303 : memref<10000x64xf32, #tpu.memory_space<hbm>>) target(%arg12 : memref<128x64xf32, #tpu.memory_space<vmem>>) offsets(%dma_start3A_300 : memref<128xi32, #tpu.memory_space<vmem>>) semaphore(%arg18 : memref<!tpu.dma_semaphore, #tpu.memory_space<semaphore_mem>>)
      } else {
      }
    }
    %sub3A_62 = arith.constant 4 : i32
    %sub3A_63 = arith.subi %select_n3A, %sub3A_62 : i32
    %add3A_64 = arith.constant 0 : i32
    %add3A_65 = arith.addi %sub3A_63, %add3A_64 : i32
    %dma_wait3A = arith.constant 0 : i32
    %dma_wait3A_66 = tpu.memref_slice %arg8[%add3A_65, %dma_wait3A] : memref<112x128xi32, #tpu.memory_space<vmem>> -> memref<1x128xi32, #tpu.memory_space<vmem>>
    %dma_wait3A_67 = tpu.memref_squeeze %dma_wait3A_66 : memref<1x128xi32, #tpu.memory_space<vmem>> -> memref<128xi32, #tpu.memory_space<vmem>>
    %dma_wait3A_68 = arith.constant 0 : i32
    %dma_wait3A_69 = arith.constant 0 : i32
    %dma_wait3A_70 = tpu.memref_slice %arg14[%dma_wait3A_68, %dma_wait3A_69] : memref<10240x64xf32, #tpu.memory_space<vmem_shared>> -> memref<10240x64xf32, #tpu.memory_space<vmem_shared>>
    tpu.wait_indirect_dma semaphore(%arg19 : memref<!tpu.dma_semaphore, #tpu.memory_space<semaphore_mem>>) src(%arg9 : memref<128x64xf32, #tpu.memory_space<vmem>>) dst(%dma_wait3A_70 : memref<10240x64xf32, #tpu.memory_space<vmem_shared>>)
    %sub3A_71 = arith.constant 4 : i32
    %sub3A_72 = arith.subi %select_n3A, %sub3A_71 : i32
    %add3A_73 = arith.constant 1 : i32
    %add3A_74 = arith.addi %sub3A_72, %add3A_73 : i32
    %dma_wait3A_75 = arith.constant 0 : i32
    %dma_wait3A_76 = tpu.memref_slice %arg8[%add3A_74, %dma_wait3A_75] : memref<112x128xi32, #tpu.memory_space<vmem>> -> memref<1x128xi32, #tpu.memory_space<vmem>>
    %dma_wait3A_77 = tpu.memref_squeeze %dma_wait3A_76 : memref<1x128xi32, #tpu.memory_space<vmem>> -> memref<128xi32, #tpu.memory_space<vmem>>
    %dma_wait3A_78 = arith.constant 0 : i32
    %dma_wait3A_79 = arith.constant 0 : i32
    %dma_wait3A_80 = tpu.memref_slice %arg14[%dma_wait3A_78, %dma_wait3A_79] : memref<10240x64xf32, #tpu.memory_space<vmem_shared>> -> memref<10240x64xf32, #tpu.memory_space<vmem_shared>>
    tpu.wait_indirect_dma semaphore(%arg20 : memref<!tpu.dma_semaphore, #tpu.memory_space<semaphore_mem>>) src(%arg10 : memref<128x64xf32, #tpu.memory_space<vmem>>) dst(%dma_wait3A_80 : memref<10240x64xf32, #tpu.memory_space<vmem_shared>>)
    %sub3A_81 = arith.constant 4 : i32
    %sub3A_82 = arith.subi %select_n3A, %sub3A_81 : i32
    %add3A_83 = arith.constant 2 : i32
    %add3A_84 = arith.addi %sub3A_82, %add3A_83 : i32
    %dma_wait3A_85 = arith.constant 0 : i32
    %dma_wait3A_86 = tpu.memref_slice %arg8[%add3A_84, %dma_wait3A_85] : memref<112x128xi32, #tpu.memory_space<vmem>> -> memref<1x128xi32, #tpu.memory_space<vmem>>
    %dma_wait3A_87 = tpu.memref_squeeze %dma_wait3A_86 : memref<1x128xi32, #tpu.memory_space<vmem>> -> memref<128xi32, #tpu.memory_space<vmem>>
    %dma_wait3A_88 = arith.constant 0 : i32
    %dma_wait3A_89 = arith.constant 0 : i32
    %dma_wait3A_90 = tpu.memref_slice %arg14[%dma_wait3A_88, %dma_wait3A_89] : memref<10240x64xf32, #tpu.memory_space<vmem_shared>> -> memref<10240x64xf32, #tpu.memory_space<vmem_shared>>
    tpu.wait_indirect_dma semaphore(%arg21 : memref<!tpu.dma_semaphore, #tpu.memory_space<semaphore_mem>>) src(%arg11 : memref<128x64xf32, #tpu.memory_space<vmem>>) dst(%dma_wait3A_90 : memref<10240x64xf32, #tpu.memory_space<vmem_shared>>)
    %sub3A_91 = arith.constant 4 : i32
    %sub3A_92 = arith.subi %select_n3A, %sub3A_91 : i32
    %add3A_93 = arith.constant 3 : i32
    %add3A_94 = arith.addi %sub3A_92, %add3A_93 : i32
    %dma_wait3A_95 = arith.constant 0 : i32
    %dma_wait3A_96 = tpu.memref_slice %arg8[%add3A_94, %dma_wait3A_95] : memref<112x128xi32, #tpu.memory_space<vmem>> -> memref<1x128xi32, #tpu.memory_space<vmem>>
    %dma_wait3A_97 = tpu.memref_squeeze %dma_wait3A_96 : memref<1x128xi32, #tpu.memory_space<vmem>> -> memref<128xi32, #tpu.memory_space<vmem>>
    %dma_wait3A_98 = arith.constant 0 : i32
    %dma_wait3A_99 = arith.constant 0 : i32
    %dma_wait3A_100 = tpu.memref_slice %arg14[%dma_wait3A_98, %dma_wait3A_99] : memref<10240x64xf32, #tpu.memory_space<vmem_shared>> -> memref<10240x64xf32, #tpu.memory_space<vmem_shared>>
    tpu.wait_indirect_dma semaphore(%arg22 : memref<!tpu.dma_semaphore, #tpu.memory_space<semaphore_mem>>) src(%arg12 : memref<128x64xf32, #tpu.memory_space<vmem>>) dst(%dma_wait3A_100 : memref<10240x64xf32, #tpu.memory_space<vmem_shared>>)
    %barrier3A_101 = arith.constant 0 : index
    tpu.barrier barrier_id(%barrier3A_101)
    %mul3A_102 = arith.constant 640 : i32
    %mul3A_103 = arith.muli %arg1, %mul3A_102 : i32
    %mul3A_104 = arith.constant 640 : i32
    %mul3A_105 = arith.muli %arg1, %mul3A_104 : i32
    %run_scoped3A = arith.constant 0 : i32
    "tpu.region"() ({
      %run_scoped3A_210 = tpu.sem_alloc : memref<!tpu.dma_semaphore, #tpu.memory_space<semaphore_mem>>
      %dma_start3A_211 = arith.constant 0 : i32
      %dma_start3A_212 = tpu.memref_slice %arg6[%run_scoped3A, %arg0, %mul3A_105, %dma_start3A_211] : memref<2x2x10240x64xf32, #tpu.memory_space<hbm>> -> memref<1x1x640x64xf32, #tpu.memory_space<hbm>>
      %dma_start3A_213 = tpu.memref_squeeze %dma_start3A_212 : memref<1x1x640x64xf32, #tpu.memory_space<hbm>> -> memref<640x64xf32, #tpu.memory_space<hbm>>
      %dma_start3A_214 = arith.constant 0 : i32
      %dma_start3A_215 = tpu.memref_slice %arg14[%mul3A_103, %dma_start3A_214] : memref<10240x64xf32, #tpu.memory_space<vmem_shared>> -> memref<640x64xf32, #tpu.memory_space<vmem_shared>>
      tpu.enqueue_dma source(%dma_start3A_215 : memref<640x64xf32, #tpu.memory_space<vmem_shared>>) target(%dma_start3A_213 : memref<640x64xf32, #tpu.memory_space<hbm>>) target_semaphore(%run_scoped3A_210 : memref<!tpu.dma_semaphore, #tpu.memory_space<semaphore_mem>>)
      %dma_wait3A_216 = arith.constant 0 : i32
      %dma_wait3A_217 = tpu.memref_slice %arg6[%run_scoped3A, %arg0, %mul3A_105, %dma_wait3A_216] : memref<2x2x10240x64xf32, #tpu.memory_space<hbm>> -> memref<1x1x640x64xf32, #tpu.memory_space<hbm>>
      %dma_wait3A_218 = tpu.memref_squeeze %dma_wait3A_217 : memref<1x1x640x64xf32, #tpu.memory_space<hbm>> -> memref<640x64xf32, #tpu.memory_space<hbm>>
      %dma_wait3A_219 = arith.constant 0 : i32
      %dma_wait3A_220 = tpu.memref_slice %arg14[%mul3A_103, %dma_wait3A_219] : memref<10240x64xf32, #tpu.memory_space<vmem_shared>> -> memref<640x64xf32, #tpu.memory_space<vmem_shared>>
      tpu.wait_dma2 semaphore(%run_scoped3A_210 : memref<!tpu.dma_semaphore, #tpu.memory_space<semaphore_mem>>) src(%dma_wait3A_220 : memref<640x64xf32, #tpu.memory_space<vmem_shared>>) dst(%dma_wait3A_218 : memref<640x64xf32, #tpu.memory_space<hbm>>)
      tpu.yield
    }) : () -> ()
    %scan3A_106 = arith.constant 0 : i32
    %scan3A_107 = arith.constant 40 : i32
    %scan3A_108 = arith.addi %scan3A_106, %scan3A_107 : i32
    %scan3A_109 = arith.constant 1 : i32
    scf.for %scan3A_210 = %scan3A_106 to %scan3A_108 step %scan3A_109  : i32 {
      %mul3A_211 = arith.constant 16 : i32
      %mul3A_212 = arith.muli %scan3A_210, %mul3A_211 : i32
      %add3A_213 = arith.constant 0 : i32
      %add3A_214 = arith.addi %add3A_213, %mul3A_212 : i32
      %mul3A_215 = arith.constant 640 : i32
      %mul3A_216 = arith.muli %arg1, %mul3A_215 : i32
      %add3A_217 = arith.addi %mul3A_216, %add3A_214 : i32
      %dma_start3A_218 = arith.constant 0 : i32
      %dma_start3A_219 = tpu.memref_slice %arg14[%add3A_217, %dma_start3A_218] : memref<10240x64xf32, #tpu.memory_space<vmem_shared>> -> memref<16x64xf32, #tpu.memory_space<vmem_shared>>
      %dma_start3A_220 = arith.constant 0 : i32
      %dma_start3A_221 = tpu.memref_slice %arg14[%add3A_217, %dma_start3A_220] : memref<10240x64xf32, #tpu.memory_space<vmem_shared>> -> memref<16x64xf32, #tpu.memory_space<vmem_shared>>
      tpu.enqueue_dma source(%arg13 : memref<16x64xf32, #tpu.memory_space<vmem>>) target(%dma_start3A_221 : memref<16x64xf32, #tpu.memory_space<vmem_shared>>) target_semaphore(%arg15 : memref<!tpu.dma_semaphore, #tpu.memory_space<semaphore_mem>>)
    }
    %scan3A_110 = arith.constant 40 : i32
    %scan3A_111 = arith.constant 0 : i32
    %scan3A_112 = arith.constant 40 : i32
    %scan3A_113 = arith.addi %scan3A_111, %scan3A_112 : i32
    %scan3A_114 = arith.constant 1 : i32
    scf.for %scan3A_210 = %scan3A_111 to %scan3A_113 step %scan3A_114  : i32 {
      %mul3A_211 = arith.constant 16 : i32
      %mul3A_212 = arith.muli %scan3A_210, %mul3A_211 : i32
      %add3A_213 = arith.constant 0 : i32
      %add3A_214 = arith.addi %add3A_213, %mul3A_212 : i32
      %mul3A_215 = arith.constant 640 : i32
      %mul3A_216 = arith.muli %arg1, %mul3A_215 : i32
      %add3A_217 = arith.addi %mul3A_216, %add3A_214 : i32
      %dma_wait3A_218 = arith.constant 0 : i32
      %dma_wait3A_219 = tpu.memref_slice %arg14[%add3A_217, %dma_wait3A_218] : memref<10240x64xf32, #tpu.memory_space<vmem_shared>> -> memref<16x64xf32, #tpu.memory_space<vmem_shared>>
      %dma_wait3A_220 = arith.constant 0 : i32
      %dma_wait3A_221 = tpu.memref_slice %arg14[%add3A_217, %dma_wait3A_220] : memref<10240x64xf32, #tpu.memory_space<vmem_shared>> -> memref<16x64xf32, #tpu.memory_space<vmem_shared>>
      tpu.wait_dma2 semaphore(%arg15 : memref<!tpu.dma_semaphore, #tpu.memory_space<semaphore_mem>>) src(%arg13 : memref<16x64xf32, #tpu.memory_space<vmem>>) dst(%dma_wait3A_221 : memref<16x64xf32, #tpu.memory_space<vmem_shared>>)
    }
    %scan3A_115 = arith.constant 40 : i32
    %barrier3A_116 = arith.constant 0 : index
    tpu.barrier barrier_id(%barrier3A_116)
    %dma_start3A_117 = arith.constant 0 : i32
    %dma_start3A_118 = arith.constant 0 : i32
    %dma_start3A_119 = tpu.memref_slice %arg7[%dma_start3A_117, %dma_start3A_118] : memref<112x128xi32, #tpu.memory_space<vmem>> -> memref<1x128xi32, #tpu.memory_space<vmem>>
    %dma_start3A_120 = tpu.memref_squeeze %dma_start3A_119 : memref<1x128xi32, #tpu.memory_space<vmem>> -> memref<128xi32, #tpu.memory_space<vmem>>
    %dma_start3A_121 = arith.constant 0 : i32
    %dma_start3A_122 = arith.constant 0 : i32
    %dma_start3A_123 = tpu.memref_slice %arg5[%dma_start3A_121, %dma_start3A_122] : memref<10000x64xf32, #tpu.memory_space<hbm>> -> memref<10000x64xf32, #tpu.memory_space<hbm>>
    tpu.enqueue_indirect_dma source(%dma_start3A_123 : memref<10000x64xf32, #tpu.memory_space<hbm>>) target(%arg9 : memref<128x64xf32, #tpu.memory_space<vmem>>) offsets(%dma_start3A_120 : memref<128xi32, #tpu.memory_space<vmem>>) semaphore(%arg15 : memref<!tpu.dma_semaphore, #tpu.memory_space<semaphore_mem>>)
    %dma_start3A_124 = arith.constant 1 : i32
    %dma_start3A_125 = arith.constant 0 : i32
    %dma_start3A_126 = tpu.memref_slice %arg7[%dma_start3A_124, %dma_start3A_125] : memref<112x128xi32, #tpu.memory_space<vmem>> -> memref<1x128xi32, #tpu.memory_space<vmem>>
    %dma_start3A_127 = tpu.memref_squeeze %dma_start3A_126 : memref<1x128xi32, #tpu.memory_space<vmem>> -> memref<128xi32, #tpu.memory_space<vmem>>
    %dma_start3A_128 = arith.constant 0 : i32
    %dma_start3A_129 = arith.constant 0 : i32
    %dma_start3A_130 = tpu.memref_slice %arg5[%dma_start3A_128, %dma_start3A_129] : memref<10000x64xf32, #tpu.memory_space<hbm>> -> memref<10000x64xf32, #tpu.memory_space<hbm>>
    tpu.enqueue_indirect_dma source(%dma_start3A_130 : memref<10000x64xf32, #tpu.memory_space<hbm>>) target(%arg10 : memref<128x64xf32, #tpu.memory_space<vmem>>) offsets(%dma_start3A_127 : memref<128xi32, #tpu.memory_space<vmem>>) semaphore(%arg16 : memref<!tpu.dma_semaphore, #tpu.memory_space<semaphore_mem>>)
    %dma_start3A_131 = arith.constant 2 : i32
    %dma_start3A_132 = arith.constant 0 : i32
    %dma_start3A_133 = tpu.memref_slice %arg7[%dma_start3A_131, %dma_start3A_132] : memref<112x128xi32, #tpu.memory_space<vmem>> -> memref<1x128xi32, #tpu.memory_space<vmem>>
    %dma_start3A_134 = tpu.memref_squeeze %dma_start3A_133 : memref<1x128xi32, #tpu.memory_space<vmem>> -> memref<128xi32, #tpu.memory_space<vmem>>
    %dma_start3A_135 = arith.constant 0 : i32
    %dma_start3A_136 = arith.constant 0 : i32
    %dma_start3A_137 = tpu.memref_slice %arg5[%dma_start3A_135, %dma_start3A_136] : memref<10000x64xf32, #tpu.memory_space<hbm>> -> memref<10000x64xf32, #tpu.memory_space<hbm>>
    tpu.enqueue_indirect_dma source(%dma_start3A_137 : memref<10000x64xf32, #tpu.memory_space<hbm>>) target(%arg11 : memref<128x64xf32, #tpu.memory_space<vmem>>) offsets(%dma_start3A_134 : memref<128xi32, #tpu.memory_space<vmem>>) semaphore(%arg17 : memref<!tpu.dma_semaphore, #tpu.memory_space<semaphore_mem>>)
    %dma_start3A_138 = arith.constant 3 : i32
    %dma_start3A_139 = arith.constant 0 : i32
    %dma_start3A_140 = tpu.memref_slice %arg7[%dma_start3A_138, %dma_start3A_139] : memref<112x128xi32, #tpu.memory_space<vmem>> -> memref<1x128xi32, #tpu.memory_space<vmem>>
    %dma_start3A_141 = tpu.memref_squeeze %dma_start3A_140 : memref<1x128xi32, #tpu.memory_space<vmem>> -> memref<128xi32, #tpu.memory_space<vmem>>
    %dma_start3A_142 = arith.constant 0 : i32
    %dma_start3A_143 = arith.constant 0 : i32
    %dma_start3A_144 = tpu.memref_slice %arg5[%dma_start3A_142, %dma_start3A_143] : memref<10000x64xf32, #tpu.memory_space<hbm>> -> memref<10000x64xf32, #tpu.memory_space<hbm>>
    tpu.enqueue_indirect_dma source(%dma_start3A_144 : memref<10000x64xf32, #tpu.memory_space<hbm>>) target(%arg12 : memref<128x64xf32, #tpu.memory_space<vmem>>) offsets(%dma_start3A_141 : memref<128xi32, #tpu.memory_space<vmem>>) semaphore(%arg18 : memref<!tpu.dma_semaphore, #tpu.memory_space<semaphore_mem>>)
    %sub3A_145 = arith.constant 0 : i32
    %sub3A_146 = arith.subi %select_n3A, %sub3A_145 : i32
    %sub3A_147 = arith.constant 4 : i32
    %sub3A_148 = arith.constant 1 : i32
    %sub3A_149 = arith.subi %sub3A_147, %sub3A_148 : i32
    %add3A_150 = arith.addi %sub3A_146, %sub3A_149 : i32
    %div3A_151 = arith.constant 4 : i32
    %div3A_152 = arith.divsi %add3A_150, %div3A_151 : i32
    %while3A_153 = arith.constant 4 : i32
    %while3A_154 = arith.constant 0 : i32
    %while3A_155 = arith.constant 0 : i32
    %while3A_156 = arith.subi %div3A_152, %while3A_155 : i32
    %while3A_157 = arith.addi %while3A_155, %while3A_156 : i32
    %while3A_158 = arith.constant 1 : i32
    %while3A_159 = arith.divsi %while3A_156, %while3A_158 : i32
    %while3A_160 = arith.muli %while3A_159, %while3A_158 : i32
    %while3A_161 = arith.addi %while3A_155, %while3A_160 : i32
    %while3A_162 = arith.constant 1 : i32
    scf.for %while3A_210 = %while3A_155 to %while3A_161 step %while3A_162  : i32 {
      %mul3A_211 = arith.muli %while3A_210, %while3A_153 : i32
      %add3A_212 = arith.addi %while3A_154, %mul3A_211 : i32
      %add3A_213 = arith.constant 0 : i32
      %add3A_214 = arith.addi %add3A_212, %add3A_213 : i32
      %dma_wait3A_215 = arith.constant 0 : i32
      %dma_wait3A_216 = tpu.memref_slice %arg7[%add3A_214, %dma_wait3A_215] : memref<112x128xi32, #tpu.memory_space<vmem>> -> memref<1x128xi32, #tpu.memory_space<vmem>>
      %dma_wait3A_217 = tpu.memref_squeeze %dma_wait3A_216 : memref<1x128xi32, #tpu.memory_space<vmem>> -> memref<128xi32, #tpu.memory_space<vmem>>
      %dma_wait3A_218 = arith.constant 0 : i32
      %dma_wait3A_219 = arith.constant 0 : i32
      %dma_wait3A_220 = tpu.memref_slice %arg5[%dma_wait3A_218, %dma_wait3A_219] : memref<10000x64xf32, #tpu.memory_space<hbm>> -> memref<10000x64xf32, #tpu.memory_space<hbm>>
      tpu.wait_indirect_dma semaphore(%arg15 : memref<!tpu.dma_semaphore, #tpu.memory_space<semaphore_mem>>) src(%dma_wait3A_220 : memref<10000x64xf32, #tpu.memory_space<hbm>>) dst(%arg9 : memref<128x64xf32, #tpu.memory_space<vmem>>)
      %dma_start3A_221 = arith.constant 0 : i32
      %dma_start3A_222 = tpu.memref_slice %arg8[%add3A_214, %dma_start3A_221] : memref<112x128xi32, #tpu.memory_space<vmem>> -> memref<1x128xi32, #tpu.memory_space<vmem>>
      %dma_start3A_223 = tpu.memref_squeeze %dma_start3A_222 : memref<1x128xi32, #tpu.memory_space<vmem>> -> memref<128xi32, #tpu.memory_space<vmem>>
      %dma_start3A_224 = arith.constant 0 : i32
      %dma_start3A_225 = arith.constant 0 : i32
      %dma_start3A_226 = tpu.memref_slice %arg14[%dma_start3A_224, %dma_start3A_225] : memref<10240x64xf32, #tpu.memory_space<vmem_shared>> -> memref<10240x64xf32, #tpu.memory_space<vmem_shared>>
      tpu.enqueue_indirect_dma source(%arg9 : memref<128x64xf32, #tpu.memory_space<vmem>>) target(%dma_start3A_226 : memref<10240x64xf32, #tpu.memory_space<vmem_shared>>) offsets(%dma_start3A_223 : memref<128xi32, #tpu.memory_space<vmem>>) semaphore(%arg19 : memref<!tpu.dma_semaphore, #tpu.memory_space<semaphore_mem>>) {add = true}
      %add3A_227 = arith.constant 4 : i32
      %add3A_228 = arith.addi %add3A_214, %add3A_227 : i32
      %lt3A = arith.cmpi slt, %add3A_228, %select_n3A : i32
      %convert_element_type3A = arith.extui %lt3A : i1 to i32
      %cond3A = arith.constant 0 : i32
      %cond3A_229 = arith.cmpi ne, %convert_element_type3A, %cond3A : i32
      scf.if %cond3A_229 {
        %dma_wait3A_290 = arith.constant 0 : i32
        %dma_wait3A_291 = tpu.memref_slice %arg8[%add3A_214, %dma_wait3A_290] : memref<112x128xi32, #tpu.memory_space<vmem>> -> memref<1x128xi32, #tpu.memory_space<vmem>>
        %dma_wait3A_292 = tpu.memref_squeeze %dma_wait3A_291 : memref<1x128xi32, #tpu.memory_space<vmem>> -> memref<128xi32, #tpu.memory_space<vmem>>
        %dma_wait3A_293 = arith.constant 0 : i32
        %dma_wait3A_294 = arith.constant 0 : i32
        %dma_wait3A_295 = tpu.memref_slice %arg14[%dma_wait3A_293, %dma_wait3A_294] : memref<10240x64xf32, #tpu.memory_space<vmem_shared>> -> memref<10240x64xf32, #tpu.memory_space<vmem_shared>>
        tpu.wait_indirect_dma semaphore(%arg19 : memref<!tpu.dma_semaphore, #tpu.memory_space<semaphore_mem>>) src(%arg9 : memref<128x64xf32, #tpu.memory_space<vmem>>) dst(%dma_wait3A_295 : memref<10240x64xf32, #tpu.memory_space<vmem_shared>>)
        %add3A_296 = arith.constant 4 : i32
        %add3A_297 = arith.addi %add3A_214, %add3A_296 : i32
        %dma_start3A_298 = arith.constant 0 : i32
        %dma_start3A_299 = tpu.memref_slice %arg7[%add3A_297, %dma_start3A_298] : memref<112x128xi32, #tpu.memory_space<vmem>> -> memref<1x128xi32, #tpu.memory_space<vmem>>
        %dma_start3A_300 = tpu.memref_squeeze %dma_start3A_299 : memref<1x128xi32, #tpu.memory_space<vmem>> -> memref<128xi32, #tpu.memory_space<vmem>>
        %dma_start3A_301 = arith.constant 0 : i32
        %dma_start3A_302 = arith.constant 0 : i32
        %dma_start3A_303 = tpu.memref_slice %arg5[%dma_start3A_301, %dma_start3A_302] : memref<10000x64xf32, #tpu.memory_space<hbm>> -> memref<10000x64xf32, #tpu.memory_space<hbm>>
        tpu.enqueue_indirect_dma source(%dma_start3A_303 : memref<10000x64xf32, #tpu.memory_space<hbm>>) target(%arg9 : memref<128x64xf32, #tpu.memory_space<vmem>>) offsets(%dma_start3A_300 : memref<128xi32, #tpu.memory_space<vmem>>) semaphore(%arg15 : memref<!tpu.dma_semaphore, #tpu.memory_space<semaphore_mem>>)
      } else {
      }
      %add3A_230 = arith.constant 1 : i32
      %add3A_231 = arith.addi %add3A_212, %add3A_230 : i32
      %dma_wait3A_232 = arith.constant 0 : i32
      %dma_wait3A_233 = tpu.memref_slice %arg7[%add3A_231, %dma_wait3A_232] : memref<112x128xi32, #tpu.memory_space<vmem>> -> memref<1x128xi32, #tpu.memory_space<vmem>>
      %dma_wait3A_234 = tpu.memref_squeeze %dma_wait3A_233 : memref<1x128xi32, #tpu.memory_space<vmem>> -> memref<128xi32, #tpu.memory_space<vmem>>
      %dma_wait3A_235 = arith.constant 0 : i32
      %dma_wait3A_236 = arith.constant 0 : i32
      %dma_wait3A_237 = tpu.memref_slice %arg5[%dma_wait3A_235, %dma_wait3A_236] : memref<10000x64xf32, #tpu.memory_space<hbm>> -> memref<10000x64xf32, #tpu.memory_space<hbm>>
      tpu.wait_indirect_dma semaphore(%arg16 : memref<!tpu.dma_semaphore, #tpu.memory_space<semaphore_mem>>) src(%dma_wait3A_237 : memref<10000x64xf32, #tpu.memory_space<hbm>>) dst(%arg10 : memref<128x64xf32, #tpu.memory_space<vmem>>)
      %dma_start3A_238 = arith.constant 0 : i32
      %dma_start3A_239 = tpu.memref_slice %arg8[%add3A_231, %dma_start3A_238] : memref<112x128xi32, #tpu.memory_space<vmem>> -> memref<1x128xi32, #tpu.memory_space<vmem>>
      %dma_start3A_240 = tpu.memref_squeeze %dma_start3A_239 : memref<1x128xi32, #tpu.memory_space<vmem>> -> memref<128xi32, #tpu.memory_space<vmem>>
      %dma_start3A_241 = arith.constant 0 : i32
      %dma_start3A_242 = arith.constant 0 : i32
      %dma_start3A_243 = tpu.memref_slice %arg14[%dma_start3A_241, %dma_start3A_242] : memref<10240x64xf32, #tpu.memory_space<vmem_shared>> -> memref<10240x64xf32, #tpu.memory_space<vmem_shared>>
      tpu.enqueue_indirect_dma source(%arg10 : memref<128x64xf32, #tpu.memory_space<vmem>>) target(%dma_start3A_243 : memref<10240x64xf32, #tpu.memory_space<vmem_shared>>) offsets(%dma_start3A_240 : memref<128xi32, #tpu.memory_space<vmem>>) semaphore(%arg20 : memref<!tpu.dma_semaphore, #tpu.memory_space<semaphore_mem>>) {add = true}
      %add3A_244 = arith.constant 4 : i32
      %add3A_245 = arith.addi %add3A_231, %add3A_244 : i32
      %lt3A_246 = arith.cmpi slt, %add3A_245, %select_n3A : i32
      %convert_element_type3A_247 = arith.extui %lt3A_246 : i1 to i32
      %cond3A_248 = arith.constant 0 : i32
      %cond3A_249 = arith.cmpi ne, %convert_element_type3A_247, %cond3A_248 : i32
      scf.if %cond3A_249 {
        %dma_wait3A_290 = arith.constant 0 : i32
        %dma_wait3A_291 = tpu.memref_slice %arg8[%add3A_231, %dma_wait3A_290] : memref<112x128xi32, #tpu.memory_space<vmem>> -> memref<1x128xi32, #tpu.memory_space<vmem>>
        %dma_wait3A_292 = tpu.memref_squeeze %dma_wait3A_291 : memref<1x128xi32, #tpu.memory_space<vmem>> -> memref<128xi32, #tpu.memory_space<vmem>>
        %dma_wait3A_293 = arith.constant 0 : i32
        %dma_wait3A_294 = arith.constant 0 : i32
        %dma_wait3A_295 = tpu.memref_slice %arg14[%dma_wait3A_293, %dma_wait3A_294] : memref<10240x64xf32, #tpu.memory_space<vmem_shared>> -> memref<10240x64xf32, #tpu.memory_space<vmem_shared>>
        tpu.wait_indirect_dma semaphore(%arg20 : memref<!tpu.dma_semaphore, #tpu.memory_space<semaphore_mem>>) src(%arg10 : memref<128x64xf32, #tpu.memory_space<vmem>>) dst(%dma_wait3A_295 : memref<10240x64xf32, #tpu.memory_space<vmem_shared>>)
        %add3A_296 = arith.constant 4 : i32
        %add3A_297 = arith.addi %add3A_231, %add3A_296 : i32
        %dma_start3A_298 = arith.constant 0 : i32
        %dma_start3A_299 = tpu.memref_slice %arg7[%add3A_297, %dma_start3A_298] : memref<112x128xi32, #tpu.memory_space<vmem>> -> memref<1x128xi32, #tpu.memory_space<vmem>>
        %dma_start3A_300 = tpu.memref_squeeze %dma_start3A_299 : memref<1x128xi32, #tpu.memory_space<vmem>> -> memref<128xi32, #tpu.memory_space<vmem>>
        %dma_start3A_301 = arith.constant 0 : i32
        %dma_start3A_302 = arith.constant 0 : i32
        %dma_start3A_303 = tpu.memref_slice %arg5[%dma_start3A_301, %dma_start3A_302] : memref<10000x64xf32, #tpu.memory_space<hbm>> -> memref<10000x64xf32, #tpu.memory_space<hbm>>
        tpu.enqueue_indirect_dma source(%dma_start3A_303 : memref<10000x64xf32, #tpu.memory_space<hbm>>) target(%arg10 : memref<128x64xf32, #tpu.memory_space<vmem>>) offsets(%dma_start3A_300 : memref<128xi32, #tpu.memory_space<vmem>>) semaphore(%arg16 : memref<!tpu.dma_semaphore, #tpu.memory_space<semaphore_mem>>)
      } else {
      }
      %add3A_250 = arith.constant 2 : i32
      %add3A_251 = arith.addi %add3A_212, %add3A_250 : i32
      %dma_wait3A_252 = arith.constant 0 : i32
      %dma_wait3A_253 = tpu.memref_slice %arg7[%add3A_251, %dma_wait3A_252] : memref<112x128xi32, #tpu.memory_space<vmem>> -> memref<1x128xi32, #tpu.memory_space<vmem>>
      %dma_wait3A_254 = tpu.memref_squeeze %dma_wait3A_253 : memref<1x128xi32, #tpu.memory_space<vmem>> -> memref<128xi32, #tpu.memory_space<vmem>>
      %dma_wait3A_255 = arith.constant 0 : i32
      %dma_wait3A_256 = arith.constant 0 : i32
      %dma_wait3A_257 = tpu.memref_slice %arg5[%dma_wait3A_255, %dma_wait3A_256] : memref<10000x64xf32, #tpu.memory_space<hbm>> -> memref<10000x64xf32, #tpu.memory_space<hbm>>
      tpu.wait_indirect_dma semaphore(%arg17 : memref<!tpu.dma_semaphore, #tpu.memory_space<semaphore_mem>>) src(%dma_wait3A_257 : memref<10000x64xf32, #tpu.memory_space<hbm>>) dst(%arg11 : memref<128x64xf32, #tpu.memory_space<vmem>>)
      %dma_start3A_258 = arith.constant 0 : i32
      %dma_start3A_259 = tpu.memref_slice %arg8[%add3A_251, %dma_start3A_258] : memref<112x128xi32, #tpu.memory_space<vmem>> -> memref<1x128xi32, #tpu.memory_space<vmem>>
      %dma_start3A_260 = tpu.memref_squeeze %dma_start3A_259 : memref<1x128xi32, #tpu.memory_space<vmem>> -> memref<128xi32, #tpu.memory_space<vmem>>
      %dma_start3A_261 = arith.constant 0 : i32
      %dma_start3A_262 = arith.constant 0 : i32
      %dma_start3A_263 = tpu.memref_slice %arg14[%dma_start3A_261, %dma_start3A_262] : memref<10240x64xf32, #tpu.memory_space<vmem_shared>> -> memref<10240x64xf32, #tpu.memory_space<vmem_shared>>
      tpu.enqueue_indirect_dma source(%arg11 : memref<128x64xf32, #tpu.memory_space<vmem>>) target(%dma_start3A_263 : memref<10240x64xf32, #tpu.memory_space<vmem_shared>>) offsets(%dma_start3A_260 : memref<128xi32, #tpu.memory_space<vmem>>) semaphore(%arg21 : memref<!tpu.dma_semaphore, #tpu.memory_space<semaphore_mem>>) {add = true}
      %add3A_264 = arith.constant 4 : i32
      %add3A_265 = arith.addi %add3A_251, %add3A_264 : i32
      %lt3A_266 = arith.cmpi slt, %add3A_265, %select_n3A : i32
      %convert_element_type3A_267 = arith.extui %lt3A_266 : i1 to i32
      %cond3A_268 = arith.constant 0 : i32
      %cond3A_269 = arith.cmpi ne, %convert_element_type3A_267, %cond3A_268 : i32
      scf.if %cond3A_269 {
        %dma_wait3A_290 = arith.constant 0 : i32
        %dma_wait3A_291 = tpu.memref_slice %arg8[%add3A_251, %dma_wait3A_290] : memref<112x128xi32, #tpu.memory_space<vmem>> -> memref<1x128xi32, #tpu.memory_space<vmem>>
        %dma_wait3A_292 = tpu.memref_squeeze %dma_wait3A_291 : memref<1x128xi32, #tpu.memory_space<vmem>> -> memref<128xi32, #tpu.memory_space<vmem>>
        %dma_wait3A_293 = arith.constant 0 : i32
        %dma_wait3A_294 = arith.constant 0 : i32
        %dma_wait3A_295 = tpu.memref_slice %arg14[%dma_wait3A_293, %dma_wait3A_294] : memref<10240x64xf32, #tpu.memory_space<vmem_shared>> -> memref<10240x64xf32, #tpu.memory_space<vmem_shared>>
        tpu.wait_indirect_dma semaphore(%arg21 : memref<!tpu.dma_semaphore, #tpu.memory_space<semaphore_mem>>) src(%arg11 : memref<128x64xf32, #tpu.memory_space<vmem>>) dst(%dma_wait3A_295 : memref<10240x64xf32, #tpu.memory_space<vmem_shared>>)
        %add3A_296 = arith.constant 4 : i32
        %add3A_297 = arith.addi %add3A_251, %add3A_296 : i32
        %dma_start3A_298 = arith.constant 0 : i32
        %dma_start3A_299 = tpu.memref_slice %arg7[%add3A_297, %dma_start3A_298] : memref<112x128xi32, #tpu.memory_space<vmem>> -> memref<1x128xi32, #tpu.memory_space<vmem>>
        %dma_start3A_300 = tpu.memref_squeeze %dma_start3A_299 : memref<1x128xi32, #tpu.memory_space<vmem>> -> memref<128xi32, #tpu.memory_space<vmem>>
        %dma_start3A_301 = arith.constant 0 : i32
        %dma_start3A_302 = arith.constant 0 : i32
        %dma_start3A_303 = tpu.memref_slice %arg5[%dma_start3A_301, %dma_start3A_302] : memref<10000x64xf32, #tpu.memory_space<hbm>> -> memref<10000x64xf32, #tpu.memory_space<hbm>>
        tpu.enqueue_indirect_dma source(%dma_start3A_303 : memref<10000x64xf32, #tpu.memory_space<hbm>>) target(%arg11 : memref<128x64xf32, #tpu.memory_space<vmem>>) offsets(%dma_start3A_300 : memref<128xi32, #tpu.memory_space<vmem>>) semaphore(%arg17 : memref<!tpu.dma_semaphore, #tpu.memory_space<semaphore_mem>>)
      } else {
      }
      %add3A_270 = arith.constant 3 : i32
      %add3A_271 = arith.addi %add3A_212, %add3A_270 : i32
      %dma_wait3A_272 = arith.constant 0 : i32
      %dma_wait3A_273 = tpu.memref_slice %arg7[%add3A_271, %dma_wait3A_272] : memref<112x128xi32, #tpu.memory_space<vmem>> -> memref<1x128xi32, #tpu.memory_space<vmem>>
      %dma_wait3A_274 = tpu.memref_squeeze %dma_wait3A_273 : memref<1x128xi32, #tpu.memory_space<vmem>> -> memref<128xi32, #tpu.memory_space<vmem>>
      %dma_wait3A_275 = arith.constant 0 : i32
      %dma_wait3A_276 = arith.constant 0 : i32
      %dma_wait3A_277 = tpu.memref_slice %arg5[%dma_wait3A_275, %dma_wait3A_276] : memref<10000x64xf32, #tpu.memory_space<hbm>> -> memref<10000x64xf32, #tpu.memory_space<hbm>>
      tpu.wait_indirect_dma semaphore(%arg18 : memref<!tpu.dma_semaphore, #tpu.memory_space<semaphore_mem>>) src(%dma_wait3A_277 : memref<10000x64xf32, #tpu.memory_space<hbm>>) dst(%arg12 : memref<128x64xf32, #tpu.memory_space<vmem>>)
      %dma_start3A_278 = arith.constant 0 : i32
      %dma_start3A_279 = tpu.memref_slice %arg8[%add3A_271, %dma_start3A_278] : memref<112x128xi32, #tpu.memory_space<vmem>> -> memref<1x128xi32, #tpu.memory_space<vmem>>
      %dma_start3A_280 = tpu.memref_squeeze %dma_start3A_279 : memref<1x128xi32, #tpu.memory_space<vmem>> -> memref<128xi32, #tpu.memory_space<vmem>>
      %dma_start3A_281 = arith.constant 0 : i32
      %dma_start3A_282 = arith.constant 0 : i32
      %dma_start3A_283 = tpu.memref_slice %arg14[%dma_start3A_281, %dma_start3A_282] : memref<10240x64xf32, #tpu.memory_space<vmem_shared>> -> memref<10240x64xf32, #tpu.memory_space<vmem_shared>>
      tpu.enqueue_indirect_dma source(%arg12 : memref<128x64xf32, #tpu.memory_space<vmem>>) target(%dma_start3A_283 : memref<10240x64xf32, #tpu.memory_space<vmem_shared>>) offsets(%dma_start3A_280 : memref<128xi32, #tpu.memory_space<vmem>>) semaphore(%arg22 : memref<!tpu.dma_semaphore, #tpu.memory_space<semaphore_mem>>) {add = true}
      %add3A_284 = arith.constant 4 : i32
      %add3A_285 = arith.addi %add3A_271, %add3A_284 : i32
      %lt3A_286 = arith.cmpi slt, %add3A_285, %select_n3A : i32
      %convert_element_type3A_287 = arith.extui %lt3A_286 : i1 to i32
      %cond3A_288 = arith.constant 0 : i32
      %cond3A_289 = arith.cmpi ne, %convert_element_type3A_287, %cond3A_288 : i32
      scf.if %cond3A_289 {
        %dma_wait3A_290 = arith.constant 0 : i32
        %dma_wait3A_291 = tpu.memref_slice %arg8[%add3A_271, %dma_wait3A_290] : memref<112x128xi32, #tpu.memory_space<vmem>> -> memref<1x128xi32, #tpu.memory_space<vmem>>
        %dma_wait3A_292 = tpu.memref_squeeze %dma_wait3A_291 : memref<1x128xi32, #tpu.memory_space<vmem>> -> memref<128xi32, #tpu.memory_space<vmem>>
        %dma_wait3A_293 = arith.constant 0 : i32
        %dma_wait3A_294 = arith.constant 0 : i32
        %dma_wait3A_295 = tpu.memref_slice %arg14[%dma_wait3A_293, %dma_wait3A_294] : memref<10240x64xf32, #tpu.memory_space<vmem_shared>> -> memref<10240x64xf32, #tpu.memory_space<vmem_shared>>
        tpu.wait_indirect_dma semaphore(%arg22 : memref<!tpu.dma_semaphore, #tpu.memory_space<semaphore_mem>>) src(%arg12 : memref<128x64xf32, #tpu.memory_space<vmem>>) dst(%dma_wait3A_295 : memref<10240x64xf32, #tpu.memory_space<vmem_shared>>)
        %add3A_296 = arith.constant 4 : i32
        %add3A_297 = arith.addi %add3A_271, %add3A_296 : i32
        %dma_start3A_298 = arith.constant 0 : i32
        %dma_start3A_299 = tpu.memref_slice %arg7[%add3A_297, %dma_start3A_298] : memref<112x128xi32, #tpu.memory_space<vmem>> -> memref<1x128xi32, #tpu.memory_space<vmem>>
        %dma_start3A_300 = tpu.memref_squeeze %dma_start3A_299 : memref<1x128xi32, #tpu.memory_space<vmem>> -> memref<128xi32, #tpu.memory_space<vmem>>
        %dma_start3A_301 = arith.constant 0 : i32
        %dma_start3A_302 = arith.constant 0 : i32
        %dma_start3A_303 = tpu.memref_slice %arg5[%dma_start3A_301, %dma_start3A_302] : memref<10000x64xf32, #tpu.memory_space<hbm>> -> memref<10000x64xf32, #tpu.memory_space<hbm>>
        tpu.enqueue_indirect_dma source(%dma_start3A_303 : memref<10000x64xf32, #tpu.memory_space<hbm>>) target(%arg12 : memref<128x64xf32, #tpu.memory_space<vmem>>) offsets(%dma_start3A_300 : memref<128xi32, #tpu.memory_space<vmem>>) semaphore(%arg18 : memref<!tpu.dma_semaphore, #tpu.memory_space<semaphore_mem>>)
      } else {
      }
    }
    %while3A_163 = arith.constant 1 : i32
    scf.for %while3A_210 = %while3A_161 to %while3A_157 step %while3A_163  : i32 {
      %mul3A_211 = arith.muli %while3A_210, %while3A_153 : i32
      %add3A_212 = arith.addi %while3A_154, %mul3A_211 : i32
      %add3A_213 = arith.constant 0 : i32
      %add3A_214 = arith.addi %add3A_212, %add3A_213 : i32
      %dma_wait3A_215 = arith.constant 0 : i32
      %dma_wait3A_216 = tpu.memref_slice %arg7[%add3A_214, %dma_wait3A_215] : memref<112x128xi32, #tpu.memory_space<vmem>> -> memref<1x128xi32, #tpu.memory_space<vmem>>
      %dma_wait3A_217 = tpu.memref_squeeze %dma_wait3A_216 : memref<1x128xi32, #tpu.memory_space<vmem>> -> memref<128xi32, #tpu.memory_space<vmem>>
      %dma_wait3A_218 = arith.constant 0 : i32
      %dma_wait3A_219 = arith.constant 0 : i32
      %dma_wait3A_220 = tpu.memref_slice %arg5[%dma_wait3A_218, %dma_wait3A_219] : memref<10000x64xf32, #tpu.memory_space<hbm>> -> memref<10000x64xf32, #tpu.memory_space<hbm>>
      tpu.wait_indirect_dma semaphore(%arg15 : memref<!tpu.dma_semaphore, #tpu.memory_space<semaphore_mem>>) src(%dma_wait3A_220 : memref<10000x64xf32, #tpu.memory_space<hbm>>) dst(%arg9 : memref<128x64xf32, #tpu.memory_space<vmem>>)
      %dma_start3A_221 = arith.constant 0 : i32
      %dma_start3A_222 = tpu.memref_slice %arg8[%add3A_214, %dma_start3A_221] : memref<112x128xi32, #tpu.memory_space<vmem>> -> memref<1x128xi32, #tpu.memory_space<vmem>>
      %dma_start3A_223 = tpu.memref_squeeze %dma_start3A_222 : memref<1x128xi32, #tpu.memory_space<vmem>> -> memref<128xi32, #tpu.memory_space<vmem>>
      %dma_start3A_224 = arith.constant 0 : i32
      %dma_start3A_225 = arith.constant 0 : i32
      %dma_start3A_226 = tpu.memref_slice %arg14[%dma_start3A_224, %dma_start3A_225] : memref<10240x64xf32, #tpu.memory_space<vmem_shared>> -> memref<10240x64xf32, #tpu.memory_space<vmem_shared>>
      tpu.enqueue_indirect_dma source(%arg9 : memref<128x64xf32, #tpu.memory_space<vmem>>) target(%dma_start3A_226 : memref<10240x64xf32, #tpu.memory_space<vmem_shared>>) offsets(%dma_start3A_223 : memref<128xi32, #tpu.memory_space<vmem>>) semaphore(%arg19 : memref<!tpu.dma_semaphore, #tpu.memory_space<semaphore_mem>>) {add = true}
      %add3A_227 = arith.constant 4 : i32
      %add3A_228 = arith.addi %add3A_214, %add3A_227 : i32
      %lt3A = arith.cmpi slt, %add3A_228, %select_n3A : i32
      %convert_element_type3A = arith.extui %lt3A : i1 to i32
      %cond3A = arith.constant 0 : i32
      %cond3A_229 = arith.cmpi ne, %convert_element_type3A, %cond3A : i32
      scf.if %cond3A_229 {
        %dma_wait3A_290 = arith.constant 0 : i32
        %dma_wait3A_291 = tpu.memref_slice %arg8[%add3A_214, %dma_wait3A_290] : memref<112x128xi32, #tpu.memory_space<vmem>> -> memref<1x128xi32, #tpu.memory_space<vmem>>
        %dma_wait3A_292 = tpu.memref_squeeze %dma_wait3A_291 : memref<1x128xi32, #tpu.memory_space<vmem>> -> memref<128xi32, #tpu.memory_space<vmem>>
        %dma_wait3A_293 = arith.constant 0 : i32
        %dma_wait3A_294 = arith.constant 0 : i32
        %dma_wait3A_295 = tpu.memref_slice %arg14[%dma_wait3A_293, %dma_wait3A_294] : memref<10240x64xf32, #tpu.memory_space<vmem_shared>> -> memref<10240x64xf32, #tpu.memory_space<vmem_shared>>
        tpu.wait_indirect_dma semaphore(%arg19 : memref<!tpu.dma_semaphore, #tpu.memory_space<semaphore_mem>>) src(%arg9 : memref<128x64xf32, #tpu.memory_space<vmem>>) dst(%dma_wait3A_295 : memref<10240x64xf32, #tpu.memory_space<vmem_shared>>)
        %add3A_296 = arith.constant 4 : i32
        %add3A_297 = arith.addi %add3A_214, %add3A_296 : i32
        %dma_start3A_298 = arith.constant 0 : i32
        %dma_start3A_299 = tpu.memref_slice %arg7[%add3A_297, %dma_start3A_298] : memref<112x128xi32, #tpu.memory_space<vmem>> -> memref<1x128xi32, #tpu.memory_space<vmem>>
        %dma_start3A_300 = tpu.memref_squeeze %dma_start3A_299 : memref<1x128xi32, #tpu.memory_space<vmem>> -> memref<128xi32, #tpu.memory_space<vmem>>
        %dma_start3A_301 = arith.constant 0 : i32
        %dma_start3A_302 = arith.constant 0 : i32
        %dma_start3A_303 = tpu.memref_slice %arg5[%dma_start3A_301, %dma_start3A_302] : memref<10000x64xf32, #tpu.memory_space<hbm>> -> memref<10000x64xf32, #tpu.memory_space<hbm>>
        tpu.enqueue_indirect_dma source(%dma_start3A_303 : memref<10000x64xf32, #tpu.memory_space<hbm>>) target(%arg9 : memref<128x64xf32, #tpu.memory_space<vmem>>) offsets(%dma_start3A_300 : memref<128xi32, #tpu.memory_space<vmem>>) semaphore(%arg15 : memref<!tpu.dma_semaphore, #tpu.memory_space<semaphore_mem>>)
      } else {
      }
      %add3A_230 = arith.constant 1 : i32
      %add3A_231 = arith.addi %add3A_212, %add3A_230 : i32
      %dma_wait3A_232 = arith.constant 0 : i32
      %dma_wait3A_233 = tpu.memref_slice %arg7[%add3A_231, %dma_wait3A_232] : memref<112x128xi32, #tpu.memory_space<vmem>> -> memref<1x128xi32, #tpu.memory_space<vmem>>
      %dma_wait3A_234 = tpu.memref_squeeze %dma_wait3A_233 : memref<1x128xi32, #tpu.memory_space<vmem>> -> memref<128xi32, #tpu.memory_space<vmem>>
      %dma_wait3A_235 = arith.constant 0 : i32
      %dma_wait3A_236 = arith.constant 0 : i32
      %dma_wait3A_237 = tpu.memref_slice %arg5[%dma_wait3A_235, %dma_wait3A_236] : memref<10000x64xf32, #tpu.memory_space<hbm>> -> memref<10000x64xf32, #tpu.memory_space<hbm>>
      tpu.wait_indirect_dma semaphore(%arg16 : memref<!tpu.dma_semaphore, #tpu.memory_space<semaphore_mem>>) src(%dma_wait3A_237 : memref<10000x64xf32, #tpu.memory_space<hbm>>) dst(%arg10 : memref<128x64xf32, #tpu.memory_space<vmem>>)
      %dma_start3A_238 = arith.constant 0 : i32
      %dma_start3A_239 = tpu.memref_slice %arg8[%add3A_231, %dma_start3A_238] : memref<112x128xi32, #tpu.memory_space<vmem>> -> memref<1x128xi32, #tpu.memory_space<vmem>>
      %dma_start3A_240 = tpu.memref_squeeze %dma_start3A_239 : memref<1x128xi32, #tpu.memory_space<vmem>> -> memref<128xi32, #tpu.memory_space<vmem>>
      %dma_start3A_241 = arith.constant 0 : i32
      %dma_start3A_242 = arith.constant 0 : i32
      %dma_start3A_243 = tpu.memref_slice %arg14[%dma_start3A_241, %dma_start3A_242] : memref<10240x64xf32, #tpu.memory_space<vmem_shared>> -> memref<10240x64xf32, #tpu.memory_space<vmem_shared>>
      tpu.enqueue_indirect_dma source(%arg10 : memref<128x64xf32, #tpu.memory_space<vmem>>) target(%dma_start3A_243 : memref<10240x64xf32, #tpu.memory_space<vmem_shared>>) offsets(%dma_start3A_240 : memref<128xi32, #tpu.memory_space<vmem>>) semaphore(%arg20 : memref<!tpu.dma_semaphore, #tpu.memory_space<semaphore_mem>>) {add = true}
      %add3A_244 = arith.constant 4 : i32
      %add3A_245 = arith.addi %add3A_231, %add3A_244 : i32
      %lt3A_246 = arith.cmpi slt, %add3A_245, %select_n3A : i32
      %convert_element_type3A_247 = arith.extui %lt3A_246 : i1 to i32
      %cond3A_248 = arith.constant 0 : i32
      %cond3A_249 = arith.cmpi ne, %convert_element_type3A_247, %cond3A_248 : i32
      scf.if %cond3A_249 {
        %dma_wait3A_290 = arith.constant 0 : i32
        %dma_wait3A_291 = tpu.memref_slice %arg8[%add3A_231, %dma_wait3A_290] : memref<112x128xi32, #tpu.memory_space<vmem>> -> memref<1x128xi32, #tpu.memory_space<vmem>>
        %dma_wait3A_292 = tpu.memref_squeeze %dma_wait3A_291 : memref<1x128xi32, #tpu.memory_space<vmem>> -> memref<128xi32, #tpu.memory_space<vmem>>
        %dma_wait3A_293 = arith.constant 0 : i32
        %dma_wait3A_294 = arith.constant 0 : i32
        %dma_wait3A_295 = tpu.memref_slice %arg14[%dma_wait3A_293, %dma_wait3A_294] : memref<10240x64xf32, #tpu.memory_space<vmem_shared>> -> memref<10240x64xf32, #tpu.memory_space<vmem_shared>>
        tpu.wait_indirect_dma semaphore(%arg20 : memref<!tpu.dma_semaphore, #tpu.memory_space<semaphore_mem>>) src(%arg10 : memref<128x64xf32, #tpu.memory_space<vmem>>) dst(%dma_wait3A_295 : memref<10240x64xf32, #tpu.memory_space<vmem_shared>>)
        %add3A_296 = arith.constant 4 : i32
        %add3A_297 = arith.addi %add3A_231, %add3A_296 : i32
        %dma_start3A_298 = arith.constant 0 : i32
        %dma_start3A_299 = tpu.memref_slice %arg7[%add3A_297, %dma_start3A_298] : memref<112x128xi32, #tpu.memory_space<vmem>> -> memref<1x128xi32, #tpu.memory_space<vmem>>
        %dma_start3A_300 = tpu.memref_squeeze %dma_start3A_299 : memref<1x128xi32, #tpu.memory_space<vmem>> -> memref<128xi32, #tpu.memory_space<vmem>>
        %dma_start3A_301 = arith.constant 0 : i32
        %dma_start3A_302 = arith.constant 0 : i32
        %dma_start3A_303 = tpu.memref_slice %arg5[%dma_start3A_301, %dma_start3A_302] : memref<10000x64xf32, #tpu.memory_space<hbm>> -> memref<10000x64xf32, #tpu.memory_space<hbm>>
        tpu.enqueue_indirect_dma source(%dma_start3A_303 : memref<10000x64xf32, #tpu.memory_space<hbm>>) target(%arg10 : memref<128x64xf32, #tpu.memory_space<vmem>>) offsets(%dma_start3A_300 : memref<128xi32, #tpu.memory_space<vmem>>) semaphore(%arg16 : memref<!tpu.dma_semaphore, #tpu.memory_space<semaphore_mem>>)
      } else {
      }
      %add3A_250 = arith.constant 2 : i32
      %add3A_251 = arith.addi %add3A_212, %add3A_250 : i32
      %dma_wait3A_252 = arith.constant 0 : i32
      %dma_wait3A_253 = tpu.memref_slice %arg7[%add3A_251, %dma_wait3A_252] : memref<112x128xi32, #tpu.memory_space<vmem>> -> memref<1x128xi32, #tpu.memory_space<vmem>>
      %dma_wait3A_254 = tpu.memref_squeeze %dma_wait3A_253 : memref<1x128xi32, #tpu.memory_space<vmem>> -> memref<128xi32, #tpu.memory_space<vmem>>
      %dma_wait3A_255 = arith.constant 0 : i32
      %dma_wait3A_256 = arith.constant 0 : i32
      %dma_wait3A_257 = tpu.memref_slice %arg5[%dma_wait3A_255, %dma_wait3A_256] : memref<10000x64xf32, #tpu.memory_space<hbm>> -> memref<10000x64xf32, #tpu.memory_space<hbm>>
      tpu.wait_indirect_dma semaphore(%arg17 : memref<!tpu.dma_semaphore, #tpu.memory_space<semaphore_mem>>) src(%dma_wait3A_257 : memref<10000x64xf32, #tpu.memory_space<hbm>>) dst(%arg11 : memref<128x64xf32, #tpu.memory_space<vmem>>)
      %dma_start3A_258 = arith.constant 0 : i32
      %dma_start3A_259 = tpu.memref_slice %arg8[%add3A_251, %dma_start3A_258] : memref<112x128xi32, #tpu.memory_space<vmem>> -> memref<1x128xi32, #tpu.memory_space<vmem>>
      %dma_start3A_260 = tpu.memref_squeeze %dma_start3A_259 : memref<1x128xi32, #tpu.memory_space<vmem>> -> memref<128xi32, #tpu.memory_space<vmem>>
      %dma_start3A_261 = arith.constant 0 : i32
      %dma_start3A_262 = arith.constant 0 : i32
      %dma_start3A_263 = tpu.memref_slice %arg14[%dma_start3A_261, %dma_start3A_262] : memref<10240x64xf32, #tpu.memory_space<vmem_shared>> -> memref<10240x64xf32, #tpu.memory_space<vmem_shared>>
      tpu.enqueue_indirect_dma source(%arg11 : memref<128x64xf32, #tpu.memory_space<vmem>>) target(%dma_start3A_263 : memref<10240x64xf32, #tpu.memory_space<vmem_shared>>) offsets(%dma_start3A_260 : memref<128xi32, #tpu.memory_space<vmem>>) semaphore(%arg21 : memref<!tpu.dma_semaphore, #tpu.memory_space<semaphore_mem>>) {add = true}
      %add3A_264 = arith.constant 4 : i32
      %add3A_265 = arith.addi %add3A_251, %add3A_264 : i32
      %lt3A_266 = arith.cmpi slt, %add3A_265, %select_n3A : i32
      %convert_element_type3A_267 = arith.extui %lt3A_266 : i1 to i32
      %cond3A_268 = arith.constant 0 : i32
      %cond3A_269 = arith.cmpi ne, %convert_element_type3A_267, %cond3A_268 : i32
      scf.if %cond3A_269 {
        %dma_wait3A_290 = arith.constant 0 : i32
        %dma_wait3A_291 = tpu.memref_slice %arg8[%add3A_251, %dma_wait3A_290] : memref<112x128xi32, #tpu.memory_space<vmem>> -> memref<1x128xi32, #tpu.memory_space<vmem>>
        %dma_wait3A_292 = tpu.memref_squeeze %dma_wait3A_291 : memref<1x128xi32, #tpu.memory_space<vmem>> -> memref<128xi32, #tpu.memory_space<vmem>>
        %dma_wait3A_293 = arith.constant 0 : i32
        %dma_wait3A_294 = arith.constant 0 : i32
        %dma_wait3A_295 = tpu.memref_slice %arg14[%dma_wait3A_293, %dma_wait3A_294] : memref<10240x64xf32, #tpu.memory_space<vmem_shared>> -> memref<10240x64xf32, #tpu.memory_space<vmem_shared>>
        tpu.wait_indirect_dma semaphore(%arg21 : memref<!tpu.dma_semaphore, #tpu.memory_space<semaphore_mem>>) src(%arg11 : memref<128x64xf32, #tpu.memory_space<vmem>>) dst(%dma_wait3A_295 : memref<10240x64xf32, #tpu.memory_space<vmem_shared>>)
        %add3A_296 = arith.constant 4 : i32
        %add3A_297 = arith.addi %add3A_251, %add3A_296 : i32
        %dma_start3A_298 = arith.constant 0 : i32
        %dma_start3A_299 = tpu.memref_slice %arg7[%add3A_297, %dma_start3A_298] : memref<112x128xi32, #tpu.memory_space<vmem>> -> memref<1x128xi32, #tpu.memory_space<vmem>>
        %dma_start3A_300 = tpu.memref_squeeze %dma_start3A_299 : memref<1x128xi32, #tpu.memory_space<vmem>> -> memref<128xi32, #tpu.memory_space<vmem>>
        %dma_start3A_301 = arith.constant 0 : i32
        %dma_start3A_302 = arith.constant 0 : i32
        %dma_start3A_303 = tpu.memref_slice %arg5[%dma_start3A_301, %dma_start3A_302] : memref<10000x64xf32, #tpu.memory_space<hbm>> -> memref<10000x64xf32, #tpu.memory_space<hbm>>
        tpu.enqueue_indirect_dma source(%dma_start3A_303 : memref<10000x64xf32, #tpu.memory_space<hbm>>) target(%arg11 : memref<128x64xf32, #tpu.memory_space<vmem>>) offsets(%dma_start3A_300 : memref<128xi32, #tpu.memory_space<vmem>>) semaphore(%arg17 : memref<!tpu.dma_semaphore, #tpu.memory_space<semaphore_mem>>)
      } else {
      }
      %add3A_270 = arith.constant 3 : i32
      %add3A_271 = arith.addi %add3A_212, %add3A_270 : i32
      %dma_wait3A_272 = arith.constant 0 : i32
      %dma_wait3A_273 = tpu.memref_slice %arg7[%add3A_271, %dma_wait3A_272] : memref<112x128xi32, #tpu.memory_space<vmem>> -> memref<1x128xi32, #tpu.memory_space<vmem>>
      %dma_wait3A_274 = tpu.memref_squeeze %dma_wait3A_273 : memref<1x128xi32, #tpu.memory_space<vmem>> -> memref<128xi32, #tpu.memory_space<vmem>>
      %dma_wait3A_275 = arith.constant 0 : i32
      %dma_wait3A_276 = arith.constant 0 : i32
      %dma_wait3A_277 = tpu.memref_slice %arg5[%dma_wait3A_275, %dma_wait3A_276] : memref<10000x64xf32, #tpu.memory_space<hbm>> -> memref<10000x64xf32, #tpu.memory_space<hbm>>
      tpu.wait_indirect_dma semaphore(%arg18 : memref<!tpu.dma_semaphore, #tpu.memory_space<semaphore_mem>>) src(%dma_wait3A_277 : memref<10000x64xf32, #tpu.memory_space<hbm>>) dst(%arg12 : memref<128x64xf32, #tpu.memory_space<vmem>>)
      %dma_start3A_278 = arith.constant 0 : i32
      %dma_start3A_279 = tpu.memref_slice %arg8[%add3A_271, %dma_start3A_278] : memref<112x128xi32, #tpu.memory_space<vmem>> -> memref<1x128xi32, #tpu.memory_space<vmem>>
      %dma_start3A_280 = tpu.memref_squeeze %dma_start3A_279 : memref<1x128xi32, #tpu.memory_space<vmem>> -> memref<128xi32, #tpu.memory_space<vmem>>
      %dma_start3A_281 = arith.constant 0 : i32
      %dma_start3A_282 = arith.constant 0 : i32
      %dma_start3A_283 = tpu.memref_slice %arg14[%dma_start3A_281, %dma_start3A_282] : memref<10240x64xf32, #tpu.memory_space<vmem_shared>> -> memref<10240x64xf32, #tpu.memory_space<vmem_shared>>
      tpu.enqueue_indirect_dma source(%arg12 : memref<128x64xf32, #tpu.memory_space<vmem>>) target(%dma_start3A_283 : memref<10240x64xf32, #tpu.memory_space<vmem_shared>>) offsets(%dma_start3A_280 : memref<128xi32, #tpu.memory_space<vmem>>) semaphore(%arg22 : memref<!tpu.dma_semaphore, #tpu.memory_space<semaphore_mem>>) {add = true}
      %add3A_284 = arith.constant 4 : i32
      %add3A_285 = arith.addi %add3A_271, %add3A_284 : i32
      %lt3A_286 = arith.cmpi slt, %add3A_285, %select_n3A : i32
      %convert_element_type3A_287 = arith.extui %lt3A_286 : i1 to i32
      %cond3A_288 = arith.constant 0 : i32
      %cond3A_289 = arith.cmpi ne, %convert_element_type3A_287, %cond3A_288 : i32
      scf.if %cond3A_289 {
        %dma_wait3A_290 = arith.constant 0 : i32
        %dma_wait3A_291 = tpu.memref_slice %arg8[%add3A_271, %dma_wait3A_290] : memref<112x128xi32, #tpu.memory_space<vmem>> -> memref<1x128xi32, #tpu.memory_space<vmem>>
        %dma_wait3A_292 = tpu.memref_squeeze %dma_wait3A_291 : memref<1x128xi32, #tpu.memory_space<vmem>> -> memref<128xi32, #tpu.memory_space<vmem>>
        %dma_wait3A_293 = arith.constant 0 : i32
        %dma_wait3A_294 = arith.constant 0 : i32
        %dma_wait3A_295 = tpu.memref_slice %arg14[%dma_wait3A_293, %dma_wait3A_294] : memref<10240x64xf32, #tpu.memory_space<vmem_shared>> -> memref<10240x64xf32, #tpu.memory_space<vmem_shared>>
        tpu.wait_indirect_dma semaphore(%arg22 : memref<!tpu.dma_semaphore, #tpu.memory_space<semaphore_mem>>) src(%arg12 : memref<128x64xf32, #tpu.memory_space<vmem>>) dst(%dma_wait3A_295 : memref<10240x64xf32, #tpu.memory_space<vmem_shared>>)
        %add3A_296 = arith.constant 4 : i32
        %add3A_297 = arith.addi %add3A_271, %add3A_296 : i32
        %dma_start3A_298 = arith.constant 0 : i32
        %dma_start3A_299 = tpu.memref_slice %arg7[%add3A_297, %dma_start3A_298] : memref<112x128xi32, #tpu.memory_space<vmem>> -> memref<1x128xi32, #tpu.memory_space<vmem>>
        %dma_start3A_300 = tpu.memref_squeeze %dma_start3A_299 : memref<1x128xi32, #tpu.memory_space<vmem>> -> memref<128xi32, #tpu.memory_space<vmem>>
        %dma_start3A_301 = arith.constant 0 : i32
        %dma_start3A_302 = arith.constant 0 : i32
        %dma_start3A_303 = tpu.memref_slice %arg5[%dma_start3A_301, %dma_start3A_302] : memref<10000x64xf32, #tpu.memory_space<hbm>> -> memref<10000x64xf32, #tpu.memory_space<hbm>>
        tpu.enqueue_indirect_dma source(%dma_start3A_303 : memref<10000x64xf32, #tpu.memory_space<hbm>>) target(%arg12 : memref<128x64xf32, #tpu.memory_space<vmem>>) offsets(%dma_start3A_300 : memref<128xi32, #tpu.memory_space<vmem>>) semaphore(%arg18 : memref<!tpu.dma_semaphore, #tpu.memory_space<semaphore_mem>>)
      } else {
      }
    }
    %sub3A_164 = arith.constant 4 : i32
    %sub3A_165 = arith.subi %select_n3A, %sub3A_164 : i32
    %add3A_166 = arith.constant 0 : i32
    %add3A_167 = arith.addi %sub3A_165, %add3A_166 : i32
    %dma_wait3A_168 = arith.constant 0 : i32
    %dma_wait3A_169 = tpu.memref_slice %arg8[%add3A_167, %dma_wait3A_168] : memref<112x128xi32, #tpu.memory_space<vmem>> -> memref<1x128xi32, #tpu.memory_space<vmem>>
    %dma_wait3A_170 = tpu.memref_squeeze %dma_wait3A_169 : memref<1x128xi32, #tpu.memory_space<vmem>> -> memref<128xi32, #tpu.memory_space<vmem>>
    %dma_wait3A_171 = arith.constant 0 : i32
    %dma_wait3A_172 = arith.constant 0 : i32
    %dma_wait3A_173 = tpu.memref_slice %arg14[%dma_wait3A_171, %dma_wait3A_172] : memref<10240x64xf32, #tpu.memory_space<vmem_shared>> -> memref<10240x64xf32, #tpu.memory_space<vmem_shared>>
    tpu.wait_indirect_dma semaphore(%arg19 : memref<!tpu.dma_semaphore, #tpu.memory_space<semaphore_mem>>) src(%arg9 : memref<128x64xf32, #tpu.memory_space<vmem>>) dst(%dma_wait3A_173 : memref<10240x64xf32, #tpu.memory_space<vmem_shared>>)
    %sub3A_174 = arith.constant 4 : i32
    %sub3A_175 = arith.subi %select_n3A, %sub3A_174 : i32
    %add3A_176 = arith.constant 1 : i32
    %add3A_177 = arith.addi %sub3A_175, %add3A_176 : i32
    %dma_wait3A_178 = arith.constant 0 : i32
    %dma_wait3A_179 = tpu.memref_slice %arg8[%add3A_177, %dma_wait3A_178] : memref<112x128xi32, #tpu.memory_space<vmem>> -> memref<1x128xi32, #tpu.memory_space<vmem>>
    %dma_wait3A_180 = tpu.memref_squeeze %dma_wait3A_179 : memref<1x128xi32, #tpu.memory_space<vmem>> -> memref<128xi32, #tpu.memory_space<vmem>>
    %dma_wait3A_181 = arith.constant 0 : i32
    %dma_wait3A_182 = arith.constant 0 : i32
    %dma_wait3A_183 = tpu.memref_slice %arg14[%dma_wait3A_181, %dma_wait3A_182] : memref<10240x64xf32, #tpu.memory_space<vmem_shared>> -> memref<10240x64xf32, #tpu.memory_space<vmem_shared>>
    tpu.wait_indirect_dma semaphore(%arg20 : memref<!tpu.dma_semaphore, #tpu.memory_space<semaphore_mem>>) src(%arg10 : memref<128x64xf32, #tpu.memory_space<vmem>>) dst(%dma_wait3A_183 : memref<10240x64xf32, #tpu.memory_space<vmem_shared>>)
    %sub3A_184 = arith.constant 4 : i32
    %sub3A_185 = arith.subi %select_n3A, %sub3A_184 : i32
    %add3A_186 = arith.constant 2 : i32
    %add3A_187 = arith.addi %sub3A_185, %add3A_186 : i32
    %dma_wait3A_188 = arith.constant 0 : i32
    %dma_wait3A_189 = tpu.memref_slice %arg8[%add3A_187, %dma_wait3A_188] : memref<112x128xi32, #tpu.memory_space<vmem>> -> memref<1x128xi32, #tpu.memory_space<vmem>>
    %dma_wait3A_190 = tpu.memref_squeeze %dma_wait3A_189 : memref<1x128xi32, #tpu.memory_space<vmem>> -> memref<128xi32, #tpu.memory_space<vmem>>
    %dma_wait3A_191 = arith.constant 0 : i32
    %dma_wait3A_192 = arith.constant 0 : i32
    %dma_wait3A_193 = tpu.memref_slice %arg14[%dma_wait3A_191, %dma_wait3A_192] : memref<10240x64xf32, #tpu.memory_space<vmem_shared>> -> memref<10240x64xf32, #tpu.memory_space<vmem_shared>>
    tpu.wait_indirect_dma semaphore(%arg21 : memref<!tpu.dma_semaphore, #tpu.memory_space<semaphore_mem>>) src(%arg11 : memref<128x64xf32, #tpu.memory_space<vmem>>) dst(%dma_wait3A_193 : memref<10240x64xf32, #tpu.memory_space<vmem_shared>>)
    %sub3A_194 = arith.constant 4 : i32
    %sub3A_195 = arith.subi %select_n3A, %sub3A_194 : i32
    %add3A_196 = arith.constant 3 : i32
    %add3A_197 = arith.addi %sub3A_195, %add3A_196 : i32
    %dma_wait3A_198 = arith.constant 0 : i32
    %dma_wait3A_199 = tpu.memref_slice %arg8[%add3A_197, %dma_wait3A_198] : memref<112x128xi32, #tpu.memory_space<vmem>> -> memref<1x128xi32, #tpu.memory_space<vmem>>
    %dma_wait3A_200 = tpu.memref_squeeze %dma_wait3A_199 : memref<1x128xi32, #tpu.memory_space<vmem>> -> memref<128xi32, #tpu.memory_space<vmem>>
    %dma_wait3A_201 = arith.constant 0 : i32
    %dma_wait3A_202 = arith.constant 0 : i32
    %dma_wait3A_203 = tpu.memref_slice %arg14[%dma_wait3A_201, %dma_wait3A_202] : memref<10240x64xf32, #tpu.memory_space<vmem_shared>> -> memref<10240x64xf32, #tpu.memory_space<vmem_shared>>
    tpu.wait_indirect_dma semaphore(%arg22 : memref<!tpu.dma_semaphore, #tpu.memory_space<semaphore_mem>>) src(%arg12 : memref<128x64xf32, #tpu.memory_space<vmem>>) dst(%dma_wait3A_203 : memref<10240x64xf32, #tpu.memory_space<vmem_shared>>)
    %barrier3A_204 = arith.constant 0 : index
    tpu.barrier barrier_id(%barrier3A_204)
    %mul3A_205 = arith.constant 640 : i32
    %mul3A_206 = arith.muli %arg1, %mul3A_205 : i32
    %mul3A_207 = arith.constant 640 : i32
    %mul3A_208 = arith.muli %arg1, %mul3A_207 : i32
    %run_scoped3A_209 = arith.constant 1 : i32
    "tpu.region"() ({
      %run_scoped3A_210 = tpu.sem_alloc : memref<!tpu.dma_semaphore, #tpu.memory_space<semaphore_mem>>
      %dma_start3A_211 = arith.constant 0 : i32
      %dma_start3A_212 = tpu.memref_slice %arg6[%run_scoped3A_209, %arg0, %mul3A_208, %dma_start3A_211] : memref<2x2x10240x64xf32, #tpu.memory_space<hbm>> -> memref<1x1x640x64xf32, #tpu.memory_space<hbm>>
      %dma_start3A_213 = tpu.memref_squeeze %dma_start3A_212 : memref<1x1x640x64xf32, #tpu.memory_space<hbm>> -> memref<640x64xf32, #tpu.memory_space<hbm>>
      %dma_start3A_214 = arith.constant 0 : i32
      %dma_start3A_215 = tpu.memref_slice %arg14[%mul3A_206, %dma_start3A_214] : memref<10240x64xf32, #tpu.memory_space<vmem_shared>> -> memref<640x64xf32, #tpu.memory_space<vmem_shared>>
      tpu.enqueue_dma source(%dma_start3A_215 : memref<640x64xf32, #tpu.memory_space<vmem_shared>>) target(%dma_start3A_213 : memref<640x64xf32, #tpu.memory_space<hbm>>) target_semaphore(%run_scoped3A_210 : memref<!tpu.dma_semaphore, #tpu.memory_space<semaphore_mem>>)
      %dma_wait3A_216 = arith.constant 0 : i32
      %dma_wait3A_217 = tpu.memref_slice %arg6[%run_scoped3A_209, %arg0, %mul3A_208, %dma_wait3A_216] : memref<2x2x10240x64xf32, #tpu.memory_space<hbm>> -> memref<1x1x640x64xf32, #tpu.memory_space<hbm>>
      %dma_wait3A_218 = tpu.memref_squeeze %dma_wait3A_217 : memref<1x1x640x64xf32, #tpu.memory_space<hbm>> -> memref<640x64xf32, #tpu.memory_space<hbm>>
      %dma_wait3A_219 = arith.constant 0 : i32
      %dma_wait3A_220 = tpu.memref_slice %arg14[%mul3A_206, %dma_wait3A_219] : memref<10240x64xf32, #tpu.memory_space<vmem_shared>> -> memref<640x64xf32, #tpu.memory_space<vmem_shared>>
      tpu.wait_dma2 semaphore(%run_scoped3A_210 : memref<!tpu.dma_semaphore, #tpu.memory_space<semaphore_mem>>) src(%dma_wait3A_220 : memref<640x64xf32, #tpu.memory_space<vmem_shared>>) dst(%dma_wait3A_218 : memref<640x64xf32, #tpu.memory_space<hbm>>)
      tpu.yield
    }) : () -> ()
    return
  }
}

module attributes {stable_mosaic.version = 14 : i64} {
  func.func @body(%arg0: i32, %arg1: memref<2000x128xf32, #tpu.memory_space<vmem>>, %arg2: memref<128x128xf32, #tpu.memory_space<vmem>>, %arg3: memref<2000x128xf32, #tpu.memory_space<vmem>>) attributes {dimension_semantics = [#tpu.dimension_semantics<arbitrary>], iteration_bounds = array<i64: 5>, scalar_prefetch = 0 : i64, scratch_operands = 0 : i64, tpu.core_type = #tpu.core_type<tc>, window_params = [{transform_indices = @transform_0, window_bounds = array<i64: 2000, 128>}, {pipeline_mode = #tpu.pipeline_mode<synchronous>, transform_indices = @transform_1, window_bounds = array<i64: 128, 128>}, {transform_indices = @transform_2, window_bounds = array<i64: 2000, 128>}]} {
    %get3A = arith.constant 0 : index
    %get3A_0 = arith.constant 0 : index
    %get3A_1 = vector.load %arg1[%get3A, %get3A_0] : memref<2000x128xf32, #tpu.memory_space<vmem>>, vector<2000x128xf32>
    %get3A_2 = arith.constant 0 : index
    %get3A_3 = arith.constant 0 : index
    %get3A_4 = vector.load %arg2[%get3A_2, %get3A_3] : memref<128x128xf32, #tpu.memory_space<vmem>>, vector<128x128xf32>
    %dot_general3A = arith.constant dense<0.000000e+00> : vector<2000x128xf32>
    %dot_general3A_5 = tpu.matmul %get3A_1, %get3A_4, %dot_general3A {dimension_numbers = #tpu.dot_dimension_numbers<[1], [0], [0], [1], [0, 0, 1, 1], [], []>, precision = #tpu.contract_precision<fp32>, transpose_lhs_hint = false} : vector<2000x128xf32>, vector<128x128xf32>, vector<2000x128xf32> -> vector<2000x128xf32>
    %swap3A = arith.constant 0 : index
    %swap3A_6 = arith.constant 0 : index
    %swap3A_7 = vector.load %arg3[%swap3A, %swap3A_6] : memref<2000x128xf32, #tpu.memory_space<vmem>>, vector<2000x128xf32>
    tpu.vector_store %arg3[%swap3A, %swap3A_6], %dot_general3A_5 {strides = array<i32>} : memref<2000x128xf32, #tpu.memory_space<vmem>>, vector<2000x128xf32>,
    return
  }
  func.func @transform_0(%arg0: i32) -> (i32, i32) {
    %c0_i32 = arith.constant 0 : i32
    %c0_i32_0 = arith.constant 0 : i32
    return %arg0, %c0_i32 : i32, i32
  }
  func.func @transform_1(%arg0: i32) -> (i32, i32) {
    %c0_i32 = arith.constant 0 : i32
    %c0_i32_0 = arith.constant 0 : i32
    %c0_i32_1 = arith.constant 0 : i32
    return %c0_i32, %c0_i32_0 : i32, i32
  }
  func.func @transform_2(%arg0: i32) -> (i32, i32) {
    %c0_i32 = arith.constant 0 : i32
    %c0_i32_0 = arith.constant 0 : i32
    return %arg0, %c0_i32 : i32, i32
  }
}

module attributes {stable_mosaic.version = 14 : i64} {
  func.func @body(%arg0: i32, %arg1: memref<2000x128xf32, #tpu.memory_space<vmem>>, %arg2: memref<2x2000x16xf32, #tpu.memory_space<vmem>>, %arg3: memref<2000x64xf32, #tpu.memory_space<vmem>>, %arg4: memref<2000x64xf32, #tpu.memory_space<vmem>>) attributes {dimension_semantics = [#tpu.dimension_semantics<arbitrary>], iteration_bounds = array<i64: 5>, scalar_prefetch = 0 : i64, scratch_operands = 0 : i64, tpu.core_type = #tpu.core_type<tc>, window_params = [{transform_indices = @transform_0, window_bounds = array<i64: 2000, 128>}, {transform_indices = @transform_1, window_bounds = array<i64: 2, 2000, 16>}, {transform_indices = @transform_2, window_bounds = array<i64: 2000, 64>}, {transform_indices = @transform_3, window_bounds = array<i64: 2000, 64>}]} {
    %get3A = arith.constant 0 : index
    %get3A_0 = arith.constant 0 : index
    %get3A_1 = vector.load %arg1[%get3A, %get3A_0] : memref<2000x128xf32, #tpu.memory_space<vmem>>, vector<2000x128xf32>
    %get3A_2 = arith.constant 0 : index
    %get3A_3 = arith.constant 0 : index
    %get3A_4 = arith.constant 0 : index
    %get3A_5 = vector.load %arg2[%get3A_2, %get3A_3, %get3A_4] : memref<2x2000x16xf32, #tpu.memory_space<vmem>>, vector<1x2000x1xf32>
    %get3A_6 = vector.shape_cast %get3A_5 : vector<1x2000x1xf32> to vector<2000x1xf32>
    %get3A_7 = arith.constant 1 : index
    %get3A_8 = arith.constant 0 : index
    %get3A_9 = arith.constant 0 : index
    %get3A_10 = vector.load %arg2[%get3A_7, %get3A_8, %get3A_9] : memref<2x2000x16xf32, #tpu.memory_space<vmem>>, vector<1x2000x1xf32>
    %get3A_11 = vector.shape_cast %get3A_10 : vector<1x2000x1xf32> to vector<2000x1xf32>
    %add3A = arith.addf %get3A_6, %get3A_11 : vector<2000x1xf32>
    %add3A_12 = arith.constant 1.000000e+00 : f32
    %add3A_13 = vector.broadcast %add3A_12 : f32 to vector<2000x1xf32>
    %add3A_14 = arith.addf %add3A, %add3A_13 : vector<2000x1xf32>
    %rsqrt3A = math.rsqrt %add3A_14 : vector<2000x1xf32>
    %mul3A = vector.broadcast %rsqrt3A : vector<2000x1xf32> to vector<2000x128xf32>
    %mul3A_15 = arith.mulf %get3A_1, %mul3A : vector<2000x128xf32>
    %slice3A = vector.extract_strided_slice %mul3A_15 {offsets = [0, 0], sizes = [2000, 64], strides = [1, 1]} : vector<2000x128xf32> to vector<2000x64xf32>
    %swap3A = arith.constant 0 : index
    %swap3A_16 = arith.constant 0 : index
    %swap3A_17 = vector.load %arg3[%swap3A, %swap3A_16] : memref<2000x64xf32, #tpu.memory_space<vmem>>, vector<2000x64xf32>
    tpu.vector_store %arg3[%swap3A, %swap3A_16], %slice3A {strides = array<i32>} : memref<2000x64xf32, #tpu.memory_space<vmem>>, vector<2000x64xf32>,
    %slice3A_18 = vector.extract_strided_slice %mul3A_15 {offsets = [0, 64], sizes = [2000, 64], strides = [1, 1]} : vector<2000x128xf32> to vector<2000x64xf32>
    %swap3A_19 = arith.constant 0 : index
    %swap3A_20 = arith.constant 0 : index
    %swap3A_21 = vector.load %arg4[%swap3A_19, %swap3A_20] : memref<2000x64xf32, #tpu.memory_space<vmem>>, vector<2000x64xf32>
    tpu.vector_store %arg4[%swap3A_19, %swap3A_20], %slice3A_18 {strides = array<i32>} : memref<2000x64xf32, #tpu.memory_space<vmem>>, vector<2000x64xf32>,
    return
  }
  func.func @transform_0(%arg0: i32) -> (i32, i32) {
    %c0_i32 = arith.constant 0 : i32
    %c0_i32_0 = arith.constant 0 : i32
    return %arg0, %c0_i32 : i32, i32
  }
  func.func @transform_1(%arg0: i32) -> (i32, i32, i32) {
    %c0_i32 = arith.constant 0 : i32
    %c0_i32_0 = arith.constant 0 : i32
    %c0_i32_1 = arith.constant 0 : i32
    return %c0_i32, %arg0, %c0_i32_0 : i32, i32, i32
  }
  func.func @transform_2(%arg0: i32) -> (i32, i32) {
    %c0_i32 = arith.constant 0 : i32
    %c0_i32_0 = arith.constant 0 : i32
    return %arg0, %c0_i32 : i32, i32
  }
  func.func @transform_3(%arg0: i32) -> (i32, i32) {
    %c0_i32 = arith.constant 0 : i32
    %c0_i32_0 = arith.constant 0 : i32
    return %arg0, %c0_i32 : i32, i32
  }
}

module attributes {stable_mosaic.version = 14 : i64} {
  func.func @body(%arg0: i32, %arg1: memref<2x2x2000x64xf32, #tpu.memory_space<vmem>>, %arg2: memref<2000x64xf32, #tpu.memory_space<vmem>>, %arg3: memref<2000x64xf32, #tpu.memory_space<vmem>>, %arg4: memref<2x2000x16xf32, #tpu.memory_space<vmem>>, %arg5: memref<1x128xf32, #tpu.memory_space<vmem>>, %arg6: memref<128x128xf32, #tpu.memory_space<vmem>>, %arg7: memref<2000x64xf32, #tpu.memory_space<vmem>>, %arg8: memref<2000x64xf32, #tpu.memory_space<vmem>>) attributes {dimension_semantics = [#tpu.dimension_semantics<arbitrary>], iteration_bounds = array<i64: 5>, scalar_prefetch = 0 : i64, scratch_operands = 0 : i64, tpu.core_type = #tpu.core_type<tc>, window_params = [{transform_indices = @transform_0, window_bounds = array<i64: 2, 2, 2000, 64>}, {transform_indices = @transform_1, window_bounds = array<i64: 2000, 64>}, {transform_indices = @transform_2, window_bounds = array<i64: 2000, 64>}, {transform_indices = @transform_3, window_bounds = array<i64: 2, 2000, 16>}, {pipeline_mode = #tpu.pipeline_mode<synchronous>, transform_indices = @transform_4, window_bounds = array<i64: 1, 128>}, {pipeline_mode = #tpu.pipeline_mode<synchronous>, transform_indices = @transform_5, window_bounds = array<i64: 128, 128>}, {transform_indices = @transform_6, window_bounds = array<i64: 2000, 64>}, {transform_indices = @transform_7, window_bounds = array<i64: 2000, 64>}]} {
    %get3A = arith.constant 0 : index
    %get3A_0 = arith.constant 0 : index
    %get3A_1 = arith.constant 0 : index
    %get3A_2 = vector.load %arg4[%get3A, %get3A_0, %get3A_1] : memref<2x2000x16xf32, #tpu.memory_space<vmem>>, vector<1x2000x1xf32>
    %get3A_3 = vector.shape_cast %get3A_2 : vector<1x2000x1xf32> to vector<2000x1xf32>
    %get3A_4 = arith.constant 1 : index
    %get3A_5 = arith.constant 0 : index
    %get3A_6 = arith.constant 0 : index
    %get3A_7 = vector.load %arg4[%get3A_4, %get3A_5, %get3A_6] : memref<2x2000x16xf32, #tpu.memory_space<vmem>>, vector<1x2000x1xf32>
    %get3A_8 = vector.shape_cast %get3A_7 : vector<1x2000x1xf32> to vector<2000x1xf32>
    %add3A = arith.addf %get3A_3, %get3A_8 : vector<2000x1xf32>
    %add3A_9 = arith.constant 1.000000e+00 : f32
    %add3A_10 = vector.broadcast %add3A_9 : f32 to vector<2000x1xf32>
    %add3A_11 = arith.addf %add3A, %add3A_10 : vector<2000x1xf32>
    %rsqrt3A = math.rsqrt %add3A_11 : vector<2000x1xf32>
    %get3A_12 = arith.constant 0 : index
    %get3A_13 = arith.constant 0 : index
    %get3A_14 = arith.constant 0 : index
    %get3A_15 = arith.constant 0 : index
    %get3A_16 = vector.load %arg1[%get3A_12, %get3A_13, %get3A_14, %get3A_15] : memref<2x2x2000x64xf32, #tpu.memory_space<vmem>>, vector<1x1x2000x64xf32>
    %get3A_17 = vector.shape_cast %get3A_16 : vector<1x1x2000x64xf32> to vector<2000x64xf32>
    %get3A_18 = arith.constant 0 : index
    %get3A_19 = arith.constant 1 : index
    %get3A_20 = arith.constant 0 : index
    %get3A_21 = arith.constant 0 : index
    %get3A_22 = vector.load %arg1[%get3A_18, %get3A_19, %get3A_20, %get3A_21] : memref<2x2x2000x64xf32, #tpu.memory_space<vmem>>, vector<1x1x2000x64xf32>
    %get3A_23 = vector.shape_cast %get3A_22 : vector<1x1x2000x64xf32> to vector<2000x64xf32>
    %add3A_24 = arith.addf %get3A_17, %get3A_23 : vector<2000x64xf32>
    %get3A_25 = arith.constant 0 : index
    %get3A_26 = arith.constant 0 : index
    %get3A_27 = vector.load %arg2[%get3A_25, %get3A_26] : memref<2000x64xf32, #tpu.memory_space<vmem>>, vector<2000x64xf32>
    %add3A_28 = arith.addf %add3A_24, %get3A_27 : vector<2000x64xf32>
    %get3A_29 = arith.constant 1 : index
    %get3A_30 = arith.constant 0 : index
    %get3A_31 = arith.constant 0 : index
    %get3A_32 = arith.constant 0 : index
    %get3A_33 = vector.load %arg1[%get3A_29, %get3A_30, %get3A_31, %get3A_32] : memref<2x2x2000x64xf32, #tpu.memory_space<vmem>>, vector<1x1x2000x64xf32>
    %get3A_34 = vector.shape_cast %get3A_33 : vector<1x1x2000x64xf32> to vector<2000x64xf32>
    %get3A_35 = arith.constant 1 : index
    %get3A_36 = arith.constant 1 : index
    %get3A_37 = arith.constant 0 : index
    %get3A_38 = arith.constant 0 : index
    %get3A_39 = vector.load %arg1[%get3A_35, %get3A_36, %get3A_37, %get3A_38] : memref<2x2x2000x64xf32, #tpu.memory_space<vmem>>, vector<1x1x2000x64xf32>
    %get3A_40 = vector.shape_cast %get3A_39 : vector<1x1x2000x64xf32> to vector<2000x64xf32>
    %add3A_41 = arith.addf %get3A_34, %get3A_40 : vector<2000x64xf32>
    %get3A_42 = arith.constant 0 : index
    %get3A_43 = arith.constant 0 : index
    %get3A_44 = vector.load %arg3[%get3A_42, %get3A_43] : memref<2000x64xf32, #tpu.memory_space<vmem>>, vector<2000x64xf32>
    %add3A_45 = arith.addf %add3A_41, %get3A_44 : vector<2000x64xf32>
    %concatenate3A = tpu.concatenate %add3A_28, %add3A_45 in 1 : vector<2000x64xf32>, vector<2000x64xf32> -> vector<2000x128xf32>
    %mul3A = vector.broadcast %rsqrt3A : vector<2000x1xf32> to vector<2000x128xf32>
    %mul3A_46 = arith.mulf %concatenate3A, %mul3A : vector<2000x128xf32>
    %get3A_47 = arith.constant 0 : index
    %get3A_48 = arith.constant 0 : index
    %get3A_49 = vector.load %arg5[%get3A_47, %get3A_48] : memref<1x128xf32, #tpu.memory_space<vmem>>, vector<1x128xf32>
    %add3A_50 = vector.broadcast %get3A_49 : vector<1x128xf32> to vector<2000x128xf32>
    %add3A_51 = arith.addf %mul3A_46, %add3A_50 : vector<2000x128xf32>
    %max3A = arith.constant 0.000000e+00 : f32
    %max3A_52 = vector.broadcast %max3A : f32 to vector<2000x128xf32>
    %max3A_53 = arith.maximumf %add3A_51, %max3A_52 : vector<2000x128xf32>
    %get3A_54 = arith.constant 0 : index
    %get3A_55 = arith.constant 0 : index
    %get3A_56 = vector.load %arg6[%get3A_54, %get3A_55] : memref<128x128xf32, #tpu.memory_space<vmem>>, vector<128x128xf32>
    %dot_general3A = arith.constant dense<0.000000e+00> : vector<2000x128xf32>
    %dot_general3A_57 = tpu.matmul %max3A_53, %get3A_56, %dot_general3A {dimension_numbers = #tpu.dot_dimension_numbers<[1], [0], [0], [1], [0, 0, 1, 1], [], []>, precision = #tpu.contract_precision<fp32>, transpose_lhs_hint = false} : vector<2000x128xf32>, vector<128x128xf32>, vector<2000x128xf32> -> vector<2000x128xf32>
    %mul3A_58 = vector.broadcast %rsqrt3A : vector<2000x1xf32> to vector<2000x128xf32>
    %mul3A_59 = arith.mulf %dot_general3A_57, %mul3A_58 : vector<2000x128xf32>
    %slice3A = vector.extract_strided_slice %mul3A_59 {offsets = [0, 0], sizes = [2000, 64], strides = [1, 1]} : vector<2000x128xf32> to vector<2000x64xf32>
    %swap3A = arith.constant 0 : index
    %swap3A_60 = arith.constant 0 : index
    %swap3A_61 = vector.load %arg7[%swap3A, %swap3A_60] : memref<2000x64xf32, #tpu.memory_space<vmem>>, vector<2000x64xf32>
    tpu.vector_store %arg7[%swap3A, %swap3A_60], %slice3A {strides = array<i32>} : memref<2000x64xf32, #tpu.memory_space<vmem>>, vector<2000x64xf32>,
    %slice3A_62 = vector.extract_strided_slice %mul3A_59 {offsets = [0, 64], sizes = [2000, 64], strides = [1, 1]} : vector<2000x128xf32> to vector<2000x64xf32>
    %swap3A_63 = arith.constant 0 : index
    %swap3A_64 = arith.constant 0 : index
    %swap3A_65 = vector.load %arg8[%swap3A_63, %swap3A_64] : memref<2000x64xf32, #tpu.memory_space<vmem>>, vector<2000x64xf32>
    tpu.vector_store %arg8[%swap3A_63, %swap3A_64], %slice3A_62 {strides = array<i32>} : memref<2000x64xf32, #tpu.memory_space<vmem>>, vector<2000x64xf32>,
    return
  }
  func.func @transform_0(%arg0: i32) -> (i32, i32, i32, i32) {
    %c0_i32 = arith.constant 0 : i32
    %c0_i32_0 = arith.constant 0 : i32
    %c0_i32_1 = arith.constant 0 : i32
    %c0_i32_2 = arith.constant 0 : i32
    return %c0_i32, %c0_i32_0, %arg0, %c0_i32_1 : i32, i32, i32, i32
  }
  func.func @transform_1(%arg0: i32) -> (i32, i32) {
    %c0_i32 = arith.constant 0 : i32
    %c0_i32_0 = arith.constant 0 : i32
    return %arg0, %c0_i32 : i32, i32
  }
  func.func @transform_2(%arg0: i32) -> (i32, i32) {
    %c0_i32 = arith.constant 0 : i32
    %c0_i32_0 = arith.constant 0 : i32
    return %arg0, %c0_i32 : i32, i32
  }
  func.func @transform_3(%arg0: i32) -> (i32, i32, i32) {
    %c0_i32 = arith.constant 0 : i32
    %c0_i32_0 = arith.constant 0 : i32
    %c0_i32_1 = arith.constant 0 : i32
    return %c0_i32, %arg0, %c0_i32_0 : i32, i32, i32
  }
  func.func @transform_4(%arg0: i32) -> (i32, i32) {
    %c0_i32 = arith.constant 0 : i32
    %c0_i32_0 = arith.constant 0 : i32
    %c0_i32_1 = arith.constant 0 : i32
    return %c0_i32, %c0_i32_0 : i32, i32
  }
  func.func @transform_5(%arg0: i32) -> (i32, i32) {
    %c0_i32 = arith.constant 0 : i32
    %c0_i32_0 = arith.constant 0 : i32
    %c0_i32_1 = arith.constant 0 : i32
    return %c0_i32, %c0_i32_0 : i32, i32
  }
  func.func @transform_6(%arg0: i32) -> (i32, i32) {
    %c0_i32 = arith.constant 0 : i32
    %c0_i32_0 = arith.constant 0 : i32
    return %arg0, %c0_i32 : i32, i32
  }
  func.func @transform_7(%arg0: i32) -> (i32, i32) {
    %c0_i32 = arith.constant 0 : i32
    %c0_i32_0 = arith.constant 0 : i32
    return %arg0, %c0_i32 : i32, i32
  }
}

module attributes {stable_mosaic.version = 14 : i64} {
  func.func @body(%arg0: i32, %arg1: memref<2x2x2000x64xf32, #tpu.memory_space<vmem>>, %arg2: memref<2000x64xf32, #tpu.memory_space<vmem>>, %arg3: memref<2000x64xf32, #tpu.memory_space<vmem>>, %arg4: memref<2x2000x16xf32, #tpu.memory_space<vmem>>, %arg5: memref<1x128xf32, #tpu.memory_space<vmem>>, %arg6: memref<2000x128xf32, #tpu.memory_space<vmem>>) attributes {dimension_semantics = [#tpu.dimension_semantics<arbitrary>], iteration_bounds = array<i64: 5>, scalar_prefetch = 0 : i64, scratch_operands = 0 : i64, tpu.core_type = #tpu.core_type<tc>, window_params = [{transform_indices = @transform_0, window_bounds = array<i64: 2, 2, 2000, 64>}, {transform_indices = @transform_1, window_bounds = array<i64: 2000, 64>}, {transform_indices = @transform_2, window_bounds = array<i64: 2000, 64>}, {transform_indices = @transform_3, window_bounds = array<i64: 2, 2000, 16>}, {pipeline_mode = #tpu.pipeline_mode<synchronous>, transform_indices = @transform_4, window_bounds = array<i64: 1, 128>}, {transform_indices = @transform_5, window_bounds = array<i64: 2000, 128>}]} {
    %get3A = arith.constant 0 : index
    %get3A_0 = arith.constant 0 : index
    %get3A_1 = arith.constant 0 : index
    %get3A_2 = vector.load %arg4[%get3A, %get3A_0, %get3A_1] : memref<2x2000x16xf32, #tpu.memory_space<vmem>>, vector<1x2000x1xf32>
    %get3A_3 = vector.shape_cast %get3A_2 : vector<1x2000x1xf32> to vector<2000x1xf32>
    %get3A_4 = arith.constant 1 : index
    %get3A_5 = arith.constant 0 : index
    %get3A_6 = arith.constant 0 : index
    %get3A_7 = vector.load %arg4[%get3A_4, %get3A_5, %get3A_6] : memref<2x2000x16xf32, #tpu.memory_space<vmem>>, vector<1x2000x1xf32>
    %get3A_8 = vector.shape_cast %get3A_7 : vector<1x2000x1xf32> to vector<2000x1xf32>
    %add3A = arith.addf %get3A_3, %get3A_8 : vector<2000x1xf32>
    %add3A_9 = arith.constant 1.000000e+00 : f32
    %add3A_10 = vector.broadcast %add3A_9 : f32 to vector<2000x1xf32>
    %add3A_11 = arith.addf %add3A, %add3A_10 : vector<2000x1xf32>
    %rsqrt3A = math.rsqrt %add3A_11 : vector<2000x1xf32>
    %get3A_12 = arith.constant 0 : index
    %get3A_13 = arith.constant 0 : index
    %get3A_14 = arith.constant 0 : index
    %get3A_15 = arith.constant 0 : index
    %get3A_16 = vector.load %arg1[%get3A_12, %get3A_13, %get3A_14, %get3A_15] : memref<2x2x2000x64xf32, #tpu.memory_space<vmem>>, vector<1x1x2000x64xf32>
    %get3A_17 = vector.shape_cast %get3A_16 : vector<1x1x2000x64xf32> to vector<2000x64xf32>
    %get3A_18 = arith.constant 0 : index
    %get3A_19 = arith.constant 1 : index
    %get3A_20 = arith.constant 0 : index
    %get3A_21 = arith.constant 0 : index
    %get3A_22 = vector.load %arg1[%get3A_18, %get3A_19, %get3A_20, %get3A_21] : memref<2x2x2000x64xf32, #tpu.memory_space<vmem>>, vector<1x1x2000x64xf32>
    %get3A_23 = vector.shape_cast %get3A_22 : vector<1x1x2000x64xf32> to vector<2000x64xf32>
    %add3A_24 = arith.addf %get3A_17, %get3A_23 : vector<2000x64xf32>
    %get3A_25 = arith.constant 0 : index
    %get3A_26 = arith.constant 0 : index
    %get3A_27 = vector.load %arg2[%get3A_25, %get3A_26] : memref<2000x64xf32, #tpu.memory_space<vmem>>, vector<2000x64xf32>
    %add3A_28 = arith.addf %add3A_24, %get3A_27 : vector<2000x64xf32>
    %get3A_29 = arith.constant 1 : index
    %get3A_30 = arith.constant 0 : index
    %get3A_31 = arith.constant 0 : index
    %get3A_32 = arith.constant 0 : index
    %get3A_33 = vector.load %arg1[%get3A_29, %get3A_30, %get3A_31, %get3A_32] : memref<2x2x2000x64xf32, #tpu.memory_space<vmem>>, vector<1x1x2000x64xf32>
    %get3A_34 = vector.shape_cast %get3A_33 : vector<1x1x2000x64xf32> to vector<2000x64xf32>
    %get3A_35 = arith.constant 1 : index
    %get3A_36 = arith.constant 1 : index
    %get3A_37 = arith.constant 0 : index
    %get3A_38 = arith.constant 0 : index
    %get3A_39 = vector.load %arg1[%get3A_35, %get3A_36, %get3A_37, %get3A_38] : memref<2x2x2000x64xf32, #tpu.memory_space<vmem>>, vector<1x1x2000x64xf32>
    %get3A_40 = vector.shape_cast %get3A_39 : vector<1x1x2000x64xf32> to vector<2000x64xf32>
    %add3A_41 = arith.addf %get3A_34, %get3A_40 : vector<2000x64xf32>
    %get3A_42 = arith.constant 0 : index
    %get3A_43 = arith.constant 0 : index
    %get3A_44 = vector.load %arg3[%get3A_42, %get3A_43] : memref<2000x64xf32, #tpu.memory_space<vmem>>, vector<2000x64xf32>
    %add3A_45 = arith.addf %add3A_41, %get3A_44 : vector<2000x64xf32>
    %concatenate3A = tpu.concatenate %add3A_28, %add3A_45 in 1 : vector<2000x64xf32>, vector<2000x64xf32> -> vector<2000x128xf32>
    %mul3A = vector.broadcast %rsqrt3A : vector<2000x1xf32> to vector<2000x128xf32>
    %mul3A_46 = arith.mulf %concatenate3A, %mul3A : vector<2000x128xf32>
    %get3A_47 = arith.constant 0 : index
    %get3A_48 = arith.constant 0 : index
    %get3A_49 = vector.load %arg5[%get3A_47, %get3A_48] : memref<1x128xf32, #tpu.memory_space<vmem>>, vector<1x128xf32>
    %add3A_50 = vector.broadcast %get3A_49 : vector<1x128xf32> to vector<2000x128xf32>
    %add3A_51 = arith.addf %mul3A_46, %add3A_50 : vector<2000x128xf32>
    %swap3A = arith.constant 0 : index
    %swap3A_52 = arith.constant 0 : index
    %swap3A_53 = vector.load %arg6[%swap3A, %swap3A_52] : memref<2000x128xf32, #tpu.memory_space<vmem>>, vector<2000x128xf32>
    tpu.vector_store %arg6[%swap3A, %swap3A_52], %add3A_51 {strides = array<i32>} : memref<2000x128xf32, #tpu.memory_space<vmem>>, vector<2000x128xf32>,
    return
  }
  func.func @transform_0(%arg0: i32) -> (i32, i32, i32, i32) {
    %c0_i32 = arith.constant 0 : i32
    %c0_i32_0 = arith.constant 0 : i32
    %c0_i32_1 = arith.constant 0 : i32
    %c0_i32_2 = arith.constant 0 : i32
    return %c0_i32, %c0_i32_0, %arg0, %c0_i32_1 : i32, i32, i32, i32
  }
  func.func @transform_1(%arg0: i32) -> (i32, i32) {
    %c0_i32 = arith.constant 0 : i32
    %c0_i32_0 = arith.constant 0 : i32
    return %arg0, %c0_i32 : i32, i32
  }
  func.func @transform_2(%arg0: i32) -> (i32, i32) {
    %c0_i32 = arith.constant 0 : i32
    %c0_i32_0 = arith.constant 0 : i32
    return %arg0, %c0_i32 : i32, i32
  }
  func.func @transform_3(%arg0: i32) -> (i32, i32, i32) {
    %c0_i32 = arith.constant 0 : i32
    %c0_i32_0 = arith.constant 0 : i32
    %c0_i32_1 = arith.constant 0 : i32
    return %c0_i32, %arg0, %c0_i32_0 : i32, i32, i32
  }
  func.func @transform_4(%arg0: i32) -> (i32, i32) {
    %c0_i32 = arith.constant 0 : i32
    %c0_i32_0 = arith.constant 0 : i32
    %c0_i32_1 = arith.constant 0 : i32
    return %c0_i32, %c0_i32_0 : i32, i32
  }
  func.func @transform_5(%arg0: i32) -> (i32, i32) {
    %c0_i32 = arith.constant 0 : i32
    %c0_i32_0 = arith.constant 0 : i32
    return %arg0, %c0_i32 : i32, i32
  }
}

</mosaic_0001>

<sc_bundles>
// kernel: kernel.12.cloned.1.call-start
scs
__scs_entry_jumppad:
0x0: {  	(pc) =	sbr.rel $0x88, $3  }
0x1: {  	(tag) =	ssettag $0x0;
	lr =	simm.s32 $0x1  }
0x2: {  	[smem:$0x3F9B] =	sst lr;
	_ =	strace $0xD0000000  }
0x3: {  	_ = 	snop  }
0x4: {  	_ = 	snop  }
0x5: {  	_ = 	snop  }
0x6: {  	_ = 	snop  }
0x7: {  	_ = 	snop  }
__scs_overlays_trampoline_lowered:
0x8: {  	[smem:$0x3FAA] =	sst s0  }
0x9: {  	[smem:$0x3FAB] =	sst s1  }
0xa: {  	[smem:$0x3FAC] =	sst s2  }
0xb: {  	[smem:$0x3FAD] =	sst s3  }
0xc: {  	[smem:$0x3FAE] =	sst s4  }
0xd: {  	[smem:$0x3FAF] =	sst s5  }
0xe: {  	[smem:$0x3FB0] =	sst s6  }
0xf: {  	[smem:$0x3FB1] =	sst s7  }
0x10: {  	[smem:$0x3FB2] =	sst s8  }
0x11: {  	[smem:$0x3FB3] =	sst s9;
	s0 =	simm.s32 @!p0 $0x0  }
0x12: {  	s1 =	sld [smem:$0x3F99];
	s0 =	simm.s32 @p0 $0x1  }
0x13: {  	[smem:$0x3FB4] =	sst s0;
	s0 =	simm.s32 @!p1 $0x0  }
0x14: {  	s2 =	sld [smem:$0x3F98];
	s0 =	simm.s32 @p1 $0x1  }
0x15: {  	[smem:$0x3FB5] =	sst s0;
	s0 =	simm.s32 @!p2 $0x0  }
0x16: {  	s3 =	sld [smem:$0x3FDB];
	s0 =	simm.s32 @p2 $0x1  }
0x17: {  	s4 =	simm.s32 $0x1BF5;
	[smem:$0x3FB7] =	sst s0  }
0x18: {  	s0 =	sld [smem:$0x3F9A];
	_ =	swait.ge [sflag:s4], $0x0  }
0x19: {  	s7 =	sld [smem:$0x3F9B]  }
0x1a: {  	s8 =	sadd.s32 $0xFFFFE003, lr  }
0x1b: {  	s9 =	sadd.s32 $0xFFFFFEF7, lr;
	s5 =	simm.s32 $0xFFFFFFFF;
	p2 =	slt.u32 s8, $0xFFFFF086  }
0x1c: {  	p1 =	slt.u32 s9, $0xF7A;
	s5 =	simm.s32 @!p2 $0x0  }
0x1d: {  	s5 =	simm.s32 @p1 $0x1;
	p0 =	seq.s32 s7, s2  }
0x1e: {  	s7 =	smul.u32 @!p0 $0xF7A, s2;
	p2 =	seq.s32 @!p0 s5, $0x0  }
0x1f: {  	s9 =	smul.u32 $0xF7A, s1;
	s8 =	simm.s32 @!p0 $0x1BF5;
	p2 =	por !p2, p0  }
0x20: {  	[sflag:s8] =	ssyncset.s32 @!p0 $0xFFFFF086;
	s6 =	sadd.s32 @!p0 s3, s7;
	s7 =	simm.s32 @!p0 $0x108  }
0x21: {  	s3 =	sadd.s32 s3, s9;
	s6 =	sadd.s32 @!p0 $0x88, s6;
	s7 =	simm.s32 @p2 $0x1082  }
0x22: {  	[simem:s7], [sflag:s8] =	dma.local @!p0 [hbm:s6], $0xF7A  }
0x23: {  	s9 =	sor.u32 $0xD0000000, s2;
	s6 =	simm.s32 $0x108;
	_ =	swait.ge @!p0 [sflag:s8], $0x0  }
0x24: {  	s3 =	sadd.s32 $0x88, s3;
	s6 =	simm.s32 @!p1 $0x1082;
	[sflag:s4] =	ssyncset.s32 $0xFFFFF086  }
0x25: {  	[simem:s6], [sflag:s4] =	dma.local [hbm:s3], $0xF7A  }
0x26: {  	[smem:$0x3F9B] =	sst s1;
	(tag) =	ssettag s2;
	_ =	strace s9  }
0x27: {  	s1 =	sld [smem:$0x3FAB]  }
0x28: {  	s2 =	sld [smem:$0x3FAC]  }
0x29: {  	s4 =	sld [smem:$0x3FAE]  }
0x2a: {  	p0 =	seq.s32 s5, $0x0;
	s5 =	sld [smem:$0x3FAF]  }
0x2b: {  	s6 =	sld [smem:$0x3FB0]  }
0x2c: {  	s7 =	sld [smem:$0x3FB1]  }
0x2d: {  	s3 =	simm.s32 $0x108;
	s8 =	sld [smem:$0x3FB2]  }
0x2e: {  	s3 =	simm.s32 @!p0 $0x1082;
	s9 =	sld [smem:$0x3FB3]  }
0x2f: {  	lr =	sadd.s32 s0, s3;
	s0 =	sld [smem:$0x3FAA]  }
0x30: {  	s3 =	sld [smem:$0x3FAD]  }
0x31: {  	[smem:$0x3FB6] =	sst s10  }
0x32: {  	s10 =	sld [smem:$0x3FB4];
	_ =	sdelay $0x3  }
0x33: {  	p0 =	seq.s32 s10, $0x1;
	s10 =	sld [smem:$0x3FB6];
	_ =	sdelay $0x3  }
0x34: {  	[smem:$0x3FB6] =	sst s10  }
0x35: {  	s10 =	sld [smem:$0x3FB5];
	_ =	sdelay $0x3  }
0x36: {  	p1 =	seq.s32 s10, $0x1;
	s10 =	sld [smem:$0x3FB6];
	_ =	sdelay $0x3  }
0x37: {  	[smem:$0x3FB6] =	sst s10  }
0x38: {  	s10 =	sld [smem:$0x3FB7]  }
0x39: {  	_ = 	snop;
	(pc) =	sbr.ind lr, $3  }
0x3a: {  	_ = 	snop  }
0x3b: {  	_ = 	snop  }
0x3c: {  	p2 =	seq.s32 s10, $0x1;
	s10 =	sld [smem:$0x3FB6]  }
0x3d: {  	_ =	shalt  }
0x3e: {  	_ =	shalt  }
0x3f: {  	_ =	shalt  }
0x40: {  	_ =	shalt  }
0x41: {  	_ =	shalt  }
0x42: {  	_ =	shalt  }
0x43: {  	_ =	shalt  }
0x44: {  	_ =	shalt  }
0x45: {  	_ =	shalt  }
0x46: {  	_ =	shalt  }
0x47: {  	_ =	shalt  }
0x48: {  	_ =	shalt  }
0x49: {  	_ =	shalt  }
0x4a: {  	_ =	shalt  }
0x4b: {  	_ =	shalt  }
0x4c: {  	_ =	shalt  }
0x4d: {  	_ =	shalt  }
0x4e: {  	_ =	shalt  }
0x4f: {  	_ =	shalt  }
0x50: {  	_ =	shalt  }
0x51: {  	_ =	shalt  }
0x52: {  	_ =	shalt  }
0x53: {  	_ =	shalt  }
0x54: {  	_ =	shalt  }
0x55: {  	_ =	shalt  }
0x56: {  	_ =	shalt  }
0x57: {  	_ =	shalt  }
0x58: {  	_ =	shalt  }
0x59: {  	_ =	shalt  }
0x5a: {  	_ =	shalt  }
0x5b: {  	_ =	shalt  }
0x5c: {  	_ =	shalt  }
0x5d: {  	_ =	shalt  }
0x5e: {  	_ =	shalt  }
0x5f: {  	_ =	shalt  }
0x60: {  	_ =	shalt  }
0x61: {  	_ =	shalt  }
0x62: {  	_ =	shalt  }
0x63: {  	_ =	shalt  }
0x64: {  	_ =	shalt  }
0x65: {  	_ =	shalt  }
0x66: {  	_ =	shalt  }
0x67: {  	_ =	shalt  }
0x68: {  	_ =	shalt  }
0x69: {  	_ =	shalt  }
0x6a: {  	_ =	shalt  }
0x6b: {  	_ =	shalt  }
0x6c: {  	_ =	shalt  }
0x6d: {  	_ =	shalt  }
0x6e: {  	_ =	shalt  }
0x6f: {  	_ =	shalt  }
0x70: {  	_ =	shalt  }
0x71: {  	_ =	shalt  }
0x72: {  	_ =	shalt  }
0x73: {  	_ =	shalt  }
0x74: {  	_ =	shalt  }
0x75: {  	_ =	shalt  }
0x76: {  	_ =	shalt  }
0x77: {  	_ =	shalt  }
0x78: {  	_ =	shalt  }
0x79: {  	_ =	shalt  }
0x7a: {  	_ =	shalt  }
0x7b: {  	_ =	shalt  }
0x7c: {  	_ =	shalt  }
0x7d: {  	_ =	shalt  }
0x7e: {  	_ =	shalt  }
0x7f: {  	_ =	shalt  }
0x80: {  	_ =	shalt  }
0x81: {  	_ =	shalt  }
0x82: {  	_ =	shalt  }
0x83: {  	_ =	shalt  }
0x84: {  	_ =	shalt  }
0x85: {  	_ =	shalt  }
0x86: {  	_ =	shalt  }
0x87: {  	_ =	shalt  }
.Lfunc_end0:
.L_simem_size_0:
called_computation.1_lowered:
.L_overlay_start_0:
0x88: {  	s2 =	sld [smem:$0x3FD9]  }
0x89: {  	s3 =	sld [smem:$0x3FFE];
	_ =	sdelay $0x1  }
0x8a: {  	s1 =	srdreg.scid  }
0x8b: {  	s0 =	sand.u32 $0x1, s1  }
0x8c: {  	s17 =	sshll.u32 s0, $0xA;
	s2 =	sadd.s32 s3, s2  }
0x8d: {  	s2 =	sadd.s32 s2, s17  }
0x8e: {  	[smem:$0x3FC2] =	sst s2  }
0x8f: {  	_ = 	snop  }
0x90: {  	s2 =	sld [smem:$0x3FD0];
	(tm) =	ssettm $0x1  }
0x91: {  	s18 =	sld [smem:$0x3FFB];
	_ =	sdelay $0x3  }
0x92: {  	_ =	strace s18  }
0x93: {  	s3 =	sld [smem:$0x3FFC];
	_ =	sdelay $0x3  }
0x94: {  	_ =	strace s3  }
0x95: {  	s3 =	sld [smem:$0x3FFD];
	_ =	sdelay $0x3  }
0x96: {  	_ =	strace s3  }
0x97: {  	_ =	strace $0x8FFFFFFF  }
0x98: {  	s19 =	sld [smem:$0x3FDB];
	_ =	sdelay $0x1  }
0x99: {  	s4 =	simm.s32 $_scs_section_size  }
0x9a: {  	s5 =	simm.s32 $_size__tile_overlayer_lowered;
	s6 =	simm.s32 $_tile_overlayer_lowered  }
0x9b: {  	s22 =	simm.s32 $0x1BFF;
	s21 =	sshll.u32 s6, $0x1;
	s3 =	sadd.s32 s4, s19  }
0x9c: {  	s7 =	simm.s32 $0x0;
	s20 =	sshll.u32 s5, $0x1;
	s5 =	sadd.s32 s21, s3  }
0x9d: {  	[timem:s7], [sflag:s22] =	dma.local [hbm:s5], s20  }
0x9e: {  	_ =	swait.ge [sflag:s22], s20  }
0x9f: {  	s4 =	ssub.s32 $0x0, s20;
	[sflag:s22] =	ssyncset.done $0x0  }
0xa0: {  	[sflag:s22] =	ssyncadd.s32 s4;
	_ =	sdelay $0x1  }
0xa1: {  	s23 =	simm.s32 $0x1B8B  }
0xa2: {  	_ =	swait.ge [sflag:s23], $0x1  }
0xa3: {  	[sflag:s23] =	ssyncset.done $0x0  }
0xa4: {  	s25 =	simm.s32 $0x1B8E;
	s24 =	sld [smem:$0x3FFE];
	[sflag:s23] =	ssyncadd.s32 $0xFFFFFFFF  }
0xa5: {  	s26 =	simm.s32 $execute0_lowered;
	[smem:$0x3FD2] =	sst s25  }
0xa6: {  	s5 =	sshll.u32 s26, $0x1;
	_ =	strace $0x80000049;
	[dreg:$0x1] =	wrdreg $0xFFFFFFFF  }
0xa7: {  	s28 =	simm.s32 $_size_execute0_lowered;
	s3 =	sadd.s32 s3, s5;
	[dreg:$0x0] =	wrdreg $0x0  }
0xa8: {  	s5 =	sshll.u32 s28, $0x1;
	[dreg:$0x2] =	wrdreg s3  }
0xa9: {  	[dreg:$0x3] =	wrdreg s5  }
0xaa: {  	[dreg:$0x4] =	wrdreg $0xC0  }
0xab: {  	_ =	task [dreg:s7], $0x5FFFF  }
0xac: {  	[dreg:$0x1] =	wrdreg $0xFFFFFFFF  }
0xad: {  	[dreg:$0x0] =	wrdreg $0x60  }
0xae: {  	[dreg:$0x2] =	wrdreg s24  }
0xaf: {  	[dreg:$0x3] =	wrdreg s2  }
0xb0: {  	[dreg:$0x4] =	wrdreg $0xF4000  }
0xb1: {  	[dreg:$0x5] =	wrdreg $0x9  }
0xb2: {  	_ =	task.clear_ibuf [dreg:s7], $0x6FFFF;
	_ =	strace $0x90000049  }
0xb3: {  	s29 =	simm.s32 $0x9;
	_ =	strace $0x8000004B  }
0xb4: {  	_ =	swait.ge [sflag:s29], $0x1  }
0xb5: {  	[sflag:s29] =	ssyncadd.s32 $0xFFFFFFFF  }
0xb6: {  	_ =	strace $0x9000004B  }
0xb7: {  	_ =	sfence  }
0xb8: {  	s30 =	sld [smem:$0x0];
	_ =	sdelay $0x2  }
0xb9: {  	s31 =	sshll.u32 s1, $0xD;
	s1 =	sshrl.u32 s1, $0x2  }
0xba: {  	s3 =	sand.u32 $0x4000, s31;
	s1 =	sadd.s32 s1, s30  }
0xbb: {  	s0 =	sor.u32 s3, s0;
	s1 =	sshll.u32 s1, $0x11  }
0xbc: {  	s0 =	sor.u32 s1, s0  }
0xbd: {  	s0 =	sadd.s32 $0x8F2B, s0  }
0xbe: {  	[sflag:s0] =	ssyncadd.remote.s32 $0x1  }
0xbf: {  	_ =	sfence.sel $0xFFFF  }
0xc0: {  	[dreg:$0x0] =	wrdreg $0xFFFFFFFF;
	(pc) =	sbr.abs _section_cstart, $3  }
0xc1: {  	[dreg:$0x1] =	wrdreg $0xFFFFFFFF  }
0xc2: {  	_ =	task.clear_ibuf [dreg:s7], $0x2FFFF;
	_ =	strace $0x9FFFFFFF  }
0xc3: {  	(tm) =	ssettm $0x7FFFFFFF  }
tec
execute0_lowered:
.L_overlay_start_1:
0x0: {  	(tag) =	ssettag $0x1  }
0x1: {  	s0 =	rddreg [dreg:$0x0];
	s11 =	stileid.u32  }
0x2: {  	s1 =	srdreg.scid;
	s22 =	smul.u32 $0xA000, s11  }
0x3: {  	s2 =	rddreg [dreg:$0x1];
	s1 =	sand.u32 $0x1, s1;
	s23 =	smul.u32 $0x28000, s11  }
0x4: {  	s3 =	rddreg [dreg:$0x2];
	s7 =	simm.s32 $0x0;
	s5 =	smul.u32 $0x70, s1  }
0x5: {  	[smem:$0x7FF] =	sst s7;
	s6 =	smul.u32 $0xA0000, s1  }
0x6: {  	_ =	strace $0x8000004A;
	s8 =	ssub.s32 $0x2, s1;
	p0 =	seq.s32 s1, $0x0  }
0x7: {  	s10 =	sshrl.u32 s8, $0x1;
	s1 =	sshrl.u32 s23, $0x2;
	s26 =	sadd.s32 s22, s3  }
0x8: {  	s8 =	ssub.s32 s8, s10;
	s18 =	sadd.s32 s1, s3;
	[dreg:$0x9] =	wrdreg s26  }
0x9: {  	s1 =	smax.u32 s8, $0x1;
	[dreg:$0x7] =	wrdreg s18  }
0xa: {  	s7 =	sadd.s32 $0xC00, s18;
	[dreg:$0xb] =	wrdreg s1  }
0xb: {  	s8 =	sadd.s32 $0x1000, s18;
	[dreg:$0xe] =	wrdreg s7  }
0xc: {  	s10 =	sadd.s32 $0x1800, s18;
	[dreg:$0xf] =	wrdreg s8  }
0xd: {  	s4 =	smul.u32 $0xA0, s11;
	s11 =	sadd.s32 $0x1C00, s18;
	[dreg:$0x11] =	wrdreg s10  }
0xe: {  	s12 =	sadd.s32 $0x2000, s18;
	[dreg:$0x12] =	wrdreg s11  }
0xf: {  	s13 =	sadd.s32 $0x2400, s18;
	[dreg:$0x13] =	wrdreg s12  }
0x10: {  	s15 =	sadd.s32 $0x2800, s18;
	[dreg:$0x14] =	wrdreg s13  }
0x11: {  	s16 =	sadd.s32 $0x2C00, s18;
	[dreg:$0x15] =	wrdreg s15  }
0x12: {  	s17 =	sadd.s32 $0x3000, s18;
	[dreg:$0x16] =	wrdreg s16  }
0x13: {  	s4 =	sadd.s32 s5, s4;
	s20 =	sadd.s32 $0x3400, s18;
	[dreg:$0x17] =	wrdreg s17  }
0x14: {  	s6 =	sadd.s32 s22, s6;
	s21 =	sadd.s32 $0x3800, s18;
	[dreg:$0x18] =	wrdreg s20  }
0x15: {  	s5 =	sadd.s32 $0x67A00, s0;
	s22 =	sadd.s32 $0x3C00, s18;
	[dreg:$0x19] =	wrdreg s21  }
0x16: {  	s4 =	sshll.u32 s4, $0x4;
	s23 =	sadd.s32 $0x4000, s18;
	[dreg:$0x1a] =	wrdreg s22  }
0x17: {  	s9 =	sshrl.u32 s6, $0x3;
	s26 =	sadd.s32 $0x4C00, s18;
	[dreg:$0x1b] =	wrdreg s23  }
0x18: {  	s19 =	sadd.s32 $0x400, s18;
	s4 =	sadd.s32 s4, s0;
	[dreg:$0x1e] =	wrdreg s26  }
0x19: {  	s0 =	sadd.s32 s9, s0;
	s9 =	sadd.s32 $0x1400, s18;
	[dreg:$0xc] =	wrdreg s19  }
0x1a: {  	s1 =	sadd.s32 $0x5000, s18;
	[dreg:$0x10] =	wrdreg s9  }
0x1b: {  	s7 =	sadd.s32 $0x5800, s18;
	[dreg:$0x1f] =	wrdreg s1  }
0x1c: {  	s8 =	sadd.s32 $0x5C00, s18;
	[smem:$0x7EC] =	sst s7  }
0x1d: {  	s10 =	sadd.s32 $0x6400, s18;
	[smem:$0x7ED] =	sst s8  }
0x1e: {  	s11 =	sadd.s32 $0x6800, s18;
	[smem:$0x7EF] =	sst s10  }
0x1f: {  	s12 =	sadd.s32 $0x6C00, s18;
	[smem:$0x7F0] =	sst s11  }
0x20: {  	s13 =	sadd.s32 $0x7000, s18;
	[smem:$0x7F1] =	sst s12  }
0x21: {  	s15 =	sadd.s32 $0x7800, s18;
	[smem:$0x7F2] =	sst s13  }
0x22: {  	s16 =	sadd.s32 $0x7C00, s18;
	[smem:$0x7F4] =	sst s15  }
0x23: {  	s17 =	sadd.s32 $0x8000, s18;
	[smem:$0x7F5] =	sst s16  }
0x24: {  	s20 =	sadd.s32 $0x8400, s18;
	[smem:$0x7F6] =	sst s17  }
0x25: {  	s21 =	sadd.s32 $0x8800, s18;
	[smem:$0x7F7] =	sst s20  }
0x26: {  	s22 =	sadd.s32 $0x8C00, s18;
	[smem:$0x7F8] =	sst s21  }
0x27: {  	s23 =	sadd.s32 $0x9000, s18;
	[smem:$0x7F9] =	sst s22  }
0x28: {  	s26 =	sadd.s32 $0x9C00, s18;
	[smem:$0x7FA] =	sst s23  }
0x29: {  	s28 =	simm.s32 $0x9;
	s24 =	sadd.s32 $0xD600, s4;
	[smem:$0x7FD] =	sst s26  }
0x2a: {  	s29 =	simm.s32 $0xF000;
	s4 =	sadd.s32 $0x3200, s4;
	[dreg:$0x5] =	wrdreg s24  }
0x2b: {  	s30 =	simm.s32 $0x1;
	s25 =	sadd.s32 $0x7B400, s0;
	[dreg:$0x6] =	wrdreg s4  }
0x2c: {  	s6 =	simm.s32 $0x70;
	s0 =	sadd.s32 $0xA3400, s0;
	[dreg:$0x8] =	wrdreg s25  }
0x2d: {  	s6 =	simm.s32 @!p0 $0x30;
	s9 =	sadd.s32 $0x6000, s18;
	[dreg:$0xa] =	wrdreg s0  }
0x2e: {  	s14 =	sshll.u32 s6, $0x9;
	s4 =	sadd.s32 $0x800, s18;
	[smem:$0x7EE] =	sst s9  }
0x2f: {  	s31 =	simm.s32 $0x80;
	s0 =	sadd.s32 $0xFFFFF800, s14;
	[dreg:$0xd] =	wrdreg s4  }
0x30: {  	s1 =	simm.s32 $0x7000;
	s24 =	sadd.s32 $0x4400, s18;
	[dreg:$0x4] =	wrdreg s0  }
0x31: {  	s7 =	simm.s32 $0xD000;
	s25 =	sadd.s32 $0x4800, s18;
	[dreg:$0x1c] =	wrdreg s24  }
0x32: {  	s8 =	simm.s32 $0x2;
	s14 =	sadd.s32 $0x7400, s18;
	[dreg:$0x1d] =	wrdreg s25  }
0x33: {  	s10 =	simm.s32 $0x3;
	s4 =	sadd.s32 $0x5400, s18;
	[smem:$0x7F3] =	sst s14  }
0x34: {  	s11 =	simm.s32 $0x4;
	s24 =	sadd.s32 $0x9400, s18;
	[smem:$0x7EB] =	sst s4  }
0x35: {  	s16 =	simm.s32 $0x0;
	s25 =	sadd.s32 $0x9800, s18;
	[smem:$0x7FB] =	sst s24  }
0x36: {  	v0 =	vimm.f32 $0.0e+00;
	s0 =	simm.s32 $0x9000;
	[smem:$0x7FC] =	sst s25;
	s4 =	simm.s32 $0xB000  }
.LBB2_1:
0x37: {  	[tilespmem:$0xF000] =	vst v0  }
0x38: {  	[tilespmem:$0xF010] =	vst v0  }
0x39: {  	[tilespmem:$0xF020] =	vst v0  }
0x3a: {  	[tilespmem:$0xF030] =	vst v0  }
0x3b: {  	[tilespmem:$0xF040] =	vst v0  }
0x3c: {  	[tilespmem:$0xF050] =	vst v0  }
0x3d: {  	[tilespmem:$0xF060] =	vst v0  }
0x3e: {  	[tilespmem:$0xF070] =	vst v0  }
0x3f: {  	[tilespmem:$0xF080] =	vst v0  }
0x40: {  	[tilespmem:$0xF090] =	vst v0  }
0x41: {  	[tilespmem:$0xF0A0] =	vst v0  }
0x42: {  	[tilespmem:$0xF0B0] =	vst v0  }
0x43: {  	[tilespmem:$0xF0C0] =	vst v0  }
0x44: {  	[tilespmem:$0xF0D0] =	vst v0  }
0x45: {  	[tilespmem:$0xF0E0] =	vst v0  }
0x46: {  	[tilespmem:$0xF0F0] =	vst v0  }
0x47: {  	[tilespmem:$0xF100] =	vst v0  }
0x48: {  	[tilespmem:$0xF110] =	vst v0  }
0x49: {  	[tilespmem:$0xF120] =	vst v0  }
0x4a: {  	[tilespmem:$0xF130] =	vst v0  }
0x4b: {  	[tilespmem:$0xF140] =	vst v0  }
0x4c: {  	[tilespmem:$0xF150] =	vst v0  }
0x4d: {  	[tilespmem:$0xF160] =	vst v0  }
0x4e: {  	[tilespmem:$0xF170] =	vst v0  }
0x4f: {  	[tilespmem:$0xF180] =	vst v0  }
0x50: {  	[tilespmem:$0xF190] =	vst v0  }
0x51: {  	[tilespmem:$0xF1A0] =	vst v0  }
0x52: {  	[tilespmem:$0xF1B0] =	vst v0  }
0x53: {  	[tilespmem:$0xF1C0] =	vst v0  }
0x54: {  	[tilespmem:$0xF1D0] =	vst v0  }
0x55: {  	[tilespmem:$0xF1E0] =	vst v0  }
0x56: {  	[tilespmem:$0xF1F0] =	vst v0  }
0x57: {  	[tilespmem:$0xF200] =	vst v0  }
0x58: {  	[tilespmem:$0xF210] =	vst v0  }
0x59: {  	[tilespmem:$0xF220] =	vst v0  }
0x5a: {  	[tilespmem:$0xF230] =	vst v0  }
0x5b: {  	[tilespmem:$0xF240] =	vst v0  }
0x5c: {  	[tilespmem:$0xF250] =	vst v0  }
0x5d: {  	[tilespmem:$0xF260] =	vst v0  }
0x5e: {  	[tilespmem:$0xF270] =	vst v0  }
0x5f: {  	[tilespmem:$0xF280] =	vst v0  }
0x60: {  	[tilespmem:$0xF290] =	vst v0  }
0x61: {  	[tilespmem:$0xF2A0] =	vst v0  }
0x62: {  	[tilespmem:$0xF2B0] =	vst v0  }
0x63: {  	[tilespmem:$0xF2C0] =	vst v0  }
0x64: {  	[tilespmem:$0xF2D0] =	vst v0  }
0x65: {  	[tilespmem:$0xF2E0] =	vst v0  }
0x66: {  	[tilespmem:$0xF2F0] =	vst v0  }
0x67: {  	[tilespmem:$0xF300] =	vst v0  }
0x68: {  	[tilespmem:$0xF310] =	vst v0  }
0x69: {  	[tilespmem:$0xF320] =	vst v0  }
0x6a: {  	[tilespmem:$0xF330] =	vst v0  }
0x6b: {  	[tilespmem:$0xF340] =	vst v0  }
0x6c: {  	[tilespmem:$0xF350] =	vst v0  }
0x6d: {  	[tilespmem:$0xF360] =	vst v0  }
0x6e: {  	[tilespmem:$0xF370] =	vst v0  }
0x6f: {  	[tilespmem:$0xF380] =	vst v0  }
0x70: {  	[tilespmem:$0xF390] =	vst v0  }
0x71: {  	[tilespmem:$0xF3A0] =	vst v0  }
0x72: {  	[tilespmem:$0xF3B0] =	vst v0  }
0x73: {  	[tilespmem:$0xF3C0] =	vst v0  }
0x74: {  	[tilespmem:$0xF3D0] =	vst v0  }
0x75: {  	[tilespmem:$0xF3E0] =	vst v0  }
0x76: {  	[tilespmem:$0xF3F0] =	vst v0;
	s9 =	simm.s32 $0x0;
	s12 =	rddreg [dreg:$0x5]  }
0x77: {  	[tilespmem:s9], [sflag:$0x9] =	stream.linear.gather [hbm4b:s12+s9], $0x3800, $0x38;
	[tilespmem:$0x19400] =	vst v63  }
0x78: {  	_ =	swait.ge [sflag:s28], $0x3800  }
0x79: {  	[sflag:s28] =	ssyncset.done $0x0  }
0x7a: {  	s13 =	simm.s32 $0x3800;
	s24 =	rddreg [dreg:$0x6];
	[sflag:s28] =	ssyncadd.s32 $0xFFFFC800  }
0x7b: {  	[tilespmem:s13], [sflag:$0x9] =	stream.linear.gather [hbm4b:s24+s9], $0x3800, $0x38;
	[tilespmem:$0x19400] =	vst v63  }
0x7c: {  	_ =	swait.ge [sflag:s28], $0x3800  }
0x7d: {  	[sflag:s28] =	ssyncset.done $0x0  }
0x7e: {  	[sflag:s28] =	ssyncadd.s32 $0xFFFFC800  }
0x7f: {  	[spmem:s18] =	stream.linear.scatter [tilespmem:s29], [sflag:$0x1], $0x400, $0x38;
	[tilespmem:$0x19400] =	vst v63  }
0x80: {  	s25 =	rddreg [dreg:$0xd]  }
0x81: {  	[spmem:s19] =	stream.linear.scatter [tilespmem:s29], [sflag:$0x1], $0x400, $0x38;
	[tilespmem:$0x19400] =	vst v63  }
0x82: {  	s26 =	rddreg [dreg:$0xe]  }
0x83: {  	[spmem:s25] =	stream.linear.scatter [tilespmem:s29], [sflag:$0x1], $0x400, $0x38;
	[tilespmem:$0x19400] =	vst v63  }
0x84: {  	s12 =	rddreg [dreg:$0xf]  }
0x85: {  	[spmem:s26] =	stream.linear.scatter [tilespmem:s29], [sflag:$0x1], $0x400, $0x38;
	[tilespmem:$0x19400] =	vst v63  }
0x86: {  	s13 =	rddreg [dreg:$0x10]  }
0x87: {  	[spmem:s12] =	stream.linear.scatter [tilespmem:s29], [sflag:$0x1], $0x400, $0x38;
	[tilespmem:$0x19400] =	vst v63  }
0x88: {  	s14 =	rddreg [dreg:$0x11]  }
0x89: {  	[spmem:s13] =	stream.linear.scatter [tilespmem:s29], [sflag:$0x1], $0x400, $0x38;
	[tilespmem:$0x19400] =	vst v63  }
0x8a: {  	s15 =	rddreg [dreg:$0x12]  }
0x8b: {  	[spmem:s14] =	stream.linear.scatter [tilespmem:s29], [sflag:$0x1], $0x400, $0x38;
	[tilespmem:$0x19400] =	vst v63  }
0x8c: {  	s17 =	rddreg [dreg:$0x13]  }
0x8d: {  	[spmem:s15] =	stream.linear.scatter [tilespmem:s29], [sflag:$0x1], $0x400, $0x38;
	[tilespmem:$0x19400] =	vst v63  }
0x8e: {  	s20 =	rddreg [dreg:$0x14]  }
0x8f: {  	[spmem:s17] =	stream.linear.scatter [tilespmem:s29], [sflag:$0x1], $0x400, $0x38;
	[tilespmem:$0x19400] =	vst v63  }
0x90: {  	s21 =	rddreg [dreg:$0x15]  }
0x91: {  	[spmem:s20] =	stream.linear.scatter [tilespmem:s29], [sflag:$0x1], $0x400, $0x38;
	[tilespmem:$0x19400] =	vst v63  }
0x92: {  	s22 =	rddreg [dreg:$0x16]  }
0x93: {  	[spmem:s21] =	stream.linear.scatter [tilespmem:s29], [sflag:$0x1], $0x400, $0x38;
	[tilespmem:$0x19400] =	vst v63  }
0x94: {  	s23 =	rddreg [dreg:$0x17]  }
0x95: {  	[spmem:s22] =	stream.linear.scatter [tilespmem:s29], [sflag:$0x1], $0x400, $0x38;
	[tilespmem:$0x19400] =	vst v63  }
0x96: {  	s24 =	rddreg [dreg:$0x18]  }
0x97: {  	[spmem:s23] =	stream.linear.scatter [tilespmem:s29], [sflag:$0x1], $0x400, $0x38;
	[tilespmem:$0x19400] =	vst v63  }
0x98: {  	s25 =	rddreg [dreg:$0x19]  }
0x99: {  	[spmem:s24] =	stream.linear.scatter [tilespmem:s29], [sflag:$0x1], $0x400, $0x38;
	[tilespmem:$0x19400] =	vst v63  }
0x9a: {  	s26 =	rddreg [dreg:$0x1a]  }
0x9b: {  	[spmem:s25] =	stream.linear.scatter [tilespmem:s29], [sflag:$0x1], $0x400, $0x38;
	[tilespmem:$0x19400] =	vst v63  }
0x9c: {  	s12 =	rddreg [dreg:$0x1b]  }
0x9d: {  	[spmem:s26] =	stream.linear.scatter [tilespmem:s29], [sflag:$0x1], $0x400, $0x38;
	[tilespmem:$0x19400] =	vst v63  }
0x9e: {  	s13 =	rddreg [dreg:$0x1c]  }
0x9f: {  	[spmem:s12] =	stream.linear.scatter [tilespmem:s29], [sflag:$0x1], $0x400, $0x38;
	[tilespmem:$0x19400] =	vst v63  }
0xa0: {  	s14 =	rddreg [dreg:$0x1d]  }
0xa1: {  	[spmem:s13] =	stream.linear.scatter [tilespmem:s29], [sflag:$0x1], $0x400, $0x38;
	[tilespmem:$0x19400] =	vst v63  }
0xa2: {  	s15 =	rddreg [dreg:$0x1e]  }
0xa3: {  	[spmem:s14] =	stream.linear.scatter [tilespmem:s29], [sflag:$0x1], $0x400, $0x38;
	[tilespmem:$0x19400] =	vst v63  }
0xa4: {  	s17 =	rddreg [dreg:$0x1f]  }
0xa5: {  	[spmem:s15] =	stream.linear.scatter [tilespmem:s29], [sflag:$0x1], $0x400, $0x38;
	[tilespmem:$0x19400] =	vst v63  }
0xa6: {  	s20 =	sld [smem:$0x7EB]  }
0xa7: {  	[spmem:s17] =	stream.linear.scatter [tilespmem:s29], [sflag:$0x1], $0x400, $0x38;
	[tilespmem:$0x19400] =	vst v63  }
0xa8: {  	s21 =	sld [smem:$0x7EC]  }
0xa9: {  	[spmem:s20] =	stream.linear.scatter [tilespmem:s29], [sflag:$0x1], $0x400, $0x38;
	[tilespmem:$0x19400] =	vst v63  }
0xaa: {  	s22 =	sld [smem:$0x7ED]  }
0xab: {  	[spmem:s21] =	stream.linear.scatter [tilespmem:s29], [sflag:$0x1], $0x400, $0x38;
	[tilespmem:$0x19400] =	vst v63  }
0xac: {  	s23 =	sld [smem:$0x7EE]  }
0xad: {  	[spmem:s22] =	stream.linear.scatter [tilespmem:s29], [sflag:$0x1], $0x400, $0x38;
	[tilespmem:$0x19400] =	vst v63  }
0xae: {  	s24 =	sld [smem:$0x7EF]  }
0xaf: {  	[spmem:s23] =	stream.linear.scatter [tilespmem:s29], [sflag:$0x1], $0x400, $0x38;
	[tilespmem:$0x19400] =	vst v63  }
0xb0: {  	s25 =	sld [smem:$0x7F0]  }
0xb1: {  	[spmem:s24] =	stream.linear.scatter [tilespmem:s29], [sflag:$0x1], $0x400, $0x38;
	[tilespmem:$0x19400] =	vst v63  }
0xb2: {  	s26 =	sld [smem:$0x7F1]  }
0xb3: {  	[spmem:s25] =	stream.linear.scatter [tilespmem:s29], [sflag:$0x1], $0x400, $0x38;
	[tilespmem:$0x19400] =	vst v63  }
0xb4: {  	s12 =	sld [smem:$0x7F2]  }
0xb5: {  	[spmem:s26] =	stream.linear.scatter [tilespmem:s29], [sflag:$0x1], $0x400, $0x38;
	[tilespmem:$0x19400] =	vst v63  }
0xb6: {  	s13 =	sld [smem:$0x7F3]  }
0xb7: {  	[spmem:s12] =	stream.linear.scatter [tilespmem:s29], [sflag:$0x1], $0x400, $0x38;
	[tilespmem:$0x19400] =	vst v63  }
0xb8: {  	s14 =	sld [smem:$0x7F4]  }
0xb9: {  	[spmem:s13] =	stream.linear.scatter [tilespmem:s29], [sflag:$0x1], $0x400, $0x38;
	[tilespmem:$0x19400] =	vst v63  }
0xba: {  	s15 =	sld [smem:$0x7F5]  }
0xbb: {  	[spmem:s14] =	stream.linear.scatter [tilespmem:s29], [sflag:$0x1], $0x400, $0x38;
	[tilespmem:$0x19400] =	vst v63  }
0xbc: {  	s17 =	sld [smem:$0x7F6]  }
0xbd: {  	[spmem:s15] =	stream.linear.scatter [tilespmem:s29], [sflag:$0x1], $0x400, $0x38;
	[tilespmem:$0x19400] =	vst v63  }
0xbe: {  	s20 =	sld [smem:$0x7F7]  }
0xbf: {  	[spmem:s17] =	stream.linear.scatter [tilespmem:s29], [sflag:$0x1], $0x400, $0x38;
	[tilespmem:$0x19400] =	vst v63  }
0xc0: {  	s21 =	sld [smem:$0x7F8]  }
0xc1: {  	[spmem:s20] =	stream.linear.scatter [tilespmem:s29], [sflag:$0x1], $0x400, $0x38;
	[tilespmem:$0x19400] =	vst v63  }
0xc2: {  	s22 =	sld [smem:$0x7F9]  }
0xc3: {  	[spmem:s21] =	stream.linear.scatter [tilespmem:s29], [sflag:$0x1], $0x400, $0x38;
	[tilespmem:$0x19400] =	vst v63  }
0xc4: {  	s23 =	sld [smem:$0x7FA]  }
0xc5: {  	[spmem:s22] =	stream.linear.scatter [tilespmem:s29], [sflag:$0x1], $0x400, $0x38;
	[tilespmem:$0x19400] =	vst v63  }
0xc6: {  	s24 =	sld [smem:$0x7FB]  }
0xc7: {  	[spmem:s23] =	stream.linear.scatter [tilespmem:s29], [sflag:$0x1], $0x400, $0x38;
	[tilespmem:$0x19400] =	vst v63  }
0xc8: {  	s25 =	sld [smem:$0x7FC]  }
0xc9: {  	[spmem:s24] =	stream.linear.scatter [tilespmem:s29], [sflag:$0x1], $0x400, $0x38;
	[tilespmem:$0x19400] =	vst v63  }
0xca: {  	s26 =	sld [smem:$0x7FD]  }
0xcb: {  	[spmem:s25] =	stream.linear.scatter [tilespmem:s29], [sflag:$0x1], $0x400, $0x38;
	[tilespmem:$0x19400] =	vst v63  }
0xcc: {  	_ = 	snop  }
0xcd: {  	[spmem:s26] =	stream.linear.scatter [tilespmem:s29], [sflag:$0x1], $0x400, $0x38;
	[tilespmem:$0x19400] =	vst v63  }
0xce: {  	_ =	swait.ge [sflag:s30], $0x400  }
0xcf: {  	s9 =	simm.s32 $0x27;
	[sflag:s30] =	ssyncset.done $0x0  }
.LBB2_2:
0xd0: {  	p0 =	sne.s32 s9, $0x1;
	s9 =	sadd.s32 $0xFFFFFFFF, s9;
	[sflag:s30] =	ssyncadd.s32 $0xFFFFFC00  }
.Ltmp0:
0xd1: {  	(pc) =	sbr.rel @p0 .LBB2_2-.Ltmp0, $3  }
0xd2: {  	_ =	sdelay $0x1  }
0xd3: {  	_ =	swait.ge [sflag:s30], $0x400  }
0xd4: {  	[sflag:s30] =	ssyncset.done $0x0  }
0xd5: {  	[sflag:s30] =	ssyncadd.s32 $0xFFFFFC00  }
0xd6: {  	s12 =	simm.s32 $0x0;
	[bflag:$0x0] =	sbarrier.arrive $0xFFFF  }
0xd7: {  	[tilespmem:s1], [sflag:$0x1] =	stream.indirect.gather [hbm4b:s2+s31], $0x40, s12, s31, $0xb8;
	[tilespmem:$0x19400] =	vst v63  }
0xd8: {  	_ = 	snop  }
0xd9: {  	[tilespmem:s0], [sflag:$0x2] =	stream.indirect.gather [hbm4b:s2+s31], $0x40, s31, s31, $0xb8;
	[tilespmem:$0x19400] =	vst v63  }
0xda: {  	s9 =	simm.s32 $0x100  }
0xdb: {  	[tilespmem:s4], [sflag:$0x3] =	stream.indirect.gather [hbm4b:s2+s31], $0x40, s9, s31, $0xb8;
	[tilespmem:$0x19400] =	vst v63  }
0xdc: {  	s26 =	simm.s32 $0x180;
	s24 =	simm.s32 $0x7;
	s13 =	simm.s32 $0x1  }
0xdd: {  	[tilespmem:s7], [sflag:$0x4] =	stream.indirect.gather [hbm4b:s2+s31], $0x40, s26, s31, $0xb8;
	[tilespmem:$0x19400] =	vst v63  }
.LBB2_4:
0xde: {  	_ =	swait.ge [sflag:s30], $0x2000  }
0xdf: {  	s9 =	sshra.s32 s12, $0x2;
	s20 =	sadd.s32 $0xFFFFFFFD, s24;
	[sflag:s30] =	ssyncset.done $0x0  }
0xe0: {  	s14 =	sadd.s32 $0x3800, s9;
	p0 =	sge.u32 s20, s6;
	[sflag:s30] =	ssyncadd.s32 $0xFFFFE000  }
0xe1: {  	[spmem:s3] =	stream.indirect.scatter.add.f32 [tilespmem:s1], [sflag:$0x5], $0x40, s14, s31, $0xb8;
	[tilespmem:$0x19400] =	vst v63  }
0xe2: {  	s14 =	simm.s32 @!p0 $0x5  }
0xe3: {  	_ =	swait.ge @!p0 [sflag:s14], $0x2000  }
0xe4: {  	[sflag:s14] =	ssyncset.done @!p0 $0x0  }
0xe5: {  	[sflag:s14] =	ssyncadd.s32 @!p0 $0xFFFFE000;
	s14 =	sshra.s32 @!p0 s12, $0x2  }
0xe6: {  	s15 =	simm.s32 @!p0 $0x80;
	s17 =	simm.s32 @!p0 $0x7000;
	s14 =	sadd.s32 @!p0 $0x200, s14  }
0xe7: {  	[tilespmem:s17], [sflag:$0x1] =	stream.indirect.gather @!p0 [hbm4b:s2+s15], $0x40, s14, s15, $0xb8;
	[tilespmem:$0x19400] =	vst v63  }
0xe8: {  	s22 =	sadd.s32 $0xFFFFFFFE, s24;
	_ =	swait.ge [sflag:s8], $0x2000  }
0xe9: {  	p0 =	sge.u32 s22, s6;
	[sflag:s8] =	ssyncset.done $0x0  }
0xea: {  	s21 =	sadd.s32 $0x3880, s9;
	s14 =	simm.s32 @!p0 $0x6;
	[sflag:s8] =	ssyncadd.s32 $0xFFFFE000  }
0xeb: {  	[spmem:s3] =	stream.indirect.scatter.add.f32 [tilespmem:s0], [sflag:$0x6], $0x40, s21, s31, $0xb8;
	[tilespmem:$0x19400] =	vst v63  }
0xec: {  	_ =	swait.ge @!p0 [sflag:s14], $0x2000  }
0xed: {  	[sflag:s14] =	ssyncset.done @!p0 $0x0  }
0xee: {  	[sflag:s14] =	ssyncadd.s32 @!p0 $0xFFFFE000;
	s14 =	sshra.s32 @!p0 s12, $0x2  }
0xef: {  	s15 =	simm.s32 @!p0 $0x80;
	s17 =	simm.s32 @!p0 $0x9000;
	s14 =	sadd.s32 @!p0 $0x280, s14  }
0xf0: {  	[tilespmem:s17], [sflag:$0x2] =	stream.indirect.gather @!p0 [hbm4b:s2+s15], $0x40, s14, s15, $0xb8;
	[tilespmem:$0x19400] =	vst v63  }
0xf1: {  	s25 =	sadd.s32 $0xFFFFFFFF, s24;
	_ =	swait.ge [sflag:s10], $0x2000  }
0xf2: {  	p0 =	sge.u32 s25, s6;
	[sflag:s10] =	ssyncset.done $0x0  }
0xf3: {  	s23 =	sadd.s32 $0x3900, s9;
	s14 =	simm.s32 @!p0 $0x7;
	[sflag:s10] =	ssyncadd.s32 $0xFFFFE000  }
0xf4: {  	[spmem:s3] =	stream.indirect.scatter.add.f32 [tilespmem:s4], [sflag:$0x7], $0x40, s23, s31, $0xb8;
	[tilespmem:$0x19400] =	vst v63  }
0xf5: {  	_ =	swait.ge @!p0 [sflag:s14], $0x2000  }
0xf6: {  	[sflag:s14] =	ssyncset.done @!p0 $0x0  }
0xf7: {  	[sflag:s14] =	ssyncadd.s32 @!p0 $0xFFFFE000;
	s14 =	sshra.s32 @!p0 s12, $0x2  }
0xf8: {  	s15 =	simm.s32 @!p0 $0x80;
	s17 =	simm.s32 @!p0 $0xB000;
	s14 =	sadd.s32 @!p0 $0x300, s14  }
0xf9: {  	[tilespmem:s17], [sflag:$0x3] =	stream.indirect.gather @!p0 [hbm4b:s2+s15], $0x40, s14, s15, $0xb8;
	[tilespmem:$0x19400] =	vst v63  }
0xfa: {  	_ =	swait.ge [sflag:s11], $0x2000  }
0xfb: {  	[sflag:s11] =	ssyncset.done $0x0  }
0xfc: {  	s9 =	sadd.s32 $0x3980, s9;
	p0 =	sge.u32 s24, s6;
	[sflag:s11] =	ssyncadd.s32 $0xFFFFE000  }
0xfd: {  	[spmem:s3] =	stream.indirect.scatter.add.f32 [tilespmem:s7], [sflag:$0x8], $0x40, s9, s31, $0xb8;
	[tilespmem:$0x19400] =	vst v63  }
0xfe: {  	s9 =	simm.s32 @!p0 $0x8  }
0xff: {  	s14 =	sshra.s32 @!p0 s12, $0x2;
	s15 =	simm.s32 @!p0 $0xD000;
	_ =	swait.ge @!p0 [sflag:s9], $0x2000  }
0x100: {  	s12 =	sadd.s32 $0x800, s12;
	[sflag:s9] =	ssyncset.done @!p0 $0x0;
	s26 =	rddreg [dreg:$0x4]  }
0x101: {  	[sflag:s9] =	ssyncadd.s32 @!p0 $0xFFFFE000;
	s9 =	sadd.s32 @!p0 $0x380, s14;
	s14 =	simm.s32 @!p0 $0x80  }
0x102: {  	[tilespmem:s15], [sflag:$0x4] =	stream.indirect.gather @!p0 [hbm4b:s2+s14], $0x40, s9, s14, $0xb8;
	[tilespmem:$0x19400] =	vst v63  }
0x103: {  	p0 =	sne.s32 s26, s12  }
.Ltmp1:
0x104: {  	_ = 	snop;
	(pc) =	sbr.rel @p0 .LBB2_4-.Ltmp1, $2  }
0x105: {  	_ =	sdelay $0x2  }
0x106: {  	s24 =	sadd.s32 $0x4, s24;
	s9 =	smov.u32 s13;
	s13 =	sadd.s32 $0x1, s13  }
0x107: {  	_ =	swait.ge [sflag:s30], $0x2000  }
0x108: {  	s13 =	sshra.s32 s12, $0x2;
	s23 =	sadd.s32 $0xFFFFFFFD, s24;
	[sflag:s30] =	ssyncset.done $0x0  }
0x109: {  	s14 =	sadd.s32 $0x3800, s13;
	p0 =	sge.u32 s23, s6;
	[sflag:s30] =	ssyncadd.s32 $0xFFFFE000  }
0x10a: {  	[spmem:s3] =	stream.indirect.scatter.add.f32 [tilespmem:s1], [sflag:$0x5], $0x40, s14, s31, $0xb8;
	[tilespmem:$0x19400] =	vst v63  }
0x10b: {  	[smem:$0x7E8] =	sst s14;
	s14 =	simm.s32 @!p0 $0x5  }
0x10c: {  	_ =	swait.ge @!p0 [sflag:s14], $0x2000  }
0x10d: {  	[sflag:s14] =	ssyncset.done @!p0 $0x0  }
0x10e: {  	[sflag:s14] =	ssyncadd.s32 @!p0 $0xFFFFE000;
	s14 =	sshra.s32 @!p0 s12, $0x2  }
0x10f: {  	s17 =	sadd.s32 @!p0 $0x200, s14  }
0x110: {  	s15 =	simm.s32 @!p0 $0x7000;
	s14 =	simm.s32 @!p0 $0x80;
	[smem:$0x7E9] =	sst s17  }
0x111: {  	[tilespmem:s15], [sflag:$0x1] =	stream.indirect.gather @!p0 [hbm4b:s2+s14], $0x40, s17, s14, $0xb8;
	[tilespmem:$0x19400] =	vst v63  }
0x112: {  	s26 =	sadd.s32 $0xFFFFFFFE, s24;
	_ =	swait.ge [sflag:s8], $0x2000  }
0x113: {  	s25 =	sadd.s32 $0x3880, s13;
	p1 =	sge.u32 s26, s6;
	[sflag:s8] =	ssyncset.done $0x0  }
0x114: {  	s14 =	simm.s32 @!p1 $0x6;
	[smem:$0x7EA] =	sst s25;
	[sflag:s8] =	ssyncadd.s32 $0xFFFFE000  }
0x115: {  	[spmem:s3] =	stream.indirect.scatter.add.f32 [tilespmem:s0], [sflag:$0x6], $0x40, s25, s31, $0xb8;
	[tilespmem:$0x19400] =	vst v63  }
0x116: {  	_ =	swait.ge @!p1 [sflag:s14], $0x2000  }
0x117: {  	[sflag:s14] =	ssyncset.done @!p1 $0x0  }
0x118: {  	[sflag:s14] =	ssyncadd.s32 @!p1 $0xFFFFE000;
	s14 =	sshra.s32 @!p1 s12, $0x2  }
0x119: {  	s15 =	simm.s32 @!p1 $0x9000;
	s20 =	sadd.s32 @!p1 $0x280, s14;
	s14 =	simm.s32 @!p1 $0x80  }
0x11a: {  	[tilespmem:s15], [sflag:$0x2] =	stream.indirect.gather @!p1 [hbm4b:s2+s14], $0x40, s20, s14, $0xb8;
	[tilespmem:$0x19400] =	vst v63  }
0x11b: {  	s15 =	sadd.s32 $0xFFFFFFFF, s24;
	_ =	swait.ge [sflag:s10], $0x2000  }
0x11c: {  	p2 =	sge.u32 s15, s6;
	[sflag:s10] =	ssyncset.done $0x0  }
0x11d: {  	s21 =	sadd.s32 $0x3900, s13;
	s14 =	simm.s32 @!p2 $0x7;
	[sflag:s10] =	ssyncadd.s32 $0xFFFFE000  }
0x11e: {  	[spmem:s3] =	stream.indirect.scatter.add.f32 [tilespmem:s4], [sflag:$0x7], $0x40, s21, s31, $0xb8;
	[tilespmem:$0x19400] =	vst v63  }
0x11f: {  	_ =	swait.ge @!p2 [sflag:s14], $0x2000  }
0x120: {  	[sflag:s14] =	ssyncset.done @!p2 $0x0  }
0x121: {  	[sflag:s14] =	ssyncadd.s32 @!p2 $0xFFFFE000;
	s14 =	sshra.s32 @!p2 s12, $0x2  }
0x122: {  	s15 =	simm.s32 @!p2 $0xB000;
	s22 =	sadd.s32 @!p2 $0x300, s14;
	s14 =	simm.s32 @!p2 $0x80  }
0x123: {  	[tilespmem:s15], [sflag:$0x3] =	stream.indirect.gather @!p2 [hbm4b:s2+s14], $0x40, s22, s14, $0xb8;
	[tilespmem:$0x19400] =	vst v63  }
0x124: {  	_ =	swait.ge [sflag:s11], $0x2000  }
0x125: {  	p3 =	sge.u32 s24, s6;
	[sflag:s11] =	ssyncset.done $0x0  }
0x126: {  	s23 =	sadd.s32 $0x3980, s13;
	s13 =	simm.s32 @!p3 $0x8;
	[sflag:s11] =	ssyncadd.s32 $0xFFFFE000  }
0x127: {  	[spmem:s3] =	stream.indirect.scatter.add.f32 [tilespmem:s7], [sflag:$0x8], $0x40, s23, s31, $0xb8;
	[tilespmem:$0x19400] =	vst v63  }
0x128: {  	s12 =	sshra.s32 @!p3 s12, $0x2;
	_ =	swait.ge @!p3 [sflag:s13], $0x2000  }
0x129: {  	s17 =	simm.s32 $0x5;
	s24 =	sadd.s32 @!p3 $0x380, s12;
	[sflag:s13] =	ssyncset.done @!p3 $0x0  }
0x12a: {  	s12 =	simm.s32 @!p3 $0x80;
	[sflag:s13] =	ssyncadd.s32 @!p3 $0xFFFFE000;
	s13 =	simm.s32 @!p3 $0xD000  }
0x12b: {  	[tilespmem:s13], [sflag:$0x4] =	stream.indirect.gather @!p3 [hbm4b:s2+s12], $0x40, s24, s12, $0xb8;
	[tilespmem:$0x19400] =	vst v63  }
0x12c: {  	_ =	swait.ge [sflag:s17], $0x2000  }
0x12d: {  	[sflag:s17] =	ssyncset.done $0x0  }
0x12e: {  	s25 =	simm.s32 $0x6;
	[sflag:s17] =	ssyncadd.s32 $0xFFFFE000  }
0x12f: {  	_ =	swait.ge [sflag:s25], $0x2000  }
0x130: {  	[sflag:s25] =	ssyncset.done $0x0  }
0x131: {  	s26 =	simm.s32 $0x7;
	[sflag:s25] =	ssyncadd.s32 $0xFFFFE000  }
0x132: {  	_ =	swait.ge [sflag:s26], $0x2000  }
0x133: {  	[sflag:s26] =	ssyncset.done $0x0  }
0x134: {  	s13 =	simm.s32 $0x8;
	[sflag:s26] =	ssyncadd.s32 $0xFFFFE000  }
0x135: {  	_ =	swait.ge [sflag:s13], $0x2000  }
0x136: {  	[sflag:s13] =	ssyncset.done $0x0  }
0x137: {  	[sflag:s13] =	ssyncadd.s32 $0xFFFFE000  }
0x138: {  	s14 =	stileid.u32;
	[bflag:$0x0] =	sbarrier.arrive $0xFFFF  }
0x139: {  	s12 =	sshll.u32 s14, $0x6;
	s15 =	rddreg [dreg:$0x9]  }
0x13a: {  	s25 =	sor.u32 $0x1C09, s12;
	s17 =	rddreg [dreg:$0x8];
	s26 =	sshrl.u32 s15, $0x3  }
0x13b: {  	[hbm:s17], [sflag:s25] =	dma.local [spmem:s26], $0x1400  }
0x13c: {  	_ =	swait.ge [sflag:s28], $0x1400  }
0x13d: {  	[sflag:s28] =	ssyncset.done $0x0  }
0x13e: {  	[sflag:s28] =	ssyncadd.s32 $0xFFFFEC00  }
0x13f: {  	[spmem:s18] =	stream.linear.scatter [tilespmem:s29], [sflag:$0x1], $0x400, $0x38;
	[tilespmem:$0x19400] =	vst v63  }
0x140: {  	s13 =	rddreg [dreg:$0xf]  }
0x141: {  	[spmem:s19] =	stream.linear.scatter [tilespmem:s29], [sflag:$0x1], $0x400, $0x38;
	[tilespmem:$0x19400] =	vst v63  }
0x142: {  	s18 =	rddreg [dreg:$0xd]  }
0x143: {  	[spmem:s18] =	stream.linear.scatter [tilespmem:s29], [sflag:$0x1], $0x400, $0x38;
	[tilespmem:$0x19400] =	vst v63  }
0x144: {  	s19 =	rddreg [dreg:$0xe]  }
0x145: {  	[spmem:s19] =	stream.linear.scatter [tilespmem:s29], [sflag:$0x1], $0x400, $0x38;
	[tilespmem:$0x19400] =	vst v63  }
0x146: {  	s14 =	rddreg [dreg:$0x10]  }
0x147: {  	[spmem:s13] =	stream.linear.scatter [tilespmem:s29], [sflag:$0x1], $0x400, $0x38;
	[tilespmem:$0x19400] =	vst v63  }
0x148: {  	s15 =	rddreg [dreg:$0x11]  }
0x149: {  	[spmem:s14] =	stream.linear.scatter [tilespmem:s29], [sflag:$0x1], $0x400, $0x38;
	[tilespmem:$0x19400] =	vst v63  }
0x14a: {  	s17 =	rddreg [dreg:$0x12]  }
0x14b: {  	[spmem:s15] =	stream.linear.scatter [tilespmem:s29], [sflag:$0x1], $0x400, $0x38;
	[tilespmem:$0x19400] =	vst v63  }
0x14c: {  	s18 =	rddreg [dreg:$0x13]  }
0x14d: {  	[spmem:s17] =	stream.linear.scatter [tilespmem:s29], [sflag:$0x1], $0x400, $0x38;
	[tilespmem:$0x19400] =	vst v63  }
0x14e: {  	s19 =	rddreg [dreg:$0x14]  }
0x14f: {  	[spmem:s18] =	stream.linear.scatter [tilespmem:s29], [sflag:$0x1], $0x400, $0x38;
	[tilespmem:$0x19400] =	vst v63  }
0x150: {  	s13 =	rddreg [dreg:$0x15]  }
0x151: {  	[spmem:s19] =	stream.linear.scatter [tilespmem:s29], [sflag:$0x1], $0x400, $0x38;
	[tilespmem:$0x19400] =	vst v63  }
0x152: {  	s14 =	rddreg [dreg:$0x16]  }
0x153: {  	[spmem:s13] =	stream.linear.scatter [tilespmem:s29], [sflag:$0x1], $0x400, $0x38;
	[tilespmem:$0x19400] =	vst v63  }
0x154: {  	s15 =	rddreg [dreg:$0x17]  }
0x155: {  	[spmem:s14] =	stream.linear.scatter [tilespmem:s29], [sflag:$0x1], $0x400, $0x38;
	[tilespmem:$0x19400] =	vst v63  }
0x156: {  	s17 =	rddreg [dreg:$0x18]  }
0x157: {  	[spmem:s15] =	stream.linear.scatter [tilespmem:s29], [sflag:$0x1], $0x400, $0x38;
	[tilespmem:$0x19400] =	vst v63  }
0x158: {  	s18 =	rddreg [dreg:$0x19]  }
0x159: {  	[spmem:s17] =	stream.linear.scatter [tilespmem:s29], [sflag:$0x1], $0x400, $0x38;
	[tilespmem:$0x19400] =	vst v63  }
0x15a: {  	s19 =	rddreg [dreg:$0x1a]  }
0x15b: {  	[spmem:s18] =	stream.linear.scatter [tilespmem:s29], [sflag:$0x1], $0x400, $0x38;
	[tilespmem:$0x19400] =	vst v63  }
0x15c: {  	s13 =	rddreg [dreg:$0x1b]  }
0x15d: {  	[spmem:s19] =	stream.linear.scatter [tilespmem:s29], [sflag:$0x1], $0x400, $0x38;
	[tilespmem:$0x19400] =	vst v63  }
0x15e: {  	s14 =	rddreg [dreg:$0x1c]  }
0x15f: {  	[spmem:s13] =	stream.linear.scatter [tilespmem:s29], [sflag:$0x1], $0x400, $0x38;
	[tilespmem:$0x19400] =	vst v63  }
0x160: {  	s15 =	rddreg [dreg:$0x1d]  }
0x161: {  	[spmem:s14] =	stream.linear.scatter [tilespmem:s29], [sflag:$0x1], $0x400, $0x38;
	[tilespmem:$0x19400] =	vst v63  }
0x162: {  	s17 =	rddreg [dreg:$0x1e]  }
0x163: {  	[spmem:s15] =	stream.linear.scatter [tilespmem:s29], [sflag:$0x1], $0x400, $0x38;
	[tilespmem:$0x19400] =	vst v63  }
0x164: {  	s18 =	rddreg [dreg:$0x1f]  }
0x165: {  	[spmem:s17] =	stream.linear.scatter [tilespmem:s29], [sflag:$0x1], $0x400, $0x38;
	[tilespmem:$0x19400] =	vst v63  }
0x166: {  	s19 =	sld [smem:$0x7EB]  }
0x167: {  	[spmem:s18] =	stream.linear.scatter [tilespmem:s29], [sflag:$0x1], $0x400, $0x38;
	[tilespmem:$0x19400] =	vst v63  }
0x168: {  	s13 =	sld [smem:$0x7EC]  }
0x169: {  	[spmem:s19] =	stream.linear.scatter [tilespmem:s29], [sflag:$0x1], $0x400, $0x38;
	[tilespmem:$0x19400] =	vst v63  }
0x16a: {  	s14 =	sld [smem:$0x7ED]  }
0x16b: {  	[spmem:s13] =	stream.linear.scatter [tilespmem:s29], [sflag:$0x1], $0x400, $0x38;
	[tilespmem:$0x19400] =	vst v63  }
0x16c: {  	s15 =	sld [smem:$0x7EE]  }
0x16d: {  	[spmem:s14] =	stream.linear.scatter [tilespmem:s29], [sflag:$0x1], $0x400, $0x38;
	[tilespmem:$0x19400] =	vst v63  }
0x16e: {  	s17 =	sld [smem:$0x7EF]  }
0x16f: {  	[spmem:s15] =	stream.linear.scatter [tilespmem:s29], [sflag:$0x1], $0x400, $0x38;
	[tilespmem:$0x19400] =	vst v63  }
0x170: {  	s18 =	sld [smem:$0x7F0]  }
0x171: {  	[spmem:s17] =	stream.linear.scatter [tilespmem:s29], [sflag:$0x1], $0x400, $0x38;
	[tilespmem:$0x19400] =	vst v63  }
0x172: {  	s19 =	sld [smem:$0x7F1]  }
0x173: {  	[spmem:s18] =	stream.linear.scatter [tilespmem:s29], [sflag:$0x1], $0x400, $0x38;
	[tilespmem:$0x19400] =	vst v63  }
0x174: {  	s13 =	sld [smem:$0x7F2]  }
0x175: {  	[spmem:s19] =	stream.linear.scatter [tilespmem:s29], [sflag:$0x1], $0x400, $0x38;
	[tilespmem:$0x19400] =	vst v63  }
0x176: {  	s14 =	sld [smem:$0x7F3]  }
0x177: {  	[spmem:s13] =	stream.linear.scatter [tilespmem:s29], [sflag:$0x1], $0x400, $0x38;
	[tilespmem:$0x19400] =	vst v63  }
0x178: {  	s15 =	sld [smem:$0x7F4]  }
0x179: {  	[spmem:s14] =	stream.linear.scatter [tilespmem:s29], [sflag:$0x1], $0x400, $0x38;
	[tilespmem:$0x19400] =	vst v63  }
0x17a: {  	s17 =	sld [smem:$0x7F5]  }
0x17b: {  	[spmem:s15] =	stream.linear.scatter [tilespmem:s29], [sflag:$0x1], $0x400, $0x38;
	[tilespmem:$0x19400] =	vst v63  }
0x17c: {  	s18 =	sld [smem:$0x7F6]  }
0x17d: {  	[spmem:s17] =	stream.linear.scatter [tilespmem:s29], [sflag:$0x1], $0x400, $0x38;
	[tilespmem:$0x19400] =	vst v63  }
0x17e: {  	s19 =	sld [smem:$0x7F7]  }
0x17f: {  	[spmem:s18] =	stream.linear.scatter [tilespmem:s29], [sflag:$0x1], $0x400, $0x38;
	[tilespmem:$0x19400] =	vst v63  }
0x180: {  	s13 =	sld [smem:$0x7F8]  }
0x181: {  	[spmem:s19] =	stream.linear.scatter [tilespmem:s29], [sflag:$0x1], $0x400, $0x38;
	[tilespmem:$0x19400] =	vst v63  }
0x182: {  	s14 =	sld [smem:$0x7F9]  }
0x183: {  	[spmem:s13] =	stream.linear.scatter [tilespmem:s29], [sflag:$0x1], $0x400, $0x38;
	[tilespmem:$0x19400] =	vst v63  }
0x184: {  	s15 =	sld [smem:$0x7FA]  }
0x185: {  	[spmem:s14] =	stream.linear.scatter [tilespmem:s29], [sflag:$0x1], $0x400, $0x38;
	[tilespmem:$0x19400] =	vst v63  }
0x186: {  	s17 =	sld [smem:$0x7FB]  }
0x187: {  	[spmem:s15] =	stream.linear.scatter [tilespmem:s29], [sflag:$0x1], $0x400, $0x38;
	[tilespmem:$0x19400] =	vst v63  }
0x188: {  	s18 =	sld [smem:$0x7FC]  }
0x189: {  	[spmem:s17] =	stream.linear.scatter [tilespmem:s29], [sflag:$0x1], $0x400, $0x38;
	[tilespmem:$0x19400] =	vst v63  }
0x18a: {  	s19 =	sld [smem:$0x7FD]  }
0x18b: {  	[spmem:s18] =	stream.linear.scatter [tilespmem:s29], [sflag:$0x1], $0x400, $0x38;
	[tilespmem:$0x19400] =	vst v63  }
0x18c: {  	_ = 	snop  }
0x18d: {  	[spmem:s19] =	stream.linear.scatter [tilespmem:s29], [sflag:$0x1], $0x400, $0x38;
	[tilespmem:$0x19400] =	vst v63  }
0x18e: {  	_ =	swait.ge [sflag:s30], $0x400  }
0x18f: {  	s12 =	simm.s32 $0x27;
	[sflag:s30] =	ssyncset.done $0x0  }
.LBB2_6:
0x190: {  	p4 =	sne.s32 s12, $0x1;
	s12 =	sadd.s32 $0xFFFFFFFF, s12;
	[sflag:s30] =	ssyncadd.s32 $0xFFFFFC00  }
.Ltmp2:
0x191: {  	(pc) =	sbr.rel @p4 .LBB2_6-.Ltmp2, $3  }
0x192: {  	_ =	sdelay $0x1  }
0x193: {  	_ =	swait.ge [sflag:s30], $0x400  }
0x194: {  	[sflag:s30] =	ssyncset.done $0x0  }
0x195: {  	[sflag:s30] =	ssyncadd.s32 $0xFFFFFC00  }
0x196: {  	s12 =	simm.s32 $0x0;
	[bflag:$0x0] =	sbarrier.arrive $0xFFFF  }
0x197: {  	[tilespmem:s1], [sflag:$0x1] =	stream.indirect.gather [hbm4b:s5+s31], $0x40, s12, s31, $0xb8;
	[tilespmem:$0x19400] =	vst v63  }
0x198: {  	_ = 	snop  }
0x199: {  	[tilespmem:s0], [sflag:$0x2] =	stream.indirect.gather [hbm4b:s5+s31], $0x40, s31, s31, $0xb8;
	[tilespmem:$0x19400] =	vst v63  }
0x19a: {  	s13 =	simm.s32 $0x100  }
0x19b: {  	[tilespmem:s4], [sflag:$0x3] =	stream.indirect.gather [hbm4b:s5+s31], $0x40, s13, s31, $0xb8;
	[tilespmem:$0x19400] =	vst v63  }
0x19c: {  	s14 =	simm.s32 $0x180  }
0x19d: {  	[tilespmem:s7], [sflag:$0x4] =	stream.indirect.gather [hbm4b:s5+s31], $0x40, s14, s31, $0xb8;
	[tilespmem:$0x19400] =	vst v63  }
0x19e: {  	_ =	swait.ge [sflag:s30], $0x2000  }
0x19f: {  	p4 =	sle.u32 s6, $0x4;
	[sflag:s30] =	ssyncset.done $0x0  }
0x1a0: {  	s15 =	simm.s32 $0x3800;
	s13 =	simm.s32 @!p4 $0x5;
	[sflag:s30] =	ssyncadd.s32 $0xFFFFE000  }
0x1a1: {  	[spmem:s3] =	stream.indirect.scatter.add.f32 [tilespmem:s1], [sflag:$0x5], $0x40, s15, s31, $0xb8;
	[tilespmem:$0x19400] =	vst v63  }
0x1a2: {  	_ =	swait.ge @!p4 [sflag:s13], $0x2000  }
0x1a3: {  	s17 =	simm.s32 @!p4 $0x7000;
	[sflag:s13] =	ssyncset.done @!p4 $0x0  }
0x1a4: {  	s14 =	simm.s32 @!p4 $0x200;
	s15 =	simm.s32 @!p4 $0x80;
	[sflag:s13] =	ssyncadd.s32 @!p4 $0xFFFFE000  }
0x1a5: {  	[tilespmem:s17], [sflag:$0x1] =	stream.indirect.gather @!p4 [hbm4b:s5+s15], $0x40, s14, s15, $0xb8;
	[tilespmem:$0x19400] =	vst v63  }
0x1a6: {  	_ =	swait.ge [sflag:s8], $0x2000  }
0x1a7: {  	p4 =	sle.u32 s6, $0x5;
	[sflag:s8] =	ssyncset.done $0x0  }
0x1a8: {  	s17 =	simm.s32 $0x3880;
	s14 =	simm.s32 @!p4 $0x6;
	[sflag:s8] =	ssyncadd.s32 $0xFFFFE000  }
0x1a9: {  	[spmem:s3] =	stream.indirect.scatter.add.f32 [tilespmem:s0], [sflag:$0x6], $0x40, s17, s31, $0xb8;
	[tilespmem:$0x19400] =	vst v63  }
0x1aa: {  	_ =	swait.ge @!p4 [sflag:s14], $0x2000  }
0x1ab: {  	s13 =	simm.s32 @!p4 $0x280;
	[sflag:s14] =	ssyncset.done @!p4 $0x0  }
0x1ac: {  	s15 =	simm.s32 @!p4 $0x80;
	s17 =	simm.s32 @!p4 $0x9000;
	[sflag:s14] =	ssyncadd.s32 @!p4 $0xFFFFE000  }
0x1ad: {  	[tilespmem:s17], [sflag:$0x2] =	stream.indirect.gather @!p4 [hbm4b:s5+s15], $0x40, s13, s15, $0xb8;
	[tilespmem:$0x19400] =	vst v63  }
0x1ae: {  	_ =	swait.ge [sflag:s10], $0x2000  }
0x1af: {  	p4 =	sle.u32 s6, $0x6;
	[sflag:s10] =	ssyncset.done $0x0  }
0x1b0: {  	s18 =	simm.s32 $0x3900;
	s14 =	simm.s32 @!p4 $0x7;
	[sflag:s10] =	ssyncadd.s32 $0xFFFFE000  }
0x1b1: {  	[spmem:s3] =	stream.indirect.scatter.add.f32 [tilespmem:s4], [sflag:$0x7], $0x40, s18, s31, $0xb8;
	[tilespmem:$0x19400] =	vst v63  }
0x1b2: {  	_ =	swait.ge @!p4 [sflag:s14], $0x2000  }
0x1b3: {  	s9 =	sadd.s32 $0xFFFFFFFF, s9;
	s13 =	simm.s32 @!p4 $0x300;
	[sflag:s14] =	ssyncset.done @!p4 $0x0  }
0x1b4: {  	s15 =	simm.s32 @!p4 $0x80;
	s17 =	simm.s32 @!p4 $0xB000;
	[sflag:s14] =	ssyncadd.s32 @!p4 $0xFFFFE000  }
0x1b5: {  	[tilespmem:s17], [sflag:$0x3] =	stream.indirect.gather @!p4 [hbm4b:s5+s15], $0x40, s13, s15, $0xb8;
	[tilespmem:$0x19400] =	vst v63  }
0x1b6: {  	p4 =	sne.s32 s9, $0x0;
	_ =	swait.ge [sflag:s11], $0x2000  }
.Ltmp3:
0x1b7: {  	p5 =	sle.u32 s6, $0x7;
	[sflag:s11] =	ssyncset.done $0x0;
	(pc) =	sbr.rel @!p4 .LBB2_9-.Ltmp3, $4  }
0x1b8: {  	s19 =	simm.s32 $0x3980;
	s14 =	simm.s32 @!p5 $0x8;
	[sflag:s11] =	ssyncadd.s32 $0xFFFFE000  }
0x1b9: {  	[spmem:s3] =	stream.indirect.scatter.add.f32 [tilespmem:s7], [sflag:$0x8], $0x40, s19, s31, $0xb8;
	[tilespmem:$0x19400] =	vst v63  }
0x1ba: {  	s18 =	simm.s32 @!p5 $0xD000;
	s15 =	simm.s32 @!p5 $0x380;
	_ =	swait.ge @!p5 [sflag:s14], $0x2000  }
0x1bb: {  	s13 =	simm.s32 $0x8;
	s17 =	simm.s32 @!p5 $0x80;
	[sflag:s14] =	ssyncset.done @!p5 $0x0  }
.LBB2_8:
0x1bc: {  	s9 =	sadd.s32 $0xFFFFFFFF, s9;
	[sflag:s14] =	ssyncadd.s32 @!p5 $0xFFFFE000;
	s12 =	sadd.s32 $0x800, s12  }
0x1bd: {  	[tilespmem:s18], [sflag:$0x4] =	stream.indirect.gather @!p5 [hbm4b:s5+s17], $0x40, s15, s17, $0xb8;
	[tilespmem:$0x19400] =	vst v63  }
0x1be: {  	p4 =	sne.s32 s9, $0x0;
	_ =	swait.ge [sflag:s30], $0x2000  }
0x1bf: {  	s14 =	sshra.s32 s12, $0x2;
	[sflag:s30] =	ssyncset.done $0x0  }
0x1c0: {  	p5 =	sge.u32 s13, s6;
	s15 =	sadd.s32 $0x3800, s14;
	[sflag:s30] =	ssyncadd.s32 $0xFFFFE000  }
0x1c1: {  	[spmem:s3] =	stream.indirect.scatter.add.f32 [tilespmem:s1], [sflag:$0x5], $0x40, s15, s31, $0xb8;
	[tilespmem:$0x19400] =	vst v63  }
0x1c2: {  	s17 =	sshra.s32 @!p5 s12, $0x2;
	s15 =	simm.s32 @!p5 $0x5  }
0x1c3: {  	s17 =	sadd.s32 @!p5 $0x200, s17;
	_ =	swait.ge @!p5 [sflag:s15], $0x2000  }
0x1c4: {  	s18 =	simm.s32 @!p5 $0x80;
	s19 =	simm.s32 @!p5 $0x7000;
	[sflag:s15] =	ssyncset.done @!p5 $0x0  }
0x1c5: {  	[sflag:s15] =	ssyncadd.s32 @!p5 $0xFFFFE000  }
0x1c6: {  	[tilespmem:s19], [sflag:$0x1] =	stream.indirect.gather @!p5 [hbm4b:s5+s18], $0x40, s17, s18, $0xb8;
	[tilespmem:$0x19400] =	vst v63  }
0x1c7: {  	s15 =	sadd.s32 $0x1, s13;
	_ =	swait.ge [sflag:s8], $0x2000  }
0x1c8: {  	s17 =	sadd.s32 $0x3880, s14;
	p5 =	sge.u32 s15, s6;
	[sflag:s8] =	ssyncset.done $0x0  }
0x1c9: {  	s15 =	simm.s32 @!p5 $0x6;
	s18 =	sshra.s32 @!p5 s12, $0x2;
	[sflag:s8] =	ssyncadd.s32 $0xFFFFE000  }
0x1ca: {  	[spmem:s3] =	stream.indirect.scatter.add.f32 [tilespmem:s0], [sflag:$0x6], $0x40, s17, s31, $0xb8;
	[tilespmem:$0x19400] =	vst v63  }
0x1cb: {  	s17 =	sadd.s32 @!p5 $0x280, s18;
	_ =	swait.ge @!p5 [sflag:s15], $0x2000  }
0x1cc: {  	s19 =	simm.s32 @!p5 $0x9000;
	s18 =	simm.s32 @!p5 $0x80;
	[sflag:s15] =	ssyncset.done @!p5 $0x0  }
0x1cd: {  	[sflag:s15] =	ssyncadd.s32 @!p5 $0xFFFFE000  }
0x1ce: {  	[tilespmem:s19], [sflag:$0x2] =	stream.indirect.gather @!p5 [hbm4b:s5+s18], $0x40, s17, s18, $0xb8;
	[tilespmem:$0x19400] =	vst v63  }
0x1cf: {  	s15 =	sadd.s32 $0x2, s13;
	_ =	swait.ge [sflag:s10], $0x2000  }
0x1d0: {  	s17 =	sadd.s32 $0x3900, s14;
	p5 =	sge.u32 s15, s6;
	[sflag:s10] =	ssyncset.done $0x0  }
0x1d1: {  	s15 =	simm.s32 @!p5 $0x7;
	s18 =	sshra.s32 @!p5 s12, $0x2;
	[sflag:s10] =	ssyncadd.s32 $0xFFFFE000  }
0x1d2: {  	[spmem:s3] =	stream.indirect.scatter.add.f32 [tilespmem:s4], [sflag:$0x7], $0x40, s17, s31, $0xb8;
	[tilespmem:$0x19400] =	vst v63  }
0x1d3: {  	s17 =	sadd.s32 @!p5 $0x300, s18;
	_ =	swait.ge @!p5 [sflag:s15], $0x2000  }
0x1d4: {  	s19 =	simm.s32 @!p5 $0xB000;
	s18 =	simm.s32 @!p5 $0x80;
	[sflag:s15] =	ssyncset.done @!p5 $0x0  }
0x1d5: {  	[sflag:s15] =	ssyncadd.s32 @!p5 $0xFFFFE000  }
0x1d6: {  	[tilespmem:s19], [sflag:$0x3] =	stream.indirect.gather @!p5 [hbm4b:s5+s18], $0x40, s17, s18, $0xb8;
	[tilespmem:$0x19400] =	vst v63  }
0x1d7: {  	s15 =	sadd.s32 $0x3, s13;
	s17 =	sadd.s32 $0x3980, s14;
	_ =	swait.ge [sflag:s11], $0x2000  }
.Ltmp4:
0x1d8: {  	p5 =	sge.u32 s15, s6;
	[sflag:s11] =	ssyncset.done $0x0;
	(pc) =	sbr.rel @p4 .LBB2_8-.Ltmp4, $4  }
0x1d9: {  	s14 =	simm.s32 @!p5 $0x8;
	s15 =	sshra.s32 @!p5 s12, $0x2;
	[sflag:s11] =	ssyncadd.s32 $0xFFFFE000  }
0x1da: {  	[spmem:s3] =	stream.indirect.scatter.add.f32 [tilespmem:s7], [sflag:$0x8], $0x40, s17, s31, $0xb8;
	[tilespmem:$0x19400] =	vst v63  }
0x1db: {  	s13 =	sadd.s32 $0x4, s13;
	s15 =	sadd.s32 @!p5 $0x380, s15;
	_ =	swait.ge @!p5 [sflag:s14], $0x2000  }
0x1dc: {  	s18 =	simm.s32 @!p5 $0xD000;
	s17 =	simm.s32 @!p5 $0x80;
	[sflag:s14] =	ssyncset.done @!p5 $0x0  }
.LBB2_9:
0x1dd: {  	[sflag:s14] =	ssyncadd.s32 @!p5 $0xFFFFE000  }
0x1de: {  	[tilespmem:s18], [sflag:$0x4] =	stream.indirect.gather @!p5 [hbm4b:s5+s17], $0x40, s15, s17, $0xb8;
	[tilespmem:$0x19400] =	vst v63  }
0x1df: {  	_ =	swait.ge [sflag:s30], $0x2000  }
0x1e0: {  	s9 =	sld [smem:$0x7E8]  }
0x1e1: {  	[sflag:s30] =	ssyncset.done $0x0  }
0x1e2: {  	[sflag:s30] =	ssyncadd.s32 $0xFFFFE000  }
0x1e3: {  	[spmem:s3] =	stream.indirect.scatter.add.f32 [tilespmem:s1], [sflag:$0x5], $0x40, s9, s31, $0xb8;
	[tilespmem:$0x19400] =	vst v63  }
0x1e4: {  	s9 =	simm.s32 @!p0 $0x5  }
0x1e5: {  	_ =	swait.ge @!p0 [sflag:s9], $0x2000  }
0x1e6: {  	s13 =	sld [smem:$0x7E9]  }
0x1e7: {  	[sflag:s9] =	ssyncset.done @!p0 $0x0  }
0x1e8: {  	s12 =	simm.s32 @!p0 $0x7000;
	[sflag:s9] =	ssyncadd.s32 @!p0 $0xFFFFE000;
	s9 =	simm.s32 @!p0 $0x80  }
0x1e9: {  	[tilespmem:s12], [sflag:$0x1] =	stream.indirect.gather @!p0 [hbm4b:s5+s9], $0x40, s13, s9, $0xb8;
	[tilespmem:$0x19400] =	vst v63  }
0x1ea: {  	_ =	swait.ge [sflag:s8], $0x2000  }
0x1eb: {  	s19 =	sld [smem:$0x7EA]  }
0x1ec: {  	[sflag:s8] =	ssyncset.done $0x0  }
0x1ed: {  	s9 =	simm.s32 @!p1 $0x6;
	[sflag:s8] =	ssyncadd.s32 $0xFFFFE000  }
0x1ee: {  	[spmem:s3] =	stream.indirect.scatter.add.f32 [tilespmem:s0], [sflag:$0x6], $0x40, s19, s31, $0xb8;
	[tilespmem:$0x19400] =	vst v63  }
0x1ef: {  	_ =	swait.ge @!p1 [sflag:s9], $0x2000  }
0x1f0: {  	[sflag:s9] =	ssyncset.done @!p1 $0x0  }
0x1f1: {  	s12 =	simm.s32 @!p1 $0x9000;
	[sflag:s9] =	ssyncadd.s32 @!p1 $0xFFFFE000;
	s9 =	simm.s32 @!p1 $0x80  }
0x1f2: {  	[tilespmem:s12], [sflag:$0x2] =	stream.indirect.gather @!p1 [hbm4b:s5+s9], $0x40, s20, s9, $0xb8;
	[tilespmem:$0x19400] =	vst v63  }
0x1f3: {  	_ =	swait.ge [sflag:s10], $0x2000  }
0x1f4: {  	[sflag:s10] =	ssyncset.done $0x0  }
0x1f5: {  	s9 =	simm.s32 @!p2 $0x7;
	[sflag:s10] =	ssyncadd.s32 $0xFFFFE000  }
0x1f6: {  	[spmem:s3] =	stream.indirect.scatter.add.f32 [tilespmem:s4], [sflag:$0x7], $0x40, s21, s31, $0xb8;
	[tilespmem:$0x19400] =	vst v63  }
0x1f7: {  	_ =	swait.ge @!p2 [sflag:s9], $0x2000  }
0x1f8: {  	[sflag:s9] =	ssyncset.done @!p2 $0x0  }
0x1f9: {  	s12 =	simm.s32 @!p2 $0xB000;
	[sflag:s9] =	ssyncadd.s32 @!p2 $0xFFFFE000;
	s9 =	simm.s32 @!p2 $0x80  }
0x1fa: {  	[tilespmem:s12], [sflag:$0x3] =	stream.indirect.gather @!p2 [hbm4b:s5+s9], $0x40, s22, s9, $0xb8;
	[tilespmem:$0x19400] =	vst v63  }
0x1fb: {  	_ =	swait.ge [sflag:s11], $0x2000  }
0x1fc: {  	[sflag:s11] =	ssyncset.done $0x0  }
0x1fd: {  	s9 =	simm.s32 @!p3 $0x8;
	[sflag:s11] =	ssyncadd.s32 $0xFFFFE000  }
0x1fe: {  	[spmem:s3] =	stream.indirect.scatter.add.f32 [tilespmem:s7], [sflag:$0x8], $0x40, s23, s31, $0xb8;
	[tilespmem:$0x19400] =	vst v63  }
0x1ff: {  	_ =	swait.ge @!p3 [sflag:s9], $0x2000  }
0x200: {  	s20 =	simm.s32 $0x5;
	[sflag:s9] =	ssyncset.done @!p3 $0x0  }
0x201: {  	s12 =	simm.s32 @!p3 $0xD000;
	[sflag:s9] =	ssyncadd.s32 @!p3 $0xFFFFE000;
	s9 =	simm.s32 @!p3 $0x80  }
0x202: {  	[tilespmem:s12], [sflag:$0x4] =	stream.indirect.gather @!p3 [hbm4b:s5+s9], $0x40, s24, s9, $0xb8;
	[tilespmem:$0x19400] =	vst v63  }
0x203: {  	_ =	swait.ge [sflag:s20], $0x2000  }
0x204: {  	[sflag:s20] =	ssyncset.done $0x0  }
0x205: {  	s21 =	simm.s32 $0x6;
	[sflag:s20] =	ssyncadd.s32 $0xFFFFE000  }
0x206: {  	_ =	swait.ge [sflag:s21], $0x2000  }
0x207: {  	[sflag:s21] =	ssyncset.done $0x0  }
0x208: {  	s22 =	simm.s32 $0x7;
	[sflag:s21] =	ssyncadd.s32 $0xFFFFE000  }
0x209: {  	_ =	swait.ge [sflag:s22], $0x2000  }
0x20a: {  	[sflag:s22] =	ssyncset.done $0x0  }
0x20b: {  	s23 =	simm.s32 $0x8;
	[sflag:s22] =	ssyncadd.s32 $0xFFFFE000  }
0x20c: {  	_ =	swait.ge [sflag:s23], $0x2000  }
0x20d: {  	[sflag:s23] =	ssyncset.done $0x0  }
0x20e: {  	[sflag:s23] =	ssyncadd.s32 $0xFFFFE000  }
0x20f: {  	[bflag:$0x0] =	sbarrier.arrive $0xFFFF  }
0x210: {  	s24 =	rddreg [dreg:$0xa]  }
0x211: {  	[hbm:s24], [sflag:s25] =	dma.local [spmem:s26], $0x1400  }
0x212: {  	_ =	swait.ge [sflag:s28], $0x1400  }
0x213: {  	s16 =	sadd.s32 $0x1, s16;
	s26 =	rddreg [dreg:$0xb]  }
0x214: {  	p0 =	sne.s32 s16, s26  }
.Ltmp5:
0x215: {  	_ = 	snop;
	(pc) =	sbr.rel @p0 .LBB2_1-.Ltmp5, $3  }
0x216: {  	_ =	sdelay $0x1  }
0x217: {  	[sflag:s28] =	ssyncset.done $0x0;
	s18 =	rddreg [dreg:$0x7]  }
0x218: {  	s19 =	rddreg [dreg:$0xc];
	[sflag:s28] =	ssyncadd.s32 $0xFFFFEC00  }
0x219: {  	_ =	sfence.sel $0x180000  }
0x21a: {  	[bflag:$0x0] =	sbarrier.arrive $0xFFFF  }
0x21b: {  	_ =	strace $0x9000004A  }
0x21c: {  	s0 =	stileid.u32;
	[bflag:$0x2] =	sbarrier.arrive $0xFFFF  }
0x21d: {  	p0 =	sne.s32 s0, $0x0;
	s0 =	rddreg [dreg:$0x3]  }
0x21e: {  	s0 =	sadd.s32 @!p0 $0x100000, s0  }
0x21f: {  	[sflag:s0] =	ssyncadd.tile.s32 @!p0 $0x1;
	_ =	shalt  }
.Lfunc_end2:
_tile_overlayer_lowered:
.L_overlay_start_2:
0x220: {  	(tag) =	ssettag $0x2  }
0x221: {  	s0 =	rddreg [dreg:$0x0];
	s2 =	stileid.u32  }
0x222: {  	s1 =	rddreg [dreg:$0x1];
	p0 =	sne.s32 s2, $0x0  }
0x223: {  	s3 =	rddreg [dreg:$0x2];
	[bflag:$0x3] =	sbarrier.arrive $0xFFFF;
	s2 =	simm.s32 @!p0 $0x1C09  }
0x224: {  	[timem:s3], [sflag:s2] =	dma.local @!p0 [hbm:s0], s1  }
0x225: {  	s0 =	simm.s32 @!p0 $0x9  }
0x226: {  	_ =	swait.ge @!p0 [sflag:s0], s1  }
0x227: {  	s1 =	ssub.s32 @!p0 $0x0, s1;
	[sflag:s0] =	ssyncset.done @!p0 $0x0  }
0x228: {  	[sflag:s0] =	ssyncadd.s32 @!p0 s1  }
0x229: {  	[bflag:$0x3] =	sbarrier.arrive $0xFFFF  }
0x22a: {  	_ =	shalt  }

// kernel: kernel.15.cloned.1.call-start
scs
__scs_entry_jumppad:
0x0: {  	(pc) =	sbr.rel $0x88, $3  }
0x1: {  	(tag) =	ssettag $0x0;
	lr =	simm.s32 $0x1  }
0x2: {  	[smem:$0x3F9B] =	sst lr;
	_ =	strace $0xD0000000  }
0x3: {  	_ = 	snop  }
0x4: {  	_ = 	snop  }
0x5: {  	_ = 	snop  }
0x6: {  	_ = 	snop  }
0x7: {  	_ = 	snop  }
__scs_overlays_trampoline_lowered:
0x8: {  	[smem:$0x3FAA] =	sst s0  }
0x9: {  	[smem:$0x3FAB] =	sst s1  }
0xa: {  	[smem:$0x3FAC] =	sst s2  }
0xb: {  	[smem:$0x3FAD] =	sst s3  }
0xc: {  	[smem:$0x3FAE] =	sst s4  }
0xd: {  	[smem:$0x3FAF] =	sst s5  }
0xe: {  	[smem:$0x3FB0] =	sst s6  }
0xf: {  	[smem:$0x3FB1] =	sst s7  }
0x10: {  	[smem:$0x3FB2] =	sst s8  }
0x11: {  	[smem:$0x3FB3] =	sst s9;
	s0 =	simm.s32 @!p0 $0x0  }
0x12: {  	s1 =	sld [smem:$0x3F99];
	s0 =	simm.s32 @p0 $0x1  }
0x13: {  	[smem:$0x3FB4] =	sst s0;
	s0 =	simm.s32 @!p1 $0x0  }
0x14: {  	s2 =	sld [smem:$0x3F98];
	s0 =	simm.s32 @p1 $0x1  }
0x15: {  	[smem:$0x3FB5] =	sst s0;
	s0 =	simm.s32 @!p2 $0x0  }
0x16: {  	s3 =	sld [smem:$0x3FDB];
	s0 =	simm.s32 @p2 $0x1  }
0x17: {  	s4 =	simm.s32 $0x1BF5;
	[smem:$0x3FB7] =	sst s0  }
0x18: {  	s0 =	sld [smem:$0x3F9A];
	_ =	swait.ge [sflag:s4], $0x0  }
0x19: {  	s7 =	sld [smem:$0x3F9B]  }
0x1a: {  	s8 =	sadd.s32 $0xFFFFE003, lr  }
0x1b: {  	s9 =	sadd.s32 $0xFFFFFEF7, lr;
	s5 =	simm.s32 $0xFFFFFFFF;
	p2 =	slt.u32 s8, $0xFFFFF086  }
0x1c: {  	p1 =	slt.u32 s9, $0xF7A;
	s5 =	simm.s32 @!p2 $0x0  }
0x1d: {  	s5 =	simm.s32 @p1 $0x1;
	p0 =	seq.s32 s7, s2  }
0x1e: {  	s7 =	smul.u32 @!p0 $0xF7A, s2;
	p2 =	seq.s32 @!p0 s5, $0x0  }
0x1f: {  	s9 =	smul.u32 $0xF7A, s1;
	s8 =	simm.s32 @!p0 $0x1BF5;
	p2 =	por !p2, p0  }
0x20: {  	[sflag:s8] =	ssyncset.s32 @!p0 $0xFFFFF086;
	s6 =	sadd.s32 @!p0 s3, s7;
	s7 =	simm.s32 @!p0 $0x108  }
0x21: {  	s3 =	sadd.s32 s3, s9;
	s6 =	sadd.s32 @!p0 $0x88, s6;
	s7 =	simm.s32 @p2 $0x1082  }
0x22: {  	[simem:s7], [sflag:s8] =	dma.local @!p0 [hbm:s6], $0xF7A  }
0x23: {  	s9 =	sor.u32 $0xD0000000, s2;
	s6 =	simm.s32 $0x108;
	_ =	swait.ge @!p0 [sflag:s8], $0x0  }
0x24: {  	s3 =	sadd.s32 $0x88, s3;
	s6 =	simm.s32 @!p1 $0x1082;
	[sflag:s4] =	ssyncset.s32 $0xFFFFF086  }
0x25: {  	[simem:s6], [sflag:s4] =	dma.local [hbm:s3], $0xF7A  }
0x26: {  	[smem:$0x3F9B] =	sst s1;
	(tag) =	ssettag s2;
	_ =	strace s9  }
0x27: {  	s1 =	sld [smem:$0x3FAB]  }
0x28: {  	s2 =	sld [smem:$0x3FAC]  }
0x29: {  	s4 =	sld [smem:$0x3FAE]  }
0x2a: {  	p0 =	seq.s32 s5, $0x0;
	s5 =	sld [smem:$0x3FAF]  }
0x2b: {  	s6 =	sld [smem:$0x3FB0]  }
0x2c: {  	s7 =	sld [smem:$0x3FB1]  }
0x2d: {  	s3 =	simm.s32 $0x108;
	s8 =	sld [smem:$0x3FB2]  }
0x2e: {  	s3 =	simm.s32 @!p0 $0x1082;
	s9 =	sld [smem:$0x3FB3]  }
0x2f: {  	lr =	sadd.s32 s0, s3;
	s0 =	sld [smem:$0x3FAA]  }
0x30: {  	s3 =	sld [smem:$0x3FAD]  }
0x31: {  	[smem:$0x3FB6] =	sst s10  }
0x32: {  	s10 =	sld [smem:$0x3FB4];
	_ =	sdelay $0x3  }
0x33: {  	p0 =	seq.s32 s10, $0x1;
	s10 =	sld [smem:$0x3FB6];
	_ =	sdelay $0x3  }
0x34: {  	[smem:$0x3FB6] =	sst s10  }
0x35: {  	s10 =	sld [smem:$0x3FB5];
	_ =	sdelay $0x3  }
0x36: {  	p1 =	seq.s32 s10, $0x1;
	s10 =	sld [smem:$0x3FB6];
	_ =	sdelay $0x3  }
0x37: {  	[smem:$0x3FB6] =	sst s10  }
0x38: {  	s10 =	sld [smem:$0x3FB7]  }
0x39: {  	_ = 	snop;
	(pc) =	sbr.ind lr, $3  }
0x3a: {  	_ = 	snop  }
0x3b: {  	_ = 	snop  }
0x3c: {  	p2 =	seq.s32 s10, $0x1;
	s10 =	sld [smem:$0x3FB6]  }
0x3d: {  	_ =	shalt  }
0x3e: {  	_ =	shalt  }
0x3f: {  	_ =	shalt  }
0x40: {  	_ =	shalt  }
0x41: {  	_ =	shalt  }
0x42: {  	_ =	shalt  }
0x43: {  	_ =	shalt  }
0x44: {  	_ =	shalt  }
0x45: {  	_ =	shalt  }
0x46: {  	_ =	shalt  }
0x47: {  	_ =	shalt  }
0x48: {  	_ =	shalt  }
0x49: {  	_ =	shalt  }
0x4a: {  	_ =	shalt  }
0x4b: {  	_ =	shalt  }
0x4c: {  	_ =	shalt  }
0x4d: {  	_ =	shalt  }
0x4e: {  	_ =	shalt  }
0x4f: {  	_ =	shalt  }
0x50: {  	_ =	shalt  }
0x51: {  	_ =	shalt  }
0x52: {  	_ =	shalt  }
0x53: {  	_ =	shalt  }
0x54: {  	_ =	shalt  }
0x55: {  	_ =	shalt  }
0x56: {  	_ =	shalt  }
0x57: {  	_ =	shalt  }
0x58: {  	_ =	shalt  }
0x59: {  	_ =	shalt  }
0x5a: {  	_ =	shalt  }
0x5b: {  	_ =	shalt  }
0x5c: {  	_ =	shalt  }
0x5d: {  	_ =	shalt  }
0x5e: {  	_ =	shalt  }
0x5f: {  	_ =	shalt  }
0x60: {  	_ =	shalt  }
0x61: {  	_ =	shalt  }
0x62: {  	_ =	shalt  }
0x63: {  	_ =	shalt  }
0x64: {  	_ =	shalt  }
0x65: {  	_ =	shalt  }
0x66: {  	_ =	shalt  }
0x67: {  	_ =	shalt  }
0x68: {  	_ =	shalt  }
0x69: {  	_ =	shalt  }
0x6a: {  	_ =	shalt  }
0x6b: {  	_ =	shalt  }
0x6c: {  	_ =	shalt  }
0x6d: {  	_ =	shalt  }
0x6e: {  	_ =	shalt  }
0x6f: {  	_ =	shalt  }
0x70: {  	_ =	shalt  }
0x71: {  	_ =	shalt  }
0x72: {  	_ =	shalt  }
0x73: {  	_ =	shalt  }
0x74: {  	_ =	shalt  }
0x75: {  	_ =	shalt  }
0x76: {  	_ =	shalt  }
0x77: {  	_ =	shalt  }
0x78: {  	_ =	shalt  }
0x79: {  	_ =	shalt  }
0x7a: {  	_ =	shalt  }
0x7b: {  	_ =	shalt  }
0x7c: {  	_ =	shalt  }
0x7d: {  	_ =	shalt  }
0x7e: {  	_ =	shalt  }
0x7f: {  	_ =	shalt  }
0x80: {  	_ =	shalt  }
0x81: {  	_ =	shalt  }
0x82: {  	_ =	shalt  }
0x83: {  	_ =	shalt  }
0x84: {  	_ =	shalt  }
0x85: {  	_ =	shalt  }
0x86: {  	_ =	shalt  }
0x87: {  	_ =	shalt  }
.Lfunc_end0:
.L_simem_size_0:
called_computation.2_lowered:
.L_overlay_start_0:
0x88: {  	s2 =	sld [smem:$0x3FD9]  }
0x89: {  	s3 =	sld [smem:$0x3FFE];
	_ =	sdelay $0x1  }
0x8a: {  	s1 =	srdreg.scid  }
0x8b: {  	s0 =	sand.u32 $0x1, s1  }
0x8c: {  	s16 =	sshll.u32 s0, $0xA;
	s2 =	sadd.s32 s3, s2  }
0x8d: {  	s2 =	sadd.s32 s2, s16  }
0x8e: {  	[smem:$0x3FC2] =	sst s2  }
0x8f: {  	_ = 	snop  }
0x90: {  	(tm) =	ssettm $0x1  }
0x91: {  	s17 =	sld [smem:$0x3FFB];
	_ =	sdelay $0x3  }
0x92: {  	_ =	strace s17  }
0x93: {  	s2 =	sld [smem:$0x3FFC];
	_ =	sdelay $0x3  }
0x94: {  	_ =	strace s2  }
0x95: {  	s2 =	sld [smem:$0x3FFD];
	_ =	sdelay $0x3  }
0x96: {  	_ =	strace s2  }
0x97: {  	_ =	strace $0x8FFFFFFF  }
0x98: {  	s18 =	sld [smem:$0x3FDB];
	_ =	sdelay $0x1  }
0x99: {  	s19 =	simm.s32 $_scs_section_size  }
0x9a: {  	s4 =	simm.s32 $_size__tile_overlayer_lowered;
	s5 =	simm.s32 $_tile_overlayer_lowered  }
0x9b: {  	s22 =	simm.s32 $0x1BFF;
	s21 =	sshll.u32 s5, $0x1;
	s2 =	sadd.s32 s19, s18  }
0x9c: {  	s6 =	simm.s32 $0x0;
	s20 =	sshll.u32 s4, $0x1;
	s4 =	sadd.s32 s21, s2  }
0x9d: {  	[timem:s6], [sflag:s22] =	dma.local [hbm:s4], s20  }
0x9e: {  	_ =	swait.ge [sflag:s22], s20  }
0x9f: {  	s3 =	ssub.s32 $0x0, s20;
	[sflag:s22] =	ssyncset.done $0x0  }
0xa0: {  	[sflag:s22] =	ssyncadd.s32 s3;
	_ =	sdelay $0x1  }
0xa1: {  	s23 =	simm.s32 $0x1B8B  }
0xa2: {  	_ =	swait.ge [sflag:s23], $0x1  }
0xa3: {  	[sflag:s23] =	ssyncset.done $0x0  }
0xa4: {  	s25 =	simm.s32 $0x1B8E;
	s24 =	sld [smem:$0x3FFE];
	[sflag:s23] =	ssyncadd.s32 $0xFFFFFFFF  }
0xa5: {  	s26 =	simm.s32 $execute0_lowered;
	[smem:$0x3FD2] =	sst s25  }
0xa6: {  	s4 =	sshll.u32 s26, $0x1;
	_ =	strace $0x8000004C;
	[dreg:$0x1] =	wrdreg $0xFFFFFFFF  }
0xa7: {  	s28 =	simm.s32 $_size_execute0_lowered;
	s2 =	sadd.s32 s2, s4;
	[dreg:$0x0] =	wrdreg $0x0  }
0xa8: {  	s4 =	sshll.u32 s28, $0x1;
	[dreg:$0x2] =	wrdreg s2  }
0xa9: {  	[dreg:$0x3] =	wrdreg s4  }
0xaa: {  	[dreg:$0x4] =	wrdreg $0xC0  }
0xab: {  	_ =	task [dreg:s6], $0x5FFFF  }
0xac: {  	[dreg:$0x1] =	wrdreg $0xFFFFFFFF  }
0xad: {  	[dreg:$0x0] =	wrdreg $0x60  }
0xae: {  	[dreg:$0x2] =	wrdreg s24  }
0xaf: {  	[dreg:$0x3] =	wrdreg $0xF4000  }
0xb0: {  	[dreg:$0x4] =	wrdreg $0x9  }
0xb1: {  	_ =	task.clear_ibuf [dreg:s6], $0x5FFFF;
	_ =	strace $0x9000004C  }
0xb2: {  	s29 =	simm.s32 $0x9;
	_ =	strace $0x8000004E  }
0xb3: {  	_ =	swait.ge [sflag:s29], $0x1  }
0xb4: {  	[sflag:s29] =	ssyncadd.s32 $0xFFFFFFFF  }
0xb5: {  	_ =	strace $0x9000004E  }
0xb6: {  	_ =	sfence  }
0xb7: {  	s30 =	sld [smem:$0x0];
	_ =	sdelay $0x2  }
0xb8: {  	s31 =	sshll.u32 s1, $0xD;
	s1 =	sshrl.u32 s1, $0x2  }
0xb9: {  	s3 =	sand.u32 $0x4000, s31;
	s1 =	sadd.s32 s1, s30  }
0xba: {  	s0 =	sor.u32 s3, s0;
	s1 =	sshll.u32 s1, $0x11  }
0xbb: {  	s0 =	sor.u32 s1, s0  }
0xbc: {  	s0 =	sadd.s32 $0x8F2B, s0  }
0xbd: {  	[sflag:s0] =	ssyncadd.remote.s32 $0x1  }
0xbe: {  	_ =	sfence.sel $0xFFFF  }
0xbf: {  	[dreg:$0x0] =	wrdreg $0xFFFFFFFF;
	(pc) =	sbr.abs _section_cstart, $3  }
0xc0: {  	[dreg:$0x1] =	wrdreg $0xFFFFFFFF  }
0xc1: {  	_ =	task.clear_ibuf [dreg:s6], $0x2FFFF;
	_ =	strace $0x9FFFFFFF  }
0xc2: {  	(tm) =	ssettm $0x7FFFFFFF  }
0xc3: {  	_ =	shalt  }
tec
execute0_lowered:
.L_overlay_start_1:
0x0: {  	(tag) =	ssettag $0x1  }
0x1: {  	s0 =	srdreg.scid  }
0x2: {  	s11 =	stileid.u32;
	s1 =	rddreg [dreg:$0x0]  }
0x3: {  	s2 =	rddreg [dreg:$0x1];
	s7 =	smul.u32 $0xA000, s11  }
0x4: {  	s6 =	simm.s32 $0x0;
	s0 =	sand.u32 $0x1, s0;
	s22 =	smul.u32 $0x28000, s11  }
0x5: {  	[smem:$0x7FF] =	sst s6;
	s4 =	smul.u32 $0x70, s0  }
0x6: {  	s5 =	smul.u32 $0xA0000, s0;
	_ =	strace $0x8000004D;
	s8 =	ssub.s32 $0x2, s0  }
0x7: {  	p0 =	seq.s32 s0, $0x0;
	s0 =	sshrl.u32 s22, $0x2;
	s25 =	sadd.s32 s7, s2  }
0x8: {  	s10 =	sshrl.u32 s8, $0x1;
	s18 =	sadd.s32 s0, s2;
	[dreg:$0x8] =	wrdreg s25  }
0x9: {  	s21 =	sadd.s32 s7, s5;
	s7 =	sadd.s32 $0xC00, s18;
	[dreg:$0x6] =	wrdreg s18  }
0xa: {  	s8 =	ssub.s32 s8, s10;
	s10 =	sadd.s32 $0x1800, s18;
	[dreg:$0xd] =	wrdreg s7  }
0xb: {  	s3 =	smul.u32 $0xA0, s11;
	s11 =	sadd.s32 $0x1C00, s18;
	[dreg:$0x10] =	wrdreg s10  }
0xc: {  	s12 =	sadd.s32 $0x2000, s18;
	[dreg:$0x11] =	wrdreg s11  }
0xd: {  	s6 =	simm.s32 $0x70;
	s13 =	sadd.s32 $0x2400, s18;
	[dreg:$0x12] =	wrdreg s12  }
0xe: {  	s6 =	simm.s32 @!p0 $0x30;
	s15 =	sadd.s32 $0x2800, s18;
	[dreg:$0x13] =	wrdreg s13  }
0xf: {  	s14 =	sshll.u32 s6, $0x9;
	s16 =	sadd.s32 $0x2C00, s18;
	[dreg:$0x14] =	wrdreg s15  }
0x10: {  	s0 =	sadd.s32 $0xFFFFF800, s14;
	[dreg:$0x15] =	wrdreg s16  }
0x11: {  	s17 =	sadd.s32 $0x3000, s18;
	[dreg:$0x3] =	wrdreg s0  }
0x12: {  	s3 =	sadd.s32 s4, s3;
	s20 =	sadd.s32 $0x3400, s18;
	[dreg:$0x16] =	wrdreg s17  }
0x13: {  	s9 =	sshrl.u32 s21, $0x3;
	s21 =	sadd.s32 $0x3800, s18;
	[dreg:$0x17] =	wrdreg s20  }
0x14: {  	s4 =	sadd.s32 $0x67A00, s1;
	s22 =	sadd.s32 $0x3C00, s18;
	[dreg:$0x18] =	wrdreg s21  }
0x15: {  	s5 =	sadd.s32 $0x7B400, s1;
	s25 =	sadd.s32 $0x4800, s18;
	[dreg:$0x19] =	wrdreg s22  }
0x16: {  	s3 =	sshll.u32 s3, $0x4;
	s14 =	sadd.s32 $0x7400, s18;
	[dreg:$0x1c] =	wrdreg s25  }
0x17: {  	s19 =	sadd.s32 $0x400, s18;
	s3 =	sadd.s32 s3, s1;
	[smem:$0x7F3] =	sst s14  }
0x18: {  	s1 =	sadd.s32 s9, s1;
	s9 =	sadd.s32 $0x1400, s18;
	[dreg:$0xb] =	wrdreg s19  }
0x19: {  	s7 =	sadd.s32 $0x5800, s18;
	[dreg:$0xf] =	wrdreg s9  }
0x1a: {  	s10 =	sadd.s32 $0x6400, s18;
	[smem:$0x7EC] =	sst s7  }
0x1b: {  	s11 =	sadd.s32 $0x6800, s18;
	[smem:$0x7EF] =	sst s10  }
0x1c: {  	s12 =	sadd.s32 $0x6C00, s18;
	[smem:$0x7F0] =	sst s11  }
0x1d: {  	s13 =	sadd.s32 $0x7000, s18;
	[smem:$0x7F1] =	sst s12  }
0x1e: {  	s15 =	sadd.s32 $0x7800, s18;
	[smem:$0x7F2] =	sst s13  }
0x1f: {  	s16 =	sadd.s32 $0x7C00, s18;
	[smem:$0x7F4] =	sst s15  }
0x20: {  	s17 =	sadd.s32 $0x8000, s18;
	[smem:$0x7F5] =	sst s16  }
0x21: {  	s20 =	sadd.s32 $0x8400, s18;
	[smem:$0x7F6] =	sst s17  }
0x22: {  	s21 =	sadd.s32 $0x8800, s18;
	[smem:$0x7F7] =	sst s20  }
0x23: {  	s22 =	sadd.s32 $0x8C00, s18;
	[smem:$0x7F8] =	sst s21  }
0x24: {  	s25 =	sadd.s32 $0x9800, s18;
	[smem:$0x7F9] =	sst s22  }
0x25: {  	s23 =	sadd.s32 $0xD600, s3;
	[smem:$0x7FC] =	sst s25  }
0x26: {  	s3 =	sadd.s32 $0x3200, s3;
	[dreg:$0x4] =	wrdreg s23  }
0x27: {  	s24 =	sadd.s32 $0xB6000, s1;
	[dreg:$0x5] =	wrdreg s3  }
0x28: {  	s26 =	sadd.s32 $0xDE000, s1;
	[dreg:$0x7] =	wrdreg s24  }
0x29: {  	s1 =	smax.u32 s8, $0x1;
	[dreg:$0x9] =	wrdreg s26  }
0x2a: {  	s8 =	sadd.s32 $0x1000, s18;
	[dreg:$0xa] =	wrdreg s1  }
0x2b: {  	s9 =	sadd.s32 $0x6000, s18;
	[dreg:$0xe] =	wrdreg s8  }
0x2c: {  	s28 =	simm.s32 $0x9;
	s3 =	sadd.s32 $0x800, s18;
	[smem:$0x7EE] =	sst s9  }
0x2d: {  	s29 =	simm.s32 $0xF000;
	s23 =	sadd.s32 $0x4000, s18;
	[dreg:$0xc] =	wrdreg s3  }
0x2e: {  	s30 =	simm.s32 $0x1;
	s24 =	sadd.s32 $0x4400, s18;
	[dreg:$0x1a] =	wrdreg s23  }
0x2f: {  	s31 =	simm.s32 $0x80;
	s26 =	sadd.s32 $0x4C00, s18;
	[dreg:$0x1b] =	wrdreg s24  }
0x30: {  	s0 =	simm.s32 $0x9000;
	s1 =	sadd.s32 $0x5000, s18;
	[dreg:$0x1d] =	wrdreg s26  }
0x31: {  	s7 =	simm.s32 $0xD000;
	s8 =	sadd.s32 $0x5C00, s18;
	[dreg:$0x1e] =	wrdreg s1  }
0x32: {  	s10 =	simm.s32 $0x3;
	s3 =	sadd.s32 $0x5400, s18;
	[smem:$0x7ED] =	sst s8  }
0x33: {  	s11 =	simm.s32 $0x4;
	s23 =	sadd.s32 $0x9000, s18;
	[dreg:$0x1f] =	wrdreg s3  }
0x34: {  	s16 =	simm.s32 $0x0;
	s24 =	sadd.s32 $0x9400, s18;
	[smem:$0x7FA] =	sst s23  }
0x35: {  	s26 =	sadd.s32 $0x9C00, s18;
	s1 =	simm.s32 $0x7000;
	[smem:$0x7FB] =	sst s24  }
0x36: {  	v0 =	vimm.f32 $0.0e+00;
	s8 =	simm.s32 $0x2;
	[smem:$0x7FD] =	sst s26;
	s3 =	simm.s32 $0xB000  }
.LBB2_1:
0x37: {  	[tilespmem:$0xF000] =	vst v0  }
0x38: {  	[tilespmem:$0xF010] =	vst v0  }
0x39: {  	[tilespmem:$0xF020] =	vst v0  }
0x3a: {  	[tilespmem:$0xF030] =	vst v0  }
0x3b: {  	[tilespmem:$0xF040] =	vst v0  }
0x3c: {  	[tilespmem:$0xF050] =	vst v0  }
0x3d: {  	[tilespmem:$0xF060] =	vst v0  }
0x3e: {  	[tilespmem:$0xF070] =	vst v0  }
0x3f: {  	[tilespmem:$0xF080] =	vst v0  }
0x40: {  	[tilespmem:$0xF090] =	vst v0  }
0x41: {  	[tilespmem:$0xF0A0] =	vst v0  }
0x42: {  	[tilespmem:$0xF0B0] =	vst v0  }
0x43: {  	[tilespmem:$0xF0C0] =	vst v0  }
0x44: {  	[tilespmem:$0xF0D0] =	vst v0  }
0x45: {  	[tilespmem:$0xF0E0] =	vst v0  }
0x46: {  	[tilespmem:$0xF0F0] =	vst v0  }
0x47: {  	[tilespmem:$0xF100] =	vst v0  }
0x48: {  	[tilespmem:$0xF110] =	vst v0  }
0x49: {  	[tilespmem:$0xF120] =	vst v0  }
0x4a: {  	[tilespmem:$0xF130] =	vst v0  }
0x4b: {  	[tilespmem:$0xF140] =	vst v0  }
0x4c: {  	[tilespmem:$0xF150] =	vst v0  }
0x4d: {  	[tilespmem:$0xF160] =	vst v0  }
0x4e: {  	[tilespmem:$0xF170] =	vst v0  }
0x4f: {  	[tilespmem:$0xF180] =	vst v0  }
0x50: {  	[tilespmem:$0xF190] =	vst v0  }
0x51: {  	[tilespmem:$0xF1A0] =	vst v0  }
0x52: {  	[tilespmem:$0xF1B0] =	vst v0  }
0x53: {  	[tilespmem:$0xF1C0] =	vst v0  }
0x54: {  	[tilespmem:$0xF1D0] =	vst v0  }
0x55: {  	[tilespmem:$0xF1E0] =	vst v0  }
0x56: {  	[tilespmem:$0xF1F0] =	vst v0  }
0x57: {  	[tilespmem:$0xF200] =	vst v0  }
0x58: {  	[tilespmem:$0xF210] =	vst v0  }
0x59: {  	[tilespmem:$0xF220] =	vst v0  }
0x5a: {  	[tilespmem:$0xF230] =	vst v0  }
0x5b: {  	[tilespmem:$0xF240] =	vst v0  }
0x5c: {  	[tilespmem:$0xF250] =	vst v0  }
0x5d: {  	[tilespmem:$0xF260] =	vst v0  }
0x5e: {  	[tilespmem:$0xF270] =	vst v0  }
0x5f: {  	[tilespmem:$0xF280] =	vst v0  }
0x60: {  	[tilespmem:$0xF290] =	vst v0  }
0x61: {  	[tilespmem:$0xF2A0] =	vst v0  }
0x62: {  	[tilespmem:$0xF2B0] =	vst v0  }
0x63: {  	[tilespmem:$0xF2C0] =	vst v0  }
0x64: {  	[tilespmem:$0xF2D0] =	vst v0  }
0x65: {  	[tilespmem:$0xF2E0] =	vst v0  }
0x66: {  	[tilespmem:$0xF2F0] =	vst v0  }
0x67: {  	[tilespmem:$0xF300] =	vst v0  }
0x68: {  	[tilespmem:$0xF310] =	vst v0  }
0x69: {  	[tilespmem:$0xF320] =	vst v0  }
0x6a: {  	[tilespmem:$0xF330] =	vst v0  }
0x6b: {  	[tilespmem:$0xF340] =	vst v0  }
0x6c: {  	[tilespmem:$0xF350] =	vst v0  }
0x6d: {  	[tilespmem:$0xF360] =	vst v0  }
0x6e: {  	[tilespmem:$0xF370] =	vst v0  }
0x6f: {  	[tilespmem:$0xF380] =	vst v0  }
0x70: {  	[tilespmem:$0xF390] =	vst v0  }
0x71: {  	[tilespmem:$0xF3A0] =	vst v0  }
0x72: {  	[tilespmem:$0xF3B0] =	vst v0  }
0x73: {  	[tilespmem:$0xF3C0] =	vst v0  }
0x74: {  	[tilespmem:$0xF3D0] =	vst v0  }
0x75: {  	[tilespmem:$0xF3E0] =	vst v0  }
0x76: {  	[tilespmem:$0xF3F0] =	vst v0;
	s9 =	simm.s32 $0x0;
	s12 =	rddreg [dreg:$0x4]  }
0x77: {  	[tilespmem:s9], [sflag:$0x9] =	stream.linear.gather [hbm4b:s12+s9], $0x3800, $0x38;
	[tilespmem:$0x19400] =	vst v63  }
0x78: {  	_ =	swait.ge [sflag:s28], $0x3800  }
0x79: {  	[sflag:s28] =	ssyncset.done $0x0  }
0x7a: {  	s13 =	simm.s32 $0x3800;
	s24 =	rddreg [dreg:$0x5];
	[sflag:s28] =	ssyncadd.s32 $0xFFFFC800  }
0x7b: {  	[tilespmem:s13], [sflag:$0x9] =	stream.linear.gather [hbm4b:s24+s9], $0x3800, $0x38;
	[tilespmem:$0x19400] =	vst v63  }
0x7c: {  	_ =	swait.ge [sflag:s28], $0x3800  }
0x7d: {  	[sflag:s28] =	ssyncset.done $0x0  }
0x7e: {  	[sflag:s28] =	ssyncadd.s32 $0xFFFFC800  }
0x7f: {  	[spmem:s18] =	stream.linear.scatter [tilespmem:s29], [sflag:$0x1], $0x400, $0x38;
	[tilespmem:$0x19400] =	vst v63  }
0x80: {  	s25 =	rddreg [dreg:$0xc]  }
0x81: {  	[spmem:s19] =	stream.linear.scatter [tilespmem:s29], [sflag:$0x1], $0x400, $0x38;
	[tilespmem:$0x19400] =	vst v63  }
0x82: {  	s26 =	rddreg [dreg:$0xd]  }
0x83: {  	[spmem:s25] =	stream.linear.scatter [tilespmem:s29], [sflag:$0x1], $0x400, $0x38;
	[tilespmem:$0x19400] =	vst v63  }
0x84: {  	s12 =	rddreg [dreg:$0xe]  }
0x85: {  	[spmem:s26] =	stream.linear.scatter [tilespmem:s29], [sflag:$0x1], $0x400, $0x38;
	[tilespmem:$0x19400] =	vst v63  }
0x86: {  	s13 =	rddreg [dreg:$0xf]  }
0x87: {  	[spmem:s12] =	stream.linear.scatter [tilespmem:s29], [sflag:$0x1], $0x400, $0x38;
	[tilespmem:$0x19400] =	vst v63  }
0x88: {  	s14 =	rddreg [dreg:$0x10]  }
0x89: {  	[spmem:s13] =	stream.linear.scatter [tilespmem:s29], [sflag:$0x1], $0x400, $0x38;
	[tilespmem:$0x19400] =	vst v63  }
0x8a: {  	s15 =	rddreg [dreg:$0x11]  }
0x8b: {  	[spmem:s14] =	stream.linear.scatter [tilespmem:s29], [sflag:$0x1], $0x400, $0x38;
	[tilespmem:$0x19400] =	vst v63  }
0x8c: {  	s17 =	rddreg [dreg:$0x12]  }
0x8d: {  	[spmem:s15] =	stream.linear.scatter [tilespmem:s29], [sflag:$0x1], $0x400, $0x38;
	[tilespmem:$0x19400] =	vst v63  }
0x8e: {  	s20 =	rddreg [dreg:$0x13]  }
0x8f: {  	[spmem:s17] =	stream.linear.scatter [tilespmem:s29], [sflag:$0x1], $0x400, $0x38;
	[tilespmem:$0x19400] =	vst v63  }
0x90: {  	s21 =	rddreg [dreg:$0x14]  }
0x91: {  	[spmem:s20] =	stream.linear.scatter [tilespmem:s29], [sflag:$0x1], $0x400, $0x38;
	[tilespmem:$0x19400] =	vst v63  }
0x92: {  	s22 =	rddreg [dreg:$0x15]  }
0x93: {  	[spmem:s21] =	stream.linear.scatter [tilespmem:s29], [sflag:$0x1], $0x400, $0x38;
	[tilespmem:$0x19400] =	vst v63  }
0x94: {  	s23 =	rddreg [dreg:$0x16]  }
0x95: {  	[spmem:s22] =	stream.linear.scatter [tilespmem:s29], [sflag:$0x1], $0x400, $0x38;
	[tilespmem:$0x19400] =	vst v63  }
0x96: {  	s24 =	rddreg [dreg:$0x17]  }
0x97: {  	[spmem:s23] =	stream.linear.scatter [tilespmem:s29], [sflag:$0x1], $0x400, $0x38;
	[tilespmem:$0x19400] =	vst v63  }
0x98: {  	s25 =	rddreg [dreg:$0x18]  }
0x99: {  	[spmem:s24] =	stream.linear.scatter [tilespmem:s29], [sflag:$0x1], $0x400, $0x38;
	[tilespmem:$0x19400] =	vst v63  }
0x9a: {  	s26 =	rddreg [dreg:$0x19]  }
0x9b: {  	[spmem:s25] =	stream.linear.scatter [tilespmem:s29], [sflag:$0x1], $0x400, $0x38;
	[tilespmem:$0x19400] =	vst v63  }
0x9c: {  	s12 =	rddreg [dreg:$0x1a]  }
0x9d: {  	[spmem:s26] =	stream.linear.scatter [tilespmem:s29], [sflag:$0x1], $0x400, $0x38;
	[tilespmem:$0x19400] =	vst v63  }
0x9e: {  	s13 =	rddreg [dreg:$0x1b]  }
0x9f: {  	[spmem:s12] =	stream.linear.scatter [tilespmem:s29], [sflag:$0x1], $0x400, $0x38;
	[tilespmem:$0x19400] =	vst v63  }
0xa0: {  	s14 =	rddreg [dreg:$0x1c]  }
0xa1: {  	[spmem:s13] =	stream.linear.scatter [tilespmem:s29], [sflag:$0x1], $0x400, $0x38;
	[tilespmem:$0x19400] =	vst v63  }
0xa2: {  	s15 =	rddreg [dreg:$0x1d]  }
0xa3: {  	[spmem:s14] =	stream.linear.scatter [tilespmem:s29], [sflag:$0x1], $0x400, $0x38;
	[tilespmem:$0x19400] =	vst v63  }
0xa4: {  	s17 =	rddreg [dreg:$0x1e]  }
0xa5: {  	[spmem:s15] =	stream.linear.scatter [tilespmem:s29], [sflag:$0x1], $0x400, $0x38;
	[tilespmem:$0x19400] =	vst v63  }
0xa6: {  	s20 =	rddreg [dreg:$0x1f]  }
0xa7: {  	[spmem:s17] =	stream.linear.scatter [tilespmem:s29], [sflag:$0x1], $0x400, $0x38;
	[tilespmem:$0x19400] =	vst v63  }
0xa8: {  	s21 =	sld [smem:$0x7EC]  }
0xa9: {  	[spmem:s20] =	stream.linear.scatter [tilespmem:s29], [sflag:$0x1], $0x400, $0x38;
	[tilespmem:$0x19400] =	vst v63  }
0xaa: {  	s22 =	sld [smem:$0x7ED]  }
0xab: {  	[spmem:s21] =	stream.linear.scatter [tilespmem:s29], [sflag:$0x1], $0x400, $0x38;
	[tilespmem:$0x19400] =	vst v63  }
0xac: {  	s23 =	sld [smem:$0x7EE]  }
0xad: {  	[spmem:s22] =	stream.linear.scatter [tilespmem:s29], [sflag:$0x1], $0x400, $0x38;
	[tilespmem:$0x19400] =	vst v63  }
0xae: {  	s24 =	sld [smem:$0x7EF]  }
0xaf: {  	[spmem:s23] =	stream.linear.scatter [tilespmem:s29], [sflag:$0x1], $0x400, $0x38;
	[tilespmem:$0x19400] =	vst v63  }
0xb0: {  	s25 =	sld [smem:$0x7F0]  }
0xb1: {  	[spmem:s24] =	stream.linear.scatter [tilespmem:s29], [sflag:$0x1], $0x400, $0x38;
	[tilespmem:$0x19400] =	vst v63  }
0xb2: {  	s26 =	sld [smem:$0x7F1]  }
0xb3: {  	[spmem:s25] =	stream.linear.scatter [tilespmem:s29], [sflag:$0x1], $0x400, $0x38;
	[tilespmem:$0x19400] =	vst v63  }
0xb4: {  	s12 =	sld [smem:$0x7F2]  }
0xb5: {  	[spmem:s26] =	stream.linear.scatter [tilespmem:s29], [sflag:$0x1], $0x400, $0x38;
	[tilespmem:$0x19400] =	vst v63  }
0xb6: {  	s13 =	sld [smem:$0x7F3]  }
0xb7: {  	[spmem:s12] =	stream.linear.scatter [tilespmem:s29], [sflag:$0x1], $0x400, $0x38;
	[tilespmem:$0x19400] =	vst v63  }
0xb8: {  	s14 =	sld [smem:$0x7F4]  }
0xb9: {  	[spmem:s13] =	stream.linear.scatter [tilespmem:s29], [sflag:$0x1], $0x400, $0x38;
	[tilespmem:$0x19400] =	vst v63  }
0xba: {  	s15 =	sld [smem:$0x7F5]  }
0xbb: {  	[spmem:s14] =	stream.linear.scatter [tilespmem:s29], [sflag:$0x1], $0x400, $0x38;
	[tilespmem:$0x19400] =	vst v63  }
0xbc: {  	s17 =	sld [smem:$0x7F6]  }
0xbd: {  	[spmem:s15] =	stream.linear.scatter [tilespmem:s29], [sflag:$0x1], $0x400, $0x38;
	[tilespmem:$0x19400] =	vst v63  }
0xbe: {  	s20 =	sld [smem:$0x7F7]  }
0xbf: {  	[spmem:s17] =	stream.linear.scatter [tilespmem:s29], [sflag:$0x1], $0x400, $0x38;
	[tilespmem:$0x19400] =	vst v63  }
0xc0: {  	s21 =	sld [smem:$0x7F8]  }
0xc1: {  	[spmem:s20] =	stream.linear.scatter [tilespmem:s29], [sflag:$0x1], $0x400, $0x38;
	[tilespmem:$0x19400] =	vst v63  }
0xc2: {  	s22 =	sld [smem:$0x7F9]  }
0xc3: {  	[spmem:s21] =	stream.linear.scatter [tilespmem:s29], [sflag:$0x1], $0x400, $0x38;
	[tilespmem:$0x19400] =	vst v63  }
0xc4: {  	s23 =	sld [smem:$0x7FA]  }
0xc5: {  	[spmem:s22] =	stream.linear.scatter [tilespmem:s29], [sflag:$0x1], $0x400, $0x38;
	[tilespmem:$0x19400] =	vst v63  }
0xc6: {  	s24 =	sld [smem:$0x7FB]  }
0xc7: {  	[spmem:s23] =	stream.linear.scatter [tilespmem:s29], [sflag:$0x1], $0x400, $0x38;
	[tilespmem:$0x19400] =	vst v63  }
0xc8: {  	s25 =	sld [smem:$0x7FC]  }
0xc9: {  	[spmem:s24] =	stream.linear.scatter [tilespmem:s29], [sflag:$0x1], $0x400, $0x38;
	[tilespmem:$0x19400] =	vst v63  }
0xca: {  	s26 =	sld [smem:$0x7FD]  }
0xcb: {  	[spmem:s25] =	stream.linear.scatter [tilespmem:s29], [sflag:$0x1], $0x400, $0x38;
	[tilespmem:$0x19400] =	vst v63  }
0xcc: {  	_ = 	snop  }
0xcd: {  	[spmem:s26] =	stream.linear.scatter [tilespmem:s29], [sflag:$0x1], $0x400, $0x38;
	[tilespmem:$0x19400] =	vst v63  }
0xce: {  	_ =	swait.ge [sflag:s30], $0x400  }
0xcf: {  	s9 =	simm.s32 $0x27;
	[sflag:s30] =	ssyncset.done $0x0  }
.LBB2_2:
0xd0: {  	p0 =	sne.s32 s9, $0x1;
	s9 =	sadd.s32 $0xFFFFFFFF, s9;
	[sflag:s30] =	ssyncadd.s32 $0xFFFFFC00  }
.Ltmp0:
0xd1: {  	(pc) =	sbr.rel @p0 .LBB2_2-.Ltmp0, $3  }
0xd2: {  	_ =	sdelay $0x1  }
0xd3: {  	_ =	swait.ge [sflag:s30], $0x400  }
0xd4: {  	[sflag:s30] =	ssyncset.done $0x0  }
0xd5: {  	[sflag:s30] =	ssyncadd.s32 $0xFFFFFC00  }
0xd6: {  	s12 =	simm.s32 $0x0;
	[bflag:$0x0] =	sbarrier.arrive $0xFFFF  }
0xd7: {  	[tilespmem:s1], [sflag:$0x1] =	stream.indirect.gather [hbm4b:s4+s31], $0x40, s12, s31, $0xb8;
	[tilespmem:$0x19400] =	vst v63  }
0xd8: {  	_ = 	snop  }
0xd9: {  	[tilespmem:s0], [sflag:$0x2] =	stream.indirect.gather [hbm4b:s4+s31], $0x40, s31, s31, $0xb8;
	[tilespmem:$0x19400] =	vst v63  }
0xda: {  	s9 =	simm.s32 $0x100  }
0xdb: {  	[tilespmem:s3], [sflag:$0x3] =	stream.indirect.gather [hbm4b:s4+s31], $0x40, s9, s31, $0xb8;
	[tilespmem:$0x19400] =	vst v63  }
0xdc: {  	s26 =	simm.s32 $0x180;
	s24 =	simm.s32 $0x7;
	s13 =	simm.s32 $0x1  }
0xdd: {  	[tilespmem:s7], [sflag:$0x4] =	stream.indirect.gather [hbm4b:s4+s31], $0x40, s26, s31, $0xb8;
	[tilespmem:$0x19400] =	vst v63  }
.LBB2_4:
0xde: {  	_ =	swait.ge [sflag:s30], $0x2000  }
0xdf: {  	s9 =	sshra.s32 s12, $0x2;
	s20 =	sadd.s32 $0xFFFFFFFD, s24;
	[sflag:s30] =	ssyncset.done $0x0  }
0xe0: {  	s14 =	sadd.s32 $0x3800, s9;
	p0 =	sge.u32 s20, s6;
	[sflag:s30] =	ssyncadd.s32 $0xFFFFE000  }
0xe1: {  	[spmem:s2] =	stream.indirect.scatter.add.f32 [tilespmem:s1], [sflag:$0x5], $0x40, s14, s31, $0xb8;
	[tilespmem:$0x19400] =	vst v63  }
0xe2: {  	s14 =	simm.s32 @!p0 $0x5  }
0xe3: {  	_ =	swait.ge @!p0 [sflag:s14], $0x2000  }
0xe4: {  	[sflag:s14] =	ssyncset.done @!p0 $0x0  }
0xe5: {  	[sflag:s14] =	ssyncadd.s32 @!p0 $0xFFFFE000;
	s14 =	sshra.s32 @!p0 s12, $0x2  }
0xe6: {  	s15 =	simm.s32 @!p0 $0x80;
	s17 =	simm.s32 @!p0 $0x7000;
	s14 =	sadd.s32 @!p0 $0x200, s14  }
0xe7: {  	[tilespmem:s17], [sflag:$0x1] =	stream.indirect.gather @!p0 [hbm4b:s4+s15], $0x40, s14, s15, $0xb8;
	[tilespmem:$0x19400] =	vst v63  }
0xe8: {  	s22 =	sadd.s32 $0xFFFFFFFE, s24;
	_ =	swait.ge [sflag:s8], $0x2000  }
0xe9: {  	p0 =	sge.u32 s22, s6;
	[sflag:s8] =	ssyncset.done $0x0  }
0xea: {  	s21 =	sadd.s32 $0x3880, s9;
	s14 =	simm.s32 @!p0 $0x6;
	[sflag:s8] =	ssyncadd.s32 $0xFFFFE000  }
0xeb: {  	[spmem:s2] =	stream.indirect.scatter.add.f32 [tilespmem:s0], [sflag:$0x6], $0x40, s21, s31, $0xb8;
	[tilespmem:$0x19400] =	vst v63  }
0xec: {  	_ =	swait.ge @!p0 [sflag:s14], $0x2000  }
0xed: {  	[sflag:s14] =	ssyncset.done @!p0 $0x0  }
0xee: {  	[sflag:s14] =	ssyncadd.s32 @!p0 $0xFFFFE000;
	s14 =	sshra.s32 @!p0 s12, $0x2  }
0xef: {  	s15 =	simm.s32 @!p0 $0x80;
	s17 =	simm.s32 @!p0 $0x9000;
	s14 =	sadd.s32 @!p0 $0x280, s14  }
0xf0: {  	[tilespmem:s17], [sflag:$0x2] =	stream.indirect.gather @!p0 [hbm4b:s4+s15], $0x40, s14, s15, $0xb8;
	[tilespmem:$0x19400] =	vst v63  }
0xf1: {  	s25 =	sadd.s32 $0xFFFFFFFF, s24;
	_ =	swait.ge [sflag:s10], $0x2000  }
0xf2: {  	p0 =	sge.u32 s25, s6;
	[sflag:s10] =	ssyncset.done $0x0  }
0xf3: {  	s23 =	sadd.s32 $0x3900, s9;
	s14 =	simm.s32 @!p0 $0x7;
	[sflag:s10] =	ssyncadd.s32 $0xFFFFE000  }
0xf4: {  	[spmem:s2] =	stream.indirect.scatter.add.f32 [tilespmem:s3], [sflag:$0x7], $0x40, s23, s31, $0xb8;
	[tilespmem:$0x19400] =	vst v63  }
0xf5: {  	_ =	swait.ge @!p0 [sflag:s14], $0x2000  }
0xf6: {  	[sflag:s14] =	ssyncset.done @!p0 $0x0  }
0xf7: {  	[sflag:s14] =	ssyncadd.s32 @!p0 $0xFFFFE000;
	s14 =	sshra.s32 @!p0 s12, $0x2  }
0xf8: {  	s15 =	simm.s32 @!p0 $0x80;
	s17 =	simm.s32 @!p0 $0xB000;
	s14 =	sadd.s32 @!p0 $0x300, s14  }
0xf9: {  	[tilespmem:s17], [sflag:$0x3] =	stream.indirect.gather @!p0 [hbm4b:s4+s15], $0x40, s14, s15, $0xb8;
	[tilespmem:$0x19400] =	vst v63  }
0xfa: {  	_ =	swait.ge [sflag:s11], $0x2000  }
0xfb: {  	[sflag:s11] =	ssyncset.done $0x0  }
0xfc: {  	s9 =	sadd.s32 $0x3980, s9;
	p0 =	sge.u32 s24, s6;
	[sflag:s11] =	ssyncadd.s32 $0xFFFFE000  }
0xfd: {  	[spmem:s2] =	stream.indirect.scatter.add.f32 [tilespmem:s7], [sflag:$0x8], $0x40, s9, s31, $0xb8;
	[tilespmem:$0x19400] =	vst v63  }
0xfe: {  	s9 =	simm.s32 @!p0 $0x8  }
0xff: {  	s14 =	sshra.s32 @!p0 s12, $0x2;
	s15 =	simm.s32 @!p0 $0xD000;
	_ =	swait.ge @!p0 [sflag:s9], $0x2000  }
0x100: {  	s12 =	sadd.s32 $0x800, s12;
	[sflag:s9] =	ssyncset.done @!p0 $0x0;
	s26 =	rddreg [dreg:$0x3]  }
0x101: {  	[sflag:s9] =	ssyncadd.s32 @!p0 $0xFFFFE000;
	s9 =	sadd.s32 @!p0 $0x380, s14;
	s14 =	simm.s32 @!p0 $0x80  }
0x102: {  	[tilespmem:s15], [sflag:$0x4] =	stream.indirect.gather @!p0 [hbm4b:s4+s14], $0x40, s9, s14, $0xb8;
	[tilespmem:$0x19400] =	vst v63  }
0x103: {  	p0 =	sne.s32 s26, s12  }
.Ltmp1:
0x104: {  	_ = 	snop;
	(pc) =	sbr.rel @p0 .LBB2_4-.Ltmp1, $2  }
0x105: {  	_ =	sdelay $0x2  }
0x106: {  	s24 =	sadd.s32 $0x4, s24;
	s9 =	smov.u32 s13;
	s13 =	sadd.s32 $0x1, s13  }
0x107: {  	_ =	swait.ge [sflag:s30], $0x2000  }
0x108: {  	s13 =	sshra.s32 s12, $0x2;
	s23 =	sadd.s32 $0xFFFFFFFD, s24;
	[sflag:s30] =	ssyncset.done $0x0  }
0x109: {  	s14 =	sadd.s32 $0x3800, s13;
	p0 =	sge.u32 s23, s6;
	[sflag:s30] =	ssyncadd.s32 $0xFFFFE000  }
0x10a: {  	[spmem:s2] =	stream.indirect.scatter.add.f32 [tilespmem:s1], [sflag:$0x5], $0x40, s14, s31, $0xb8;
	[tilespmem:$0x19400] =	vst v63  }
0x10b: {  	[smem:$0x7E9] =	sst s14;
	s14 =	simm.s32 @!p0 $0x5  }
0x10c: {  	_ =	swait.ge @!p0 [sflag:s14], $0x2000  }
0x10d: {  	[sflag:s14] =	ssyncset.done @!p0 $0x0  }
0x10e: {  	[sflag:s14] =	ssyncadd.s32 @!p0 $0xFFFFE000;
	s14 =	sshra.s32 @!p0 s12, $0x2  }
0x10f: {  	s17 =	sadd.s32 @!p0 $0x200, s14  }
0x110: {  	s15 =	simm.s32 @!p0 $0x7000;
	s14 =	simm.s32 @!p0 $0x80;
	[smem:$0x7EA] =	sst s17  }
0x111: {  	[tilespmem:s15], [sflag:$0x1] =	stream.indirect.gather @!p0 [hbm4b:s4+s14], $0x40, s17, s14, $0xb8;
	[tilespmem:$0x19400] =	vst v63  }
0x112: {  	s26 =	sadd.s32 $0xFFFFFFFE, s24;
	_ =	swait.ge [sflag:s8], $0x2000  }
0x113: {  	s25 =	sadd.s32 $0x3880, s13;
	p1 =	sge.u32 s26, s6;
	[sflag:s8] =	ssyncset.done $0x0  }
0x114: {  	s14 =	simm.s32 @!p1 $0x6;
	[smem:$0x7EB] =	sst s25;
	[sflag:s8] =	ssyncadd.s32 $0xFFFFE000  }
0x115: {  	[spmem:s2] =	stream.indirect.scatter.add.f32 [tilespmem:s0], [sflag:$0x6], $0x40, s25, s31, $0xb8;
	[tilespmem:$0x19400] =	vst v63  }
0x116: {  	_ =	swait.ge @!p1 [sflag:s14], $0x2000  }
0x117: {  	[sflag:s14] =	ssyncset.done @!p1 $0x0  }
0x118: {  	[sflag:s14] =	ssyncadd.s32 @!p1 $0xFFFFE000;
	s14 =	sshra.s32 @!p1 s12, $0x2  }
0x119: {  	s15 =	simm.s32 @!p1 $0x9000;
	s20 =	sadd.s32 @!p1 $0x280, s14;
	s14 =	simm.s32 @!p1 $0x80  }
0x11a: {  	[tilespmem:s15], [sflag:$0x2] =	stream.indirect.gather @!p1 [hbm4b:s4+s14], $0x40, s20, s14, $0xb8;
	[tilespmem:$0x19400] =	vst v63  }
0x11b: {  	s15 =	sadd.s32 $0xFFFFFFFF, s24;
	_ =	swait.ge [sflag:s10], $0x2000  }
0x11c: {  	p2 =	sge.u32 s15, s6;
	[sflag:s10] =	ssyncset.done $0x0  }
0x11d: {  	s21 =	sadd.s32 $0x3900, s13;
	s14 =	simm.s32 @!p2 $0x7;
	[sflag:s10] =	ssyncadd.s32 $0xFFFFE000  }
0x11e: {  	[spmem:s2] =	stream.indirect.scatter.add.f32 [tilespmem:s3], [sflag:$0x7], $0x40, s21, s31, $0xb8;
	[tilespmem:$0x19400] =	vst v63  }
0x11f: {  	_ =	swait.ge @!p2 [sflag:s14], $0x2000  }
0x120: {  	[sflag:s14] =	ssyncset.done @!p2 $0x0  }
0x121: {  	[sflag:s14] =	ssyncadd.s32 @!p2 $0xFFFFE000;
	s14 =	sshra.s32 @!p2 s12, $0x2  }
0x122: {  	s15 =	simm.s32 @!p2 $0xB000;
	s22 =	sadd.s32 @!p2 $0x300, s14;
	s14 =	simm.s32 @!p2 $0x80  }
0x123: {  	[tilespmem:s15], [sflag:$0x3] =	stream.indirect.gather @!p2 [hbm4b:s4+s14], $0x40, s22, s14, $0xb8;
	[tilespmem:$0x19400] =	vst v63  }
0x124: {  	_ =	swait.ge [sflag:s11], $0x2000  }
0x125: {  	p3 =	sge.u32 s24, s6;
	[sflag:s11] =	ssyncset.done $0x0  }
0x126: {  	s23 =	sadd.s32 $0x3980, s13;
	s13 =	simm.s32 @!p3 $0x8;
	[sflag:s11] =	ssyncadd.s32 $0xFFFFE000  }
0x127: {  	[spmem:s2] =	stream.indirect.scatter.add.f32 [tilespmem:s7], [sflag:$0x8], $0x40, s23, s31, $0xb8;
	[tilespmem:$0x19400] =	vst v63  }
0x128: {  	s12 =	sshra.s32 @!p3 s12, $0x2;
	_ =	swait.ge @!p3 [sflag:s13], $0x2000  }
0x129: {  	s17 =	simm.s32 $0x5;
	s24 =	sadd.s32 @!p3 $0x380, s12;
	[sflag:s13] =	ssyncset.done @!p3 $0x0  }
0x12a: {  	s12 =	simm.s32 @!p3 $0x80;
	[sflag:s13] =	ssyncadd.s32 @!p3 $0xFFFFE000;
	s13 =	simm.s32 @!p3 $0xD000  }
0x12b: {  	[tilespmem:s13], [sflag:$0x4] =	stream.indirect.gather @!p3 [hbm4b:s4+s12], $0x40, s24, s12, $0xb8;
	[tilespmem:$0x19400] =	vst v63  }
0x12c: {  	_ =	swait.ge [sflag:s17], $0x2000  }
0x12d: {  	[sflag:s17] =	ssyncset.done $0x0  }
0x12e: {  	s25 =	simm.s32 $0x6;
	[sflag:s17] =	ssyncadd.s32 $0xFFFFE000  }
0x12f: {  	_ =	swait.ge [sflag:s25], $0x2000  }
0x130: {  	[sflag:s25] =	ssyncset.done $0x0  }
0x131: {  	s26 =	simm.s32 $0x7;
	[sflag:s25] =	ssyncadd.s32 $0xFFFFE000  }
0x132: {  	_ =	swait.ge [sflag:s26], $0x2000  }
0x133: {  	[sflag:s26] =	ssyncset.done $0x0  }
0x134: {  	s13 =	simm.s32 $0x8;
	[sflag:s26] =	ssyncadd.s32 $0xFFFFE000  }
0x135: {  	_ =	swait.ge [sflag:s13], $0x2000  }
0x136: {  	[sflag:s13] =	ssyncset.done $0x0  }
0x137: {  	[sflag:s13] =	ssyncadd.s32 $0xFFFFE000  }
0x138: {  	s14 =	stileid.u32;
	[bflag:$0x0] =	sbarrier.arrive $0xFFFF  }
0x139: {  	s12 =	sshll.u32 s14, $0x6;
	s15 =	rddreg [dreg:$0x8]  }
0x13a: {  	s25 =	sor.u32 $0x1C09, s12;
	s17 =	rddreg [dreg:$0x7];
	s26 =	sshrl.u32 s15, $0x3  }
0x13b: {  	[hbm:s17], [sflag:s25] =	dma.local [spmem:s26], $0x1400  }
0x13c: {  	_ =	swait.ge [sflag:s28], $0x1400  }
0x13d: {  	[sflag:s28] =	ssyncset.done $0x0  }
0x13e: {  	[sflag:s28] =	ssyncadd.s32 $0xFFFFEC00  }
0x13f: {  	[spmem:s18] =	stream.linear.scatter [tilespmem:s29], [sflag:$0x1], $0x400, $0x38;
	[tilespmem:$0x19400] =	vst v63  }
0x140: {  	s13 =	rddreg [dreg:$0xe]  }
0x141: {  	[spmem:s19] =	stream.linear.scatter [tilespmem:s29], [sflag:$0x1], $0x400, $0x38;
	[tilespmem:$0x19400] =	vst v63  }
0x142: {  	s18 =	rddreg [dreg:$0xc]  }
0x143: {  	[spmem:s18] =	stream.linear.scatter [tilespmem:s29], [sflag:$0x1], $0x400, $0x38;
	[tilespmem:$0x19400] =	vst v63  }
0x144: {  	s19 =	rddreg [dreg:$0xd]  }
0x145: {  	[spmem:s19] =	stream.linear.scatter [tilespmem:s29], [sflag:$0x1], $0x400, $0x38;
	[tilespmem:$0x19400] =	vst v63  }
0x146: {  	s14 =	rddreg [dreg:$0xf]  }
0x147: {  	[spmem:s13] =	stream.linear.scatter [tilespmem:s29], [sflag:$0x1], $0x400, $0x38;
	[tilespmem:$0x19400] =	vst v63  }
0x148: {  	s15 =	rddreg [dreg:$0x10]  }
0x149: {  	[spmem:s14] =	stream.linear.scatter [tilespmem:s29], [sflag:$0x1], $0x400, $0x38;
	[tilespmem:$0x19400] =	vst v63  }
0x14a: {  	s17 =	rddreg [dreg:$0x11]  }
0x14b: {  	[spmem:s15] =	stream.linear.scatter [tilespmem:s29], [sflag:$0x1], $0x400, $0x38;
	[tilespmem:$0x19400] =	vst v63  }
0x14c: {  	s18 =	rddreg [dreg:$0x12]  }
0x14d: {  	[spmem:s17] =	stream.linear.scatter [tilespmem:s29], [sflag:$0x1], $0x400, $0x38;
	[tilespmem:$0x19400] =	vst v63  }
0x14e: {  	s19 =	rddreg [dreg:$0x13]  }
0x14f: {  	[spmem:s18] =	stream.linear.scatter [tilespmem:s29], [sflag:$0x1], $0x400, $0x38;
	[tilespmem:$0x19400] =	vst v63  }
0x150: {  	s13 =	rddreg [dreg:$0x14]  }
0x151: {  	[spmem:s19] =	stream.linear.scatter [tilespmem:s29], [sflag:$0x1], $0x400, $0x38;
	[tilespmem:$0x19400] =	vst v63  }
0x152: {  	s14 =	rddreg [dreg:$0x15]  }
0x153: {  	[spmem:s13] =	stream.linear.scatter [tilespmem:s29], [sflag:$0x1], $0x400, $0x38;
	[tilespmem:$0x19400] =	vst v63  }
0x154: {  	s15 =	rddreg [dreg:$0x16]  }
0x155: {  	[spmem:s14] =	stream.linear.scatter [tilespmem:s29], [sflag:$0x1], $0x400, $0x38;
	[tilespmem:$0x19400] =	vst v63  }
0x156: {  	s17 =	rddreg [dreg:$0x17]  }
0x157: {  	[spmem:s15] =	stream.linear.scatter [tilespmem:s29], [sflag:$0x1], $0x400, $0x38;
	[tilespmem:$0x19400] =	vst v63  }
0x158: {  	s18 =	rddreg [dreg:$0x18]  }
0x159: {  	[spmem:s17] =	stream.linear.scatter [tilespmem:s29], [sflag:$0x1], $0x400, $0x38;
	[tilespmem:$0x19400] =	vst v63  }
0x15a: {  	s19 =	rddreg [dreg:$0x19]  }
0x15b: {  	[spmem:s18] =	stream.linear.scatter [tilespmem:s29], [sflag:$0x1], $0x400, $0x38;
	[tilespmem:$0x19400] =	vst v63  }
0x15c: {  	s13 =	rddreg [dreg:$0x1a]  }
0x15d: {  	[spmem:s19] =	stream.linear.scatter [tilespmem:s29], [sflag:$0x1], $0x400, $0x38;
	[tilespmem:$0x19400] =	vst v63  }
0x15e: {  	s14 =	rddreg [dreg:$0x1b]  }
0x15f: {  	[spmem:s13] =	stream.linear.scatter [tilespmem:s29], [sflag:$0x1], $0x400, $0x38;
	[tilespmem:$0x19400] =	vst v63  }
0x160: {  	s15 =	rddreg [dreg:$0x1c]  }
0x161: {  	[spmem:s14] =	stream.linear.scatter [tilespmem:s29], [sflag:$0x1], $0x400, $0x38;
	[tilespmem:$0x19400] =	vst v63  }
0x162: {  	s17 =	rddreg [dreg:$0x1d]  }
0x163: {  	[spmem:s15] =	stream.linear.scatter [tilespmem:s29], [sflag:$0x1], $0x400, $0x38;
	[tilespmem:$0x19400] =	vst v63  }
0x164: {  	s18 =	rddreg [dreg:$0x1e]  }
0x165: {  	[spmem:s17] =	stream.linear.scatter [tilespmem:s29], [sflag:$0x1], $0x400, $0x38;
	[tilespmem:$0x19400] =	vst v63  }
0x166: {  	s19 =	rddreg [dreg:$0x1f]  }
0x167: {  	[spmem:s18] =	stream.linear.scatter [tilespmem:s29], [sflag:$0x1], $0x400, $0x38;
	[tilespmem:$0x19400] =	vst v63  }
0x168: {  	s13 =	sld [smem:$0x7EC]  }
0x169: {  	[spmem:s19] =	stream.linear.scatter [tilespmem:s29], [sflag:$0x1], $0x400, $0x38;
	[tilespmem:$0x19400] =	vst v63  }
0x16a: {  	s14 =	sld [smem:$0x7ED]  }
0x16b: {  	[spmem:s13] =	stream.linear.scatter [tilespmem:s29], [sflag:$0x1], $0x400, $0x38;
	[tilespmem:$0x19400] =	vst v63  }
0x16c: {  	s15 =	sld [smem:$0x7EE]  }
0x16d: {  	[spmem:s14] =	stream.linear.scatter [tilespmem:s29], [sflag:$0x1], $0x400, $0x38;
	[tilespmem:$0x19400] =	vst v63  }
0x16e: {  	s17 =	sld [smem:$0x7EF]  }
0x16f: {  	[spmem:s15] =	stream.linear.scatter [tilespmem:s29], [sflag:$0x1], $0x400, $0x38;
	[tilespmem:$0x19400] =	vst v63  }
0x170: {  	s18 =	sld [smem:$0x7F0]  }
0x171: {  	[spmem:s17] =	stream.linear.scatter [tilespmem:s29], [sflag:$0x1], $0x400, $0x38;
	[tilespmem:$0x19400] =	vst v63  }
0x172: {  	s19 =	sld [smem:$0x7F1]  }
0x173: {  	[spmem:s18] =	stream.linear.scatter [tilespmem:s29], [sflag:$0x1], $0x400, $0x38;
	[tilespmem:$0x19400] =	vst v63  }
0x174: {  	s13 =	sld [smem:$0x7F2]  }
0x175: {  	[spmem:s19] =	stream.linear.scatter [tilespmem:s29], [sflag:$0x1], $0x400, $0x38;
	[tilespmem:$0x19400] =	vst v63  }
0x176: {  	s14 =	sld [smem:$0x7F3]  }
0x177: {  	[spmem:s13] =	stream.linear.scatter [tilespmem:s29], [sflag:$0x1], $0x400, $0x38;
	[tilespmem:$0x19400] =	vst v63  }
0x178: {  	s15 =	sld [smem:$0x7F4]  }
0x179: {  	[spmem:s14] =	stream.linear.scatter [tilespmem:s29], [sflag:$0x1], $0x400, $0x38;
	[tilespmem:$0x19400] =	vst v63  }
0x17a: {  	s17 =	sld [smem:$0x7F5]  }
0x17b: {  	[spmem:s15] =	stream.linear.scatter [tilespmem:s29], [sflag:$0x1], $0x400, $0x38;
	[tilespmem:$0x19400] =	vst v63  }
0x17c: {  	s18 =	sld [smem:$0x7F6]  }
0x17d: {  	[spmem:s17] =	stream.linear.scatter [tilespmem:s29], [sflag:$0x1], $0x400, $0x38;
	[tilespmem:$0x19400] =	vst v63  }
0x17e: {  	s19 =	sld [smem:$0x7F7]  }
0x17f: {  	[spmem:s18] =	stream.linear.scatter [tilespmem:s29], [sflag:$0x1], $0x400, $0x38;
	[tilespmem:$0x19400] =	vst v63  }
0x180: {  	s13 =	sld [smem:$0x7F8]  }
0x181: {  	[spmem:s19] =	stream.linear.scatter [tilespmem:s29], [sflag:$0x1], $0x400, $0x38;
	[tilespmem:$0x19400] =	vst v63  }
0x182: {  	s14 =	sld [smem:$0x7F9]  }
0x183: {  	[spmem:s13] =	stream.linear.scatter [tilespmem:s29], [sflag:$0x1], $0x400, $0x38;
	[tilespmem:$0x19400] =	vst v63  }
0x184: {  	s15 =	sld [smem:$0x7FA]  }
0x185: {  	[spmem:s14] =	stream.linear.scatter [tilespmem:s29], [sflag:$0x1], $0x400, $0x38;
	[tilespmem:$0x19400] =	vst v63  }
0x186: {  	s17 =	sld [smem:$0x7FB]  }
0x187: {  	[spmem:s15] =	stream.linear.scatter [tilespmem:s29], [sflag:$0x1], $0x400, $0x38;
	[tilespmem:$0x19400] =	vst v63  }
0x188: {  	s18 =	sld [smem:$0x7FC]  }
0x189: {  	[spmem:s17] =	stream.linear.scatter [tilespmem:s29], [sflag:$0x1], $0x400, $0x38;
	[tilespmem:$0x19400] =	vst v63  }
0x18a: {  	s19 =	sld [smem:$0x7FD]  }
0x18b: {  	[spmem:s18] =	stream.linear.scatter [tilespmem:s29], [sflag:$0x1], $0x400, $0x38;
	[tilespmem:$0x19400] =	vst v63  }
0x18c: {  	_ = 	snop  }
0x18d: {  	[spmem:s19] =	stream.linear.scatter [tilespmem:s29], [sflag:$0x1], $0x400, $0x38;
	[tilespmem:$0x19400] =	vst v63  }
0x18e: {  	_ =	swait.ge [sflag:s30], $0x400  }
0x18f: {  	s12 =	simm.s32 $0x27;
	[sflag:s30] =	ssyncset.done $0x0  }
.LBB2_6:
0x190: {  	p4 =	sne.s32 s12, $0x1;
	s12 =	sadd.s32 $0xFFFFFFFF, s12;
	[sflag:s30] =	ssyncadd.s32 $0xFFFFFC00  }
.Ltmp2:
0x191: {  	(pc) =	sbr.rel @p4 .LBB2_6-.Ltmp2, $3  }
0x192: {  	_ =	sdelay $0x1  }
0x193: {  	_ =	swait.ge [sflag:s30], $0x400  }
0x194: {  	[sflag:s30] =	ssyncset.done $0x0  }
0x195: {  	[sflag:s30] =	ssyncadd.s32 $0xFFFFFC00  }
0x196: {  	s12 =	simm.s32 $0x0;
	[bflag:$0x0] =	sbarrier.arrive $0xFFFF  }
0x197: {  	[tilespmem:s1], [sflag:$0x1] =	stream.indirect.gather [hbm4b:s5+s31], $0x40, s12, s31, $0xb8;
	[tilespmem:$0x19400] =	vst v63  }
0x198: {  	_ = 	snop  }
0x199: {  	[tilespmem:s0], [sflag:$0x2] =	stream.indirect.gather [hbm4b:s5+s31], $0x40, s31, s31, $0xb8;
	[tilespmem:$0x19400] =	vst v63  }
0x19a: {  	s13 =	simm.s32 $0x100  }
0x19b: {  	[tilespmem:s3], [sflag:$0x3] =	stream.indirect.gather [hbm4b:s5+s31], $0x40, s13, s31, $0xb8;
	[tilespmem:$0x19400] =	vst v63  }
0x19c: {  	s14 =	simm.s32 $0x180  }
0x19d: {  	[tilespmem:s7], [sflag:$0x4] =	stream.indirect.gather [hbm4b:s5+s31], $0x40, s14, s31, $0xb8;
	[tilespmem:$0x19400] =	vst v63  }
0x19e: {  	_ =	swait.ge [sflag:s30], $0x2000  }
0x19f: {  	p4 =	sle.u32 s6, $0x4;
	[sflag:s30] =	ssyncset.done $0x0  }
0x1a0: {  	s15 =	simm.s32 $0x3800;
	s13 =	simm.s32 @!p4 $0x5;
	[sflag:s30] =	ssyncadd.s32 $0xFFFFE000  }
0x1a1: {  	[spmem:s2] =	stream.indirect.scatter.add.f32 [tilespmem:s1], [sflag:$0x5], $0x40, s15, s31, $0xb8;
	[tilespmem:$0x19400] =	vst v63  }
0x1a2: {  	_ =	swait.ge @!p4 [sflag:s13], $0x2000  }
0x1a3: {  	s17 =	simm.s32 @!p4 $0x7000;
	[sflag:s13] =	ssyncset.done @!p4 $0x0  }
0x1a4: {  	s14 =	simm.s32 @!p4 $0x200;
	s15 =	simm.s32 @!p4 $0x80;
	[sflag:s13] =	ssyncadd.s32 @!p4 $0xFFFFE000  }
0x1a5: {  	[tilespmem:s17], [sflag:$0x1] =	stream.indirect.gather @!p4 [hbm4b:s5+s15], $0x40, s14, s15, $0xb8;
	[tilespmem:$0x19400] =	vst v63  }
0x1a6: {  	_ =	swait.ge [sflag:s8], $0x2000  }
0x1a7: {  	p4 =	sle.u32 s6, $0x5;
	[sflag:s8] =	ssyncset.done $0x0  }
0x1a8: {  	s17 =	simm.s32 $0x3880;
	s14 =	simm.s32 @!p4 $0x6;
	[sflag:s8] =	ssyncadd.s32 $0xFFFFE000  }
0x1a9: {  	[spmem:s2] =	stream.indirect.scatter.add.f32 [tilespmem:s0], [sflag:$0x6], $0x40, s17, s31, $0xb8;
	[tilespmem:$0x19400] =	vst v63  }
0x1aa: {  	_ =	swait.ge @!p4 [sflag:s14], $0x2000  }
0x1ab: {  	s13 =	simm.s32 @!p4 $0x280;
	[sflag:s14] =	ssyncset.done @!p4 $0x0  }
0x1ac: {  	s15 =	simm.s32 @!p4 $0x80;
	s17 =	simm.s32 @!p4 $0x9000;
	[sflag:s14] =	ssyncadd.s32 @!p4 $0xFFFFE000  }
0x1ad: {  	[tilespmem:s17], [sflag:$0x2] =	stream.indirect.gather @!p4 [hbm4b:s5+s15], $0x40, s13, s15, $0xb8;
	[tilespmem:$0x19400] =	vst v63  }
0x1ae: {  	_ =	swait.ge [sflag:s10], $0x2000  }
0x1af: {  	p4 =	sle.u32 s6, $0x6;
	[sflag:s10] =	ssyncset.done $0x0  }
0x1b0: {  	s18 =	simm.s32 $0x3900;
	s14 =	simm.s32 @!p4 $0x7;
	[sflag:s10] =	ssyncadd.s32 $0xFFFFE000  }
0x1b1: {  	[spmem:s2] =	stream.indirect.scatter.add.f32 [tilespmem:s3], [sflag:$0x7], $0x40, s18, s31, $0xb8;
	[tilespmem:$0x19400] =	vst v63  }
0x1b2: {  	_ =	swait.ge @!p4 [sflag:s14], $0x2000  }
0x1b3: {  	s9 =	sadd.s32 $0xFFFFFFFF, s9;
	s13 =	simm.s32 @!p4 $0x300;
	[sflag:s14] =	ssyncset.done @!p4 $0x0  }
0x1b4: {  	s15 =	simm.s32 @!p4 $0x80;
	s17 =	simm.s32 @!p4 $0xB000;
	[sflag:s14] =	ssyncadd.s32 @!p4 $0xFFFFE000  }
0x1b5: {  	[tilespmem:s17], [sflag:$0x3] =	stream.indirect.gather @!p4 [hbm4b:s5+s15], $0x40, s13, s15, $0xb8;
	[tilespmem:$0x19400] =	vst v63  }
0x1b6: {  	p4 =	sne.s32 s9, $0x0;
	_ =	swait.ge [sflag:s11], $0x2000  }
.Ltmp3:
0x1b7: {  	p5 =	sle.u32 s6, $0x7;
	[sflag:s11] =	ssyncset.done $0x0;
	(pc) =	sbr.rel @!p4 .LBB2_9-.Ltmp3, $4  }
0x1b8: {  	s19 =	simm.s32 $0x3980;
	s14 =	simm.s32 @!p5 $0x8;
	[sflag:s11] =	ssyncadd.s32 $0xFFFFE000  }
0x1b9: {  	[spmem:s2] =	stream.indirect.scatter.add.f32 [tilespmem:s7], [sflag:$0x8], $0x40, s19, s31, $0xb8;
	[tilespmem:$0x19400] =	vst v63  }
0x1ba: {  	s18 =	simm.s32 @!p5 $0xD000;
	s15 =	simm.s32 @!p5 $0x380;
	_ =	swait.ge @!p5 [sflag:s14], $0x2000  }
0x1bb: {  	s13 =	simm.s32 $0x8;
	s17 =	simm.s32 @!p5 $0x80;
	[sflag:s14] =	ssyncset.done @!p5 $0x0  }
.LBB2_8:
0x1bc: {  	s9 =	sadd.s32 $0xFFFFFFFF, s9;
	[sflag:s14] =	ssyncadd.s32 @!p5 $0xFFFFE000;
	s12 =	sadd.s32 $0x800, s12  }
0x1bd: {  	[tilespmem:s18], [sflag:$0x4] =	stream.indirect.gather @!p5 [hbm4b:s5+s17], $0x40, s15, s17, $0xb8;
	[tilespmem:$0x19400] =	vst v63  }
0x1be: {  	p4 =	sne.s32 s9, $0x0;
	_ =	swait.ge [sflag:s30], $0x2000  }
0x1bf: {  	s14 =	sshra.s32 s12, $0x2;
	[sflag:s30] =	ssyncset.done $0x0  }
0x1c0: {  	p5 =	sge.u32 s13, s6;
	s15 =	sadd.s32 $0x3800, s14;
	[sflag:s30] =	ssyncadd.s32 $0xFFFFE000  }
0x1c1: {  	[spmem:s2] =	stream.indirect.scatter.add.f32 [tilespmem:s1], [sflag:$0x5], $0x40, s15, s31, $0xb8;
	[tilespmem:$0x19400] =	vst v63  }
0x1c2: {  	s17 =	sshra.s32 @!p5 s12, $0x2;
	s15 =	simm.s32 @!p5 $0x5  }
0x1c3: {  	s17 =	sadd.s32 @!p5 $0x200, s17;
	_ =	swait.ge @!p5 [sflag:s15], $0x2000  }
0x1c4: {  	s18 =	simm.s32 @!p5 $0x80;
	s19 =	simm.s32 @!p5 $0x7000;
	[sflag:s15] =	ssyncset.done @!p5 $0x0  }
0x1c5: {  	[sflag:s15] =	ssyncadd.s32 @!p5 $0xFFFFE000  }
0x1c6: {  	[tilespmem:s19], [sflag:$0x1] =	stream.indirect.gather @!p5 [hbm4b:s5+s18], $0x40, s17, s18, $0xb8;
	[tilespmem:$0x19400] =	vst v63  }
0x1c7: {  	s15 =	sadd.s32 $0x1, s13;
	_ =	swait.ge [sflag:s8], $0x2000  }
0x1c8: {  	s17 =	sadd.s32 $0x3880, s14;
	p5 =	sge.u32 s15, s6;
	[sflag:s8] =	ssyncset.done $0x0  }
0x1c9: {  	s15 =	simm.s32 @!p5 $0x6;
	s18 =	sshra.s32 @!p5 s12, $0x2;
	[sflag:s8] =	ssyncadd.s32 $0xFFFFE000  }
0x1ca: {  	[spmem:s2] =	stream.indirect.scatter.add.f32 [tilespmem:s0], [sflag:$0x6], $0x40, s17, s31, $0xb8;
	[tilespmem:$0x19400] =	vst v63  }
0x1cb: {  	s17 =	sadd.s32 @!p5 $0x280, s18;
	_ =	swait.ge @!p5 [sflag:s15], $0x2000  }
0x1cc: {  	s19 =	simm.s32 @!p5 $0x9000;
	s18 =	simm.s32 @!p5 $0x80;
	[sflag:s15] =	ssyncset.done @!p5 $0x0  }
0x1cd: {  	[sflag:s15] =	ssyncadd.s32 @!p5 $0xFFFFE000  }
0x1ce: {  	[tilespmem:s19], [sflag:$0x2] =	stream.indirect.gather @!p5 [hbm4b:s5+s18], $0x40, s17, s18, $0xb8;
	[tilespmem:$0x19400] =	vst v63  }
0x1cf: {  	s15 =	sadd.s32 $0x2, s13;
	_ =	swait.ge [sflag:s10], $0x2000  }
0x1d0: {  	s17 =	sadd.s32 $0x3900, s14;
	p5 =	sge.u32 s15, s6;
	[sflag:s10] =	ssyncset.done $0x0  }
0x1d1: {  	s15 =	simm.s32 @!p5 $0x7;
	s18 =	sshra.s32 @!p5 s12, $0x2;
	[sflag:s10] =	ssyncadd.s32 $0xFFFFE000  }
0x1d2: {  	[spmem:s2] =	stream.indirect.scatter.add.f32 [tilespmem:s3], [sflag:$0x7], $0x40, s17, s31, $0xb8;
	[tilespmem:$0x19400] =	vst v63  }
0x1d3: {  	s17 =	sadd.s32 @!p5 $0x300, s18;
	_ =	swait.ge @!p5 [sflag:s15], $0x2000  }
0x1d4: {  	s19 =	simm.s32 @!p5 $0xB000;
	s18 =	simm.s32 @!p5 $0x80;
	[sflag:s15] =	ssyncset.done @!p5 $0x0  }
0x1d5: {  	[sflag:s15] =	ssyncadd.s32 @!p5 $0xFFFFE000  }
0x1d6: {  	[tilespmem:s19], [sflag:$0x3] =	stream.indirect.gather @!p5 [hbm4b:s5+s18], $0x40, s17, s18, $0xb8;
	[tilespmem:$0x19400] =	vst v63  }
0x1d7: {  	s15 =	sadd.s32 $0x3, s13;
	s17 =	sadd.s32 $0x3980, s14;
	_ =	swait.ge [sflag:s11], $0x2000  }
.Ltmp4:
0x1d8: {  	p5 =	sge.u32 s15, s6;
	[sflag:s11] =	ssyncset.done $0x0;
	(pc) =	sbr.rel @p4 .LBB2_8-.Ltmp4, $4  }
0x1d9: {  	s14 =	simm.s32 @!p5 $0x8;
	s15 =	sshra.s32 @!p5 s12, $0x2;
	[sflag:s11] =	ssyncadd.s32 $0xFFFFE000  }
0x1da: {  	[spmem:s2] =	stream.indirect.scatter.add.f32 [tilespmem:s7], [sflag:$0x8], $0x40, s17, s31, $0xb8;
	[tilespmem:$0x19400] =	vst v63  }
0x1db: {  	s13 =	sadd.s32 $0x4, s13;
	s15 =	sadd.s32 @!p5 $0x380, s15;
	_ =	swait.ge @!p5 [sflag:s14], $0x2000  }
0x1dc: {  	s18 =	simm.s32 @!p5 $0xD000;
	s17 =	simm.s32 @!p5 $0x80;
	[sflag:s14] =	ssyncset.done @!p5 $0x0  }
.LBB2_9:
0x1dd: {  	[sflag:s14] =	ssyncadd.s32 @!p5 $0xFFFFE000  }
0x1de: {  	[tilespmem:s18], [sflag:$0x4] =	stream.indirect.gather @!p5 [hbm4b:s5+s17], $0x40, s15, s17, $0xb8;
	[tilespmem:$0x19400] =	vst v63  }
0x1df: {  	_ =	swait.ge [sflag:s30], $0x2000  }
0x1e0: {  	s9 =	sld [smem:$0x7E9]  }
0x1e1: {  	[sflag:s30] =	ssyncset.done $0x0  }
0x1e2: {  	[sflag:s30] =	ssyncadd.s32 $0xFFFFE000  }
0x1e3: {  	[spmem:s2] =	stream.indirect.scatter.add.f32 [tilespmem:s1], [sflag:$0x5], $0x40, s9, s31, $0xb8;
	[tilespmem:$0x19400] =	vst v63  }
0x1e4: {  	s9 =	simm.s32 @!p0 $0x5  }
0x1e5: {  	_ =	swait.ge @!p0 [sflag:s9], $0x2000  }
0x1e6: {  	s13 =	sld [smem:$0x7EA]  }
0x1e7: {  	[sflag:s9] =	ssyncset.done @!p0 $0x0  }
0x1e8: {  	s12 =	simm.s32 @!p0 $0x7000;
	[sflag:s9] =	ssyncadd.s32 @!p0 $0xFFFFE000;
	s9 =	simm.s32 @!p0 $0x80  }
0x1e9: {  	[tilespmem:s12], [sflag:$0x1] =	stream.indirect.gather @!p0 [hbm4b:s5+s9], $0x40, s13, s9, $0xb8;
	[tilespmem:$0x19400] =	vst v63  }
0x1ea: {  	_ =	swait.ge [sflag:s8], $0x2000  }
0x1eb: {  	s19 =	sld [smem:$0x7EB]  }
0x1ec: {  	[sflag:s8] =	ssyncset.done $0x0  }
0x1ed: {  	s9 =	simm.s32 @!p1 $0x6;
	[sflag:s8] =	ssyncadd.s32 $0xFFFFE000  }
0x1ee: {  	[spmem:s2] =	stream.indirect.scatter.add.f32 [tilespmem:s0], [sflag:$0x6], $0x40, s19, s31, $0xb8;
	[tilespmem:$0x19400] =	vst v63  }
0x1ef: {  	_ =	swait.ge @!p1 [sflag:s9], $0x2000  }
0x1f0: {  	[sflag:s9] =	ssyncset.done @!p1 $0x0  }
0x1f1: {  	s12 =	simm.s32 @!p1 $0x9000;
	[sflag:s9] =	ssyncadd.s32 @!p1 $0xFFFFE000;
	s9 =	simm.s32 @!p1 $0x80  }
0x1f2: {  	[tilespmem:s12], [sflag:$0x2] =	stream.indirect.gather @!p1 [hbm4b:s5+s9], $0x40, s20, s9, $0xb8;
	[tilespmem:$0x19400] =	vst v63  }
0x1f3: {  	_ =	swait.ge [sflag:s10], $0x2000  }
0x1f4: {  	[sflag:s10] =	ssyncset.done $0x0  }
0x1f5: {  	s9 =	simm.s32 @!p2 $0x7;
	[sflag:s10] =	ssyncadd.s32 $0xFFFFE000  }
0x1f6: {  	[spmem:s2] =	stream.indirect.scatter.add.f32 [tilespmem:s3], [sflag:$0x7], $0x40, s21, s31, $0xb8;
	[tilespmem:$0x19400] =	vst v63  }
0x1f7: {  	_ =	swait.ge @!p2 [sflag:s9], $0x2000  }
0x1f8: {  	[sflag:s9] =	ssyncset.done @!p2 $0x0  }
0x1f9: {  	s12 =	simm.s32 @!p2 $0xB000;
	[sflag:s9] =	ssyncadd.s32 @!p2 $0xFFFFE000;
	s9 =	simm.s32 @!p2 $0x80  }
0x1fa: {  	[tilespmem:s12], [sflag:$0x3] =	stream.indirect.gather @!p2 [hbm4b:s5+s9], $0x40, s22, s9, $0xb8;
	[tilespmem:$0x19400] =	vst v63  }
0x1fb: {  	_ =	swait.ge [sflag:s11], $0x2000  }
0x1fc: {  	[sflag:s11] =	ssyncset.done $0x0  }
0x1fd: {  	s9 =	simm.s32 @!p3 $0x8;
	[sflag:s11] =	ssyncadd.s32 $0xFFFFE000  }
0x1fe: {  	[spmem:s2] =	stream.indirect.scatter.add.f32 [tilespmem:s7], [sflag:$0x8], $0x40, s23, s31, $0xb8;
	[tilespmem:$0x19400] =	vst v63  }
0x1ff: {  	_ =	swait.ge @!p3 [sflag:s9], $0x2000  }
0x200: {  	s20 =	simm.s32 $0x5;
	[sflag:s9] =	ssyncset.done @!p3 $0x0  }
0x201: {  	s12 =	simm.s32 @!p3 $0xD000;
	[sflag:s9] =	ssyncadd.s32 @!p3 $0xFFFFE000;
	s9 =	simm.s32 @!p3 $0x80  }
0x202: {  	[tilespmem:s12], [sflag:$0x4] =	stream.indirect.gather @!p3 [hbm4b:s5+s9], $0x40, s24, s9, $0xb8;
	[tilespmem:$0x19400] =	vst v63  }
0x203: {  	_ =	swait.ge [sflag:s20], $0x2000  }
0x204: {  	[sflag:s20] =	ssyncset.done $0x0  }
0x205: {  	s21 =	simm.s32 $0x6;
	[sflag:s20] =	ssyncadd.s32 $0xFFFFE000  }
0x206: {  	_ =	swait.ge [sflag:s21], $0x2000  }
0x207: {  	[sflag:s21] =	ssyncset.done $0x0  }
0x208: {  	s22 =	simm.s32 $0x7;
	[sflag:s21] =	ssyncadd.s32 $0xFFFFE000  }
0x209: {  	_ =	swait.ge [sflag:s22], $0x2000  }
0x20a: {  	[sflag:s22] =	ssyncset.done $0x0  }
0x20b: {  	s23 =	simm.s32 $0x8;
	[sflag:s22] =	ssyncadd.s32 $0xFFFFE000  }
0x20c: {  	_ =	swait.ge [sflag:s23], $0x2000  }
0x20d: {  	[sflag:s23] =	ssyncset.done $0x0  }
0x20e: {  	[sflag:s23] =	ssyncadd.s32 $0xFFFFE000  }
0x20f: {  	[bflag:$0x0] =	sbarrier.arrive $0xFFFF  }
0x210: {  	s24 =	rddreg [dreg:$0x9]  }
0x211: {  	[hbm:s24], [sflag:s25] =	dma.local [spmem:s26], $0x1400  }
0x212: {  	_ =	swait.ge [sflag:s28], $0x1400  }
0x213: {  	s16 =	sadd.s32 $0x1, s16;
	s26 =	rddreg [dreg:$0xa]  }
0x214: {  	p0 =	sne.s32 s16, s26  }
.Ltmp5:
0x215: {  	_ = 	snop;
	(pc) =	sbr.rel @p0 .LBB2_1-.Ltmp5, $3  }
0x216: {  	_ =	sdelay $0x1  }
0x217: {  	[sflag:s28] =	ssyncset.done $0x0;
	s18 =	rddreg [dreg:$0x6]  }
0x218: {  	s19 =	rddreg [dreg:$0xb];
	[sflag:s28] =	ssyncadd.s32 $0xFFFFEC00  }
0x219: {  	_ =	sfence.sel $0x180000  }
0x21a: {  	[bflag:$0x0] =	sbarrier.arrive $0xFFFF  }
0x21b: {  	_ =	strace $0x9000004D  }
0x21c: {  	s0 =	stileid.u32;
	[bflag:$0x2] =	sbarrier.arrive $0xFFFF  }
0x21d: {  	p0 =	sne.s32 s0, $0x0;
	s0 =	rddreg [dreg:$0x2]  }
0x21e: {  	s0 =	sadd.s32 @!p0 $0x100000, s0  }
0x21f: {  	[sflag:s0] =	ssyncadd.tile.s32 @!p0 $0x1;
	_ =	shalt  }
.Lfunc_end2:
_tile_overlayer_lowered:
.L_overlay_start_2:
0x220: {  	(tag) =	ssettag $0x2  }
0x221: {  	s0 =	rddreg [dreg:$0x0];
	s2 =	stileid.u32  }
0x222: {  	s1 =	rddreg [dreg:$0x1];
	p0 =	sne.s32 s2, $0x0  }
0x223: {  	s3 =	rddreg [dreg:$0x2];
	[bflag:$0x3] =	sbarrier.arrive $0xFFFF;
	s2 =	simm.s32 @!p0 $0x1C09  }
0x224: {  	[timem:s3], [sflag:s2] =	dma.local @!p0 [hbm:s0], s1  }
0x225: {  	s0 =	simm.s32 @!p0 $0x9  }
0x226: {  	_ =	swait.ge @!p0 [sflag:s0], s1  }
0x227: {  	s1 =	ssub.s32 @!p0 $0x0, s1;
	[sflag:s0] =	ssyncset.done @!p0 $0x0  }
0x228: {  	[sflag:s0] =	ssyncadd.s32 @!p0 s1  }
0x229: {  	[bflag:$0x3] =	sbarrier.arrive $0xFFFF  }
0x22a: {  	_ =	shalt  }

// kernel: kernel.9.cloned.1.call-start
scs
__scs_entry_jumppad:
0x0: {  	(pc) =	sbr.rel $0x88, $3  }
0x1: {  	(tag) =	ssettag $0x0;
	lr =	simm.s32 $0x1  }
0x2: {  	[smem:$0x3F9B] =	sst lr;
	_ =	strace $0xD0000000  }
0x3: {  	_ = 	snop  }
0x4: {  	_ = 	snop  }
0x5: {  	_ = 	snop  }
0x6: {  	_ = 	snop  }
0x7: {  	_ = 	snop  }
__scs_overlays_trampoline_lowered:
0x8: {  	[smem:$0x3FAA] =	sst s0  }
0x9: {  	[smem:$0x3FAB] =	sst s1  }
0xa: {  	[smem:$0x3FAC] =	sst s2  }
0xb: {  	[smem:$0x3FAD] =	sst s3  }
0xc: {  	[smem:$0x3FAE] =	sst s4  }
0xd: {  	[smem:$0x3FAF] =	sst s5  }
0xe: {  	[smem:$0x3FB0] =	sst s6  }
0xf: {  	[smem:$0x3FB1] =	sst s7  }
0x10: {  	[smem:$0x3FB2] =	sst s8  }
0x11: {  	[smem:$0x3FB3] =	sst s9;
	s0 =	simm.s32 @!p0 $0x0  }
0x12: {  	s1 =	sld [smem:$0x3F99];
	s0 =	simm.s32 @p0 $0x1  }
0x13: {  	[smem:$0x3FB4] =	sst s0;
	s0 =	simm.s32 @!p1 $0x0  }
0x14: {  	s2 =	sld [smem:$0x3F98];
	s0 =	simm.s32 @p1 $0x1  }
0x15: {  	[smem:$0x3FB5] =	sst s0;
	s0 =	simm.s32 @!p2 $0x0  }
0x16: {  	s3 =	sld [smem:$0x3FDB];
	s0 =	simm.s32 @p2 $0x1  }
0x17: {  	s4 =	simm.s32 $0x1BF5;
	[smem:$0x3FB7] =	sst s0  }
0x18: {  	s0 =	sld [smem:$0x3F9A];
	_ =	swait.ge [sflag:s4], $0x0  }
0x19: {  	s7 =	sld [smem:$0x3F9B]  }
0x1a: {  	s8 =	sadd.s32 $0xFFFFE003, lr  }
0x1b: {  	s9 =	sadd.s32 $0xFFFFFEF7, lr;
	s5 =	simm.s32 $0xFFFFFFFF;
	p2 =	slt.u32 s8, $0xFFFFF086  }
0x1c: {  	p1 =	slt.u32 s9, $0xF7A;
	s5 =	simm.s32 @!p2 $0x0  }
0x1d: {  	s5 =	simm.s32 @p1 $0x1;
	p0 =	seq.s32 s7, s2  }
0x1e: {  	s7 =	smul.u32 @!p0 $0xF7A, s2;
	p2 =	seq.s32 @!p0 s5, $0x0  }
0x1f: {  	s9 =	smul.u32 $0xF7A, s1;
	s8 =	simm.s32 @!p0 $0x1BF5;
	p2 =	por !p2, p0  }
0x20: {  	[sflag:s8] =	ssyncset.s32 @!p0 $0xFFFFF086;
	s6 =	sadd.s32 @!p0 s3, s7;
	s7 =	simm.s32 @!p0 $0x108  }
0x21: {  	s3 =	sadd.s32 s3, s9;
	s6 =	sadd.s32 @!p0 $0x88, s6;
	s7 =	simm.s32 @p2 $0x1082  }
0x22: {  	[simem:s7], [sflag:s8] =	dma.local @!p0 [hbm:s6], $0xF7A  }
0x23: {  	s9 =	sor.u32 $0xD0000000, s2;
	s6 =	simm.s32 $0x108;
	_ =	swait.ge @!p0 [sflag:s8], $0x0  }
0x24: {  	s3 =	sadd.s32 $0x88, s3;
	s6 =	simm.s32 @!p1 $0x1082;
	[sflag:s4] =	ssyncset.s32 $0xFFFFF086  }
0x25: {  	[simem:s6], [sflag:s4] =	dma.local [hbm:s3], $0xF7A  }
0x26: {  	[smem:$0x3F9B] =	sst s1;
	(tag) =	ssettag s2;
	_ =	strace s9  }
0x27: {  	s1 =	sld [smem:$0x3FAB]  }
0x28: {  	s2 =	sld [smem:$0x3FAC]  }
0x29: {  	s4 =	sld [smem:$0x3FAE]  }
0x2a: {  	p0 =	seq.s32 s5, $0x0;
	s5 =	sld [smem:$0x3FAF]  }
0x2b: {  	s6 =	sld [smem:$0x3FB0]  }
0x2c: {  	s7 =	sld [smem:$0x3FB1]  }
0x2d: {  	s3 =	simm.s32 $0x108;
	s8 =	sld [smem:$0x3FB2]  }
0x2e: {  	s3 =	simm.s32 @!p0 $0x1082;
	s9 =	sld [smem:$0x3FB3]  }
0x2f: {  	lr =	sadd.s32 s0, s3;
	s0 =	sld [smem:$0x3FAA]  }
0x30: {  	s3 =	sld [smem:$0x3FAD]  }
0x31: {  	[smem:$0x3FB6] =	sst s10  }
0x32: {  	s10 =	sld [smem:$0x3FB4];
	_ =	sdelay $0x3  }
0x33: {  	p0 =	seq.s32 s10, $0x1;
	s10 =	sld [smem:$0x3FB6];
	_ =	sdelay $0x3  }
0x34: {  	[smem:$0x3FB6] =	sst s10  }
0x35: {  	s10 =	sld [smem:$0x3FB5];
	_ =	sdelay $0x3  }
0x36: {  	p1 =	seq.s32 s10, $0x1;
	s10 =	sld [smem:$0x3FB6];
	_ =	sdelay $0x3  }
0x37: {  	[smem:$0x3FB6] =	sst s10  }
0x38: {  	s10 =	sld [smem:$0x3FB7]  }
0x39: {  	_ = 	snop;
	(pc) =	sbr.ind lr, $3  }
0x3a: {  	_ = 	snop  }
0x3b: {  	_ = 	snop  }
0x3c: {  	p2 =	seq.s32 s10, $0x1;
	s10 =	sld [smem:$0x3FB6]  }
0x3d: {  	_ =	shalt  }
0x3e: {  	_ =	shalt  }
0x3f: {  	_ =	shalt  }
0x40: {  	_ =	shalt  }
0x41: {  	_ =	shalt  }
0x42: {  	_ =	shalt  }
0x43: {  	_ =	shalt  }
0x44: {  	_ =	shalt  }
0x45: {  	_ =	shalt  }
0x46: {  	_ =	shalt  }
0x47: {  	_ =	shalt  }
0x48: {  	_ =	shalt  }
0x49: {  	_ =	shalt  }
0x4a: {  	_ =	shalt  }
0x4b: {  	_ =	shalt  }
0x4c: {  	_ =	shalt  }
0x4d: {  	_ =	shalt  }
0x4e: {  	_ =	shalt  }
0x4f: {  	_ =	shalt  }
0x50: {  	_ =	shalt  }
0x51: {  	_ =	shalt  }
0x52: {  	_ =	shalt  }
0x53: {  	_ =	shalt  }
0x54: {  	_ =	shalt  }
0x55: {  	_ =	shalt  }
0x56: {  	_ =	shalt  }
0x57: {  	_ =	shalt  }
0x58: {  	_ =	shalt  }
0x59: {  	_ =	shalt  }
0x5a: {  	_ =	shalt  }
0x5b: {  	_ =	shalt  }
0x5c: {  	_ =	shalt  }
0x5d: {  	_ =	shalt  }
0x5e: {  	_ =	shalt  }
0x5f: {  	_ =	shalt  }
0x60: {  	_ =	shalt  }
0x61: {  	_ =	shalt  }
0x62: {  	_ =	shalt  }
0x63: {  	_ =	shalt  }
0x64: {  	_ =	shalt  }
0x65: {  	_ =	shalt  }
0x66: {  	_ =	shalt  }
0x67: {  	_ =	shalt  }
0x68: {  	_ =	shalt  }
0x69: {  	_ =	shalt  }
0x6a: {  	_ =	shalt  }
0x6b: {  	_ =	shalt  }
0x6c: {  	_ =	shalt  }
0x6d: {  	_ =	shalt  }
0x6e: {  	_ =	shalt  }
0x6f: {  	_ =	shalt  }
0x70: {  	_ =	shalt  }
0x71: {  	_ =	shalt  }
0x72: {  	_ =	shalt  }
0x73: {  	_ =	shalt  }
0x74: {  	_ =	shalt  }
0x75: {  	_ =	shalt  }
0x76: {  	_ =	shalt  }
0x77: {  	_ =	shalt  }
0x78: {  	_ =	shalt  }
0x79: {  	_ =	shalt  }
0x7a: {  	_ =	shalt  }
0x7b: {  	_ =	shalt  }
0x7c: {  	_ =	shalt  }
0x7d: {  	_ =	shalt  }
0x7e: {  	_ =	shalt  }
0x7f: {  	_ =	shalt  }
0x80: {  	_ =	shalt  }
0x81: {  	_ =	shalt  }
0x82: {  	_ =	shalt  }
0x83: {  	_ =	shalt  }
0x84: {  	_ =	shalt  }
0x85: {  	_ =	shalt  }
0x86: {  	_ =	shalt  }
0x87: {  	_ =	shalt  }
.Lfunc_end0:
.L_simem_size_0:
called_computation_lowered:
.L_overlay_start_0:
0x88: {  	s2 =	sld [smem:$0x3FD9]  }
0x89: {  	s3 =	sld [smem:$0x3FFE];
	_ =	sdelay $0x1  }
0x8a: {  	s1 =	srdreg.scid  }
0x8b: {  	s0 =	sand.u32 $0x1, s1  }
0x8c: {  	s17 =	sshll.u32 s0, $0xA;
	s2 =	sadd.s32 s3, s2  }
0x8d: {  	s2 =	sadd.s32 s2, s17  }
0x8e: {  	[smem:$0x3FC2] =	sst s2  }
0x8f: {  	_ = 	snop  }
0x90: {  	s2 =	sld [smem:$0x3FD0];
	(tm) =	ssettm $0x1  }
0x91: {  	s18 =	sld [smem:$0x3FFB];
	_ =	sdelay $0x3  }
0x92: {  	_ =	strace s18  }
0x93: {  	s3 =	sld [smem:$0x3FFC];
	_ =	sdelay $0x3  }
0x94: {  	_ =	strace s3  }
0x95: {  	s3 =	sld [smem:$0x3FFD];
	_ =	sdelay $0x3  }
0x96: {  	_ =	strace s3  }
0x97: {  	_ =	strace $0x8FFFFFFF  }
0x98: {  	s19 =	sld [smem:$0x3FDB];
	_ =	sdelay $0x1  }
0x99: {  	s4 =	simm.s32 $_scs_section_size  }
0x9a: {  	s5 =	simm.s32 $_size__tile_overlayer_lowered;
	s6 =	simm.s32 $_tile_overlayer_lowered  }
0x9b: {  	s22 =	simm.s32 $0x1BFF;
	s21 =	sshll.u32 s6, $0x1;
	s3 =	sadd.s32 s4, s19  }
0x9c: {  	s7 =	simm.s32 $0x0;
	s20 =	sshll.u32 s5, $0x1;
	s5 =	sadd.s32 s21, s3  }
0x9d: {  	[timem:s7], [sflag:s22] =	dma.local [hbm:s5], s20  }
0x9e: {  	_ =	swait.ge [sflag:s22], s20  }
0x9f: {  	s4 =	ssub.s32 $0x0, s20;
	[sflag:s22] =	ssyncset.done $0x0  }
0xa0: {  	[sflag:s22] =	ssyncadd.s32 s4;
	_ =	sdelay $0x1  }
0xa1: {  	s23 =	simm.s32 $0x1B8B  }
0xa2: {  	_ =	swait.ge [sflag:s23], $0x1  }
0xa3: {  	[sflag:s23] =	ssyncset.done $0x0  }
0xa4: {  	s25 =	simm.s32 $0x1B8E;
	s24 =	sld [smem:$0x3FFE];
	[sflag:s23] =	ssyncadd.s32 $0xFFFFFFFF  }
0xa5: {  	s26 =	simm.s32 $execute0_lowered;
	[smem:$0x3FD2] =	sst s25  }
0xa6: {  	s5 =	sshll.u32 s26, $0x1;
	_ =	strace $0x80000046;
	[dreg:$0x1] =	wrdreg $0xFFFFFFFF  }
0xa7: {  	s28 =	simm.s32 $_size_execute0_lowered;
	s3 =	sadd.s32 s3, s5;
	[dreg:$0x0] =	wrdreg $0x0  }
0xa8: {  	s5 =	sshll.u32 s28, $0x1;
	[dreg:$0x2] =	wrdreg s3  }
0xa9: {  	[dreg:$0x3] =	wrdreg s5  }
0xaa: {  	[dreg:$0x4] =	wrdreg $0xC0  }
0xab: {  	_ =	task [dreg:s7], $0x5FFFF  }
0xac: {  	[dreg:$0x1] =	wrdreg $0xFFFFFFFF  }
0xad: {  	[dreg:$0x0] =	wrdreg $0x60  }
0xae: {  	[dreg:$0x2] =	wrdreg s24  }
0xaf: {  	[dreg:$0x3] =	wrdreg s2  }
0xb0: {  	[dreg:$0x4] =	wrdreg $0x31000  }
0xb1: {  	[dreg:$0x5] =	wrdreg $0x9  }
0xb2: {  	_ =	task.clear_ibuf [dreg:s7], $0x6FFFF;
	_ =	strace $0x90000046  }
0xb3: {  	s29 =	simm.s32 $0x9;
	_ =	strace $0x80000048  }
0xb4: {  	_ =	swait.ge [sflag:s29], $0x1  }
0xb5: {  	[sflag:s29] =	ssyncadd.s32 $0xFFFFFFFF  }
0xb6: {  	_ =	strace $0x90000048  }
0xb7: {  	_ =	sfence  }
0xb8: {  	s30 =	sld [smem:$0x0];
	_ =	sdelay $0x2  }
0xb9: {  	s31 =	sshll.u32 s1, $0xD;
	s1 =	sshrl.u32 s1, $0x2  }
0xba: {  	s3 =	sand.u32 $0x4000, s31;
	s1 =	sadd.s32 s1, s30  }
0xbb: {  	s0 =	sor.u32 s3, s0;
	s1 =	sshll.u32 s1, $0x11  }
0xbc: {  	s0 =	sor.u32 s1, s0  }
0xbd: {  	s0 =	sadd.s32 $0x8F2B, s0  }
0xbe: {  	[sflag:s0] =	ssyncadd.remote.s32 $0x1  }
0xbf: {  	_ =	sfence.sel $0xFFFF  }
0xc0: {  	[dreg:$0x0] =	wrdreg $0xFFFFFFFF;
	(pc) =	sbr.abs _section_cstart, $3  }
0xc1: {  	[dreg:$0x1] =	wrdreg $0xFFFFFFFF  }
0xc2: {  	_ =	task.clear_ibuf [dreg:s7], $0x2FFFF;
	_ =	strace $0x9FFFFFFF  }
0xc3: {  	(tm) =	ssettm $0x7FFFFFFF  }
tec
execute0_lowered:
.L_overlay_start_1:
0x0: {  	(tag) =	ssettag $0x1  }
0x1: {  	s4 =	rddreg [dreg:$0x0]  }
0x2: {  	s1 =	srdreg.scid;
	s6 =	rddreg [dreg:$0x1]  }
0x3: {  	s0 =	stileid.u32;
	s2 =	rddreg [dreg:$0x2]  }
0x4: {  	s3 =	simm.s32 $0x0;
	s5 =	sand.u32 $0x1, s1;
	s9 =	smul.u32 $0x2800, s0  }
0x5: {  	s29 =	sshll.u32 s0, $0x1;
	[smem:$0x7FF] =	sst s3;
	s10 =	smul.u32 $0xA000, s0  }
0x6: {  	s12 =	sshll.u32 s0, $0x6;
	s1 =	sor.u32 s5, s29;
	s8 =	smul.u32 $0x28000, s5  }
0x7: {  	s5 =	ssub.s32 $0x2, s5;
	s12 =	sor.u32 $0x1C01, s12;
	s7 =	smul.u32 $0x500, s1  }
0x8: {  	s1 =	rddreg [dreg:$0x3];
	_ =	strace $0x80000047;
	s30 =	sshrl.u32 s5, $0x1  }
0x9: {  	s31 =	sshrl.u32 s10, $0x2;
	s13 =	sadd.s32 s9, s2;
	s10 =	simm.s32 $0x80  }
0xa: {  	s8 =	sadd.s32 s9, s8;
	s11 =	ssub.s32 s5, s30;
	s9 =	simm.s32 $0x1  }
0xb: {  	s13 =	sshrl.u32 s13, $0x3;
	s7 =	sadd.s32 s7, s4;
	s8 =	sshrl.u32 s8, $0x3  }
0xc: {  	s4 =	sadd.s32 s31, s2;
	s5 =	sadd.s32 $0x3200, s7;
	s6 =	sadd.s32 s6, s8  }
0xd: {  	v0 =	vimm.f32 $1.000000000e+00;
	v1 =	vimm.f32 $0.0e+00;
	s7 =	smax.u32 s11, $0x1;
	s8 =	simm.s32 $0x3000;
	s11 =	simm.s32 $0x2800  }
.LBB2_1:
0xe: {  	s14 =	simm.s32 $0x40;
	s15 =	simm.s32 $0x0  }
.LBB2_2:
0xf: {  	p0 =	sne.s32 s14, $0x1FC0;
	[tilespmem:s15+$0x2800] =	vst v0;
	s15 =	smov.u32 s14;
	s14 =	sadd.s32 $0x40, s14  }
.Ltmp0:
0x10: {  	(pc) =	sbr.rel @p0 .LBB2_2-.Ltmp0, $2  }
0x11: {  	_ =	sdelay $0x2  }
0x12: {  	s15 =	sshra.s32 s15, $0x2  }
0x13: {  	[tilespmem:s15+$0x2800] =	vst v0  }
0x14: {  	[tilespmem:$0x3000] =	vst v1  }
0x15: {  	[tilespmem:$0x3010] =	vst v1  }
0x16: {  	[tilespmem:$0x3020] =	vst v1  }
0x17: {  	[tilespmem:$0x3030] =	vst v1  }
0x18: {  	[tilespmem:$0x3040] =	vst v1  }
0x19: {  	[tilespmem:$0x3050] =	vst v1  }
0x1a: {  	[tilespmem:$0x3060] =	vst v1  }
0x1b: {  	[tilespmem:$0x3070] =	vst v1  }
0x1c: {  	[tilespmem:$0x3080] =	vst v1  }
0x1d: {  	[tilespmem:$0x3090] =	vst v1  }
0x1e: {  	[tilespmem:$0x30A0] =	vst v1  }
0x1f: {  	[tilespmem:$0x30B0] =	vst v1  }
0x20: {  	[tilespmem:$0x30C0] =	vst v1  }
0x21: {  	[tilespmem:$0x30D0] =	vst v1  }
0x22: {  	[tilespmem:$0x30E0] =	vst v1  }
0x23: {  	s14 =	sadd.s32 $0x0, s4;
	[tilespmem:$0x30F0] =	vst v1  }
0x24: {  	[spmem:s14] =	stream.linear.scatter [tilespmem:s8], [sflag:$0x1], $0x100, $0x38;
	[tilespmem:$0x5900] =	vst v63  }
0x25: {  	s14 =	simm.s32 $0x400;
	_ =	swait.ge [sflag:s9], $0x100  }
.LBB2_4:
0x26: {  	s15 =	sshra.s32 s14, $0x2;
	[sflag:s9] =	ssyncset.done $0x0;
	p0 =	sne.s32 s14, $0x9C00  }
.Ltmp1:
0x27: {  	s15 =	sadd.s32 s15, s4;
	[sflag:s9] =	ssyncadd.s32 $0xFFFFFF00;
	(pc) =	sbr.rel @p0 .LBB2_4-.Ltmp1, $3  }
0x28: {  	[spmem:s15] =	stream.linear.scatter [tilespmem:s8], [sflag:$0x1], $0x100, $0x38;
	[tilespmem:$0x5900] =	vst v63  }
0x29: {  	s14 =	sadd.s32 $0x400, s14;
	_ =	sdelay $0x1  }
0x2a: {  	_ =	swait.ge [sflag:s9], $0x100  }
0x2b: {  	[sflag:s9] =	ssyncset.done $0x0  }
0x2c: {  	[sflag:s9] =	ssyncadd.s32 $0xFFFFFF00  }
0x2d: {  	s14 =	simm.s32 $0x0;
	[bflag:$0x0] =	sbarrier.arrive $0xFFFF  }
0x2e: {  	[tilespmem:s14], [sflag:$0x1] =	stream.linear.gather [hbm4b:s5+s14], $0x2800, $0x38;
	[tilespmem:$0x5900] =	vst v63  }
0x2f: {  	_ =	swait.ge [sflag:s9], $0x2800  }
0x30: {  	[sflag:s9] =	ssyncset.done $0x0  }
0x31: {  	s31 =	simm.s32 $0x0;
	[sflag:s9] =	ssyncadd.s32 $0xFFFFD800  }
0x32: {  	[spmem:s2] =	stream.indirect.scatter.add.f32 [tilespmem:s11], [sflag:$0x1], $0x10, s31, s10, $0xb8;
	[tilespmem:$0x5900] =	vst v63  }
0x33: {  	_ =	swait.ge [sflag:s9], $0x800  }
0x34: {  	s14 =	simm.s32 $0x200;
	[sflag:s9] =	ssyncset.done $0x0  }
.LBB2_6:
0x35: {  	s15 =	sshra.s32 s14, $0x2;
	[sflag:s9] =	ssyncadd.s32 $0xFFFFF800;
	p0 =	sne.s32 s14, $0x9E00  }
0x36: {  	[spmem:s2] =	stream.indirect.scatter.add.f32 [tilespmem:s11], [sflag:$0x1], $0x10, s15, s10, $0xb8;
	[tilespmem:$0x5900] =	vst v63  }
.Ltmp2:
0x37: {  	_ = 	snop;
	(pc) =	sbr.rel @p0 .LBB2_6-.Ltmp2, $4  }
0x38: {  	_ = 	snop  }
0x39: {  	s14 =	sadd.s32 $0x200, s14  }
0x3a: {  	_ =	swait.ge [sflag:s9], $0x800  }
0x3b: {  	[sflag:s9] =	ssyncset.done $0x0  }
0x3c: {  	s3 =	sadd.s32 $0x1, s3  }
0x3d: {  	[sflag:s9] =	ssyncadd.s32 $0xFFFFF800;
	p0 =	sne.s32 s3, s7  }
.Ltmp3:
0x3e: {  	[bflag:$0x0] =	sbarrier.arrive $0xFFFF;
	(pc) =	sbr.rel @p0 .LBB2_1-.Ltmp3, $4  }
0x3f: {  	[hbm:s6], [sflag:s12] =	dma.local [spmem:s13], $0x500  }
0x40: {  	_ =	swait.ge [sflag:s9], $0x500  }
0x41: {  	[sflag:s9] =	ssyncset.done $0x0  }
0x42: {  	[sflag:s9] =	ssyncadd.s32 $0xFFFFFB00  }
0x43: {  	_ =	sfence.sel $0x180000  }
0x44: {  	[bflag:$0x0] =	sbarrier.arrive $0xFFFF  }
0x45: {  	p0 =	sne.s32 s0, $0x0;
	_ =	strace $0x90000047  }
0x46: {  	s0 =	sadd.s32 @!p0 $0x100000, s1;
	[bflag:$0x2] =	sbarrier.arrive $0xFFFF  }
0x47: {  	[sflag:s0] =	ssyncadd.tile.s32 @!p0 $0x1;
	_ =	shalt  }
.Lfunc_end2:
_tile_overlayer_lowered:
.L_overlay_start_2:
0x48: {  	(tag) =	ssettag $0x2  }
0x49: {  	s0 =	rddreg [dreg:$0x0];
	s2 =	stileid.u32  }
0x4a: {  	s1 =	rddreg [dreg:$0x1];
	p0 =	sne.s32 s2, $0x0  }
0x4b: {  	s3 =	rddreg [dreg:$0x2];
	[bflag:$0x3] =	sbarrier.arrive $0xFFFF;
	s2 =	simm.s32 @!p0 $0x1C01  }
0x4c: {  	[timem:s3], [sflag:s2] =	dma.local @!p0 [hbm:s0], s1  }
0x4d: {  	s0 =	simm.s32 @!p0 $0x1  }
0x4e: {  	_ =	swait.ge @!p0 [sflag:s0], s1  }
0x4f: {  	s1 =	ssub.s32 @!p0 $0x0, s1;
	[sflag:s0] =	ssyncset.done @!p0 $0x0  }
0x50: {  	[sflag:s0] =	ssyncadd.s32 @!p0 s1  }
0x51: {  	[bflag:$0x3] =	sbarrier.arrive $0xFFFF  }
0x52: {  	_ =	shalt  }

</sc_bundles>
